<compile_context>
chip_gen: v7x
topology: tpu7x:2x2x1
jax: 0.10.2.dev20260603
libtpu: 0.0.44.dev20260713+nightly
codegen_flags: <defaults>
</compile_context>

<pallas_src>
import functools

import jax
import jax.numpy as jnp
from jax import lax
from jax.experimental import pallas as pl
from jax.experimental.pallas import tpu as pltpu
from jax.experimental.pallas import tpu_sc as plsc

NUM_EMB = 1000000
DIM = 32
NC = 2
NS = 16
NW = NC * NS
UNIT = 1024
TT = 25
BT = 128
N_UNITS = TT * BT
PER_W = N_UNITS // NW


def _make_lookup():
  mesh = plsc.VectorSubcoreMesh(core_axis_name="c", subcore_axis_name="s")

  @functools.partial(
      pl.kernel,
      mesh=mesh,
      out_type=jax.ShapeDtypeStruct((200, 4, BT, 8, 128), jnp.float32),
      compiler_params=pltpu.CompilerParams(
          use_tc_tiling_on_sc=False, needs_layout_passes=False),
      scratch_types=[
          pltpu.VMEM((2, UNIT), jnp.int32),
          pltpu.VMEM((2, UNIT, DIM), jnp.float32),
          pltpu.VMEM((2, 4, 4, 8, 129), jnp.float32),
          [pltpu.SemaphoreType.DMA] * 2,
          [pltpu.SemaphoreType.DMA] * 2,
          [pltpu.SemaphoreType.DMA] * 2,
      ],
  )
  def lookup(idx_hbm, table_hbm, z_hbm, idx_v, rows_v, zbuf, sidx, sgat, szout):
    wid = lax.axis_index("s") * NC + lax.axis_index("c")
    base = wid * PER_W

    def idx_copy(u, j):
      return pltpu.make_async_copy(
          idx_hbm.at[pl.ds(u * UNIT, UNIT)], idx_v.at[j], sidx[j])

    def gather_copy(j):
      return pltpu.make_async_copy(
          table_hbm.at[idx_v.at[j]], rows_v.at[j], sgat[j])

    def zout_copy(u, h):
      tt = u // BT
      bt = u % BT
      return pltpu.make_async_copy(
          zbuf.at[h, :, :, :, pl.ds(0, 128)],
          z_hbm.at[pl.ds(tt * 8 + h * 4, 4), :, bt], szout[h])

    dlo = lax.iota(jnp.int32, 16)
    dhi = dlo + 16

    def transpose_half(j, h):
      def body(tv, carry):
        si = tv // 128
        l = tv % 128
        tok = h * 512 + tv
        lv = jnp.full((16,), l, jnp.int32)
        a = rows_v[j, tok, pl.ds(0, 16)]
        b = rows_v[j, tok, pl.ds(16, 16)]
        zsub = zbuf.at[h, si]
        plsc.store_scatter(zsub, [dlo // 8, dlo % 8, lv], a)
        plsc.store_scatter(zsub, [dhi // 8, dhi % 8, lv], b)
        return carry

      lax.fori_loop(0, 512, body, 0, unroll=False)

    idx_copy(base, 0).start()
    idx_copy(base + 1, 1).start()
    idx_copy(base, 0).wait()
    gather_copy(0).start()

    def step(i, j):
      u = base + i
      j2 = 1 - j
      gather_copy(j).wait()
      def _next_gather():
        idx_copy(u + 1, j2).wait()
        gather_copy(j2).start()

      pl.when(i + 1 < PER_W)(_next_gather)
      pl.when(i + 2 < PER_W)(lambda: idx_copy(u + 2, j).start())
      for h in range(2):
        pl.when(i > 0)(lambda h=h: zout_copy(u - 1, h).wait())
        transpose_half(j, h)
        zout_copy(u, h).start()

    def pair(g, carry):
      step(g * 2, 0)
      step(g * 2 + 1, 1)
      return carry

    lax.fori_loop(0, PER_W // 2, pair, 0, unroll=False)
    zout_copy(base + PER_W - 1, 0).wait()
    zout_copy(base + PER_W - 1, 1).wait()

  return lookup


VT = 7813
GROUPS = 1953


def _make_weight_linearize():
  mesh = plsc.VectorSubcoreMesh(core_axis_name="c", subcore_axis_name="s")

  @functools.partial(
      pl.kernel,
      mesh=mesh,
      out_type=jax.ShapeDtypeStruct((NUM_EMB, DIM), jnp.float32),
      compiler_params=pltpu.CompilerParams(
          use_tc_tiling_on_sc=False, needs_layout_passes=False),
      scratch_types=[
          pltpu.VMEM((2, 4, 4, 8, 128), jnp.float32),
          pltpu.VMEM((2, 512, DIM + 1), jnp.float32),
          [pltpu.SemaphoreType.DMA] * 2,
          [pltpu.SemaphoreType.DMA] * 2,
      ],
  )
  def linearize(wv_hbm, o_hbm, tbuf, obuf, sin, sout):
    wid = lax.axis_index("s") * NC + lax.axis_index("c")
    lanes = lax.iota(jnp.int32, 16)

    def in_copy(g, j):
      return pltpu.make_async_copy(
          wv_hbm.at[:, pl.ds(g * 4, 4)], tbuf.at[j], sin[j])

    def out_copy(g, j):
      return pltpu.make_async_copy(
          obuf.at[j, :, pl.ds(0, DIM)],
          o_hbm.at[pl.ds(g * 512, 512)], sout[j])

    def transpose_group(j):
      def body(it, carry):
        vtl = it // DIM
        d = it % DIM
        dsplat = jnp.full((16,), d, jnp.int32)
        for v in range(8):
          vals = tbuf[j, d // 8, vtl, d % 8, pl.ds(v * 16, 16)]
          ridx = vtl * 128 + v * 16 + lanes
          plsc.store_scatter(obuf.at[j], [ridx, dsplat], vals)
        return carry

      lax.fori_loop(0, 4 * DIM, body, 0, unroll=False)

    def step(k, j):
      g = k * NW + wid

      def work():
        in_copy(g, j).wait()
        pl.when(k >= 2)(lambda: out_copy((k - 2) * NW + wid, j).wait())
        transpose_group(j)
        out_copy(g, j).start()
        g2 = g + 2 * NW
        pl.when(g2 < GROUPS)(lambda: in_copy(g2, j).start())

      pl.when(g < GROUPS)(work)

    pl.when(wid < GROUPS)(lambda: in_copy(wid, 0).start())
    pl.when(wid + NW < GROUPS)(lambda: in_copy(wid + NW, 1).start())

    def pair(kk, carry):
      step(kk * 2, 0)
      step(kk * 2 + 1, 1)
      return carry

    n_k = (GROUPS + NW - 1) // NW
    lax.fori_loop(0, (n_k + 1) // 2, pair, 0, unroll=False)
    for last_k, j in ((60, 0), (61, 1)):
      pl.when(last_k * NW + wid < GROUPS)(
          lambda j=j, last_k=last_k: out_copy(last_k * NW + wid, j).wait())

    def tail():
      vt = GROUPS * 4
      pltpu.sync_copy(wv_hbm.at[:, vt], tbuf.at[0, :, 0])

      def body(d, carry):
        dsplat = jnp.full((16,), d, jnp.int32)
        for v in range(4):
          vals = tbuf[0, d // 8, 0, d % 8, pl.ds(v * 16, 16)]
          ridx = v * 16 + lanes
          plsc.store_scatter(obuf.at[0], [ridx, dsplat], vals)
        return carry

      lax.fori_loop(0, DIM, body, 0, unroll=False)
      pltpu.sync_copy(
          obuf.at[0, pl.ds(0, 64), pl.ds(0, DIM)],
          o_hbm.at[pl.ds(999936, 64)])

    pl.when(wid == 0)(tail)

  return linearize


def kernel(token_ids, weight):
  tid_lin = (
      token_ids.T.reshape(TT, 8, BT, 128).transpose(0, 2, 1, 3).reshape(-1)
  ).astype(jnp.int32)
  wv = (
      jnp.pad(weight.T, ((0, 0), (0, 64)))
      .reshape(4, 8, VT, 128).transpose(0, 2, 1, 3)
  )
  wlin = _make_weight_linearize()(wv)
  z = _make_lookup()(tid_lin, wlin)
  return z.transpose(2, 4, 0, 1, 3).reshape(16384, 200, DIM)

# --- scband reference (transcript-rebuilt; emitter-appended) ---
"""Pipeline reference for scband-embedding-24446953849243 (READ-ONLY COPY).

The authoritative reference and input builder live on the scoring server;
editing this copy changes nothing except your own understanding.
"""

import jax, jax.numpy as jnp
import numpy as np

NUM_EMBEDDINGS = 1000000
EMBEDDING_DIM = 32

def setup_inputs(seed: int = 0) -> dict:
    key = jax.random.key(seed)
    k1, k2 = jax.random.split(key)
    token_ids = jax.random.randint(k1, (16384, 200), 0, NUM_EMBEDDINGS, dtype=jnp.int64 if jax.config.jax_enable_x64 else jnp.int32)
    weight = jax.random.normal(k2, (NUM_EMBEDDINGS, EMBEDDING_DIM), dtype=jnp.float32)
    return {"token_ids": token_ids, "weight": weight}

def reference(token_ids, weight):
    # Faithful embedding lookup: out[b, t, :] = weight[token_ids[b, t], :]
    return jnp.take(weight, token_ids, axis=0)

if __name__ == "__main__":
    import jax
    _d = setup_inputs()
    print(jax.jit(kernel)(*tuple(_d.values())))

</pallas_src>

<mosaic_0001>
#map = affine_map<(d0, d1) -> (0, 0, 0, 0)>
#map1 = affine_map<(d0, d1) -> (0, 0)>
module attributes {stable_mosaic.version = 14 : i64} {
  func.func @linearize(%arg0: i32, %arg1: i32, %arg2: memref<4x7813x8x128xf32, #tpu.memory_space<hbm>>, %arg3: memref<1000000x32xf32, #tpu.memory_space<hbm>>, %arg4: memref<2x4x4x8x128xf32, #tpu.memory_space<vmem>>, %arg5: memref<2x512x33xf32, #tpu.memory_space<vmem>>, %arg6: memref<!tpu.dma_semaphore, #tpu.memory_space<semaphore_mem>>, %arg7: memref<!tpu.dma_semaphore, #tpu.memory_space<semaphore_mem>>, %arg8: memref<!tpu.dma_semaphore, #tpu.memory_space<semaphore_mem>>, %arg9: memref<!tpu.dma_semaphore, #tpu.memory_space<semaphore_mem>>) attributes {dimension_semantics = [#tpu.dimension_semantics<core_parallel>, #tpu.dimension_semantics<subcore_parallel>], iteration_bounds = array<i64: 2, 16>, scalar_prefetch = 0 : i64, scratch_operands = 6 : i64, tpu.core_type = #tpu.core_type<sc_vector_subcore>, window_params = [{transform_indices = #map}, {transform_indices = #map1}]} {
    %mul3A = arith.constant 2 : i32
    %mul3A_0 = arith.muli %arg1, %mul3A : i32
    %add3A = arith.addi %mul3A_0, %arg0 : i32
    %iota3A = tpu.iota {dimensions = array<i32: 0>} : vector<16xi32>
    %lt3A = arith.constant 1953 : i32
    %lt3A_1 = arith.cmpi slt, %add3A, %lt3A : i32
    %convert_element_type3A = arith.extui %lt3A_1 : i1 to i32
    %cond3A = arith.constant 0 : i32
    %cond3A_2 = arith.cmpi ne, %convert_element_type3A, %cond3A : i32
    scf.if %cond3A_2 {
      %mul3A_33 = arith.constant 4 : i32
      %mul3A_34 = arith.muli %add3A, %mul3A_33 : i32
      %dma_start3A = arith.constant 0 : i32
      %dma_start3A_35 = arith.constant 0 : i32
      %dma_start3A_36 = arith.constant 0 : i32
      %dma_start3A_37 = arith.constant 0 : i32
      %dma_start3A_38 = arith.constant 0 : i32
      %dma_start3A_39 = tpu.memref_slice %arg4[%dma_start3A, %dma_start3A_35, %dma_start3A_36, %dma_start3A_37, %dma_start3A_38] : memref<2x4x4x8x128xf32, #tpu.memory_space<vmem>> -> memref<1x4x4x8x128xf32, #tpu.memory_space<vmem>>
      %dma_start3A_40 = tpu.memref_squeeze %dma_start3A_39 : memref<1x4x4x8x128xf32, #tpu.memory_space<vmem>> -> memref<4x4x8x128xf32, #tpu.memory_space<vmem>>
      %dma_start3A_41 = arith.constant 0 : i32
      %dma_start3A_42 = arith.constant 0 : i32
      %dma_start3A_43 = arith.constant 0 : i32
      %dma_start3A_44 = tpu.memref_slice %arg2[%dma_start3A_41, %mul3A_34, %dma_start3A_42, %dma_start3A_43] : memref<4x7813x8x128xf32, #tpu.memory_space<hbm>> -> memref<4x4x8x128xf32, #tpu.memory_space<hbm>>
      %dma_start3A_45 = arith.constant 0 : i32
      %dma_start3A_46 = arith.constant 0 : i32
      %dma_start3A_47 = arith.constant 0 : i32
      %dma_start3A_48 = arith.constant 0 : i32
      %dma_start3A_49 = tpu.memref_slice %arg4[%dma_start3A, %dma_start3A_45, %dma_start3A_46, %dma_start3A_47, %dma_start3A_48] : memref<2x4x4x8x128xf32, #tpu.memory_space<vmem>> -> memref<1x4x4x8x128xf32, #tpu.memory_space<vmem>>
      %dma_start3A_50 = tpu.memref_squeeze %dma_start3A_49 : memref<1x4x4x8x128xf32, #tpu.memory_space<vmem>> -> memref<4x4x8x128xf32, #tpu.memory_space<vmem>>
      %dma_start3A_51 = arith.constant 0 : i32
      %dma_start3A_52 = arith.constant 0 : i32
      %dma_start3A_53 = arith.constant 0 : i32
      %dma_start3A_54 = tpu.memref_slice %arg2[%dma_start3A_51, %mul3A_34, %dma_start3A_52, %dma_start3A_53] : memref<4x7813x8x128xf32, #tpu.memory_space<hbm>> -> memref<4x4x8x128xf32, #tpu.memory_space<hbm>>
      tpu.enqueue_dma source(%dma_start3A_54 : memref<4x4x8x128xf32, #tpu.memory_space<hbm>>) target(%dma_start3A_50 : memref<4x4x8x128xf32, #tpu.memory_space<vmem>>) target_semaphore(%arg6 : memref<!tpu.dma_semaphore, #tpu.memory_space<semaphore_mem>>)
    } else {
    }
    %add3A_3 = arith.constant 32 : i32
    %add3A_4 = arith.addi %add3A, %add3A_3 : i32
    %lt3A_5 = arith.constant 1953 : i32
    %lt3A_6 = arith.cmpi slt, %add3A_4, %lt3A_5 : i32
    %convert_element_type3A_7 = arith.extui %lt3A_6 : i1 to i32
    %cond3A_8 = arith.constant 0 : i32
    %cond3A_9 = arith.cmpi ne, %convert_element_type3A_7, %cond3A_8 : i32
    scf.if %cond3A_9 {
      %add3A_33 = arith.constant 32 : i32
      %add3A_34 = arith.addi %add3A, %add3A_33 : i32
      %mul3A_35 = arith.constant 4 : i32
      %mul3A_36 = arith.muli %add3A_34, %mul3A_35 : i32
      %dma_start3A = arith.constant 1 : i32
      %dma_start3A_37 = arith.constant 0 : i32
      %dma_start3A_38 = arith.constant 0 : i32
      %dma_start3A_39 = arith.constant 0 : i32
      %dma_start3A_40 = arith.constant 0 : i32
      %dma_start3A_41 = tpu.memref_slice %arg4[%dma_start3A, %dma_start3A_37, %dma_start3A_38, %dma_start3A_39, %dma_start3A_40] : memref<2x4x4x8x128xf32, #tpu.memory_space<vmem>> -> memref<1x4x4x8x128xf32, #tpu.memory_space<vmem>>
      %dma_start3A_42 = tpu.memref_squeeze %dma_start3A_41 : memref<1x4x4x8x128xf32, #tpu.memory_space<vmem>> -> memref<4x4x8x128xf32, #tpu.memory_space<vmem>>
      %dma_start3A_43 = arith.constant 0 : i32
      %dma_start3A_44 = arith.constant 0 : i32
      %dma_start3A_45 = arith.constant 0 : i32
      %dma_start3A_46 = tpu.memref_slice %arg2[%dma_start3A_43, %mul3A_36, %dma_start3A_44, %dma_start3A_45] : memref<4x7813x8x128xf32, #tpu.memory_space<hbm>> -> memref<4x4x8x128xf32, #tpu.memory_space<hbm>>
      %dma_start3A_47 = arith.constant 0 : i32
      %dma_start3A_48 = arith.constant 0 : i32
      %dma_start3A_49 = arith.constant 0 : i32
      %dma_start3A_50 = arith.constant 0 : i32
      %dma_start3A_51 = tpu.memref_slice %arg4[%dma_start3A, %dma_start3A_47, %dma_start3A_48, %dma_start3A_49, %dma_start3A_50] : memref<2x4x4x8x128xf32, #tpu.memory_space<vmem>> -> memref<1x4x4x8x128xf32, #tpu.memory_space<vmem>>
      %dma_start3A_52 = tpu.memref_squeeze %dma_start3A_51 : memref<1x4x4x8x128xf32, #tpu.memory_space<vmem>> -> memref<4x4x8x128xf32, #tpu.memory_space<vmem>>
      %dma_start3A_53 = arith.constant 0 : i32
      %dma_start3A_54 = arith.constant 0 : i32
      %dma_start3A_55 = arith.constant 0 : i32
      %dma_start3A_56 = tpu.memref_slice %arg2[%dma_start3A_53, %mul3A_36, %dma_start3A_54, %dma_start3A_55] : memref<4x7813x8x128xf32, #tpu.memory_space<hbm>> -> memref<4x4x8x128xf32, #tpu.memory_space<hbm>>
      tpu.enqueue_dma source(%dma_start3A_56 : memref<4x4x8x128xf32, #tpu.memory_space<hbm>>) target(%dma_start3A_52 : memref<4x4x8x128xf32, #tpu.memory_space<vmem>>) target_semaphore(%arg7 : memref<!tpu.dma_semaphore, #tpu.memory_space<semaphore_mem>>)
    } else {
    }
    %scan3A = arith.constant 0 : i32
    %scan3A_10 = arith.constant 0 : i32
    %scan3A_11 = arith.constant 31 : i32
    %scan3A_12 = arith.addi %scan3A_10, %scan3A_11 : i32
    %scan3A_13 = arith.constant 1 : i32
    scf.for %scan3A_33 = %scan3A_10 to %scan3A_12 step %scan3A_13  : i32 {
      %mul3A_34 = arith.constant 2 : i32
      %mul3A_35 = arith.muli %scan3A_33, %mul3A_34 : i32
      %mul3A_36 = arith.constant 32 : i32
      %mul3A_37 = arith.muli %mul3A_35, %mul3A_36 : i32
      %add3A_38 = arith.addi %mul3A_37, %add3A : i32
      %lt3A_39 = arith.constant 1953 : i32
      %lt3A_40 = arith.cmpi slt, %add3A_38, %lt3A_39 : i32
      %convert_element_type3A_41 = arith.extui %lt3A_40 : i1 to i32
      %cond3A_42 = arith.constant 0 : i32
      %cond3A_43 = arith.cmpi ne, %convert_element_type3A_41, %cond3A_42 : i32
      scf.if %cond3A_43 {
        %mul3A_56 = arith.constant 4 : i32
        %mul3A_57 = arith.muli %add3A_38, %mul3A_56 : i32
        %dma_wait3A = arith.constant 0 : i32
        %dma_wait3A_58 = arith.constant 0 : i32
        %dma_wait3A_59 = arith.constant 0 : i32
        %dma_wait3A_60 = arith.constant 0 : i32
        %dma_wait3A_61 = arith.constant 0 : i32
        %dma_wait3A_62 = tpu.memref_slice %arg4[%dma_wait3A, %dma_wait3A_58, %dma_wait3A_59, %dma_wait3A_60, %dma_wait3A_61] : memref<2x4x4x8x128xf32, #tpu.memory_space<vmem>> -> memref<1x4x4x8x128xf32, #tpu.memory_space<vmem>>
        %dma_wait3A_63 = tpu.memref_squeeze %dma_wait3A_62 : memref<1x4x4x8x128xf32, #tpu.memory_space<vmem>> -> memref<4x4x8x128xf32, #tpu.memory_space<vmem>>
        %dma_wait3A_64 = arith.constant 0 : i32
        %dma_wait3A_65 = arith.constant 0 : i32
        %dma_wait3A_66 = arith.constant 0 : i32
        %dma_wait3A_67 = tpu.memref_slice %arg2[%dma_wait3A_64, %mul3A_57, %dma_wait3A_65, %dma_wait3A_66] : memref<4x7813x8x128xf32, #tpu.memory_space<hbm>> -> memref<4x4x8x128xf32, #tpu.memory_space<hbm>>
        %dma_wait3A_68 = arith.constant 0 : i32
        %dma_wait3A_69 = arith.constant 0 : i32
        %dma_wait3A_70 = arith.constant 0 : i32
        %dma_wait3A_71 = arith.constant 0 : i32
        %dma_wait3A_72 = tpu.memref_slice %arg4[%dma_wait3A, %dma_wait3A_68, %dma_wait3A_69, %dma_wait3A_70, %dma_wait3A_71] : memref<2x4x4x8x128xf32, #tpu.memory_space<vmem>> -> memref<1x4x4x8x128xf32, #tpu.memory_space<vmem>>
        %dma_wait3A_73 = tpu.memref_squeeze %dma_wait3A_72 : memref<1x4x4x8x128xf32, #tpu.memory_space<vmem>> -> memref<4x4x8x128xf32, #tpu.memory_space<vmem>>
        %dma_wait3A_74 = arith.constant 0 : i32
        %dma_wait3A_75 = arith.constant 0 : i32
        %dma_wait3A_76 = arith.constant 0 : i32
        %dma_wait3A_77 = tpu.memref_slice %arg2[%dma_wait3A_74, %mul3A_57, %dma_wait3A_75, %dma_wait3A_76] : memref<4x7813x8x128xf32, #tpu.memory_space<hbm>> -> memref<4x4x8x128xf32, #tpu.memory_space<hbm>>
        tpu.wait_dma2 semaphore(%arg6 : memref<!tpu.dma_semaphore, #tpu.memory_space<semaphore_mem>>) src(%dma_wait3A_77 : memref<4x4x8x128xf32, #tpu.memory_space<hbm>>) dst(%dma_wait3A_73 : memref<4x4x8x128xf32, #tpu.memory_space<vmem>>)
        %ge3A = arith.constant 2 : i32
        %ge3A_78 = arith.cmpi sge, %mul3A_35, %ge3A : i32
        %convert_element_type3A_79 = arith.extui %ge3A_78 : i1 to i32
        %cond3A_80 = arith.constant 0 : i32
        %cond3A_81 = arith.cmpi ne, %convert_element_type3A_79, %cond3A_80 : i32
        scf.if %cond3A_81 {
          %sub3A = arith.constant 2 : i32
          %sub3A_109 = arith.subi %mul3A_35, %sub3A : i32
          %mul3A_110 = arith.constant 32 : i32
          %mul3A_111 = arith.muli %sub3A_109, %mul3A_110 : i32
          %add3A_112 = arith.addi %mul3A_111, %add3A : i32
          %mul3A_113 = arith.constant 512 : i32
          %mul3A_114 = arith.muli %add3A_112, %mul3A_113 : i32
          %dma_wait3A_115 = arith.constant 0 : i32
          %dma_wait3A_116 = arith.constant 0 : i32
          %dma_wait3A_117 = arith.constant 0 : i32
          %dma_wait3A_118 = tpu.memref_slice %arg5[%dma_wait3A_115, %dma_wait3A_116, %dma_wait3A_117] : memref<2x512x33xf32, #tpu.memory_space<vmem>> -> memref<1x512x32xf32, #tpu.memory_space<vmem>>
          %dma_wait3A_119 = tpu.memref_squeeze %dma_wait3A_118 : memref<1x512x32xf32, #tpu.memory_space<vmem>> -> memref<512x32xf32, #tpu.memory_space<vmem>>
          %dma_wait3A_120 = arith.constant 0 : i32
          %dma_wait3A_121 = tpu.memref_slice %arg3[%mul3A_114, %dma_wait3A_120] : memref<1000000x32xf32, #tpu.memory_space<hbm>> -> memref<512x32xf32, #tpu.memory_space<hbm>>
          %dma_wait3A_122 = arith.constant 0 : i32
          %dma_wait3A_123 = tpu.memref_slice %arg3[%mul3A_114, %dma_wait3A_122] : memref<1000000x32xf32, #tpu.memory_space<hbm>> -> memref<512x32xf32, #tpu.memory_space<hbm>>
          %dma_wait3A_124 = arith.constant 0 : i32
          %dma_wait3A_125 = arith.constant 0 : i32
          %dma_wait3A_126 = tpu.memref_slice %arg5[%dma_wait3A_115, %dma_wait3A_124, %dma_wait3A_125] : memref<2x512x33xf32, #tpu.memory_space<vmem>> -> memref<1x512x32xf32, #tpu.memory_space<vmem>>
          %dma_wait3A_127 = tpu.memref_squeeze %dma_wait3A_126 : memref<1x512x32xf32, #tpu.memory_space<vmem>> -> memref<512x32xf32, #tpu.memory_space<vmem>>
          tpu.wait_dma2 semaphore(%arg8 : memref<!tpu.dma_semaphore, #tpu.memory_space<semaphore_mem>>) src(%dma_wait3A_127 : memref<512x32xf32, #tpu.memory_space<vmem>>) dst(%dma_wait3A_123 : memref<512x32xf32, #tpu.memory_space<hbm>>)
        } else {
        }
        %scan3A_82 = arith.constant 0 : i32
        %scan3A_83 = arith.constant 0 : i32
        %scan3A_84 = arith.constant 128 : i32
        %scan3A_85 = arith.addi %scan3A_83, %scan3A_84 : i32
        %scan3A_86 = arith.constant 1 : i32
        scf.for %scan3A_109 = %scan3A_83 to %scan3A_85 step %scan3A_86  : i32 {
          %jit3A = arith.constant 32 : i32
          %div3A = arith.divsi %scan3A_109, %jit3A : i32
          %sign3A = arith.constant 0 : i32
          %sign3A_110 = arith.cmpi sgt, %scan3A_109, %sign3A : i32
          %sign3A_111 = arith.extui %sign3A_110 : i1 to i32
          %sign3A_112 = arith.constant 0 : i32
          %sign3A_113 = arith.cmpi slt, %scan3A_109, %sign3A_112 : i32
          %sign3A_114 = arith.extui %sign3A_113 : i1 to i32
          %sign3A_115 = arith.subi %sign3A_111, %sign3A_114 : i32
          %sign3A_116 = arith.constant 0 : i32
          %sign3A_117 = arith.cmpi sgt, %jit3A, %sign3A_116 : i32
          %sign3A_118 = arith.extui %sign3A_117 : i1 to i32
          %sign3A_119 = arith.constant 0 : i32
          %sign3A_120 = arith.cmpi slt, %jit3A, %sign3A_119 : i32
          %sign3A_121 = arith.extui %sign3A_120 : i1 to i32
          %sign3A_122 = arith.subi %sign3A_118, %sign3A_121 : i32
          %ne3A = arith.cmpi ne, %sign3A_115, %sign3A_122 : i32
          %rem3A = arith.remsi %scan3A_109, %jit3A : i32
          %ne3A_123 = arith.constant 0 : i32
          %ne3A_124 = arith.cmpi ne, %rem3A, %ne3A_123 : i32
          %and3A = arith.andi %ne3A, %ne3A_124 : i1
          %sub3A = arith.constant 1 : i32
          %sub3A_125 = arith.subi %div3A, %sub3A : i32
          %select_n3A = arith.select %and3A, %sub3A_125, %div3A : i32
          %jit3A_126 = arith.constant 32 : i32
          %eq3A_127 = arith.constant 0 : i32
          %eq3A_128 = arith.cmpi eq, %jit3A_126, %eq3A_127 : i32
          %jit3A_129 = arith.constant 1 : i32
          %select_n3A_130 = arith.select %eq3A_128, %jit3A_129, %jit3A_126 : i32
          %rem3A_131 = arith.remsi %scan3A_109, %select_n3A_130 : i32
          %ne3A_132 = arith.constant 0 : i32
          %ne3A_133 = arith.cmpi ne, %rem3A_131, %ne3A_132 : i32
          %lt3A_134 = arith.constant 0 : i32
          %lt3A_135 = arith.cmpi slt, %rem3A_131, %lt3A_134 : i32
          %lt3A_136 = arith.constant 0 : i32
          %lt3A_137 = arith.cmpi slt, %select_n3A_130, %lt3A_136 : i32
          %ne3A_138 = arith.xori %lt3A_135, %lt3A_137 : i1
          %and3A_139 = arith.andi %ne3A_138, %ne3A_133 : i1
          %add3A_140 = arith.addi %rem3A_131, %select_n3A_130 : i32
          %select_n3A_141 = arith.select %and3A_139, %add3A_140, %rem3A_131 : i32
          %broadcast_in_dim3A = vector.broadcast %select_n3A_141 : i32 to vector<16xi32>
          %jit3A_142 = arith.constant 8 : i32
          %div3A_143 = arith.divsi %select_n3A_141, %jit3A_142 : i32
          %sign3A_144 = arith.constant 0 : i32
          %sign3A_145 = arith.cmpi sgt, %select_n3A_141, %sign3A_144 : i32
          %sign3A_146 = arith.extui %sign3A_145 : i1 to i32
          %sign3A_147 = arith.constant 0 : i32
          %sign3A_148 = arith.cmpi slt, %select_n3A_141, %sign3A_147 : i32
          %sign3A_149 = arith.extui %sign3A_148 : i1 to i32
          %sign3A_150 = arith.subi %sign3A_146, %sign3A_149 : i32
          %sign3A_151 = arith.constant 0 : i32
          %sign3A_152 = arith.cmpi sgt, %jit3A_142, %sign3A_151 : i32
          %sign3A_153 = arith.extui %sign3A_152 : i1 to i32
          %sign3A_154 = arith.constant 0 : i32
          %sign3A_155 = arith.cmpi slt, %jit3A_142, %sign3A_154 : i32
          %sign3A_156 = arith.extui %sign3A_155 : i1 to i32
          %sign3A_157 = arith.subi %sign3A_153, %sign3A_156 : i32
          %ne3A_158 = arith.cmpi ne, %sign3A_150, %sign3A_157 : i32
          %rem3A_159 = arith.remsi %select_n3A_141, %jit3A_142 : i32
          %ne3A_160 = arith.constant 0 : i32
          %ne3A_161 = arith.cmpi ne, %rem3A_159, %ne3A_160 : i32
          %and3A_162 = arith.andi %ne3A_158, %ne3A_161 : i1
          %sub3A_163 = arith.constant 1 : i32
          %sub3A_164 = arith.subi %div3A_143, %sub3A_163 : i32
          %select_n3A_165 = arith.select %and3A_162, %sub3A_164, %div3A_143 : i32
          %jit3A_166 = arith.constant 8 : i32
          %eq3A_167 = arith.constant 0 : i32
          %eq3A_168 = arith.cmpi eq, %jit3A_166, %eq3A_167 : i32
          %jit3A_169 = arith.constant 1 : i32
          %select_n3A_170 = arith.select %eq3A_168, %jit3A_169, %jit3A_166 : i32
          %rem3A_171 = arith.remsi %select_n3A_141, %select_n3A_170 : i32
          %ne3A_172 = arith.constant 0 : i32
          %ne3A_173 = arith.cmpi ne, %rem3A_171, %ne3A_172 : i32
          %lt3A_174 = arith.constant 0 : i32
          %lt3A_175 = arith.cmpi slt, %rem3A_171, %lt3A_174 : i32
          %lt3A_176 = arith.constant 0 : i32
          %lt3A_177 = arith.cmpi slt, %select_n3A_170, %lt3A_176 : i32
          %ne3A_178 = arith.xori %lt3A_175, %lt3A_177 : i1
          %and3A_179 = arith.andi %ne3A_178, %ne3A_173 : i1
          %add3A_180 = arith.addi %rem3A_171, %select_n3A_170 : i32
          %select_n3A_181 = arith.select %and3A_179, %add3A_180, %rem3A_171 : i32
          %get3A = arith.constant 0 : i32
          %get3A_182 = arith.index_cast %get3A : i32 to index
          %get3A_183 = arith.index_cast %select_n3A_165 : i32 to index
          %get3A_184 = arith.index_cast %select_n3A : i32 to index
          %get3A_185 = arith.index_cast %select_n3A_181 : i32 to index
          %get3A_186 = arith.constant 0 : index
          %get3A_187 = tpu.vector_load %arg4[%get3A_182, %get3A_183, %get3A_184, %get3A_185, %get3A_186] {strides = array<i32>} : memref<2x4x4x8x128xf32, #tpu.memory_space<vmem>>, vector<16xf32>,
          %mul3A_188 = arith.constant 128 : i32
          %mul3A_189 = arith.muli %select_n3A, %mul3A_188 : i32
          %add3A_190 = arith.constant 0 : i32
          %add3A_191 = arith.addi %mul3A_189, %add3A_190 : i32
          %add3A_192 = vector.broadcast %add3A_191 : i32 to vector<16xi32>
          %add3A_193 = arith.addi %add3A_192, %iota3A : vector<16xi32>
          %scatter3A = arith.constant 0 : i32
          %scatter3A_194 = arith.constant 0 : i32
          %scatter3A_195 = arith.constant 0 : i32
          %scatter3A_196 = tpu.memref_slice %arg5[%scatter3A, %scatter3A_194, %scatter3A_195] : memref<2x512x33xf32, #tpu.memory_space<vmem>> -> memref<1x512x33xf32, #tpu.memory_space<vmem>>
          %scatter3A_197 = tpu.memref_squeeze %scatter3A_196 : memref<1x512x33xf32, #tpu.memory_space<vmem>> -> memref<512x33xf32, #tpu.memory_space<vmem>>
          tpu.vector_store_idx %scatter3A_197[%add3A_193, %broadcast_in_dim3A], %get3A_187 : memref<512x33xf32, #tpu.memory_space<vmem>>[vector<16xi32>, vector<16xi32>], vector<16xf32>,
          %jit3A_198 = arith.constant 8 : i32
          %div3A_199 = arith.divsi %select_n3A_141, %jit3A_198 : i32
          %sign3A_200 = arith.constant 0 : i32
          %sign3A_201 = arith.cmpi sgt, %select_n3A_141, %sign3A_200 : i32
          %sign3A_202 = arith.extui %sign3A_201 : i1 to i32
          %sign3A_203 = arith.constant 0 : i32
          %sign3A_204 = arith.cmpi slt, %select_n3A_141, %sign3A_203 : i32
          %sign3A_205 = arith.extui %sign3A_204 : i1 to i32
          %sign3A_206 = arith.subi %sign3A_202, %sign3A_205 : i32
          %sign3A_207 = arith.constant 0 : i32
          %sign3A_208 = arith.cmpi sgt, %jit3A_198, %sign3A_207 : i32
          %sign3A_209 = arith.extui %sign3A_208 : i1 to i32
          %sign3A_210 = arith.constant 0 : i32
          %sign3A_211 = arith.cmpi slt, %jit3A_198, %sign3A_210 : i32
          %sign3A_212 = arith.extui %sign3A_211 : i1 to i32
          %sign3A_213 = arith.subi %sign3A_209, %sign3A_212 : i32
          %ne3A_214 = arith.cmpi ne, %sign3A_206, %sign3A_213 : i32
          %rem3A_215 = arith.remsi %select_n3A_141, %jit3A_198 : i32
          %ne3A_216 = arith.constant 0 : i32
          %ne3A_217 = arith.cmpi ne, %rem3A_215, %ne3A_216 : i32
          %and3A_218 = arith.andi %ne3A_214, %ne3A_217 : i1
          %sub3A_219 = arith.constant 1 : i32
          %sub3A_220 = arith.subi %div3A_199, %sub3A_219 : i32
          %select_n3A_221 = arith.select %and3A_218, %sub3A_220, %div3A_199 : i32
          %jit3A_222 = arith.constant 8 : i32
          %eq3A_223 = arith.constant 0 : i32
          %eq3A_224 = arith.cmpi eq, %jit3A_222, %eq3A_223 : i32
          %jit3A_225 = arith.constant 1 : i32
          %select_n3A_226 = arith.select %eq3A_224, %jit3A_225, %jit3A_222 : i32
          %rem3A_227 = arith.remsi %select_n3A_141, %select_n3A_226 : i32
          %ne3A_228 = arith.constant 0 : i32
          %ne3A_229 = arith.cmpi ne, %rem3A_227, %ne3A_228 : i32
          %lt3A_230 = arith.constant 0 : i32
          %lt3A_231 = arith.cmpi slt, %rem3A_227, %lt3A_230 : i32
          %lt3A_232 = arith.constant 0 : i32
          %lt3A_233 = arith.cmpi slt, %select_n3A_226, %lt3A_232 : i32
          %ne3A_234 = arith.xori %lt3A_231, %lt3A_233 : i1
          %and3A_235 = arith.andi %ne3A_234, %ne3A_229 : i1
          %add3A_236 = arith.addi %rem3A_227, %select_n3A_226 : i32
          %select_n3A_237 = arith.select %and3A_235, %add3A_236, %rem3A_227 : i32
          %get3A_238 = arith.constant 0 : i32
          %get3A_239 = arith.index_cast %get3A_238 : i32 to index
          %get3A_240 = arith.index_cast %select_n3A_221 : i32 to index
          %get3A_241 = arith.index_cast %select_n3A : i32 to index
          %get3A_242 = arith.index_cast %select_n3A_237 : i32 to index
          %get3A_243 = arith.constant 16 : index
          %get3A_244 = tpu.vector_load %arg4[%get3A_239, %get3A_240, %get3A_241, %get3A_242, %get3A_243] {strides = array<i32>} : memref<2x4x4x8x128xf32, #tpu.memory_space<vmem>>, vector<16xf32>,
          %mul3A_245 = arith.constant 128 : i32
          %mul3A_246 = arith.muli %select_n3A, %mul3A_245 : i32
          %add3A_247 = arith.constant 16 : i32
          %add3A_248 = arith.addi %mul3A_246, %add3A_247 : i32
          %add3A_249 = vector.broadcast %add3A_248 : i32 to vector<16xi32>
          %add3A_250 = arith.addi %add3A_249, %iota3A : vector<16xi32>
          %scatter3A_251 = arith.constant 0 : i32
          %scatter3A_252 = arith.constant 0 : i32
          %scatter3A_253 = arith.constant 0 : i32
          %scatter3A_254 = tpu.memref_slice %arg5[%scatter3A_251, %scatter3A_252, %scatter3A_253] : memref<2x512x33xf32, #tpu.memory_space<vmem>> -> memref<1x512x33xf32, #tpu.memory_space<vmem>>
          %scatter3A_255 = tpu.memref_squeeze %scatter3A_254 : memref<1x512x33xf32, #tpu.memory_space<vmem>> -> memref<512x33xf32, #tpu.memory_space<vmem>>
          tpu.vector_store_idx %scatter3A_255[%add3A_250, %broadcast_in_dim3A], %get3A_244 : memref<512x33xf32, #tpu.memory_space<vmem>>[vector<16xi32>, vector<16xi32>], vector<16xf32>,
          %jit3A_256 = arith.constant 8 : i32
          %div3A_257 = arith.divsi %select_n3A_141, %jit3A_256 : i32
          %sign3A_258 = arith.constant 0 : i32
          %sign3A_259 = arith.cmpi sgt, %select_n3A_141, %sign3A_258 : i32
          %sign3A_260 = arith.extui %sign3A_259 : i1 to i32
          %sign3A_261 = arith.constant 0 : i32
          %sign3A_262 = arith.cmpi slt, %select_n3A_141, %sign3A_261 : i32
          %sign3A_263 = arith.extui %sign3A_262 : i1 to i32
          %sign3A_264 = arith.subi %sign3A_260, %sign3A_263 : i32
          %sign3A_265 = arith.constant 0 : i32
          %sign3A_266 = arith.cmpi sgt, %jit3A_256, %sign3A_265 : i32
          %sign3A_267 = arith.extui %sign3A_266 : i1 to i32
          %sign3A_268 = arith.constant 0 : i32
          %sign3A_269 = arith.cmpi slt, %jit3A_256, %sign3A_268 : i32
          %sign3A_270 = arith.extui %sign3A_269 : i1 to i32
          %sign3A_271 = arith.subi %sign3A_267, %sign3A_270 : i32
          %ne3A_272 = arith.cmpi ne, %sign3A_264, %sign3A_271 : i32
          %rem3A_273 = arith.remsi %select_n3A_141, %jit3A_256 : i32
          %ne3A_274 = arith.constant 0 : i32
          %ne3A_275 = arith.cmpi ne, %rem3A_273, %ne3A_274 : i32
          %and3A_276 = arith.andi %ne3A_272, %ne3A_275 : i1
          %sub3A_277 = arith.constant 1 : i32
          %sub3A_278 = arith.subi %div3A_257, %sub3A_277 : i32
          %select_n3A_279 = arith.select %and3A_276, %sub3A_278, %div3A_257 : i32
          %jit3A_280 = arith.constant 8 : i32
          %eq3A_281 = arith.constant 0 : i32
          %eq3A_282 = arith.cmpi eq, %jit3A_280, %eq3A_281 : i32
          %jit3A_283 = arith.constant 1 : i32
          %select_n3A_284 = arith.select %eq3A_282, %jit3A_283, %jit3A_280 : i32
          %rem3A_285 = arith.remsi %select_n3A_141, %select_n3A_284 : i32
          %ne3A_286 = arith.constant 0 : i32
          %ne3A_287 = arith.cmpi ne, %rem3A_285, %ne3A_286 : i32
          %lt3A_288 = arith.constant 0 : i32
          %lt3A_289 = arith.cmpi slt, %rem3A_285, %lt3A_288 : i32
          %lt3A_290 = arith.constant 0 : i32
          %lt3A_291 = arith.cmpi slt, %select_n3A_284, %lt3A_290 : i32
          %ne3A_292 = arith.xori %lt3A_289, %lt3A_291 : i1
          %and3A_293 = arith.andi %ne3A_292, %ne3A_287 : i1
          %add3A_294 = arith.addi %rem3A_285, %select_n3A_284 : i32
          %select_n3A_295 = arith.select %and3A_293, %add3A_294, %rem3A_285 : i32
          %get3A_296 = arith.constant 0 : i32
          %get3A_297 = arith.index_cast %get3A_296 : i32 to index
          %get3A_298 = arith.index_cast %select_n3A_279 : i32 to index
          %get3A_299 = arith.index_cast %select_n3A : i32 to index
          %get3A_300 = arith.index_cast %select_n3A_295 : i32 to index
          %get3A_301 = arith.constant 32 : index
          %get3A_302 = tpu.vector_load %arg4[%get3A_297, %get3A_298, %get3A_299, %get3A_300, %get3A_301] {strides = array<i32>} : memref<2x4x4x8x128xf32, #tpu.memory_space<vmem>>, vector<16xf32>,
          %mul3A_303 = arith.constant 128 : i32
          %mul3A_304 = arith.muli %select_n3A, %mul3A_303 : i32
          %add3A_305 = arith.constant 32 : i32
          %add3A_306 = arith.addi %mul3A_304, %add3A_305 : i32
          %add3A_307 = vector.broadcast %add3A_306 : i32 to vector<16xi32>
          %add3A_308 = arith.addi %add3A_307, %iota3A : vector<16xi32>
          %scatter3A_309 = arith.constant 0 : i32
          %scatter3A_310 = arith.constant 0 : i32
          %scatter3A_311 = arith.constant 0 : i32
          %scatter3A_312 = tpu.memref_slice %arg5[%scatter3A_309, %scatter3A_310, %scatter3A_311] : memref<2x512x33xf32, #tpu.memory_space<vmem>> -> memref<1x512x33xf32, #tpu.memory_space<vmem>>
          %scatter3A_313 = tpu.memref_squeeze %scatter3A_312 : memref<1x512x33xf32, #tpu.memory_space<vmem>> -> memref<512x33xf32, #tpu.memory_space<vmem>>
          tpu.vector_store_idx %scatter3A_313[%add3A_308, %broadcast_in_dim3A], %get3A_302 : memref<512x33xf32, #tpu.memory_space<vmem>>[vector<16xi32>, vector<16xi32>], vector<16xf32>,
          %jit3A_314 = arith.constant 8 : i32
          %div3A_315 = arith.divsi %select_n3A_141, %jit3A_314 : i32
          %sign3A_316 = arith.constant 0 : i32
          %sign3A_317 = arith.cmpi sgt, %select_n3A_141, %sign3A_316 : i32
          %sign3A_318 = arith.extui %sign3A_317 : i1 to i32
          %sign3A_319 = arith.constant 0 : i32
          %sign3A_320 = arith.cmpi slt, %select_n3A_141, %sign3A_319 : i32
          %sign3A_321 = arith.extui %sign3A_320 : i1 to i32
          %sign3A_322 = arith.subi %sign3A_318, %sign3A_321 : i32
          %sign3A_323 = arith.constant 0 : i32
          %sign3A_324 = arith.cmpi sgt, %jit3A_314, %sign3A_323 : i32
          %sign3A_325 = arith.extui %sign3A_324 : i1 to i32
          %sign3A_326 = arith.constant 0 : i32
          %sign3A_327 = arith.cmpi slt, %jit3A_314, %sign3A_326 : i32
          %sign3A_328 = arith.extui %sign3A_327 : i1 to i32
          %sign3A_329 = arith.subi %sign3A_325, %sign3A_328 : i32
          %ne3A_330 = arith.cmpi ne, %sign3A_322, %sign3A_329 : i32
          %rem3A_331 = arith.remsi %select_n3A_141, %jit3A_314 : i32
          %ne3A_332 = arith.constant 0 : i32
          %ne3A_333 = arith.cmpi ne, %rem3A_331, %ne3A_332 : i32
          %and3A_334 = arith.andi %ne3A_330, %ne3A_333 : i1
          %sub3A_335 = arith.constant 1 : i32
          %sub3A_336 = arith.subi %div3A_315, %sub3A_335 : i32
          %select_n3A_337 = arith.select %and3A_334, %sub3A_336, %div3A_315 : i32
          %jit3A_338 = arith.constant 8 : i32
          %eq3A_339 = arith.constant 0 : i32
          %eq3A_340 = arith.cmpi eq, %jit3A_338, %eq3A_339 : i32
          %jit3A_341 = arith.constant 1 : i32
          %select_n3A_342 = arith.select %eq3A_340, %jit3A_341, %jit3A_338 : i32
          %rem3A_343 = arith.remsi %select_n3A_141, %select_n3A_342 : i32
          %ne3A_344 = arith.constant 0 : i32
          %ne3A_345 = arith.cmpi ne, %rem3A_343, %ne3A_344 : i32
          %lt3A_346 = arith.constant 0 : i32
          %lt3A_347 = arith.cmpi slt, %rem3A_343, %lt3A_346 : i32
          %lt3A_348 = arith.constant 0 : i32
          %lt3A_349 = arith.cmpi slt, %select_n3A_342, %lt3A_348 : i32
          %ne3A_350 = arith.xori %lt3A_347, %lt3A_349 : i1
          %and3A_351 = arith.andi %ne3A_350, %ne3A_345 : i1
          %add3A_352 = arith.addi %rem3A_343, %select_n3A_342 : i32
          %select_n3A_353 = arith.select %and3A_351, %add3A_352, %rem3A_343 : i32
          %get3A_354 = arith.constant 0 : i32
          %get3A_355 = arith.index_cast %get3A_354 : i32 to index
          %get3A_356 = arith.index_cast %select_n3A_337 : i32 to index
          %get3A_357 = arith.index_cast %select_n3A : i32 to index
          %get3A_358 = arith.index_cast %select_n3A_353 : i32 to index
          %get3A_359 = arith.constant 48 : index
          %get3A_360 = tpu.vector_load %arg4[%get3A_355, %get3A_356, %get3A_357, %get3A_358, %get3A_359] {strides = array<i32>} : memref<2x4x4x8x128xf32, #tpu.memory_space<vmem>>, vector<16xf32>,
          %mul3A_361 = arith.constant 128 : i32
          %mul3A_362 = arith.muli %select_n3A, %mul3A_361 : i32
          %add3A_363 = arith.constant 48 : i32
          %add3A_364 = arith.addi %mul3A_362, %add3A_363 : i32
          %add3A_365 = vector.broadcast %add3A_364 : i32 to vector<16xi32>
          %add3A_366 = arith.addi %add3A_365, %iota3A : vector<16xi32>
          %scatter3A_367 = arith.constant 0 : i32
          %scatter3A_368 = arith.constant 0 : i32
          %scatter3A_369 = arith.constant 0 : i32
          %scatter3A_370 = tpu.memref_slice %arg5[%scatter3A_367, %scatter3A_368, %scatter3A_369] : memref<2x512x33xf32, #tpu.memory_space<vmem>> -> memref<1x512x33xf32, #tpu.memory_space<vmem>>
          %scatter3A_371 = tpu.memref_squeeze %scatter3A_370 : memref<1x512x33xf32, #tpu.memory_space<vmem>> -> memref<512x33xf32, #tpu.memory_space<vmem>>
          tpu.vector_store_idx %scatter3A_371[%add3A_366, %broadcast_in_dim3A], %get3A_360 : memref<512x33xf32, #tpu.memory_space<vmem>>[vector<16xi32>, vector<16xi32>], vector<16xf32>,
          %jit3A_372 = arith.constant 8 : i32
          %div3A_373 = arith.divsi %select_n3A_141, %jit3A_372 : i32
          %sign3A_374 = arith.constant 0 : i32
          %sign3A_375 = arith.cmpi sgt, %select_n3A_141, %sign3A_374 : i32
          %sign3A_376 = arith.extui %sign3A_375 : i1 to i32
          %sign3A_377 = arith.constant 0 : i32
          %sign3A_378 = arith.cmpi slt, %select_n3A_141, %sign3A_377 : i32
          %sign3A_379 = arith.extui %sign3A_378 : i1 to i32
          %sign3A_380 = arith.subi %sign3A_376, %sign3A_379 : i32
          %sign3A_381 = arith.constant 0 : i32
          %sign3A_382 = arith.cmpi sgt, %jit3A_372, %sign3A_381 : i32
          %sign3A_383 = arith.extui %sign3A_382 : i1 to i32
          %sign3A_384 = arith.constant 0 : i32
          %sign3A_385 = arith.cmpi slt, %jit3A_372, %sign3A_384 : i32
          %sign3A_386 = arith.extui %sign3A_385 : i1 to i32
          %sign3A_387 = arith.subi %sign3A_383, %sign3A_386 : i32
          %ne3A_388 = arith.cmpi ne, %sign3A_380, %sign3A_387 : i32
          %rem3A_389 = arith.remsi %select_n3A_141, %jit3A_372 : i32
          %ne3A_390 = arith.constant 0 : i32
          %ne3A_391 = arith.cmpi ne, %rem3A_389, %ne3A_390 : i32
          %and3A_392 = arith.andi %ne3A_388, %ne3A_391 : i1
          %sub3A_393 = arith.constant 1 : i32
          %sub3A_394 = arith.subi %div3A_373, %sub3A_393 : i32
          %select_n3A_395 = arith.select %and3A_392, %sub3A_394, %div3A_373 : i32
          %jit3A_396 = arith.constant 8 : i32
          %eq3A_397 = arith.constant 0 : i32
          %eq3A_398 = arith.cmpi eq, %jit3A_396, %eq3A_397 : i32
          %jit3A_399 = arith.constant 1 : i32
          %select_n3A_400 = arith.select %eq3A_398, %jit3A_399, %jit3A_396 : i32
          %rem3A_401 = arith.remsi %select_n3A_141, %select_n3A_400 : i32
          %ne3A_402 = arith.constant 0 : i32
          %ne3A_403 = arith.cmpi ne, %rem3A_401, %ne3A_402 : i32
          %lt3A_404 = arith.constant 0 : i32
          %lt3A_405 = arith.cmpi slt, %rem3A_401, %lt3A_404 : i32
          %lt3A_406 = arith.constant 0 : i32
          %lt3A_407 = arith.cmpi slt, %select_n3A_400, %lt3A_406 : i32
          %ne3A_408 = arith.xori %lt3A_405, %lt3A_407 : i1
          %and3A_409 = arith.andi %ne3A_408, %ne3A_403 : i1
          %add3A_410 = arith.addi %rem3A_401, %select_n3A_400 : i32
          %select_n3A_411 = arith.select %and3A_409, %add3A_410, %rem3A_401 : i32
          %get3A_412 = arith.constant 0 : i32
          %get3A_413 = arith.index_cast %get3A_412 : i32 to index
          %get3A_414 = arith.index_cast %select_n3A_395 : i32 to index
          %get3A_415 = arith.index_cast %select_n3A : i32 to index
          %get3A_416 = arith.index_cast %select_n3A_411 : i32 to index
          %get3A_417 = arith.constant 64 : index
          %get3A_418 = tpu.vector_load %arg4[%get3A_413, %get3A_414, %get3A_415, %get3A_416, %get3A_417] {strides = array<i32>} : memref<2x4x4x8x128xf32, #tpu.memory_space<vmem>>, vector<16xf32>,
          %mul3A_419 = arith.constant 128 : i32
          %mul3A_420 = arith.muli %select_n3A, %mul3A_419 : i32
          %add3A_421 = arith.constant 64 : i32
          %add3A_422 = arith.addi %mul3A_420, %add3A_421 : i32
          %add3A_423 = vector.broadcast %add3A_422 : i32 to vector<16xi32>
          %add3A_424 = arith.addi %add3A_423, %iota3A : vector<16xi32>
          %scatter3A_425 = arith.constant 0 : i32
          %scatter3A_426 = arith.constant 0 : i32
          %scatter3A_427 = arith.constant 0 : i32
          %scatter3A_428 = tpu.memref_slice %arg5[%scatter3A_425, %scatter3A_426, %scatter3A_427] : memref<2x512x33xf32, #tpu.memory_space<vmem>> -> memref<1x512x33xf32, #tpu.memory_space<vmem>>
          %scatter3A_429 = tpu.memref_squeeze %scatter3A_428 : memref<1x512x33xf32, #tpu.memory_space<vmem>> -> memref<512x33xf32, #tpu.memory_space<vmem>>
          tpu.vector_store_idx %scatter3A_429[%add3A_424, %broadcast_in_dim3A], %get3A_418 : memref<512x33xf32, #tpu.memory_space<vmem>>[vector<16xi32>, vector<16xi32>], vector<16xf32>,
          %jit3A_430 = arith.constant 8 : i32
          %div3A_431 = arith.divsi %select_n3A_141, %jit3A_430 : i32
          %sign3A_432 = arith.constant 0 : i32
          %sign3A_433 = arith.cmpi sgt, %select_n3A_141, %sign3A_432 : i32
          %sign3A_434 = arith.extui %sign3A_433 : i1 to i32
          %sign3A_435 = arith.constant 0 : i32
          %sign3A_436 = arith.cmpi slt, %select_n3A_141, %sign3A_435 : i32
          %sign3A_437 = arith.extui %sign3A_436 : i1 to i32
          %sign3A_438 = arith.subi %sign3A_434, %sign3A_437 : i32
          %sign3A_439 = arith.constant 0 : i32
          %sign3A_440 = arith.cmpi sgt, %jit3A_430, %sign3A_439 : i32
          %sign3A_441 = arith.extui %sign3A_440 : i1 to i32
          %sign3A_442 = arith.constant 0 : i32
          %sign3A_443 = arith.cmpi slt, %jit3A_430, %sign3A_442 : i32
          %sign3A_444 = arith.extui %sign3A_443 : i1 to i32
          %sign3A_445 = arith.subi %sign3A_441, %sign3A_444 : i32
          %ne3A_446 = arith.cmpi ne, %sign3A_438, %sign3A_445 : i32
          %rem3A_447 = arith.remsi %select_n3A_141, %jit3A_430 : i32
          %ne3A_448 = arith.constant 0 : i32
          %ne3A_449 = arith.cmpi ne, %rem3A_447, %ne3A_448 : i32
          %and3A_450 = arith.andi %ne3A_446, %ne3A_449 : i1
          %sub3A_451 = arith.constant 1 : i32
          %sub3A_452 = arith.subi %div3A_431, %sub3A_451 : i32
          %select_n3A_453 = arith.select %and3A_450, %sub3A_452, %div3A_431 : i32
          %jit3A_454 = arith.constant 8 : i32
          %eq3A_455 = arith.constant 0 : i32
          %eq3A_456 = arith.cmpi eq, %jit3A_454, %eq3A_455 : i32
          %jit3A_457 = arith.constant 1 : i32
          %select_n3A_458 = arith.select %eq3A_456, %jit3A_457, %jit3A_454 : i32
          %rem3A_459 = arith.remsi %select_n3A_141, %select_n3A_458 : i32
          %ne3A_460 = arith.constant 0 : i32
          %ne3A_461 = arith.cmpi ne, %rem3A_459, %ne3A_460 : i32
          %lt3A_462 = arith.constant 0 : i32
          %lt3A_463 = arith.cmpi slt, %rem3A_459, %lt3A_462 : i32
          %lt3A_464 = arith.constant 0 : i32
          %lt3A_465 = arith.cmpi slt, %select_n3A_458, %lt3A_464 : i32
          %ne3A_466 = arith.xori %lt3A_463, %lt3A_465 : i1
          %and3A_467 = arith.andi %ne3A_466, %ne3A_461 : i1
          %add3A_468 = arith.addi %rem3A_459, %select_n3A_458 : i32
          %select_n3A_469 = arith.select %and3A_467, %add3A_468, %rem3A_459 : i32
          %get3A_470 = arith.constant 0 : i32
          %get3A_471 = arith.index_cast %get3A_470 : i32 to index
          %get3A_472 = arith.index_cast %select_n3A_453 : i32 to index
          %get3A_473 = arith.index_cast %select_n3A : i32 to index
          %get3A_474 = arith.index_cast %select_n3A_469 : i32 to index
          %get3A_475 = arith.constant 80 : index
          %get3A_476 = tpu.vector_load %arg4[%get3A_471, %get3A_472, %get3A_473, %get3A_474, %get3A_475] {strides = array<i32>} : memref<2x4x4x8x128xf32, #tpu.memory_space<vmem>>, vector<16xf32>,
          %mul3A_477 = arith.constant 128 : i32
          %mul3A_478 = arith.muli %select_n3A, %mul3A_477 : i32
          %add3A_479 = arith.constant 80 : i32
          %add3A_480 = arith.addi %mul3A_478, %add3A_479 : i32
          %add3A_481 = vector.broadcast %add3A_480 : i32 to vector<16xi32>
          %add3A_482 = arith.addi %add3A_481, %iota3A : vector<16xi32>
          %scatter3A_483 = arith.constant 0 : i32
          %scatter3A_484 = arith.constant 0 : i32
          %scatter3A_485 = arith.constant 0 : i32
          %scatter3A_486 = tpu.memref_slice %arg5[%scatter3A_483, %scatter3A_484, %scatter3A_485] : memref<2x512x33xf32, #tpu.memory_space<vmem>> -> memref<1x512x33xf32, #tpu.memory_space<vmem>>
          %scatter3A_487 = tpu.memref_squeeze %scatter3A_486 : memref<1x512x33xf32, #tpu.memory_space<vmem>> -> memref<512x33xf32, #tpu.memory_space<vmem>>
          tpu.vector_store_idx %scatter3A_487[%add3A_482, %broadcast_in_dim3A], %get3A_476 : memref<512x33xf32, #tpu.memory_space<vmem>>[vector<16xi32>, vector<16xi32>], vector<16xf32>,
          %jit3A_488 = arith.constant 8 : i32
          %div3A_489 = arith.divsi %select_n3A_141, %jit3A_488 : i32
          %sign3A_490 = arith.constant 0 : i32
          %sign3A_491 = arith.cmpi sgt, %select_n3A_141, %sign3A_490 : i32
          %sign3A_492 = arith.extui %sign3A_491 : i1 to i32
          %sign3A_493 = arith.constant 0 : i32
          %sign3A_494 = arith.cmpi slt, %select_n3A_141, %sign3A_493 : i32
          %sign3A_495 = arith.extui %sign3A_494 : i1 to i32
          %sign3A_496 = arith.subi %sign3A_492, %sign3A_495 : i32
          %sign3A_497 = arith.constant 0 : i32
          %sign3A_498 = arith.cmpi sgt, %jit3A_488, %sign3A_497 : i32
          %sign3A_499 = arith.extui %sign3A_498 : i1 to i32
          %sign3A_500 = arith.constant 0 : i32
          %sign3A_501 = arith.cmpi slt, %jit3A_488, %sign3A_500 : i32
          %sign3A_502 = arith.extui %sign3A_501 : i1 to i32
          %sign3A_503 = arith.subi %sign3A_499, %sign3A_502 : i32
          %ne3A_504 = arith.cmpi ne, %sign3A_496, %sign3A_503 : i32
          %rem3A_505 = arith.remsi %select_n3A_141, %jit3A_488 : i32
          %ne3A_506 = arith.constant 0 : i32
          %ne3A_507 = arith.cmpi ne, %rem3A_505, %ne3A_506 : i32
          %and3A_508 = arith.andi %ne3A_504, %ne3A_507 : i1
          %sub3A_509 = arith.constant 1 : i32
          %sub3A_510 = arith.subi %div3A_489, %sub3A_509 : i32
          %select_n3A_511 = arith.select %and3A_508, %sub3A_510, %div3A_489 : i32
          %jit3A_512 = arith.constant 8 : i32
          %eq3A_513 = arith.constant 0 : i32
          %eq3A_514 = arith.cmpi eq, %jit3A_512, %eq3A_513 : i32
          %jit3A_515 = arith.constant 1 : i32
          %select_n3A_516 = arith.select %eq3A_514, %jit3A_515, %jit3A_512 : i32
          %rem3A_517 = arith.remsi %select_n3A_141, %select_n3A_516 : i32
          %ne3A_518 = arith.constant 0 : i32
          %ne3A_519 = arith.cmpi ne, %rem3A_517, %ne3A_518 : i32
          %lt3A_520 = arith.constant 0 : i32
          %lt3A_521 = arith.cmpi slt, %rem3A_517, %lt3A_520 : i32
          %lt3A_522 = arith.constant 0 : i32
          %lt3A_523 = arith.cmpi slt, %select_n3A_516, %lt3A_522 : i32
          %ne3A_524 = arith.xori %lt3A_521, %lt3A_523 : i1
          %and3A_525 = arith.andi %ne3A_524, %ne3A_519 : i1
          %add3A_526 = arith.addi %rem3A_517, %select_n3A_516 : i32
          %select_n3A_527 = arith.select %and3A_525, %add3A_526, %rem3A_517 : i32
          %get3A_528 = arith.constant 0 : i32
          %get3A_529 = arith.index_cast %get3A_528 : i32 to index
          %get3A_530 = arith.index_cast %select_n3A_511 : i32 to index
          %get3A_531 = arith.index_cast %select_n3A : i32 to index
          %get3A_532 = arith.index_cast %select_n3A_527 : i32 to index
          %get3A_533 = arith.constant 96 : index
          %get3A_534 = tpu.vector_load %arg4[%get3A_529, %get3A_530, %get3A_531, %get3A_532, %get3A_533] {strides = array<i32>} : memref<2x4x4x8x128xf32, #tpu.memory_space<vmem>>, vector<16xf32>,
          %mul3A_535 = arith.constant 128 : i32
          %mul3A_536 = arith.muli %select_n3A, %mul3A_535 : i32
          %add3A_537 = arith.constant 96 : i32
          %add3A_538 = arith.addi %mul3A_536, %add3A_537 : i32
          %add3A_539 = vector.broadcast %add3A_538 : i32 to vector<16xi32>
          %add3A_540 = arith.addi %add3A_539, %iota3A : vector<16xi32>
          %scatter3A_541 = arith.constant 0 : i32
          %scatter3A_542 = arith.constant 0 : i32
          %scatter3A_543 = arith.constant 0 : i32
          %scatter3A_544 = tpu.memref_slice %arg5[%scatter3A_541, %scatter3A_542, %scatter3A_543] : memref<2x512x33xf32, #tpu.memory_space<vmem>> -> memref<1x512x33xf32, #tpu.memory_space<vmem>>
          %scatter3A_545 = tpu.memref_squeeze %scatter3A_544 : memref<1x512x33xf32, #tpu.memory_space<vmem>> -> memref<512x33xf32, #tpu.memory_space<vmem>>
          tpu.vector_store_idx %scatter3A_545[%add3A_540, %broadcast_in_dim3A], %get3A_534 : memref<512x33xf32, #tpu.memory_space<vmem>>[vector<16xi32>, vector<16xi32>], vector<16xf32>,
          %jit3A_546 = arith.constant 8 : i32
          %div3A_547 = arith.divsi %select_n3A_141, %jit3A_546 : i32
          %sign3A_548 = arith.constant 0 : i32
          %sign3A_549 = arith.cmpi sgt, %select_n3A_141, %sign3A_548 : i32
          %sign3A_550 = arith.extui %sign3A_549 : i1 to i32
          %sign3A_551 = arith.constant 0 : i32
          %sign3A_552 = arith.cmpi slt, %select_n3A_141, %sign3A_551 : i32
          %sign3A_553 = arith.extui %sign3A_552 : i1 to i32
          %sign3A_554 = arith.subi %sign3A_550, %sign3A_553 : i32
          %sign3A_555 = arith.constant 0 : i32
          %sign3A_556 = arith.cmpi sgt, %jit3A_546, %sign3A_555 : i32
          %sign3A_557 = arith.extui %sign3A_556 : i1 to i32
          %sign3A_558 = arith.constant 0 : i32
          %sign3A_559 = arith.cmpi slt, %jit3A_546, %sign3A_558 : i32
          %sign3A_560 = arith.extui %sign3A_559 : i1 to i32
          %sign3A_561 = arith.subi %sign3A_557, %sign3A_560 : i32
          %ne3A_562 = arith.cmpi ne, %sign3A_554, %sign3A_561 : i32
          %rem3A_563 = arith.remsi %select_n3A_141, %jit3A_546 : i32
          %ne3A_564 = arith.constant 0 : i32
          %ne3A_565 = arith.cmpi ne, %rem3A_563, %ne3A_564 : i32
          %and3A_566 = arith.andi %ne3A_562, %ne3A_565 : i1
          %sub3A_567 = arith.constant 1 : i32
          %sub3A_568 = arith.subi %div3A_547, %sub3A_567 : i32
          %select_n3A_569 = arith.select %and3A_566, %sub3A_568, %div3A_547 : i32
          %jit3A_570 = arith.constant 8 : i32
          %eq3A_571 = arith.constant 0 : i32
          %eq3A_572 = arith.cmpi eq, %jit3A_570, %eq3A_571 : i32
          %jit3A_573 = arith.constant 1 : i32
          %select_n3A_574 = arith.select %eq3A_572, %jit3A_573, %jit3A_570 : i32
          %rem3A_575 = arith.remsi %select_n3A_141, %select_n3A_574 : i32
          %ne3A_576 = arith.constant 0 : i32
          %ne3A_577 = arith.cmpi ne, %rem3A_575, %ne3A_576 : i32
          %lt3A_578 = arith.constant 0 : i32
          %lt3A_579 = arith.cmpi slt, %rem3A_575, %lt3A_578 : i32
          %lt3A_580 = arith.constant 0 : i32
          %lt3A_581 = arith.cmpi slt, %select_n3A_574, %lt3A_580 : i32
          %ne3A_582 = arith.xori %lt3A_579, %lt3A_581 : i1
          %and3A_583 = arith.andi %ne3A_582, %ne3A_577 : i1
          %add3A_584 = arith.addi %rem3A_575, %select_n3A_574 : i32
          %select_n3A_585 = arith.select %and3A_583, %add3A_584, %rem3A_575 : i32
          %get3A_586 = arith.constant 0 : i32
          %get3A_587 = arith.index_cast %get3A_586 : i32 to index
          %get3A_588 = arith.index_cast %select_n3A_569 : i32 to index
          %get3A_589 = arith.index_cast %select_n3A : i32 to index
          %get3A_590 = arith.index_cast %select_n3A_585 : i32 to index
          %get3A_591 = arith.constant 112 : index
          %get3A_592 = tpu.vector_load %arg4[%get3A_587, %get3A_588, %get3A_589, %get3A_590, %get3A_591] {strides = array<i32>} : memref<2x4x4x8x128xf32, #tpu.memory_space<vmem>>, vector<16xf32>,
          %mul3A_593 = arith.constant 128 : i32
          %mul3A_594 = arith.muli %select_n3A, %mul3A_593 : i32
          %add3A_595 = arith.constant 112 : i32
          %add3A_596 = arith.addi %mul3A_594, %add3A_595 : i32
          %add3A_597 = vector.broadcast %add3A_596 : i32 to vector<16xi32>
          %add3A_598 = arith.addi %add3A_597, %iota3A : vector<16xi32>
          %scatter3A_599 = arith.constant 0 : i32
          %scatter3A_600 = arith.constant 0 : i32
          %scatter3A_601 = arith.constant 0 : i32
          %scatter3A_602 = tpu.memref_slice %arg5[%scatter3A_599, %scatter3A_600, %scatter3A_601] : memref<2x512x33xf32, #tpu.memory_space<vmem>> -> memref<1x512x33xf32, #tpu.memory_space<vmem>>
          %scatter3A_603 = tpu.memref_squeeze %scatter3A_602 : memref<1x512x33xf32, #tpu.memory_space<vmem>> -> memref<512x33xf32, #tpu.memory_space<vmem>>
          tpu.vector_store_idx %scatter3A_603[%add3A_598, %broadcast_in_dim3A], %get3A_592 : memref<512x33xf32, #tpu.memory_space<vmem>>[vector<16xi32>, vector<16xi32>], vector<16xf32>,
        }
        %scan3A_87 = arith.constant 128 : i32
        %mul3A_88 = arith.constant 512 : i32
        %mul3A_89 = arith.muli %add3A_38, %mul3A_88 : i32
        %dma_start3A = arith.constant 0 : i32
        %dma_start3A_90 = arith.constant 0 : i32
        %dma_start3A_91 = arith.constant 0 : i32
        %dma_start3A_92 = tpu.memref_slice %arg5[%dma_start3A, %dma_start3A_90, %dma_start3A_91] : memref<2x512x33xf32, #tpu.memory_space<vmem>> -> memref<1x512x32xf32, #tpu.memory_space<vmem>>
        %dma_start3A_93 = tpu.memref_squeeze %dma_start3A_92 : memref<1x512x32xf32, #tpu.memory_space<vmem>> -> memref<512x32xf32, #tpu.memory_space<vmem>>
        %dma_start3A_94 = arith.constant 0 : i32
        %dma_start3A_95 = tpu.memref_slice %arg3[%mul3A_89, %dma_start3A_94] : memref<1000000x32xf32, #tpu.memory_space<hbm>> -> memref<512x32xf32, #tpu.memory_space<hbm>>
        %dma_start3A_96 = arith.constant 0 : i32
        %dma_start3A_97 = tpu.memref_slice %arg3[%mul3A_89, %dma_start3A_96] : memref<1000000x32xf32, #tpu.memory_space<hbm>> -> memref<512x32xf32, #tpu.memory_space<hbm>>
        %dma_start3A_98 = arith.constant 0 : i32
        %dma_start3A_99 = arith.constant 0 : i32
        %dma_start3A_100 = tpu.memref_slice %arg5[%dma_start3A, %dma_start3A_98, %dma_start3A_99] : memref<2x512x33xf32, #tpu.memory_space<vmem>> -> memref<1x512x32xf32, #tpu.memory_space<vmem>>
        %dma_start3A_101 = tpu.memref_squeeze %dma_start3A_100 : memref<1x512x32xf32, #tpu.memory_space<vmem>> -> memref<512x32xf32, #tpu.memory_space<vmem>>
        tpu.enqueue_dma source(%dma_start3A_101 : memref<512x32xf32, #tpu.memory_space<vmem>>) target(%dma_start3A_97 : memref<512x32xf32, #tpu.memory_space<hbm>>) target_semaphore(%arg8 : memref<!tpu.dma_semaphore, #tpu.memory_space<semaphore_mem>>)
        %add3A_102 = arith.constant 64 : i32
        %add3A_103 = arith.addi %add3A_38, %add3A_102 : i32
        %lt3A_104 = arith.constant 1953 : i32
        %lt3A_105 = arith.cmpi slt, %add3A_103, %lt3A_104 : i32
        %convert_element_type3A_106 = arith.extui %lt3A_105 : i1 to i32
        %cond3A_107 = arith.constant 0 : i32
        %cond3A_108 = arith.cmpi ne, %convert_element_type3A_106, %cond3A_107 : i32
        scf.if %cond3A_108 {
          %mul3A_109 = arith.constant 4 : i32
          %mul3A_110 = arith.muli %add3A_103, %mul3A_109 : i32
          %dma_start3A_111 = arith.constant 0 : i32
          %dma_start3A_112 = arith.constant 0 : i32
          %dma_start3A_113 = arith.constant 0 : i32
          %dma_start3A_114 = arith.constant 0 : i32
          %dma_start3A_115 = arith.constant 0 : i32
          %dma_start3A_116 = tpu.memref_slice %arg4[%dma_start3A_111, %dma_start3A_112, %dma_start3A_113, %dma_start3A_114, %dma_start3A_115] : memref<2x4x4x8x128xf32, #tpu.memory_space<vmem>> -> memref<1x4x4x8x128xf32, #tpu.memory_space<vmem>>
          %dma_start3A_117 = tpu.memref_squeeze %dma_start3A_116 : memref<1x4x4x8x128xf32, #tpu.memory_space<vmem>> -> memref<4x4x8x128xf32, #tpu.memory_space<vmem>>
          %dma_start3A_118 = arith.constant 0 : i32
          %dma_start3A_119 = arith.constant 0 : i32
          %dma_start3A_120 = arith.constant 0 : i32
          %dma_start3A_121 = tpu.memref_slice %arg2[%dma_start3A_118, %mul3A_110, %dma_start3A_119, %dma_start3A_120] : memref<4x7813x8x128xf32, #tpu.memory_space<hbm>> -> memref<4x4x8x128xf32, #tpu.memory_space<hbm>>
          %dma_start3A_122 = arith.constant 0 : i32
          %dma_start3A_123 = arith.constant 0 : i32
          %dma_start3A_124 = arith.constant 0 : i32
          %dma_start3A_125 = arith.constant 0 : i32
          %dma_start3A_126 = tpu.memref_slice %arg4[%dma_start3A_111, %dma_start3A_122, %dma_start3A_123, %dma_start3A_124, %dma_start3A_125] : memref<2x4x4x8x128xf32, #tpu.memory_space<vmem>> -> memref<1x4x4x8x128xf32, #tpu.memory_space<vmem>>
          %dma_start3A_127 = tpu.memref_squeeze %dma_start3A_126 : memref<1x4x4x8x128xf32, #tpu.memory_space<vmem>> -> memref<4x4x8x128xf32, #tpu.memory_space<vmem>>
          %dma_start3A_128 = arith.constant 0 : i32
          %dma_start3A_129 = arith.constant 0 : i32
          %dma_start3A_130 = arith.constant 0 : i32
          %dma_start3A_131 = tpu.memref_slice %arg2[%dma_start3A_128, %mul3A_110, %dma_start3A_129, %dma_start3A_130] : memref<4x7813x8x128xf32, #tpu.memory_space<hbm>> -> memref<4x4x8x128xf32, #tpu.memory_space<hbm>>
          tpu.enqueue_dma source(%dma_start3A_131 : memref<4x4x8x128xf32, #tpu.memory_space<hbm>>) target(%dma_start3A_127 : memref<4x4x8x128xf32, #tpu.memory_space<vmem>>) target_semaphore(%arg6 : memref<!tpu.dma_semaphore, #tpu.memory_space<semaphore_mem>>)
        } else {
        }
      } else {
      }
      %mul3A_44 = arith.constant 2 : i32
      %mul3A_45 = arith.muli %scan3A_33, %mul3A_44 : i32
      %add3A_46 = arith.constant 1 : i32
      %add3A_47 = arith.addi %mul3A_45, %add3A_46 : i32
      %mul3A_48 = arith.constant 32 : i32
      %mul3A_49 = arith.muli %add3A_47, %mul3A_48 : i32
      %add3A_50 = arith.addi %mul3A_49, %add3A : i32
      %lt3A_51 = arith.constant 1953 : i32
      %lt3A_52 = arith.cmpi slt, %add3A_50, %lt3A_51 : i32
      %convert_element_type3A_53 = arith.extui %lt3A_52 : i1 to i32
      %cond3A_54 = arith.constant 0 : i32
      %cond3A_55 = arith.cmpi ne, %convert_element_type3A_53, %cond3A_54 : i32
      scf.if %cond3A_55 {
        %mul3A_56 = arith.constant 4 : i32
        %mul3A_57 = arith.muli %add3A_50, %mul3A_56 : i32
        %dma_wait3A = arith.constant 1 : i32
        %dma_wait3A_58 = arith.constant 0 : i32
        %dma_wait3A_59 = arith.constant 0 : i32
        %dma_wait3A_60 = arith.constant 0 : i32
        %dma_wait3A_61 = arith.constant 0 : i32
        %dma_wait3A_62 = tpu.memref_slice %arg4[%dma_wait3A, %dma_wait3A_58, %dma_wait3A_59, %dma_wait3A_60, %dma_wait3A_61] : memref<2x4x4x8x128xf32, #tpu.memory_space<vmem>> -> memref<1x4x4x8x128xf32, #tpu.memory_space<vmem>>
        %dma_wait3A_63 = tpu.memref_squeeze %dma_wait3A_62 : memref<1x4x4x8x128xf32, #tpu.memory_space<vmem>> -> memref<4x4x8x128xf32, #tpu.memory_space<vmem>>
        %dma_wait3A_64 = arith.constant 0 : i32
        %dma_wait3A_65 = arith.constant 0 : i32
        %dma_wait3A_66 = arith.constant 0 : i32
        %dma_wait3A_67 = tpu.memref_slice %arg2[%dma_wait3A_64, %mul3A_57, %dma_wait3A_65, %dma_wait3A_66] : memref<4x7813x8x128xf32, #tpu.memory_space<hbm>> -> memref<4x4x8x128xf32, #tpu.memory_space<hbm>>
        %dma_wait3A_68 = arith.constant 0 : i32
        %dma_wait3A_69 = arith.constant 0 : i32
        %dma_wait3A_70 = arith.constant 0 : i32
        %dma_wait3A_71 = arith.constant 0 : i32
        %dma_wait3A_72 = tpu.memref_slice %arg4[%dma_wait3A, %dma_wait3A_68, %dma_wait3A_69, %dma_wait3A_70, %dma_wait3A_71] : memref<2x4x4x8x128xf32, #tpu.memory_space<vmem>> -> memref<1x4x4x8x128xf32, #tpu.memory_space<vmem>>
        %dma_wait3A_73 = tpu.memref_squeeze %dma_wait3A_72 : memref<1x4x4x8x128xf32, #tpu.memory_space<vmem>> -> memref<4x4x8x128xf32, #tpu.memory_space<vmem>>
        %dma_wait3A_74 = arith.constant 0 : i32
        %dma_wait3A_75 = arith.constant 0 : i32
        %dma_wait3A_76 = arith.constant 0 : i32
        %dma_wait3A_77 = tpu.memref_slice %arg2[%dma_wait3A_74, %mul3A_57, %dma_wait3A_75, %dma_wait3A_76] : memref<4x7813x8x128xf32, #tpu.memory_space<hbm>> -> memref<4x4x8x128xf32, #tpu.memory_space<hbm>>
        tpu.wait_dma2 semaphore(%arg7 : memref<!tpu.dma_semaphore, #tpu.memory_space<semaphore_mem>>) src(%dma_wait3A_77 : memref<4x4x8x128xf32, #tpu.memory_space<hbm>>) dst(%dma_wait3A_73 : memref<4x4x8x128xf32, #tpu.memory_space<vmem>>)
        %ge3A = arith.constant 2 : i32
        %ge3A_78 = arith.cmpi sge, %add3A_47, %ge3A : i32
        %convert_element_type3A_79 = arith.extui %ge3A_78 : i1 to i32
        %cond3A_80 = arith.constant 0 : i32
        %cond3A_81 = arith.cmpi ne, %convert_element_type3A_79, %cond3A_80 : i32
        scf.if %cond3A_81 {
          %sub3A = arith.constant 2 : i32
          %sub3A_109 = arith.subi %add3A_47, %sub3A : i32
          %mul3A_110 = arith.constant 32 : i32
          %mul3A_111 = arith.muli %sub3A_109, %mul3A_110 : i32
          %add3A_112 = arith.addi %mul3A_111, %add3A : i32
          %mul3A_113 = arith.constant 512 : i32
          %mul3A_114 = arith.muli %add3A_112, %mul3A_113 : i32
          %dma_wait3A_115 = arith.constant 1 : i32
          %dma_wait3A_116 = arith.constant 0 : i32
          %dma_wait3A_117 = arith.constant 0 : i32
          %dma_wait3A_118 = tpu.memref_slice %arg5[%dma_wait3A_115, %dma_wait3A_116, %dma_wait3A_117] : memref<2x512x33xf32, #tpu.memory_space<vmem>> -> memref<1x512x32xf32, #tpu.memory_space<vmem>>
          %dma_wait3A_119 = tpu.memref_squeeze %dma_wait3A_118 : memref<1x512x32xf32, #tpu.memory_space<vmem>> -> memref<512x32xf32, #tpu.memory_space<vmem>>
          %dma_wait3A_120 = arith.constant 0 : i32
          %dma_wait3A_121 = tpu.memref_slice %arg3[%mul3A_114, %dma_wait3A_120] : memref<1000000x32xf32, #tpu.memory_space<hbm>> -> memref<512x32xf32, #tpu.memory_space<hbm>>
          %dma_wait3A_122 = arith.constant 0 : i32
          %dma_wait3A_123 = tpu.memref_slice %arg3[%mul3A_114, %dma_wait3A_122] : memref<1000000x32xf32, #tpu.memory_space<hbm>> -> memref<512x32xf32, #tpu.memory_space<hbm>>
          %dma_wait3A_124 = arith.constant 0 : i32
          %dma_wait3A_125 = arith.constant 0 : i32
          %dma_wait3A_126 = tpu.memref_slice %arg5[%dma_wait3A_115, %dma_wait3A_124, %dma_wait3A_125] : memref<2x512x33xf32, #tpu.memory_space<vmem>> -> memref<1x512x32xf32, #tpu.memory_space<vmem>>
          %dma_wait3A_127 = tpu.memref_squeeze %dma_wait3A_126 : memref<1x512x32xf32, #tpu.memory_space<vmem>> -> memref<512x32xf32, #tpu.memory_space<vmem>>
          tpu.wait_dma2 semaphore(%arg9 : memref<!tpu.dma_semaphore, #tpu.memory_space<semaphore_mem>>) src(%dma_wait3A_127 : memref<512x32xf32, #tpu.memory_space<vmem>>) dst(%dma_wait3A_123 : memref<512x32xf32, #tpu.memory_space<hbm>>)
        } else {
        }
        %scan3A_82 = arith.constant 0 : i32
        %scan3A_83 = arith.constant 0 : i32
        %scan3A_84 = arith.constant 128 : i32
        %scan3A_85 = arith.addi %scan3A_83, %scan3A_84 : i32
        %scan3A_86 = arith.constant 1 : i32
        scf.for %scan3A_109 = %scan3A_83 to %scan3A_85 step %scan3A_86  : i32 {
          %jit3A = arith.constant 32 : i32
          %div3A = arith.divsi %scan3A_109, %jit3A : i32
          %sign3A = arith.constant 0 : i32
          %sign3A_110 = arith.cmpi sgt, %scan3A_109, %sign3A : i32
          %sign3A_111 = arith.extui %sign3A_110 : i1 to i32
          %sign3A_112 = arith.constant 0 : i32
          %sign3A_113 = arith.cmpi slt, %scan3A_109, %sign3A_112 : i32
          %sign3A_114 = arith.extui %sign3A_113 : i1 to i32
          %sign3A_115 = arith.subi %sign3A_111, %sign3A_114 : i32
          %sign3A_116 = arith.constant 0 : i32
          %sign3A_117 = arith.cmpi sgt, %jit3A, %sign3A_116 : i32
          %sign3A_118 = arith.extui %sign3A_117 : i1 to i32
          %sign3A_119 = arith.constant 0 : i32
          %sign3A_120 = arith.cmpi slt, %jit3A, %sign3A_119 : i32
          %sign3A_121 = arith.extui %sign3A_120 : i1 to i32
          %sign3A_122 = arith.subi %sign3A_118, %sign3A_121 : i32
          %ne3A = arith.cmpi ne, %sign3A_115, %sign3A_122 : i32
          %rem3A = arith.remsi %scan3A_109, %jit3A : i32
          %ne3A_123 = arith.constant 0 : i32
          %ne3A_124 = arith.cmpi ne, %rem3A, %ne3A_123 : i32
          %and3A = arith.andi %ne3A, %ne3A_124 : i1
          %sub3A = arith.constant 1 : i32
          %sub3A_125 = arith.subi %div3A, %sub3A : i32
          %select_n3A = arith.select %and3A, %sub3A_125, %div3A : i32
          %jit3A_126 = arith.constant 32 : i32
          %eq3A_127 = arith.constant 0 : i32
          %eq3A_128 = arith.cmpi eq, %jit3A_126, %eq3A_127 : i32
          %jit3A_129 = arith.constant 1 : i32
          %select_n3A_130 = arith.select %eq3A_128, %jit3A_129, %jit3A_126 : i32
          %rem3A_131 = arith.remsi %scan3A_109, %select_n3A_130 : i32
          %ne3A_132 = arith.constant 0 : i32
          %ne3A_133 = arith.cmpi ne, %rem3A_131, %ne3A_132 : i32
          %lt3A_134 = arith.constant 0 : i32
          %lt3A_135 = arith.cmpi slt, %rem3A_131, %lt3A_134 : i32
          %lt3A_136 = arith.constant 0 : i32
          %lt3A_137 = arith.cmpi slt, %select_n3A_130, %lt3A_136 : i32
          %ne3A_138 = arith.xori %lt3A_135, %lt3A_137 : i1
          %and3A_139 = arith.andi %ne3A_138, %ne3A_133 : i1
          %add3A_140 = arith.addi %rem3A_131, %select_n3A_130 : i32
          %select_n3A_141 = arith.select %and3A_139, %add3A_140, %rem3A_131 : i32
          %broadcast_in_dim3A = vector.broadcast %select_n3A_141 : i32 to vector<16xi32>
          %jit3A_142 = arith.constant 8 : i32
          %div3A_143 = arith.divsi %select_n3A_141, %jit3A_142 : i32
          %sign3A_144 = arith.constant 0 : i32
          %sign3A_145 = arith.cmpi sgt, %select_n3A_141, %sign3A_144 : i32
          %sign3A_146 = arith.extui %sign3A_145 : i1 to i32
          %sign3A_147 = arith.constant 0 : i32
          %sign3A_148 = arith.cmpi slt, %select_n3A_141, %sign3A_147 : i32
          %sign3A_149 = arith.extui %sign3A_148 : i1 to i32
          %sign3A_150 = arith.subi %sign3A_146, %sign3A_149 : i32
          %sign3A_151 = arith.constant 0 : i32
          %sign3A_152 = arith.cmpi sgt, %jit3A_142, %sign3A_151 : i32
          %sign3A_153 = arith.extui %sign3A_152 : i1 to i32
          %sign3A_154 = arith.constant 0 : i32
          %sign3A_155 = arith.cmpi slt, %jit3A_142, %sign3A_154 : i32
          %sign3A_156 = arith.extui %sign3A_155 : i1 to i32
          %sign3A_157 = arith.subi %sign3A_153, %sign3A_156 : i32
          %ne3A_158 = arith.cmpi ne, %sign3A_150, %sign3A_157 : i32
          %rem3A_159 = arith.remsi %select_n3A_141, %jit3A_142 : i32
          %ne3A_160 = arith.constant 0 : i32
          %ne3A_161 = arith.cmpi ne, %rem3A_159, %ne3A_160 : i32
          %and3A_162 = arith.andi %ne3A_158, %ne3A_161 : i1
          %sub3A_163 = arith.constant 1 : i32
          %sub3A_164 = arith.subi %div3A_143, %sub3A_163 : i32
          %select_n3A_165 = arith.select %and3A_162, %sub3A_164, %div3A_143 : i32
          %jit3A_166 = arith.constant 8 : i32
          %eq3A_167 = arith.constant 0 : i32
          %eq3A_168 = arith.cmpi eq, %jit3A_166, %eq3A_167 : i32
          %jit3A_169 = arith.constant 1 : i32
          %select_n3A_170 = arith.select %eq3A_168, %jit3A_169, %jit3A_166 : i32
          %rem3A_171 = arith.remsi %select_n3A_141, %select_n3A_170 : i32
          %ne3A_172 = arith.constant 0 : i32
          %ne3A_173 = arith.cmpi ne, %rem3A_171, %ne3A_172 : i32
          %lt3A_174 = arith.constant 0 : i32
          %lt3A_175 = arith.cmpi slt, %rem3A_171, %lt3A_174 : i32
          %lt3A_176 = arith.constant 0 : i32
          %lt3A_177 = arith.cmpi slt, %select_n3A_170, %lt3A_176 : i32
          %ne3A_178 = arith.xori %lt3A_175, %lt3A_177 : i1
          %and3A_179 = arith.andi %ne3A_178, %ne3A_173 : i1
          %add3A_180 = arith.addi %rem3A_171, %select_n3A_170 : i32
          %select_n3A_181 = arith.select %and3A_179, %add3A_180, %rem3A_171 : i32
          %get3A = arith.constant 1 : i32
          %get3A_182 = arith.index_cast %get3A : i32 to index
          %get3A_183 = arith.index_cast %select_n3A_165 : i32 to index
          %get3A_184 = arith.index_cast %select_n3A : i32 to index
          %get3A_185 = arith.index_cast %select_n3A_181 : i32 to index
          %get3A_186 = arith.constant 0 : index
          %get3A_187 = tpu.vector_load %arg4[%get3A_182, %get3A_183, %get3A_184, %get3A_185, %get3A_186] {strides = array<i32>} : memref<2x4x4x8x128xf32, #tpu.memory_space<vmem>>, vector<16xf32>,
          %mul3A_188 = arith.constant 128 : i32
          %mul3A_189 = arith.muli %select_n3A, %mul3A_188 : i32
          %add3A_190 = arith.constant 0 : i32
          %add3A_191 = arith.addi %mul3A_189, %add3A_190 : i32
          %add3A_192 = vector.broadcast %add3A_191 : i32 to vector<16xi32>
          %add3A_193 = arith.addi %add3A_192, %iota3A : vector<16xi32>
          %scatter3A = arith.constant 1 : i32
          %scatter3A_194 = arith.constant 0 : i32
          %scatter3A_195 = arith.constant 0 : i32
          %scatter3A_196 = tpu.memref_slice %arg5[%scatter3A, %scatter3A_194, %scatter3A_195] : memref<2x512x33xf32, #tpu.memory_space<vmem>> -> memref<1x512x33xf32, #tpu.memory_space<vmem>>
          %scatter3A_197 = tpu.memref_squeeze %scatter3A_196 : memref<1x512x33xf32, #tpu.memory_space<vmem>> -> memref<512x33xf32, #tpu.memory_space<vmem>>
          tpu.vector_store_idx %scatter3A_197[%add3A_193, %broadcast_in_dim3A], %get3A_187 : memref<512x33xf32, #tpu.memory_space<vmem>>[vector<16xi32>, vector<16xi32>], vector<16xf32>,
          %jit3A_198 = arith.constant 8 : i32
          %div3A_199 = arith.divsi %select_n3A_141, %jit3A_198 : i32
          %sign3A_200 = arith.constant 0 : i32
          %sign3A_201 = arith.cmpi sgt, %select_n3A_141, %sign3A_200 : i32
          %sign3A_202 = arith.extui %sign3A_201 : i1 to i32
          %sign3A_203 = arith.constant 0 : i32
          %sign3A_204 = arith.cmpi slt, %select_n3A_141, %sign3A_203 : i32
          %sign3A_205 = arith.extui %sign3A_204 : i1 to i32
          %sign3A_206 = arith.subi %sign3A_202, %sign3A_205 : i32
          %sign3A_207 = arith.constant 0 : i32
          %sign3A_208 = arith.cmpi sgt, %jit3A_198, %sign3A_207 : i32
          %sign3A_209 = arith.extui %sign3A_208 : i1 to i32
          %sign3A_210 = arith.constant 0 : i32
          %sign3A_211 = arith.cmpi slt, %jit3A_198, %sign3A_210 : i32
          %sign3A_212 = arith.extui %sign3A_211 : i1 to i32
          %sign3A_213 = arith.subi %sign3A_209, %sign3A_212 : i32
          %ne3A_214 = arith.cmpi ne, %sign3A_206, %sign3A_213 : i32
          %rem3A_215 = arith.remsi %select_n3A_141, %jit3A_198 : i32
          %ne3A_216 = arith.constant 0 : i32
          %ne3A_217 = arith.cmpi ne, %rem3A_215, %ne3A_216 : i32
          %and3A_218 = arith.andi %ne3A_214, %ne3A_217 : i1
          %sub3A_219 = arith.constant 1 : i32
          %sub3A_220 = arith.subi %div3A_199, %sub3A_219 : i32
          %select_n3A_221 = arith.select %and3A_218, %sub3A_220, %div3A_199 : i32
          %jit3A_222 = arith.constant 8 : i32
          %eq3A_223 = arith.constant 0 : i32
          %eq3A_224 = arith.cmpi eq, %jit3A_222, %eq3A_223 : i32
          %jit3A_225 = arith.constant 1 : i32
          %select_n3A_226 = arith.select %eq3A_224, %jit3A_225, %jit3A_222 : i32
          %rem3A_227 = arith.remsi %select_n3A_141, %select_n3A_226 : i32
          %ne3A_228 = arith.constant 0 : i32
          %ne3A_229 = arith.cmpi ne, %rem3A_227, %ne3A_228 : i32
          %lt3A_230 = arith.constant 0 : i32
          %lt3A_231 = arith.cmpi slt, %rem3A_227, %lt3A_230 : i32
          %lt3A_232 = arith.constant 0 : i32
          %lt3A_233 = arith.cmpi slt, %select_n3A_226, %lt3A_232 : i32
          %ne3A_234 = arith.xori %lt3A_231, %lt3A_233 : i1
          %and3A_235 = arith.andi %ne3A_234, %ne3A_229 : i1
          %add3A_236 = arith.addi %rem3A_227, %select_n3A_226 : i32
          %select_n3A_237 = arith.select %and3A_235, %add3A_236, %rem3A_227 : i32
          %get3A_238 = arith.constant 1 : i32
          %get3A_239 = arith.index_cast %get3A_238 : i32 to index
          %get3A_240 = arith.index_cast %select_n3A_221 : i32 to index
          %get3A_241 = arith.index_cast %select_n3A : i32 to index
          %get3A_242 = arith.index_cast %select_n3A_237 : i32 to index
          %get3A_243 = arith.constant 16 : index
          %get3A_244 = tpu.vector_load %arg4[%get3A_239, %get3A_240, %get3A_241, %get3A_242, %get3A_243] {strides = array<i32>} : memref<2x4x4x8x128xf32, #tpu.memory_space<vmem>>, vector<16xf32>,
          %mul3A_245 = arith.constant 128 : i32
          %mul3A_246 = arith.muli %select_n3A, %mul3A_245 : i32
          %add3A_247 = arith.constant 16 : i32
          %add3A_248 = arith.addi %mul3A_246, %add3A_247 : i32
          %add3A_249 = vector.broadcast %add3A_248 : i32 to vector<16xi32>
          %add3A_250 = arith.addi %add3A_249, %iota3A : vector<16xi32>
          %scatter3A_251 = arith.constant 1 : i32
          %scatter3A_252 = arith.constant 0 : i32
          %scatter3A_253 = arith.constant 0 : i32
          %scatter3A_254 = tpu.memref_slice %arg5[%scatter3A_251, %scatter3A_252, %scatter3A_253] : memref<2x512x33xf32, #tpu.memory_space<vmem>> -> memref<1x512x33xf32, #tpu.memory_space<vmem>>
          %scatter3A_255 = tpu.memref_squeeze %scatter3A_254 : memref<1x512x33xf32, #tpu.memory_space<vmem>> -> memref<512x33xf32, #tpu.memory_space<vmem>>
          tpu.vector_store_idx %scatter3A_255[%add3A_250, %broadcast_in_dim3A], %get3A_244 : memref<512x33xf32, #tpu.memory_space<vmem>>[vector<16xi32>, vector<16xi32>], vector<16xf32>,
          %jit3A_256 = arith.constant 8 : i32
          %div3A_257 = arith.divsi %select_n3A_141, %jit3A_256 : i32
          %sign3A_258 = arith.constant 0 : i32
          %sign3A_259 = arith.cmpi sgt, %select_n3A_141, %sign3A_258 : i32
          %sign3A_260 = arith.extui %sign3A_259 : i1 to i32
          %sign3A_261 = arith.constant 0 : i32
          %sign3A_262 = arith.cmpi slt, %select_n3A_141, %sign3A_261 : i32
          %sign3A_263 = arith.extui %sign3A_262 : i1 to i32
          %sign3A_264 = arith.subi %sign3A_260, %sign3A_263 : i32
          %sign3A_265 = arith.constant 0 : i32
          %sign3A_266 = arith.cmpi sgt, %jit3A_256, %sign3A_265 : i32
          %sign3A_267 = arith.extui %sign3A_266 : i1 to i32
          %sign3A_268 = arith.constant 0 : i32
          %sign3A_269 = arith.cmpi slt, %jit3A_256, %sign3A_268 : i32
          %sign3A_270 = arith.extui %sign3A_269 : i1 to i32
          %sign3A_271 = arith.subi %sign3A_267, %sign3A_270 : i32
          %ne3A_272 = arith.cmpi ne, %sign3A_264, %sign3A_271 : i32
          %rem3A_273 = arith.remsi %select_n3A_141, %jit3A_256 : i32
          %ne3A_274 = arith.constant 0 : i32
          %ne3A_275 = arith.cmpi ne, %rem3A_273, %ne3A_274 : i32
          %and3A_276 = arith.andi %ne3A_272, %ne3A_275 : i1
          %sub3A_277 = arith.constant 1 : i32
          %sub3A_278 = arith.subi %div3A_257, %sub3A_277 : i32
          %select_n3A_279 = arith.select %and3A_276, %sub3A_278, %div3A_257 : i32
          %jit3A_280 = arith.constant 8 : i32
          %eq3A_281 = arith.constant 0 : i32
          %eq3A_282 = arith.cmpi eq, %jit3A_280, %eq3A_281 : i32
          %jit3A_283 = arith.constant 1 : i32
          %select_n3A_284 = arith.select %eq3A_282, %jit3A_283, %jit3A_280 : i32
          %rem3A_285 = arith.remsi %select_n3A_141, %select_n3A_284 : i32
          %ne3A_286 = arith.constant 0 : i32
          %ne3A_287 = arith.cmpi ne, %rem3A_285, %ne3A_286 : i32
          %lt3A_288 = arith.constant 0 : i32
          %lt3A_289 = arith.cmpi slt, %rem3A_285, %lt3A_288 : i32
          %lt3A_290 = arith.constant 0 : i32
          %lt3A_291 = arith.cmpi slt, %select_n3A_284, %lt3A_290 : i32
          %ne3A_292 = arith.xori %lt3A_289, %lt3A_291 : i1
          %and3A_293 = arith.andi %ne3A_292, %ne3A_287 : i1
          %add3A_294 = arith.addi %rem3A_285, %select_n3A_284 : i32
          %select_n3A_295 = arith.select %and3A_293, %add3A_294, %rem3A_285 : i32
          %get3A_296 = arith.constant 1 : i32
          %get3A_297 = arith.index_cast %get3A_296 : i32 to index
          %get3A_298 = arith.index_cast %select_n3A_279 : i32 to index
          %get3A_299 = arith.index_cast %select_n3A : i32 to index
          %get3A_300 = arith.index_cast %select_n3A_295 : i32 to index
          %get3A_301 = arith.constant 32 : index
          %get3A_302 = tpu.vector_load %arg4[%get3A_297, %get3A_298, %get3A_299, %get3A_300, %get3A_301] {strides = array<i32>} : memref<2x4x4x8x128xf32, #tpu.memory_space<vmem>>, vector<16xf32>,
          %mul3A_303 = arith.constant 128 : i32
          %mul3A_304 = arith.muli %select_n3A, %mul3A_303 : i32
          %add3A_305 = arith.constant 32 : i32
          %add3A_306 = arith.addi %mul3A_304, %add3A_305 : i32
          %add3A_307 = vector.broadcast %add3A_306 : i32 to vector<16xi32>
          %add3A_308 = arith.addi %add3A_307, %iota3A : vector<16xi32>
          %scatter3A_309 = arith.constant 1 : i32
          %scatter3A_310 = arith.constant 0 : i32
          %scatter3A_311 = arith.constant 0 : i32
          %scatter3A_312 = tpu.memref_slice %arg5[%scatter3A_309, %scatter3A_310, %scatter3A_311] : memref<2x512x33xf32, #tpu.memory_space<vmem>> -> memref<1x512x33xf32, #tpu.memory_space<vmem>>
          %scatter3A_313 = tpu.memref_squeeze %scatter3A_312 : memref<1x512x33xf32, #tpu.memory_space<vmem>> -> memref<512x33xf32, #tpu.memory_space<vmem>>
          tpu.vector_store_idx %scatter3A_313[%add3A_308, %broadcast_in_dim3A], %get3A_302 : memref<512x33xf32, #tpu.memory_space<vmem>>[vector<16xi32>, vector<16xi32>], vector<16xf32>,
          %jit3A_314 = arith.constant 8 : i32
          %div3A_315 = arith.divsi %select_n3A_141, %jit3A_314 : i32
          %sign3A_316 = arith.constant 0 : i32
          %sign3A_317 = arith.cmpi sgt, %select_n3A_141, %sign3A_316 : i32
          %sign3A_318 = arith.extui %sign3A_317 : i1 to i32
          %sign3A_319 = arith.constant 0 : i32
          %sign3A_320 = arith.cmpi slt, %select_n3A_141, %sign3A_319 : i32
          %sign3A_321 = arith.extui %sign3A_320 : i1 to i32
          %sign3A_322 = arith.subi %sign3A_318, %sign3A_321 : i32
          %sign3A_323 = arith.constant 0 : i32
          %sign3A_324 = arith.cmpi sgt, %jit3A_314, %sign3A_323 : i32
          %sign3A_325 = arith.extui %sign3A_324 : i1 to i32
          %sign3A_326 = arith.constant 0 : i32
          %sign3A_327 = arith.cmpi slt, %jit3A_314, %sign3A_326 : i32
          %sign3A_328 = arith.extui %sign3A_327 : i1 to i32
          %sign3A_329 = arith.subi %sign3A_325, %sign3A_328 : i32
          %ne3A_330 = arith.cmpi ne, %sign3A_322, %sign3A_329 : i32
          %rem3A_331 = arith.remsi %select_n3A_141, %jit3A_314 : i32
          %ne3A_332 = arith.constant 0 : i32
          %ne3A_333 = arith.cmpi ne, %rem3A_331, %ne3A_332 : i32
          %and3A_334 = arith.andi %ne3A_330, %ne3A_333 : i1
          %sub3A_335 = arith.constant 1 : i32
          %sub3A_336 = arith.subi %div3A_315, %sub3A_335 : i32
          %select_n3A_337 = arith.select %and3A_334, %sub3A_336, %div3A_315 : i32
          %jit3A_338 = arith.constant 8 : i32
          %eq3A_339 = arith.constant 0 : i32
          %eq3A_340 = arith.cmpi eq, %jit3A_338, %eq3A_339 : i32
          %jit3A_341 = arith.constant 1 : i32
          %select_n3A_342 = arith.select %eq3A_340, %jit3A_341, %jit3A_338 : i32
          %rem3A_343 = arith.remsi %select_n3A_141, %select_n3A_342 : i32
          %ne3A_344 = arith.constant 0 : i32
          %ne3A_345 = arith.cmpi ne, %rem3A_343, %ne3A_344 : i32
          %lt3A_346 = arith.constant 0 : i32
          %lt3A_347 = arith.cmpi slt, %rem3A_343, %lt3A_346 : i32
          %lt3A_348 = arith.constant 0 : i32
          %lt3A_349 = arith.cmpi slt, %select_n3A_342, %lt3A_348 : i32
          %ne3A_350 = arith.xori %lt3A_347, %lt3A_349 : i1
          %and3A_351 = arith.andi %ne3A_350, %ne3A_345 : i1
          %add3A_352 = arith.addi %rem3A_343, %select_n3A_342 : i32
          %select_n3A_353 = arith.select %and3A_351, %add3A_352, %rem3A_343 : i32
          %get3A_354 = arith.constant 1 : i32
          %get3A_355 = arith.index_cast %get3A_354 : i32 to index
          %get3A_356 = arith.index_cast %select_n3A_337 : i32 to index
          %get3A_357 = arith.index_cast %select_n3A : i32 to index
          %get3A_358 = arith.index_cast %select_n3A_353 : i32 to index
          %get3A_359 = arith.constant 48 : index
          %get3A_360 = tpu.vector_load %arg4[%get3A_355, %get3A_356, %get3A_357, %get3A_358, %get3A_359] {strides = array<i32>} : memref<2x4x4x8x128xf32, #tpu.memory_space<vmem>>, vector<16xf32>,
          %mul3A_361 = arith.constant 128 : i32
          %mul3A_362 = arith.muli %select_n3A, %mul3A_361 : i32
          %add3A_363 = arith.constant 48 : i32
          %add3A_364 = arith.addi %mul3A_362, %add3A_363 : i32
          %add3A_365 = vector.broadcast %add3A_364 : i32 to vector<16xi32>
          %add3A_366 = arith.addi %add3A_365, %iota3A : vector<16xi32>
          %scatter3A_367 = arith.constant 1 : i32
          %scatter3A_368 = arith.constant 0 : i32
          %scatter3A_369 = arith.constant 0 : i32
          %scatter3A_370 = tpu.memref_slice %arg5[%scatter3A_367, %scatter3A_368, %scatter3A_369] : memref<2x512x33xf32, #tpu.memory_space<vmem>> -> memref<1x512x33xf32, #tpu.memory_space<vmem>>
          %scatter3A_371 = tpu.memref_squeeze %scatter3A_370 : memref<1x512x33xf32, #tpu.memory_space<vmem>> -> memref<512x33xf32, #tpu.memory_space<vmem>>
          tpu.vector_store_idx %scatter3A_371[%add3A_366, %broadcast_in_dim3A], %get3A_360 : memref<512x33xf32, #tpu.memory_space<vmem>>[vector<16xi32>, vector<16xi32>], vector<16xf32>,
          %jit3A_372 = arith.constant 8 : i32
          %div3A_373 = arith.divsi %select_n3A_141, %jit3A_372 : i32
          %sign3A_374 = arith.constant 0 : i32
          %sign3A_375 = arith.cmpi sgt, %select_n3A_141, %sign3A_374 : i32
          %sign3A_376 = arith.extui %sign3A_375 : i1 to i32
          %sign3A_377 = arith.constant 0 : i32
          %sign3A_378 = arith.cmpi slt, %select_n3A_141, %sign3A_377 : i32
          %sign3A_379 = arith.extui %sign3A_378 : i1 to i32
          %sign3A_380 = arith.subi %sign3A_376, %sign3A_379 : i32
          %sign3A_381 = arith.constant 0 : i32
          %sign3A_382 = arith.cmpi sgt, %jit3A_372, %sign3A_381 : i32
          %sign3A_383 = arith.extui %sign3A_382 : i1 to i32
          %sign3A_384 = arith.constant 0 : i32
          %sign3A_385 = arith.cmpi slt, %jit3A_372, %sign3A_384 : i32
          %sign3A_386 = arith.extui %sign3A_385 : i1 to i32
          %sign3A_387 = arith.subi %sign3A_383, %sign3A_386 : i32
          %ne3A_388 = arith.cmpi ne, %sign3A_380, %sign3A_387 : i32
          %rem3A_389 = arith.remsi %select_n3A_141, %jit3A_372 : i32
          %ne3A_390 = arith.constant 0 : i32
          %ne3A_391 = arith.cmpi ne, %rem3A_389, %ne3A_390 : i32
          %and3A_392 = arith.andi %ne3A_388, %ne3A_391 : i1
          %sub3A_393 = arith.constant 1 : i32
          %sub3A_394 = arith.subi %div3A_373, %sub3A_393 : i32
          %select_n3A_395 = arith.select %and3A_392, %sub3A_394, %div3A_373 : i32
          %jit3A_396 = arith.constant 8 : i32
          %eq3A_397 = arith.constant 0 : i32
          %eq3A_398 = arith.cmpi eq, %jit3A_396, %eq3A_397 : i32
          %jit3A_399 = arith.constant 1 : i32
          %select_n3A_400 = arith.select %eq3A_398, %jit3A_399, %jit3A_396 : i32
          %rem3A_401 = arith.remsi %select_n3A_141, %select_n3A_400 : i32
          %ne3A_402 = arith.constant 0 : i32
          %ne3A_403 = arith.cmpi ne, %rem3A_401, %ne3A_402 : i32
          %lt3A_404 = arith.constant 0 : i32
          %lt3A_405 = arith.cmpi slt, %rem3A_401, %lt3A_404 : i32
          %lt3A_406 = arith.constant 0 : i32
          %lt3A_407 = arith.cmpi slt, %select_n3A_400, %lt3A_406 : i32
          %ne3A_408 = arith.xori %lt3A_405, %lt3A_407 : i1
          %and3A_409 = arith.andi %ne3A_408, %ne3A_403 : i1
          %add3A_410 = arith.addi %rem3A_401, %select_n3A_400 : i32
          %select_n3A_411 = arith.select %and3A_409, %add3A_410, %rem3A_401 : i32
          %get3A_412 = arith.constant 1 : i32
          %get3A_413 = arith.index_cast %get3A_412 : i32 to index
          %get3A_414 = arith.index_cast %select_n3A_395 : i32 to index
          %get3A_415 = arith.index_cast %select_n3A : i32 to index
          %get3A_416 = arith.index_cast %select_n3A_411 : i32 to index
          %get3A_417 = arith.constant 64 : index
          %get3A_418 = tpu.vector_load %arg4[%get3A_413, %get3A_414, %get3A_415, %get3A_416, %get3A_417] {strides = array<i32>} : memref<2x4x4x8x128xf32, #tpu.memory_space<vmem>>, vector<16xf32>,
          %mul3A_419 = arith.constant 128 : i32
          %mul3A_420 = arith.muli %select_n3A, %mul3A_419 : i32
          %add3A_421 = arith.constant 64 : i32
          %add3A_422 = arith.addi %mul3A_420, %add3A_421 : i32
          %add3A_423 = vector.broadcast %add3A_422 : i32 to vector<16xi32>
          %add3A_424 = arith.addi %add3A_423, %iota3A : vector<16xi32>
          %scatter3A_425 = arith.constant 1 : i32
          %scatter3A_426 = arith.constant 0 : i32
          %scatter3A_427 = arith.constant 0 : i32
          %scatter3A_428 = tpu.memref_slice %arg5[%scatter3A_425, %scatter3A_426, %scatter3A_427] : memref<2x512x33xf32, #tpu.memory_space<vmem>> -> memref<1x512x33xf32, #tpu.memory_space<vmem>>
          %scatter3A_429 = tpu.memref_squeeze %scatter3A_428 : memref<1x512x33xf32, #tpu.memory_space<vmem>> -> memref<512x33xf32, #tpu.memory_space<vmem>>
          tpu.vector_store_idx %scatter3A_429[%add3A_424, %broadcast_in_dim3A], %get3A_418 : memref<512x33xf32, #tpu.memory_space<vmem>>[vector<16xi32>, vector<16xi32>], vector<16xf32>,
          %jit3A_430 = arith.constant 8 : i32
          %div3A_431 = arith.divsi %select_n3A_141, %jit3A_430 : i32
          %sign3A_432 = arith.constant 0 : i32
          %sign3A_433 = arith.cmpi sgt, %select_n3A_141, %sign3A_432 : i32
          %sign3A_434 = arith.extui %sign3A_433 : i1 to i32
          %sign3A_435 = arith.constant 0 : i32
          %sign3A_436 = arith.cmpi slt, %select_n3A_141, %sign3A_435 : i32
          %sign3A_437 = arith.extui %sign3A_436 : i1 to i32
          %sign3A_438 = arith.subi %sign3A_434, %sign3A_437 : i32
          %sign3A_439 = arith.constant 0 : i32
          %sign3A_440 = arith.cmpi sgt, %jit3A_430, %sign3A_439 : i32
          %sign3A_441 = arith.extui %sign3A_440 : i1 to i32
          %sign3A_442 = arith.constant 0 : i32
          %sign3A_443 = arith.cmpi slt, %jit3A_430, %sign3A_442 : i32
          %sign3A_444 = arith.extui %sign3A_443 : i1 to i32
          %sign3A_445 = arith.subi %sign3A_441, %sign3A_444 : i32
          %ne3A_446 = arith.cmpi ne, %sign3A_438, %sign3A_445 : i32
          %rem3A_447 = arith.remsi %select_n3A_141, %jit3A_430 : i32
          %ne3A_448 = arith.constant 0 : i32
          %ne3A_449 = arith.cmpi ne, %rem3A_447, %ne3A_448 : i32
          %and3A_450 = arith.andi %ne3A_446, %ne3A_449 : i1
          %sub3A_451 = arith.constant 1 : i32
          %sub3A_452 = arith.subi %div3A_431, %sub3A_451 : i32
          %select_n3A_453 = arith.select %and3A_450, %sub3A_452, %div3A_431 : i32
          %jit3A_454 = arith.constant 8 : i32
          %eq3A_455 = arith.constant 0 : i32
          %eq3A_456 = arith.cmpi eq, %jit3A_454, %eq3A_455 : i32
          %jit3A_457 = arith.constant 1 : i32
          %select_n3A_458 = arith.select %eq3A_456, %jit3A_457, %jit3A_454 : i32
          %rem3A_459 = arith.remsi %select_n3A_141, %select_n3A_458 : i32
          %ne3A_460 = arith.constant 0 : i32
          %ne3A_461 = arith.cmpi ne, %rem3A_459, %ne3A_460 : i32
          %lt3A_462 = arith.constant 0 : i32
          %lt3A_463 = arith.cmpi slt, %rem3A_459, %lt3A_462 : i32
          %lt3A_464 = arith.constant 0 : i32
          %lt3A_465 = arith.cmpi slt, %select_n3A_458, %lt3A_464 : i32
          %ne3A_466 = arith.xori %lt3A_463, %lt3A_465 : i1
          %and3A_467 = arith.andi %ne3A_466, %ne3A_461 : i1
          %add3A_468 = arith.addi %rem3A_459, %select_n3A_458 : i32
          %select_n3A_469 = arith.select %and3A_467, %add3A_468, %rem3A_459 : i32
          %get3A_470 = arith.constant 1 : i32
          %get3A_471 = arith.index_cast %get3A_470 : i32 to index
          %get3A_472 = arith.index_cast %select_n3A_453 : i32 to index
          %get3A_473 = arith.index_cast %select_n3A : i32 to index
          %get3A_474 = arith.index_cast %select_n3A_469 : i32 to index
          %get3A_475 = arith.constant 80 : index
          %get3A_476 = tpu.vector_load %arg4[%get3A_471, %get3A_472, %get3A_473, %get3A_474, %get3A_475] {strides = array<i32>} : memref<2x4x4x8x128xf32, #tpu.memory_space<vmem>>, vector<16xf32>,
          %mul3A_477 = arith.constant 128 : i32
          %mul3A_478 = arith.muli %select_n3A, %mul3A_477 : i32
          %add3A_479 = arith.constant 80 : i32
          %add3A_480 = arith.addi %mul3A_478, %add3A_479 : i32
          %add3A_481 = vector.broadcast %add3A_480 : i32 to vector<16xi32>
          %add3A_482 = arith.addi %add3A_481, %iota3A : vector<16xi32>
          %scatter3A_483 = arith.constant 1 : i32
          %scatter3A_484 = arith.constant 0 : i32
          %scatter3A_485 = arith.constant 0 : i32
          %scatter3A_486 = tpu.memref_slice %arg5[%scatter3A_483, %scatter3A_484, %scatter3A_485] : memref<2x512x33xf32, #tpu.memory_space<vmem>> -> memref<1x512x33xf32, #tpu.memory_space<vmem>>
          %scatter3A_487 = tpu.memref_squeeze %scatter3A_486 : memref<1x512x33xf32, #tpu.memory_space<vmem>> -> memref<512x33xf32, #tpu.memory_space<vmem>>
          tpu.vector_store_idx %scatter3A_487[%add3A_482, %broadcast_in_dim3A], %get3A_476 : memref<512x33xf32, #tpu.memory_space<vmem>>[vector<16xi32>, vector<16xi32>], vector<16xf32>,
          %jit3A_488 = arith.constant 8 : i32
          %div3A_489 = arith.divsi %select_n3A_141, %jit3A_488 : i32
          %sign3A_490 = arith.constant 0 : i32
          %sign3A_491 = arith.cmpi sgt, %select_n3A_141, %sign3A_490 : i32
          %sign3A_492 = arith.extui %sign3A_491 : i1 to i32
          %sign3A_493 = arith.constant 0 : i32
          %sign3A_494 = arith.cmpi slt, %select_n3A_141, %sign3A_493 : i32
          %sign3A_495 = arith.extui %sign3A_494 : i1 to i32
          %sign3A_496 = arith.subi %sign3A_492, %sign3A_495 : i32
          %sign3A_497 = arith.constant 0 : i32
          %sign3A_498 = arith.cmpi sgt, %jit3A_488, %sign3A_497 : i32
          %sign3A_499 = arith.extui %sign3A_498 : i1 to i32
          %sign3A_500 = arith.constant 0 : i32
          %sign3A_501 = arith.cmpi slt, %jit3A_488, %sign3A_500 : i32
          %sign3A_502 = arith.extui %sign3A_501 : i1 to i32
          %sign3A_503 = arith.subi %sign3A_499, %sign3A_502 : i32
          %ne3A_504 = arith.cmpi ne, %sign3A_496, %sign3A_503 : i32
          %rem3A_505 = arith.remsi %select_n3A_141, %jit3A_488 : i32
          %ne3A_506 = arith.constant 0 : i32
          %ne3A_507 = arith.cmpi ne, %rem3A_505, %ne3A_506 : i32
          %and3A_508 = arith.andi %ne3A_504, %ne3A_507 : i1
          %sub3A_509 = arith.constant 1 : i32
          %sub3A_510 = arith.subi %div3A_489, %sub3A_509 : i32
          %select_n3A_511 = arith.select %and3A_508, %sub3A_510, %div3A_489 : i32
          %jit3A_512 = arith.constant 8 : i32
          %eq3A_513 = arith.constant 0 : i32
          %eq3A_514 = arith.cmpi eq, %jit3A_512, %eq3A_513 : i32
          %jit3A_515 = arith.constant 1 : i32
          %select_n3A_516 = arith.select %eq3A_514, %jit3A_515, %jit3A_512 : i32
          %rem3A_517 = arith.remsi %select_n3A_141, %select_n3A_516 : i32
          %ne3A_518 = arith.constant 0 : i32
          %ne3A_519 = arith.cmpi ne, %rem3A_517, %ne3A_518 : i32
          %lt3A_520 = arith.constant 0 : i32
          %lt3A_521 = arith.cmpi slt, %rem3A_517, %lt3A_520 : i32
          %lt3A_522 = arith.constant 0 : i32
          %lt3A_523 = arith.cmpi slt, %select_n3A_516, %lt3A_522 : i32
          %ne3A_524 = arith.xori %lt3A_521, %lt3A_523 : i1
          %and3A_525 = arith.andi %ne3A_524, %ne3A_519 : i1
          %add3A_526 = arith.addi %rem3A_517, %select_n3A_516 : i32
          %select_n3A_527 = arith.select %and3A_525, %add3A_526, %rem3A_517 : i32
          %get3A_528 = arith.constant 1 : i32
          %get3A_529 = arith.index_cast %get3A_528 : i32 to index
          %get3A_530 = arith.index_cast %select_n3A_511 : i32 to index
          %get3A_531 = arith.index_cast %select_n3A : i32 to index
          %get3A_532 = arith.index_cast %select_n3A_527 : i32 to index
          %get3A_533 = arith.constant 96 : index
          %get3A_534 = tpu.vector_load %arg4[%get3A_529, %get3A_530, %get3A_531, %get3A_532, %get3A_533] {strides = array<i32>} : memref<2x4x4x8x128xf32, #tpu.memory_space<vmem>>, vector<16xf32>,
          %mul3A_535 = arith.constant 128 : i32
          %mul3A_536 = arith.muli %select_n3A, %mul3A_535 : i32
          %add3A_537 = arith.constant 96 : i32
          %add3A_538 = arith.addi %mul3A_536, %add3A_537 : i32
          %add3A_539 = vector.broadcast %add3A_538 : i32 to vector<16xi32>
          %add3A_540 = arith.addi %add3A_539, %iota3A : vector<16xi32>
          %scatter3A_541 = arith.constant 1 : i32
          %scatter3A_542 = arith.constant 0 : i32
          %scatter3A_543 = arith.constant 0 : i32
          %scatter3A_544 = tpu.memref_slice %arg5[%scatter3A_541, %scatter3A_542, %scatter3A_543] : memref<2x512x33xf32, #tpu.memory_space<vmem>> -> memref<1x512x33xf32, #tpu.memory_space<vmem>>
          %scatter3A_545 = tpu.memref_squeeze %scatter3A_544 : memref<1x512x33xf32, #tpu.memory_space<vmem>> -> memref<512x33xf32, #tpu.memory_space<vmem>>
          tpu.vector_store_idx %scatter3A_545[%add3A_540, %broadcast_in_dim3A], %get3A_534 : memref<512x33xf32, #tpu.memory_space<vmem>>[vector<16xi32>, vector<16xi32>], vector<16xf32>,
          %jit3A_546 = arith.constant 8 : i32
          %div3A_547 = arith.divsi %select_n3A_141, %jit3A_546 : i32
          %sign3A_548 = arith.constant 0 : i32
          %sign3A_549 = arith.cmpi sgt, %select_n3A_141, %sign3A_548 : i32
          %sign3A_550 = arith.extui %sign3A_549 : i1 to i32
          %sign3A_551 = arith.constant 0 : i32
          %sign3A_552 = arith.cmpi slt, %select_n3A_141, %sign3A_551 : i32
          %sign3A_553 = arith.extui %sign3A_552 : i1 to i32
          %sign3A_554 = arith.subi %sign3A_550, %sign3A_553 : i32
          %sign3A_555 = arith.constant 0 : i32
          %sign3A_556 = arith.cmpi sgt, %jit3A_546, %sign3A_555 : i32
          %sign3A_557 = arith.extui %sign3A_556 : i1 to i32
          %sign3A_558 = arith.constant 0 : i32
          %sign3A_559 = arith.cmpi slt, %jit3A_546, %sign3A_558 : i32
          %sign3A_560 = arith.extui %sign3A_559 : i1 to i32
          %sign3A_561 = arith.subi %sign3A_557, %sign3A_560 : i32
          %ne3A_562 = arith.cmpi ne, %sign3A_554, %sign3A_561 : i32
          %rem3A_563 = arith.remsi %select_n3A_141, %jit3A_546 : i32
          %ne3A_564 = arith.constant 0 : i32
          %ne3A_565 = arith.cmpi ne, %rem3A_563, %ne3A_564 : i32
          %and3A_566 = arith.andi %ne3A_562, %ne3A_565 : i1
          %sub3A_567 = arith.constant 1 : i32
          %sub3A_568 = arith.subi %div3A_547, %sub3A_567 : i32
          %select_n3A_569 = arith.select %and3A_566, %sub3A_568, %div3A_547 : i32
          %jit3A_570 = arith.constant 8 : i32
          %eq3A_571 = arith.constant 0 : i32
          %eq3A_572 = arith.cmpi eq, %jit3A_570, %eq3A_571 : i32
          %jit3A_573 = arith.constant 1 : i32
          %select_n3A_574 = arith.select %eq3A_572, %jit3A_573, %jit3A_570 : i32
          %rem3A_575 = arith.remsi %select_n3A_141, %select_n3A_574 : i32
          %ne3A_576 = arith.constant 0 : i32
          %ne3A_577 = arith.cmpi ne, %rem3A_575, %ne3A_576 : i32
          %lt3A_578 = arith.constant 0 : i32
          %lt3A_579 = arith.cmpi slt, %rem3A_575, %lt3A_578 : i32
          %lt3A_580 = arith.constant 0 : i32
          %lt3A_581 = arith.cmpi slt, %select_n3A_574, %lt3A_580 : i32
          %ne3A_582 = arith.xori %lt3A_579, %lt3A_581 : i1
          %and3A_583 = arith.andi %ne3A_582, %ne3A_577 : i1
          %add3A_584 = arith.addi %rem3A_575, %select_n3A_574 : i32
          %select_n3A_585 = arith.select %and3A_583, %add3A_584, %rem3A_575 : i32
          %get3A_586 = arith.constant 1 : i32
          %get3A_587 = arith.index_cast %get3A_586 : i32 to index
          %get3A_588 = arith.index_cast %select_n3A_569 : i32 to index
          %get3A_589 = arith.index_cast %select_n3A : i32 to index
          %get3A_590 = arith.index_cast %select_n3A_585 : i32 to index
          %get3A_591 = arith.constant 112 : index
          %get3A_592 = tpu.vector_load %arg4[%get3A_587, %get3A_588, %get3A_589, %get3A_590, %get3A_591] {strides = array<i32>} : memref<2x4x4x8x128xf32, #tpu.memory_space<vmem>>, vector<16xf32>,
          %mul3A_593 = arith.constant 128 : i32
          %mul3A_594 = arith.muli %select_n3A, %mul3A_593 : i32
          %add3A_595 = arith.constant 112 : i32
          %add3A_596 = arith.addi %mul3A_594, %add3A_595 : i32
          %add3A_597 = vector.broadcast %add3A_596 : i32 to vector<16xi32>
          %add3A_598 = arith.addi %add3A_597, %iota3A : vector<16xi32>
          %scatter3A_599 = arith.constant 1 : i32
          %scatter3A_600 = arith.constant 0 : i32
          %scatter3A_601 = arith.constant 0 : i32
          %scatter3A_602 = tpu.memref_slice %arg5[%scatter3A_599, %scatter3A_600, %scatter3A_601] : memref<2x512x33xf32, #tpu.memory_space<vmem>> -> memref<1x512x33xf32, #tpu.memory_space<vmem>>
          %scatter3A_603 = tpu.memref_squeeze %scatter3A_602 : memref<1x512x33xf32, #tpu.memory_space<vmem>> -> memref<512x33xf32, #tpu.memory_space<vmem>>
          tpu.vector_store_idx %scatter3A_603[%add3A_598, %broadcast_in_dim3A], %get3A_592 : memref<512x33xf32, #tpu.memory_space<vmem>>[vector<16xi32>, vector<16xi32>], vector<16xf32>,
        }
        %scan3A_87 = arith.constant 128 : i32
        %mul3A_88 = arith.constant 512 : i32
        %mul3A_89 = arith.muli %add3A_50, %mul3A_88 : i32
        %dma_start3A = arith.constant 1 : i32
        %dma_start3A_90 = arith.constant 0 : i32
        %dma_start3A_91 = arith.constant 0 : i32
        %dma_start3A_92 = tpu.memref_slice %arg5[%dma_start3A, %dma_start3A_90, %dma_start3A_91] : memref<2x512x33xf32, #tpu.memory_space<vmem>> -> memref<1x512x32xf32, #tpu.memory_space<vmem>>
        %dma_start3A_93 = tpu.memref_squeeze %dma_start3A_92 : memref<1x512x32xf32, #tpu.memory_space<vmem>> -> memref<512x32xf32, #tpu.memory_space<vmem>>
        %dma_start3A_94 = arith.constant 0 : i32
        %dma_start3A_95 = tpu.memref_slice %arg3[%mul3A_89, %dma_start3A_94] : memref<1000000x32xf32, #tpu.memory_space<hbm>> -> memref<512x32xf32, #tpu.memory_space<hbm>>
        %dma_start3A_96 = arith.constant 0 : i32
        %dma_start3A_97 = tpu.memref_slice %arg3[%mul3A_89, %dma_start3A_96] : memref<1000000x32xf32, #tpu.memory_space<hbm>> -> memref<512x32xf32, #tpu.memory_space<hbm>>
        %dma_start3A_98 = arith.constant 0 : i32
        %dma_start3A_99 = arith.constant 0 : i32
        %dma_start3A_100 = tpu.memref_slice %arg5[%dma_start3A, %dma_start3A_98, %dma_start3A_99] : memref<2x512x33xf32, #tpu.memory_space<vmem>> -> memref<1x512x32xf32, #tpu.memory_space<vmem>>
        %dma_start3A_101 = tpu.memref_squeeze %dma_start3A_100 : memref<1x512x32xf32, #tpu.memory_space<vmem>> -> memref<512x32xf32, #tpu.memory_space<vmem>>
        tpu.enqueue_dma source(%dma_start3A_101 : memref<512x32xf32, #tpu.memory_space<vmem>>) target(%dma_start3A_97 : memref<512x32xf32, #tpu.memory_space<hbm>>) target_semaphore(%arg9 : memref<!tpu.dma_semaphore, #tpu.memory_space<semaphore_mem>>)
        %add3A_102 = arith.constant 64 : i32
        %add3A_103 = arith.addi %add3A_50, %add3A_102 : i32
        %lt3A_104 = arith.constant 1953 : i32
        %lt3A_105 = arith.cmpi slt, %add3A_103, %lt3A_104 : i32
        %convert_element_type3A_106 = arith.extui %lt3A_105 : i1 to i32
        %cond3A_107 = arith.constant 0 : i32
        %cond3A_108 = arith.cmpi ne, %convert_element_type3A_106, %cond3A_107 : i32
        scf.if %cond3A_108 {
          %mul3A_109 = arith.constant 4 : i32
          %mul3A_110 = arith.muli %add3A_103, %mul3A_109 : i32
          %dma_start3A_111 = arith.constant 1 : i32
          %dma_start3A_112 = arith.constant 0 : i32
          %dma_start3A_113 = arith.constant 0 : i32
          %dma_start3A_114 = arith.constant 0 : i32
          %dma_start3A_115 = arith.constant 0 : i32
          %dma_start3A_116 = tpu.memref_slice %arg4[%dma_start3A_111, %dma_start3A_112, %dma_start3A_113, %dma_start3A_114, %dma_start3A_115] : memref<2x4x4x8x128xf32, #tpu.memory_space<vmem>> -> memref<1x4x4x8x128xf32, #tpu.memory_space<vmem>>
          %dma_start3A_117 = tpu.memref_squeeze %dma_start3A_116 : memref<1x4x4x8x128xf32, #tpu.memory_space<vmem>> -> memref<4x4x8x128xf32, #tpu.memory_space<vmem>>
          %dma_start3A_118 = arith.constant 0 : i32
          %dma_start3A_119 = arith.constant 0 : i32
          %dma_start3A_120 = arith.constant 0 : i32
          %dma_start3A_121 = tpu.memref_slice %arg2[%dma_start3A_118, %mul3A_110, %dma_start3A_119, %dma_start3A_120] : memref<4x7813x8x128xf32, #tpu.memory_space<hbm>> -> memref<4x4x8x128xf32, #tpu.memory_space<hbm>>
          %dma_start3A_122 = arith.constant 0 : i32
          %dma_start3A_123 = arith.constant 0 : i32
          %dma_start3A_124 = arith.constant 0 : i32
          %dma_start3A_125 = arith.constant 0 : i32
          %dma_start3A_126 = tpu.memref_slice %arg4[%dma_start3A_111, %dma_start3A_122, %dma_start3A_123, %dma_start3A_124, %dma_start3A_125] : memref<2x4x4x8x128xf32, #tpu.memory_space<vmem>> -> memref<1x4x4x8x128xf32, #tpu.memory_space<vmem>>
          %dma_start3A_127 = tpu.memref_squeeze %dma_start3A_126 : memref<1x4x4x8x128xf32, #tpu.memory_space<vmem>> -> memref<4x4x8x128xf32, #tpu.memory_space<vmem>>
          %dma_start3A_128 = arith.constant 0 : i32
          %dma_start3A_129 = arith.constant 0 : i32
          %dma_start3A_130 = arith.constant 0 : i32
          %dma_start3A_131 = tpu.memref_slice %arg2[%dma_start3A_128, %mul3A_110, %dma_start3A_129, %dma_start3A_130] : memref<4x7813x8x128xf32, #tpu.memory_space<hbm>> -> memref<4x4x8x128xf32, #tpu.memory_space<hbm>>
          tpu.enqueue_dma source(%dma_start3A_131 : memref<4x4x8x128xf32, #tpu.memory_space<hbm>>) target(%dma_start3A_127 : memref<4x4x8x128xf32, #tpu.memory_space<vmem>>) target_semaphore(%arg7 : memref<!tpu.dma_semaphore, #tpu.memory_space<semaphore_mem>>)
        } else {
        }
      } else {
      }
    }
    %scan3A_14 = arith.constant 31 : i32
    %add3A_15 = arith.constant 1920 : i32
    %add3A_16 = arith.addi %add3A_15, %add3A : i32
    %lt3A_17 = arith.constant 1953 : i32
    %lt3A_18 = arith.cmpi slt, %add3A_16, %lt3A_17 : i32
    %convert_element_type3A_19 = arith.extui %lt3A_18 : i1 to i32
    %cond3A_20 = arith.constant 0 : i32
    %cond3A_21 = arith.cmpi ne, %convert_element_type3A_19, %cond3A_20 : i32
    scf.if %cond3A_21 {
      %add3A_33 = arith.constant 1920 : i32
      %add3A_34 = arith.addi %add3A_33, %add3A : i32
      %mul3A_35 = arith.constant 512 : i32
      %mul3A_36 = arith.muli %add3A_34, %mul3A_35 : i32
      %dma_wait3A = arith.constant 0 : i32
      %dma_wait3A_37 = arith.constant 0 : i32
      %dma_wait3A_38 = arith.constant 0 : i32
      %dma_wait3A_39 = tpu.memref_slice %arg5[%dma_wait3A, %dma_wait3A_37, %dma_wait3A_38] : memref<2x512x33xf32, #tpu.memory_space<vmem>> -> memref<1x512x32xf32, #tpu.memory_space<vmem>>
      %dma_wait3A_40 = tpu.memref_squeeze %dma_wait3A_39 : memref<1x512x32xf32, #tpu.memory_space<vmem>> -> memref<512x32xf32, #tpu.memory_space<vmem>>
      %dma_wait3A_41 = arith.constant 0 : i32
      %dma_wait3A_42 = tpu.memref_slice %arg3[%mul3A_36, %dma_wait3A_41] : memref<1000000x32xf32, #tpu.memory_space<hbm>> -> memref<512x32xf32, #tpu.memory_space<hbm>>
      %dma_wait3A_43 = arith.constant 0 : i32
      %dma_wait3A_44 = tpu.memref_slice %arg3[%mul3A_36, %dma_wait3A_43] : memref<1000000x32xf32, #tpu.memory_space<hbm>> -> memref<512x32xf32, #tpu.memory_space<hbm>>
      %dma_wait3A_45 = arith.constant 0 : i32
      %dma_wait3A_46 = arith.constant 0 : i32
      %dma_wait3A_47 = tpu.memref_slice %arg5[%dma_wait3A, %dma_wait3A_45, %dma_wait3A_46] : memref<2x512x33xf32, #tpu.memory_space<vmem>> -> memref<1x512x32xf32, #tpu.memory_space<vmem>>
      %dma_wait3A_48 = tpu.memref_squeeze %dma_wait3A_47 : memref<1x512x32xf32, #tpu.memory_space<vmem>> -> memref<512x32xf32, #tpu.memory_space<vmem>>
      tpu.wait_dma2 semaphore(%arg8 : memref<!tpu.dma_semaphore, #tpu.memory_space<semaphore_mem>>) src(%dma_wait3A_48 : memref<512x32xf32, #tpu.memory_space<vmem>>) dst(%dma_wait3A_44 : memref<512x32xf32, #tpu.memory_space<hbm>>)
    } else {
    }
    %add3A_22 = arith.constant 1952 : i32
    %add3A_23 = arith.addi %add3A_22, %add3A : i32
    %lt3A_24 = arith.constant 1953 : i32
    %lt3A_25 = arith.cmpi slt, %add3A_23, %lt3A_24 : i32
    %convert_element_type3A_26 = arith.extui %lt3A_25 : i1 to i32
    %cond3A_27 = arith.constant 0 : i32
    %cond3A_28 = arith.cmpi ne, %convert_element_type3A_26, %cond3A_27 : i32
    scf.if %cond3A_28 {
      %add3A_33 = arith.constant 1952 : i32
      %add3A_34 = arith.addi %add3A_33, %add3A : i32
      %mul3A_35 = arith.constant 512 : i32
      %mul3A_36 = arith.muli %add3A_34, %mul3A_35 : i32
      %dma_wait3A = arith.constant 1 : i32
      %dma_wait3A_37 = arith.constant 0 : i32
      %dma_wait3A_38 = arith.constant 0 : i32
      %dma_wait3A_39 = tpu.memref_slice %arg5[%dma_wait3A, %dma_wait3A_37, %dma_wait3A_38] : memref<2x512x33xf32, #tpu.memory_space<vmem>> -> memref<1x512x32xf32, #tpu.memory_space<vmem>>
      %dma_wait3A_40 = tpu.memref_squeeze %dma_wait3A_39 : memref<1x512x32xf32, #tpu.memory_space<vmem>> -> memref<512x32xf32, #tpu.memory_space<vmem>>
      %dma_wait3A_41 = arith.constant 0 : i32
      %dma_wait3A_42 = tpu.memref_slice %arg3[%mul3A_36, %dma_wait3A_41] : memref<1000000x32xf32, #tpu.memory_space<hbm>> -> memref<512x32xf32, #tpu.memory_space<hbm>>
      %dma_wait3A_43 = arith.constant 0 : i32
      %dma_wait3A_44 = tpu.memref_slice %arg3[%mul3A_36, %dma_wait3A_43] : memref<1000000x32xf32, #tpu.memory_space<hbm>> -> memref<512x32xf32, #tpu.memory_space<hbm>>
      %dma_wait3A_45 = arith.constant 0 : i32
      %dma_wait3A_46 = arith.constant 0 : i32
      %dma_wait3A_47 = tpu.memref_slice %arg5[%dma_wait3A, %dma_wait3A_45, %dma_wait3A_46] : memref<2x512x33xf32, #tpu.memory_space<vmem>> -> memref<1x512x32xf32, #tpu.memory_space<vmem>>
      %dma_wait3A_48 = tpu.memref_squeeze %dma_wait3A_47 : memref<1x512x32xf32, #tpu.memory_space<vmem>> -> memref<512x32xf32, #tpu.memory_space<vmem>>
      tpu.wait_dma2 semaphore(%arg9 : memref<!tpu.dma_semaphore, #tpu.memory_space<semaphore_mem>>) src(%dma_wait3A_48 : memref<512x32xf32, #tpu.memory_space<vmem>>) dst(%dma_wait3A_44 : memref<512x32xf32, #tpu.memory_space<hbm>>)
    } else {
    }
    %eq3A = arith.constant 0 : i32
    %eq3A_29 = arith.cmpi eq, %add3A, %eq3A : i32
    %convert_element_type3A_30 = arith.extui %eq3A_29 : i1 to i32
    %cond3A_31 = arith.constant 0 : i32
    %cond3A_32 = arith.cmpi ne, %convert_element_type3A_30, %cond3A_31 : i32
    scf.if %cond3A_32 {
      %run_scoped3A = arith.constant 7812 : i32
      %run_scoped3A_33 = arith.constant 0 : i32
      %run_scoped3A_34 = arith.constant 0 : i32
      "tpu.region"() ({
        %run_scoped3A_42 = tpu.sem_alloc : memref<!tpu.dma_semaphore, #tpu.memory_space<semaphore_mem>>
        %dma_start3A = arith.constant 0 : i32
        %dma_start3A_43 = arith.constant 0 : i32
        %dma_start3A_44 = arith.constant 0 : i32
        %dma_start3A_45 = tpu.memref_slice %arg4[%run_scoped3A_33, %dma_start3A, %run_scoped3A_34, %dma_start3A_43, %dma_start3A_44] : memref<2x4x4x8x128xf32, #tpu.memory_space<vmem>> -> memref<1x4x1x8x128xf32, #tpu.memory_space<vmem>>
        %dma_start3A_46 = tpu.memref_squeeze %dma_start3A_45 : memref<1x4x1x8x128xf32, #tpu.memory_space<vmem>> -> memref<4x8x128xf32, #tpu.memory_space<vmem>>
        %dma_start3A_47 = arith.constant 0 : i32
        %dma_start3A_48 = arith.constant 0 : i32
        %dma_start3A_49 = arith.constant 0 : i32
        %dma_start3A_50 = tpu.memref_slice %arg2[%dma_start3A_47, %run_scoped3A, %dma_start3A_48, %dma_start3A_49] : memref<4x7813x8x128xf32, #tpu.memory_space<hbm>> -> memref<4x1x8x128xf32, #tpu.memory_space<hbm>>
        %dma_start3A_51 = tpu.memref_squeeze %dma_start3A_50 : memref<4x1x8x128xf32, #tpu.memory_space<hbm>> -> memref<4x8x128xf32, #tpu.memory_space<hbm>>
        %dma_start3A_52 = arith.constant 0 : i32
        %dma_start3A_53 = arith.constant 0 : i32
        %dma_start3A_54 = arith.constant 0 : i32
        %dma_start3A_55 = tpu.memref_slice %arg4[%run_scoped3A_33, %dma_start3A_52, %run_scoped3A_34, %dma_start3A_53, %dma_start3A_54] : memref<2x4x4x8x128xf32, #tpu.memory_space<vmem>> -> memref<1x4x1x8x128xf32, #tpu.memory_space<vmem>>
        %dma_start3A_56 = tpu.memref_squeeze %dma_start3A_55 : memref<1x4x1x8x128xf32, #tpu.memory_space<vmem>> -> memref<4x8x128xf32, #tpu.memory_space<vmem>>
        %dma_start3A_57 = arith.constant 0 : i32
        %dma_start3A_58 = arith.constant 0 : i32
        %dma_start3A_59 = arith.constant 0 : i32
        %dma_start3A_60 = tpu.memref_slice %arg2[%dma_start3A_57, %run_scoped3A, %dma_start3A_58, %dma_start3A_59] : memref<4x7813x8x128xf32, #tpu.memory_space<hbm>> -> memref<4x1x8x128xf32, #tpu.memory_space<hbm>>
        %dma_start3A_61 = tpu.memref_squeeze %dma_start3A_60 : memref<4x1x8x128xf32, #tpu.memory_space<hbm>> -> memref<4x8x128xf32, #tpu.memory_space<hbm>>
        tpu.enqueue_dma source(%dma_start3A_61 : memref<4x8x128xf32, #tpu.memory_space<hbm>>) target(%dma_start3A_56 : memref<4x8x128xf32, #tpu.memory_space<vmem>>) target_semaphore(%run_scoped3A_42 : memref<!tpu.dma_semaphore, #tpu.memory_space<semaphore_mem>>)
        %dma_wait3A = arith.constant 0 : i32
        %dma_wait3A_62 = arith.constant 0 : i32
        %dma_wait3A_63 = arith.constant 0 : i32
        %dma_wait3A_64 = tpu.memref_slice %arg4[%run_scoped3A_33, %dma_wait3A, %run_scoped3A_34, %dma_wait3A_62, %dma_wait3A_63] : memref<2x4x4x8x128xf32, #tpu.memory_space<vmem>> -> memref<1x4x1x8x128xf32, #tpu.memory_space<vmem>>
        %dma_wait3A_65 = tpu.memref_squeeze %dma_wait3A_64 : memref<1x4x1x8x128xf32, #tpu.memory_space<vmem>> -> memref<4x8x128xf32, #tpu.memory_space<vmem>>
        %dma_wait3A_66 = arith.constant 0 : i32
        %dma_wait3A_67 = arith.constant 0 : i32
        %dma_wait3A_68 = arith.constant 0 : i32
        %dma_wait3A_69 = tpu.memref_slice %arg2[%dma_wait3A_66, %run_scoped3A, %dma_wait3A_67, %dma_wait3A_68] : memref<4x7813x8x128xf32, #tpu.memory_space<hbm>> -> memref<4x1x8x128xf32, #tpu.memory_space<hbm>>
        %dma_wait3A_70 = tpu.memref_squeeze %dma_wait3A_69 : memref<4x1x8x128xf32, #tpu.memory_space<hbm>> -> memref<4x8x128xf32, #tpu.memory_space<hbm>>
        %dma_wait3A_71 = arith.constant 0 : i32
        %dma_wait3A_72 = arith.constant 0 : i32
        %dma_wait3A_73 = arith.constant 0 : i32
        %dma_wait3A_74 = tpu.memref_slice %arg4[%run_scoped3A_33, %dma_wait3A_71, %run_scoped3A_34, %dma_wait3A_72, %dma_wait3A_73] : memref<2x4x4x8x128xf32, #tpu.memory_space<vmem>> -> memref<1x4x1x8x128xf32, #tpu.memory_space<vmem>>
        %dma_wait3A_75 = tpu.memref_squeeze %dma_wait3A_74 : memref<1x4x1x8x128xf32, #tpu.memory_space<vmem>> -> memref<4x8x128xf32, #tpu.memory_space<vmem>>
        %dma_wait3A_76 = arith.constant 0 : i32
        %dma_wait3A_77 = arith.constant 0 : i32
        %dma_wait3A_78 = arith.constant 0 : i32
        %dma_wait3A_79 = tpu.memref_slice %arg2[%dma_wait3A_76, %run_scoped3A, %dma_wait3A_77, %dma_wait3A_78] : memref<4x7813x8x128xf32, #tpu.memory_space<hbm>> -> memref<4x1x8x128xf32, #tpu.memory_space<hbm>>
        %dma_wait3A_80 = tpu.memref_squeeze %dma_wait3A_79 : memref<4x1x8x128xf32, #tpu.memory_space<hbm>> -> memref<4x8x128xf32, #tpu.memory_space<hbm>>
        tpu.wait_dma2 semaphore(%run_scoped3A_42 : memref<!tpu.dma_semaphore, #tpu.memory_space<semaphore_mem>>) src(%dma_wait3A_80 : memref<4x8x128xf32, #tpu.memory_space<hbm>>) dst(%dma_wait3A_75 : memref<4x8x128xf32, #tpu.memory_space<vmem>>)
        tpu.yield
      }) : () -> ()
      %scan3A_35 = arith.constant 0 : i32
      %scan3A_36 = arith.constant 0 : i32
      %scan3A_37 = arith.constant 32 : i32
      %scan3A_38 = arith.addi %scan3A_36, %scan3A_37 : i32
      %scan3A_39 = arith.constant 1 : i32
      scf.for %scan3A_42 = %scan3A_36 to %scan3A_38 step %scan3A_39  : i32 {
        %broadcast_in_dim3A = vector.broadcast %scan3A_42 : i32 to vector<16xi32>
        %jit3A = arith.constant 8 : i32
        %div3A = arith.divsi %scan3A_42, %jit3A : i32
        %sign3A = arith.constant 0 : i32
        %sign3A_43 = arith.cmpi sgt, %scan3A_42, %sign3A : i32
        %sign3A_44 = arith.extui %sign3A_43 : i1 to i32
        %sign3A_45 = arith.constant 0 : i32
        %sign3A_46 = arith.cmpi slt, %scan3A_42, %sign3A_45 : i32
        %sign3A_47 = arith.extui %sign3A_46 : i1 to i32
        %sign3A_48 = arith.subi %sign3A_44, %sign3A_47 : i32
        %sign3A_49 = arith.constant 0 : i32
        %sign3A_50 = arith.cmpi sgt, %jit3A, %sign3A_49 : i32
        %sign3A_51 = arith.extui %sign3A_50 : i1 to i32
        %sign3A_52 = arith.constant 0 : i32
        %sign3A_53 = arith.cmpi slt, %jit3A, %sign3A_52 : i32
        %sign3A_54 = arith.extui %sign3A_53 : i1 to i32
        %sign3A_55 = arith.subi %sign3A_51, %sign3A_54 : i32
        %ne3A = arith.cmpi ne, %sign3A_48, %sign3A_55 : i32
        %rem3A = arith.remsi %scan3A_42, %jit3A : i32
        %ne3A_56 = arith.constant 0 : i32
        %ne3A_57 = arith.cmpi ne, %rem3A, %ne3A_56 : i32
        %and3A = arith.andi %ne3A, %ne3A_57 : i1
        %sub3A = arith.constant 1 : i32
        %sub3A_58 = arith.subi %div3A, %sub3A : i32
        %select_n3A = arith.select %and3A, %sub3A_58, %div3A : i32
        %jit3A_59 = arith.constant 8 : i32
        %eq3A_60 = arith.constant 0 : i32
        %eq3A_61 = arith.cmpi eq, %jit3A_59, %eq3A_60 : i32
        %jit3A_62 = arith.constant 1 : i32
        %select_n3A_63 = arith.select %eq3A_61, %jit3A_62, %jit3A_59 : i32
        %rem3A_64 = arith.remsi %scan3A_42, %select_n3A_63 : i32
        %ne3A_65 = arith.constant 0 : i32
        %ne3A_66 = arith.cmpi ne, %rem3A_64, %ne3A_65 : i32
        %lt3A_67 = arith.constant 0 : i32
        %lt3A_68 = arith.cmpi slt, %rem3A_64, %lt3A_67 : i32
        %lt3A_69 = arith.constant 0 : i32
        %lt3A_70 = arith.cmpi slt, %select_n3A_63, %lt3A_69 : i32
        %ne3A_71 = arith.xori %lt3A_68, %lt3A_70 : i1
        %and3A_72 = arith.andi %ne3A_71, %ne3A_66 : i1
        %add3A_73 = arith.addi %rem3A_64, %select_n3A_63 : i32
        %select_n3A_74 = arith.select %and3A_72, %add3A_73, %rem3A_64 : i32
        %get3A = arith.constant 0 : i32
        %get3A_75 = arith.constant 0 : i32
        %get3A_76 = arith.index_cast %get3A : i32 to index
        %get3A_77 = arith.index_cast %select_n3A : i32 to index
        %get3A_78 = arith.index_cast %get3A_75 : i32 to index
        %get3A_79 = arith.index_cast %select_n3A_74 : i32 to index
        %get3A_80 = arith.constant 0 : index
        %get3A_81 = tpu.vector_load %arg4[%get3A_76, %get3A_77, %get3A_78, %get3A_79, %get3A_80] {strides = array<i32>} : memref<2x4x4x8x128xf32, #tpu.memory_space<vmem>>, vector<16xf32>,
        %add3A_82 = arith.constant 0 : i32
        %add3A_83 = vector.broadcast %add3A_82 : i32 to vector<16xi32>
        %add3A_84 = arith.addi %add3A_83, %iota3A : vector<16xi32>
        %scatter3A = arith.constant 0 : i32
        %scatter3A_85 = arith.constant 0 : i32
        %scatter3A_86 = arith.constant 0 : i32
        %scatter3A_87 = tpu.memref_slice %arg5[%scatter3A, %scatter3A_85, %scatter3A_86] : memref<2x512x33xf32, #tpu.memory_space<vmem>> -> memref<1x512x33xf32, #tpu.memory_space<vmem>>
        %scatter3A_88 = tpu.memref_squeeze %scatter3A_87 : memref<1x512x33xf32, #tpu.memory_space<vmem>> -> memref<512x33xf32, #tpu.memory_space<vmem>>
        tpu.vector_store_idx %scatter3A_88[%add3A_84, %broadcast_in_dim3A], %get3A_81 : memref<512x33xf32, #tpu.memory_space<vmem>>[vector<16xi32>, vector<16xi32>], vector<16xf32>,
        %jit3A_89 = arith.constant 8 : i32
        %div3A_90 = arith.divsi %scan3A_42, %jit3A_89 : i32
        %sign3A_91 = arith.constant 0 : i32
        %sign3A_92 = arith.cmpi sgt, %scan3A_42, %sign3A_91 : i32
        %sign3A_93 = arith.extui %sign3A_92 : i1 to i32
        %sign3A_94 = arith.constant 0 : i32
        %sign3A_95 = arith.cmpi slt, %scan3A_42, %sign3A_94 : i32
        %sign3A_96 = arith.extui %sign3A_95 : i1 to i32
        %sign3A_97 = arith.subi %sign3A_93, %sign3A_96 : i32
        %sign3A_98 = arith.constant 0 : i32
        %sign3A_99 = arith.cmpi sgt, %jit3A_89, %sign3A_98 : i32
        %sign3A_100 = arith.extui %sign3A_99 : i1 to i32
        %sign3A_101 = arith.constant 0 : i32
        %sign3A_102 = arith.cmpi slt, %jit3A_89, %sign3A_101 : i32
        %sign3A_103 = arith.extui %sign3A_102 : i1 to i32
        %sign3A_104 = arith.subi %sign3A_100, %sign3A_103 : i32
        %ne3A_105 = arith.cmpi ne, %sign3A_97, %sign3A_104 : i32
        %rem3A_106 = arith.remsi %scan3A_42, %jit3A_89 : i32
        %ne3A_107 = arith.constant 0 : i32
        %ne3A_108 = arith.cmpi ne, %rem3A_106, %ne3A_107 : i32
        %and3A_109 = arith.andi %ne3A_105, %ne3A_108 : i1
        %sub3A_110 = arith.constant 1 : i32
        %sub3A_111 = arith.subi %div3A_90, %sub3A_110 : i32
        %select_n3A_112 = arith.select %and3A_109, %sub3A_111, %div3A_90 : i32
        %jit3A_113 = arith.constant 8 : i32
        %eq3A_114 = arith.constant 0 : i32
        %eq3A_115 = arith.cmpi eq, %jit3A_113, %eq3A_114 : i32
        %jit3A_116 = arith.constant 1 : i32
        %select_n3A_117 = arith.select %eq3A_115, %jit3A_116, %jit3A_113 : i32
        %rem3A_118 = arith.remsi %scan3A_42, %select_n3A_117 : i32
        %ne3A_119 = arith.constant 0 : i32
        %ne3A_120 = arith.cmpi ne, %rem3A_118, %ne3A_119 : i32
        %lt3A_121 = arith.constant 0 : i32
        %lt3A_122 = arith.cmpi slt, %rem3A_118, %lt3A_121 : i32
        %lt3A_123 = arith.constant 0 : i32
        %lt3A_124 = arith.cmpi slt, %select_n3A_117, %lt3A_123 : i32
        %ne3A_125 = arith.xori %lt3A_122, %lt3A_124 : i1
        %and3A_126 = arith.andi %ne3A_125, %ne3A_120 : i1
        %add3A_127 = arith.addi %rem3A_118, %select_n3A_117 : i32
        %select_n3A_128 = arith.select %and3A_126, %add3A_127, %rem3A_118 : i32
        %get3A_129 = arith.constant 0 : i32
        %get3A_130 = arith.constant 0 : i32
        %get3A_131 = arith.index_cast %get3A_129 : i32 to index
        %get3A_132 = arith.index_cast %select_n3A_112 : i32 to index
        %get3A_133 = arith.index_cast %get3A_130 : i32 to index
        %get3A_134 = arith.index_cast %select_n3A_128 : i32 to index
        %get3A_135 = arith.constant 16 : index
        %get3A_136 = tpu.vector_load %arg4[%get3A_131, %get3A_132, %get3A_133, %get3A_134, %get3A_135] {strides = array<i32>} : memref<2x4x4x8x128xf32, #tpu.memory_space<vmem>>, vector<16xf32>,
        %add3A_137 = arith.constant 16 : i32
        %add3A_138 = vector.broadcast %add3A_137 : i32 to vector<16xi32>
        %add3A_139 = arith.addi %add3A_138, %iota3A : vector<16xi32>
        %scatter3A_140 = arith.constant 0 : i32
        %scatter3A_141 = arith.constant 0 : i32
        %scatter3A_142 = arith.constant 0 : i32
        %scatter3A_143 = tpu.memref_slice %arg5[%scatter3A_140, %scatter3A_141, %scatter3A_142] : memref<2x512x33xf32, #tpu.memory_space<vmem>> -> memref<1x512x33xf32, #tpu.memory_space<vmem>>
        %scatter3A_144 = tpu.memref_squeeze %scatter3A_143 : memref<1x512x33xf32, #tpu.memory_space<vmem>> -> memref<512x33xf32, #tpu.memory_space<vmem>>
        tpu.vector_store_idx %scatter3A_144[%add3A_139, %broadcast_in_dim3A], %get3A_136 : memref<512x33xf32, #tpu.memory_space<vmem>>[vector<16xi32>, vector<16xi32>], vector<16xf32>,
        %jit3A_145 = arith.constant 8 : i32
        %div3A_146 = arith.divsi %scan3A_42, %jit3A_145 : i32
        %sign3A_147 = arith.constant 0 : i32
        %sign3A_148 = arith.cmpi sgt, %scan3A_42, %sign3A_147 : i32
        %sign3A_149 = arith.extui %sign3A_148 : i1 to i32
        %sign3A_150 = arith.constant 0 : i32
        %sign3A_151 = arith.cmpi slt, %scan3A_42, %sign3A_150 : i32
        %sign3A_152 = arith.extui %sign3A_151 : i1 to i32
        %sign3A_153 = arith.subi %sign3A_149, %sign3A_152 : i32
        %sign3A_154 = arith.constant 0 : i32
        %sign3A_155 = arith.cmpi sgt, %jit3A_145, %sign3A_154 : i32
        %sign3A_156 = arith.extui %sign3A_155 : i1 to i32
        %sign3A_157 = arith.constant 0 : i32
        %sign3A_158 = arith.cmpi slt, %jit3A_145, %sign3A_157 : i32
        %sign3A_159 = arith.extui %sign3A_158 : i1 to i32
        %sign3A_160 = arith.subi %sign3A_156, %sign3A_159 : i32
        %ne3A_161 = arith.cmpi ne, %sign3A_153, %sign3A_160 : i32
        %rem3A_162 = arith.remsi %scan3A_42, %jit3A_145 : i32
        %ne3A_163 = arith.constant 0 : i32
        %ne3A_164 = arith.cmpi ne, %rem3A_162, %ne3A_163 : i32
        %and3A_165 = arith.andi %ne3A_161, %ne3A_164 : i1
        %sub3A_166 = arith.constant 1 : i32
        %sub3A_167 = arith.subi %div3A_146, %sub3A_166 : i32
        %select_n3A_168 = arith.select %and3A_165, %sub3A_167, %div3A_146 : i32
        %jit3A_169 = arith.constant 8 : i32
        %eq3A_170 = arith.constant 0 : i32
        %eq3A_171 = arith.cmpi eq, %jit3A_169, %eq3A_170 : i32
        %jit3A_172 = arith.constant 1 : i32
        %select_n3A_173 = arith.select %eq3A_171, %jit3A_172, %jit3A_169 : i32
        %rem3A_174 = arith.remsi %scan3A_42, %select_n3A_173 : i32
        %ne3A_175 = arith.constant 0 : i32
        %ne3A_176 = arith.cmpi ne, %rem3A_174, %ne3A_175 : i32
        %lt3A_177 = arith.constant 0 : i32
        %lt3A_178 = arith.cmpi slt, %rem3A_174, %lt3A_177 : i32
        %lt3A_179 = arith.constant 0 : i32
        %lt3A_180 = arith.cmpi slt, %select_n3A_173, %lt3A_179 : i32
        %ne3A_181 = arith.xori %lt3A_178, %lt3A_180 : i1
        %and3A_182 = arith.andi %ne3A_181, %ne3A_176 : i1
        %add3A_183 = arith.addi %rem3A_174, %select_n3A_173 : i32
        %select_n3A_184 = arith.select %and3A_182, %add3A_183, %rem3A_174 : i32
        %get3A_185 = arith.constant 0 : i32
        %get3A_186 = arith.constant 0 : i32
        %get3A_187 = arith.index_cast %get3A_185 : i32 to index
        %get3A_188 = arith.index_cast %select_n3A_168 : i32 to index
        %get3A_189 = arith.index_cast %get3A_186 : i32 to index
        %get3A_190 = arith.index_cast %select_n3A_184 : i32 to index
        %get3A_191 = arith.constant 32 : index
        %get3A_192 = tpu.vector_load %arg4[%get3A_187, %get3A_188, %get3A_189, %get3A_190, %get3A_191] {strides = array<i32>} : memref<2x4x4x8x128xf32, #tpu.memory_space<vmem>>, vector<16xf32>,
        %add3A_193 = arith.constant 32 : i32
        %add3A_194 = vector.broadcast %add3A_193 : i32 to vector<16xi32>
        %add3A_195 = arith.addi %add3A_194, %iota3A : vector<16xi32>
        %scatter3A_196 = arith.constant 0 : i32
        %scatter3A_197 = arith.constant 0 : i32
        %scatter3A_198 = arith.constant 0 : i32
        %scatter3A_199 = tpu.memref_slice %arg5[%scatter3A_196, %scatter3A_197, %scatter3A_198] : memref<2x512x33xf32, #tpu.memory_space<vmem>> -> memref<1x512x33xf32, #tpu.memory_space<vmem>>
        %scatter3A_200 = tpu.memref_squeeze %scatter3A_199 : memref<1x512x33xf32, #tpu.memory_space<vmem>> -> memref<512x33xf32, #tpu.memory_space<vmem>>
        tpu.vector_store_idx %scatter3A_200[%add3A_195, %broadcast_in_dim3A], %get3A_192 : memref<512x33xf32, #tpu.memory_space<vmem>>[vector<16xi32>, vector<16xi32>], vector<16xf32>,
        %jit3A_201 = arith.constant 8 : i32
        %div3A_202 = arith.divsi %scan3A_42, %jit3A_201 : i32
        %sign3A_203 = arith.constant 0 : i32
        %sign3A_204 = arith.cmpi sgt, %scan3A_42, %sign3A_203 : i32
        %sign3A_205 = arith.extui %sign3A_204 : i1 to i32
        %sign3A_206 = arith.constant 0 : i32
        %sign3A_207 = arith.cmpi slt, %scan3A_42, %sign3A_206 : i32
        %sign3A_208 = arith.extui %sign3A_207 : i1 to i32
        %sign3A_209 = arith.subi %sign3A_205, %sign3A_208 : i32
        %sign3A_210 = arith.constant 0 : i32
        %sign3A_211 = arith.cmpi sgt, %jit3A_201, %sign3A_210 : i32
        %sign3A_212 = arith.extui %sign3A_211 : i1 to i32
        %sign3A_213 = arith.constant 0 : i32
        %sign3A_214 = arith.cmpi slt, %jit3A_201, %sign3A_213 : i32
        %sign3A_215 = arith.extui %sign3A_214 : i1 to i32
        %sign3A_216 = arith.subi %sign3A_212, %sign3A_215 : i32
        %ne3A_217 = arith.cmpi ne, %sign3A_209, %sign3A_216 : i32
        %rem3A_218 = arith.remsi %scan3A_42, %jit3A_201 : i32
        %ne3A_219 = arith.constant 0 : i32
        %ne3A_220 = arith.cmpi ne, %rem3A_218, %ne3A_219 : i32
        %and3A_221 = arith.andi %ne3A_217, %ne3A_220 : i1
        %sub3A_222 = arith.constant 1 : i32
        %sub3A_223 = arith.subi %div3A_202, %sub3A_222 : i32
        %select_n3A_224 = arith.select %and3A_221, %sub3A_223, %div3A_202 : i32
        %jit3A_225 = arith.constant 8 : i32
        %eq3A_226 = arith.constant 0 : i32
        %eq3A_227 = arith.cmpi eq, %jit3A_225, %eq3A_226 : i32
        %jit3A_228 = arith.constant 1 : i32
        %select_n3A_229 = arith.select %eq3A_227, %jit3A_228, %jit3A_225 : i32
        %rem3A_230 = arith.remsi %scan3A_42, %select_n3A_229 : i32
        %ne3A_231 = arith.constant 0 : i32
        %ne3A_232 = arith.cmpi ne, %rem3A_230, %ne3A_231 : i32
        %lt3A_233 = arith.constant 0 : i32
        %lt3A_234 = arith.cmpi slt, %rem3A_230, %lt3A_233 : i32
        %lt3A_235 = arith.constant 0 : i32
        %lt3A_236 = arith.cmpi slt, %select_n3A_229, %lt3A_235 : i32
        %ne3A_237 = arith.xori %lt3A_234, %lt3A_236 : i1
        %and3A_238 = arith.andi %ne3A_237, %ne3A_232 : i1
        %add3A_239 = arith.addi %rem3A_230, %select_n3A_229 : i32
        %select_n3A_240 = arith.select %and3A_238, %add3A_239, %rem3A_230 : i32
        %get3A_241 = arith.constant 0 : i32
        %get3A_242 = arith.constant 0 : i32
        %get3A_243 = arith.index_cast %get3A_241 : i32 to index
        %get3A_244 = arith.index_cast %select_n3A_224 : i32 to index
        %get3A_245 = arith.index_cast %get3A_242 : i32 to index
        %get3A_246 = arith.index_cast %select_n3A_240 : i32 to index
        %get3A_247 = arith.constant 48 : index
        %get3A_248 = tpu.vector_load %arg4[%get3A_243, %get3A_244, %get3A_245, %get3A_246, %get3A_247] {strides = array<i32>} : memref<2x4x4x8x128xf32, #tpu.memory_space<vmem>>, vector<16xf32>,
        %add3A_249 = arith.constant 48 : i32
        %add3A_250 = vector.broadcast %add3A_249 : i32 to vector<16xi32>
        %add3A_251 = arith.addi %add3A_250, %iota3A : vector<16xi32>
        %scatter3A_252 = arith.constant 0 : i32
        %scatter3A_253 = arith.constant 0 : i32
        %scatter3A_254 = arith.constant 0 : i32
        %scatter3A_255 = tpu.memref_slice %arg5[%scatter3A_252, %scatter3A_253, %scatter3A_254] : memref<2x512x33xf32, #tpu.memory_space<vmem>> -> memref<1x512x33xf32, #tpu.memory_space<vmem>>
        %scatter3A_256 = tpu.memref_squeeze %scatter3A_255 : memref<1x512x33xf32, #tpu.memory_space<vmem>> -> memref<512x33xf32, #tpu.memory_space<vmem>>
        tpu.vector_store_idx %scatter3A_256[%add3A_251, %broadcast_in_dim3A], %get3A_248 : memref<512x33xf32, #tpu.memory_space<vmem>>[vector<16xi32>, vector<16xi32>], vector<16xf32>,
      }
      %scan3A_40 = arith.constant 32 : i32
      %run_scoped3A_41 = arith.constant 0 : i32
      "tpu.region"() ({
        %run_scoped3A_42 = tpu.sem_alloc : memref<!tpu.dma_semaphore, #tpu.memory_space<semaphore_mem>>
        %dma_start3A = arith.constant 0 : i32
        %dma_start3A_43 = arith.constant 0 : i32
        %dma_start3A_44 = tpu.memref_slice %arg5[%run_scoped3A_41, %dma_start3A, %dma_start3A_43] : memref<2x512x33xf32, #tpu.memory_space<vmem>> -> memref<1x64x32xf32, #tpu.memory_space<vmem>>
        %dma_start3A_45 = tpu.memref_squeeze %dma_start3A_44 : memref<1x64x32xf32, #tpu.memory_space<vmem>> -> memref<64x32xf32, #tpu.memory_space<vmem>>
        %dma_start3A_46 = arith.constant 999936 : i32
        %dma_start3A_47 = arith.constant 0 : i32
        %dma_start3A_48 = tpu.memref_slice %arg3[%dma_start3A_46, %dma_start3A_47] : memref<1000000x32xf32, #tpu.memory_space<hbm>> -> memref<64x32xf32, #tpu.memory_space<hbm>>
        %dma_start3A_49 = arith.constant 999936 : i32
        %dma_start3A_50 = arith.constant 0 : i32
        %dma_start3A_51 = tpu.memref_slice %arg3[%dma_start3A_49, %dma_start3A_50] : memref<1000000x32xf32, #tpu.memory_space<hbm>> -> memref<64x32xf32, #tpu.memory_space<hbm>>
        %dma_start3A_52 = arith.constant 0 : i32
        %dma_start3A_53 = arith.constant 0 : i32
        %dma_start3A_54 = tpu.memref_slice %arg5[%run_scoped3A_41, %dma_start3A_52, %dma_start3A_53] : memref<2x512x33xf32, #tpu.memory_space<vmem>> -> memref<1x64x32xf32, #tpu.memory_space<vmem>>
        %dma_start3A_55 = tpu.memref_squeeze %dma_start3A_54 : memref<1x64x32xf32, #tpu.memory_space<vmem>> -> memref<64x32xf32, #tpu.memory_space<vmem>>
        tpu.enqueue_dma source(%dma_start3A_55 : memref<64x32xf32, #tpu.memory_space<vmem>>) target(%dma_start3A_51 : memref<64x32xf32, #tpu.memory_space<hbm>>) target_semaphore(%run_scoped3A_42 : memref<!tpu.dma_semaphore, #tpu.memory_space<semaphore_mem>>)
        %dma_wait3A = arith.constant 0 : i32
        %dma_wait3A_56 = arith.constant 0 : i32
        %dma_wait3A_57 = tpu.memref_slice %arg5[%run_scoped3A_41, %dma_wait3A, %dma_wait3A_56] : memref<2x512x33xf32, #tpu.memory_space<vmem>> -> memref<1x64x32xf32, #tpu.memory_space<vmem>>
        %dma_wait3A_58 = tpu.memref_squeeze %dma_wait3A_57 : memref<1x64x32xf32, #tpu.memory_space<vmem>> -> memref<64x32xf32, #tpu.memory_space<vmem>>
        %dma_wait3A_59 = arith.constant 999936 : i32
        %dma_wait3A_60 = arith.constant 0 : i32
        %dma_wait3A_61 = tpu.memref_slice %arg3[%dma_wait3A_59, %dma_wait3A_60] : memref<1000000x32xf32, #tpu.memory_space<hbm>> -> memref<64x32xf32, #tpu.memory_space<hbm>>
        %dma_wait3A_62 = arith.constant 999936 : i32
        %dma_wait3A_63 = arith.constant 0 : i32
        %dma_wait3A_64 = tpu.memref_slice %arg3[%dma_wait3A_62, %dma_wait3A_63] : memref<1000000x32xf32, #tpu.memory_space<hbm>> -> memref<64x32xf32, #tpu.memory_space<hbm>>
        %dma_wait3A_65 = arith.constant 0 : i32
        %dma_wait3A_66 = arith.constant 0 : i32
        %dma_wait3A_67 = tpu.memref_slice %arg5[%run_scoped3A_41, %dma_wait3A_65, %dma_wait3A_66] : memref<2x512x33xf32, #tpu.memory_space<vmem>> -> memref<1x64x32xf32, #tpu.memory_space<vmem>>
        %dma_wait3A_68 = tpu.memref_squeeze %dma_wait3A_67 : memref<1x64x32xf32, #tpu.memory_space<vmem>> -> memref<64x32xf32, #tpu.memory_space<vmem>>
        tpu.wait_dma2 semaphore(%run_scoped3A_42 : memref<!tpu.dma_semaphore, #tpu.memory_space<semaphore_mem>>) src(%dma_wait3A_68 : memref<64x32xf32, #tpu.memory_space<vmem>>) dst(%dma_wait3A_64 : memref<64x32xf32, #tpu.memory_space<hbm>>)
        tpu.yield
      }) : () -> ()
    } else {
    }
    return
  }
}

#map = affine_map<(d0, d1) -> (0)>
#map1 = affine_map<(d0, d1) -> (0, 0)>
#map2 = affine_map<(d0, d1) -> (0, 0, 0, 0, 0)>
module attributes {stable_mosaic.version = 14 : i64} {
  func.func @lookup(%arg0: i32, %arg1: i32, %arg2: memref<3276800xi32, #tpu.memory_space<hbm>>, %arg3: memref<1000000x32xf32, #tpu.memory_space<hbm>>, %arg4: memref<200x4x128x8x128xf32, #tpu.memory_space<hbm>>, %arg5: memref<2x1024xi32, #tpu.memory_space<vmem>>, %arg6: memref<2x1024x32xf32, #tpu.memory_space<vmem>>, %arg7: memref<2x4x4x8x129xf32, #tpu.memory_space<vmem>>, %arg8: memref<!tpu.dma_semaphore, #tpu.memory_space<semaphore_mem>>, %arg9: memref<!tpu.dma_semaphore, #tpu.memory_space<semaphore_mem>>, %arg10: memref<!tpu.dma_semaphore, #tpu.memory_space<semaphore_mem>>, %arg11: memref<!tpu.dma_semaphore, #tpu.memory_space<semaphore_mem>>, %arg12: memref<!tpu.dma_semaphore, #tpu.memory_space<semaphore_mem>>, %arg13: memref<!tpu.dma_semaphore, #tpu.memory_space<semaphore_mem>>) attributes {dimension_semantics = [#tpu.dimension_semantics<core_parallel>, #tpu.dimension_semantics<subcore_parallel>], iteration_bounds = array<i64: 2, 16>, scalar_prefetch = 0 : i64, scratch_operands = 9 : i64, tpu.core_type = #tpu.core_type<sc_vector_subcore>, window_params = [{transform_indices = #map}, {transform_indices = #map1}, {transform_indices = #map2}]} {
    %mul3A = arith.constant 2 : i32
    %mul3A_0 = arith.muli %arg1, %mul3A : i32
    %add3A = arith.addi %mul3A_0, %arg0 : i32
    %mul3A_1 = arith.constant 100 : i32
    %mul3A_2 = arith.muli %add3A, %mul3A_1 : i32
    %iota3A = tpu.iota {dimensions = array<i32: 0>} : vector<16xi32>
    %add3A_3 = arith.constant 16 : i32
    %add3A_4 = vector.broadcast %add3A_3 : i32 to vector<16xi32>
    %add3A_5 = arith.addi %iota3A, %add3A_4 : vector<16xi32>
    %mul3A_6 = arith.constant 1024 : i32
    %mul3A_7 = arith.muli %mul3A_2, %mul3A_6 : i32
    %dma_start3A = arith.constant 0 : i32
    %dma_start3A_8 = arith.constant 0 : i32
    %dma_start3A_9 = tpu.memref_slice %arg5[%dma_start3A, %dma_start3A_8] : memref<2x1024xi32, #tpu.memory_space<vmem>> -> memref<1x1024xi32, #tpu.memory_space<vmem>>
    %dma_start3A_10 = tpu.memref_squeeze %dma_start3A_9 : memref<1x1024xi32, #tpu.memory_space<vmem>> -> memref<1024xi32, #tpu.memory_space<vmem>>
    %dma_start3A_11 = tpu.memref_slice %arg2[%mul3A_7] : memref<3276800xi32, #tpu.memory_space<hbm>> -> memref<1024xi32, #tpu.memory_space<hbm>>
    %dma_start3A_12 = arith.constant 0 : i32
    %dma_start3A_13 = tpu.memref_slice %arg5[%dma_start3A, %dma_start3A_12] : memref<2x1024xi32, #tpu.memory_space<vmem>> -> memref<1x1024xi32, #tpu.memory_space<vmem>>
    %dma_start3A_14 = tpu.memref_squeeze %dma_start3A_13 : memref<1x1024xi32, #tpu.memory_space<vmem>> -> memref<1024xi32, #tpu.memory_space<vmem>>
    %dma_start3A_15 = tpu.memref_slice %arg2[%mul3A_7] : memref<3276800xi32, #tpu.memory_space<hbm>> -> memref<1024xi32, #tpu.memory_space<hbm>>
    tpu.enqueue_dma source(%dma_start3A_15 : memref<1024xi32, #tpu.memory_space<hbm>>) target(%dma_start3A_14 : memref<1024xi32, #tpu.memory_space<vmem>>) target_semaphore(%arg8 : memref<!tpu.dma_semaphore, #tpu.memory_space<semaphore_mem>>)
    %add3A_16 = arith.constant 1 : i32
    %add3A_17 = arith.addi %mul3A_2, %add3A_16 : i32
    %mul3A_18 = arith.constant 1024 : i32
    %mul3A_19 = arith.muli %add3A_17, %mul3A_18 : i32
    %dma_start3A_20 = arith.constant 1 : i32
    %dma_start3A_21 = arith.constant 0 : i32
    %dma_start3A_22 = tpu.memref_slice %arg5[%dma_start3A_20, %dma_start3A_21] : memref<2x1024xi32, #tpu.memory_space<vmem>> -> memref<1x1024xi32, #tpu.memory_space<vmem>>
    %dma_start3A_23 = tpu.memref_squeeze %dma_start3A_22 : memref<1x1024xi32, #tpu.memory_space<vmem>> -> memref<1024xi32, #tpu.memory_space<vmem>>
    %dma_start3A_24 = tpu.memref_slice %arg2[%mul3A_19] : memref<3276800xi32, #tpu.memory_space<hbm>> -> memref<1024xi32, #tpu.memory_space<hbm>>
    %dma_start3A_25 = arith.constant 0 : i32
    %dma_start3A_26 = tpu.memref_slice %arg5[%dma_start3A_20, %dma_start3A_25] : memref<2x1024xi32, #tpu.memory_space<vmem>> -> memref<1x1024xi32, #tpu.memory_space<vmem>>
    %dma_start3A_27 = tpu.memref_squeeze %dma_start3A_26 : memref<1x1024xi32, #tpu.memory_space<vmem>> -> memref<1024xi32, #tpu.memory_space<vmem>>
    %dma_start3A_28 = tpu.memref_slice %arg2[%mul3A_19] : memref<3276800xi32, #tpu.memory_space<hbm>> -> memref<1024xi32, #tpu.memory_space<hbm>>
    tpu.enqueue_dma source(%dma_start3A_28 : memref<1024xi32, #tpu.memory_space<hbm>>) target(%dma_start3A_27 : memref<1024xi32, #tpu.memory_space<vmem>>) target_semaphore(%arg9 : memref<!tpu.dma_semaphore, #tpu.memory_space<semaphore_mem>>)
    %mul3A_29 = arith.constant 1024 : i32
    %mul3A_30 = arith.muli %mul3A_2, %mul3A_29 : i32
    %dma_wait3A = arith.constant 0 : i32
    %dma_wait3A_31 = arith.constant 0 : i32
    %dma_wait3A_32 = tpu.memref_slice %arg5[%dma_wait3A, %dma_wait3A_31] : memref<2x1024xi32, #tpu.memory_space<vmem>> -> memref<1x1024xi32, #tpu.memory_space<vmem>>
    %dma_wait3A_33 = tpu.memref_squeeze %dma_wait3A_32 : memref<1x1024xi32, #tpu.memory_space<vmem>> -> memref<1024xi32, #tpu.memory_space<vmem>>
    %dma_wait3A_34 = tpu.memref_slice %arg2[%mul3A_30] : memref<3276800xi32, #tpu.memory_space<hbm>> -> memref<1024xi32, #tpu.memory_space<hbm>>
    %dma_wait3A_35 = arith.constant 0 : i32
    %dma_wait3A_36 = tpu.memref_slice %arg5[%dma_wait3A, %dma_wait3A_35] : memref<2x1024xi32, #tpu.memory_space<vmem>> -> memref<1x1024xi32, #tpu.memory_space<vmem>>
    %dma_wait3A_37 = tpu.memref_squeeze %dma_wait3A_36 : memref<1x1024xi32, #tpu.memory_space<vmem>> -> memref<1024xi32, #tpu.memory_space<vmem>>
    %dma_wait3A_38 = tpu.memref_slice %arg2[%mul3A_30] : memref<3276800xi32, #tpu.memory_space<hbm>> -> memref<1024xi32, #tpu.memory_space<hbm>>
    tpu.wait_dma2 semaphore(%arg8 : memref<!tpu.dma_semaphore, #tpu.memory_space<semaphore_mem>>) src(%dma_wait3A_38 : memref<1024xi32, #tpu.memory_space<hbm>>) dst(%dma_wait3A_37 : memref<1024xi32, #tpu.memory_space<vmem>>)
    %dma_start3A_39 = arith.constant 0 : i32
    %dma_start3A_40 = arith.constant 0 : i32
    %dma_start3A_41 = arith.constant 0 : i32
    %dma_start3A_42 = arith.constant 0 : i32
    %dma_start3A_43 = tpu.memref_slice %arg6[%dma_start3A_40, %dma_start3A_41, %dma_start3A_42] : memref<2x1024x32xf32, #tpu.memory_space<vmem>> -> memref<1x1024x32xf32, #tpu.memory_space<vmem>>
    %dma_start3A_44 = tpu.memref_squeeze %dma_start3A_43 : memref<1x1024x32xf32, #tpu.memory_space<vmem>> -> memref<1024x32xf32, #tpu.memory_space<vmem>>
    %dma_start3A_45 = arith.constant 0 : i32
    %dma_start3A_46 = tpu.memref_slice %arg5[%dma_start3A_39, %dma_start3A_45] : memref<2x1024xi32, #tpu.memory_space<vmem>> -> memref<1x1024xi32, #tpu.memory_space<vmem>>
    %dma_start3A_47 = tpu.memref_squeeze %dma_start3A_46 : memref<1x1024xi32, #tpu.memory_space<vmem>> -> memref<1024xi32, #tpu.memory_space<vmem>>
    %dma_start3A_48 = arith.constant 0 : i32
    %dma_start3A_49 = arith.constant 0 : i32
    %dma_start3A_50 = tpu.memref_slice %arg3[%dma_start3A_48, %dma_start3A_49] : memref<1000000x32xf32, #tpu.memory_space<hbm>> -> memref<1000000x32xf32, #tpu.memory_space<hbm>>
    tpu.enqueue_indirect_dma source(%dma_start3A_50 : memref<1000000x32xf32, #tpu.memory_space<hbm>>) target(%dma_start3A_44 : memref<1024x32xf32, #tpu.memory_space<vmem>>) offsets(%dma_start3A_47 : memref<1024xi32, #tpu.memory_space<vmem>>) semaphore(%arg10 : memref<!tpu.dma_semaphore, #tpu.memory_space<semaphore_mem>>)
    %scan3A = arith.constant 0 : i32
    %scan3A_51 = arith.constant 0 : i32
    %scan3A_52 = arith.constant 50 : i32
    %scan3A_53 = arith.addi %scan3A_51, %scan3A_52 : i32
    %scan3A_54 = arith.constant 1 : i32
    scf.for %scan3A_188 = %scan3A_51 to %scan3A_53 step %scan3A_54  : i32 {
      %mul3A_189 = arith.constant 2 : i32
      %mul3A_190 = arith.muli %scan3A_188, %mul3A_189 : i32
      %add3A_191 = arith.addi %mul3A_2, %mul3A_190 : i32
      %dma_wait3A_192 = arith.constant 0 : i32
      %dma_wait3A_193 = arith.constant 0 : i32
      %dma_wait3A_194 = arith.constant 0 : i32
      %dma_wait3A_195 = arith.constant 0 : i32
      %dma_wait3A_196 = tpu.memref_slice %arg6[%dma_wait3A_193, %dma_wait3A_194, %dma_wait3A_195] : memref<2x1024x32xf32, #tpu.memory_space<vmem>> -> memref<1x1024x32xf32, #tpu.memory_space<vmem>>
      %dma_wait3A_197 = tpu.memref_squeeze %dma_wait3A_196 : memref<1x1024x32xf32, #tpu.memory_space<vmem>> -> memref<1024x32xf32, #tpu.memory_space<vmem>>
      %dma_wait3A_198 = arith.constant 0 : i32
      %dma_wait3A_199 = tpu.memref_slice %arg5[%dma_wait3A_192, %dma_wait3A_198] : memref<2x1024xi32, #tpu.memory_space<vmem>> -> memref<1x1024xi32, #tpu.memory_space<vmem>>
      %dma_wait3A_200 = tpu.memref_squeeze %dma_wait3A_199 : memref<1x1024xi32, #tpu.memory_space<vmem>> -> memref<1024xi32, #tpu.memory_space<vmem>>
      %dma_wait3A_201 = arith.constant 0 : i32
      %dma_wait3A_202 = arith.constant 0 : i32
      %dma_wait3A_203 = tpu.memref_slice %arg3[%dma_wait3A_201, %dma_wait3A_202] : memref<1000000x32xf32, #tpu.memory_space<hbm>> -> memref<1000000x32xf32, #tpu.memory_space<hbm>>
      tpu.wait_indirect_dma semaphore(%arg10 : memref<!tpu.dma_semaphore, #tpu.memory_space<semaphore_mem>>) src(%dma_wait3A_203 : memref<1000000x32xf32, #tpu.memory_space<hbm>>) dst(%dma_wait3A_197 : memref<1024x32xf32, #tpu.memory_space<vmem>>)
      %add3A_204 = arith.constant 1 : i32
      %add3A_205 = arith.addi %mul3A_190, %add3A_204 : i32
      %lt3A_206 = arith.constant 100 : i32
      %lt3A_207 = arith.cmpi slt, %add3A_205, %lt3A_206 : i32
      %convert_element_type3A = arith.extui %lt3A_207 : i1 to i32
      %cond3A = arith.constant 0 : i32
      %cond3A_208 = arith.cmpi ne, %convert_element_type3A, %cond3A : i32
      scf.if %cond3A_208 {
        %add3A_558 = arith.constant 1 : i32
        %add3A_559 = arith.addi %add3A_191, %add3A_558 : i32
        %mul3A_560 = arith.constant 1024 : i32
        %mul3A_561 = arith.muli %add3A_559, %mul3A_560 : i32
        %dma_wait3A_562 = arith.constant 1 : i32
        %dma_wait3A_563 = arith.constant 0 : i32
        %dma_wait3A_564 = tpu.memref_slice %arg5[%dma_wait3A_562, %dma_wait3A_563] : memref<2x1024xi32, #tpu.memory_space<vmem>> -> memref<1x1024xi32, #tpu.memory_space<vmem>>
        %dma_wait3A_565 = tpu.memref_squeeze %dma_wait3A_564 : memref<1x1024xi32, #tpu.memory_space<vmem>> -> memref<1024xi32, #tpu.memory_space<vmem>>
        %dma_wait3A_566 = tpu.memref_slice %arg2[%mul3A_561] : memref<3276800xi32, #tpu.memory_space<hbm>> -> memref<1024xi32, #tpu.memory_space<hbm>>
        %dma_wait3A_567 = arith.constant 0 : i32
        %dma_wait3A_568 = tpu.memref_slice %arg5[%dma_wait3A_562, %dma_wait3A_567] : memref<2x1024xi32, #tpu.memory_space<vmem>> -> memref<1x1024xi32, #tpu.memory_space<vmem>>
        %dma_wait3A_569 = tpu.memref_squeeze %dma_wait3A_568 : memref<1x1024xi32, #tpu.memory_space<vmem>> -> memref<1024xi32, #tpu.memory_space<vmem>>
        %dma_wait3A_570 = tpu.memref_slice %arg2[%mul3A_561] : memref<3276800xi32, #tpu.memory_space<hbm>> -> memref<1024xi32, #tpu.memory_space<hbm>>
        tpu.wait_dma2 semaphore(%arg9 : memref<!tpu.dma_semaphore, #tpu.memory_space<semaphore_mem>>) src(%dma_wait3A_570 : memref<1024xi32, #tpu.memory_space<hbm>>) dst(%dma_wait3A_569 : memref<1024xi32, #tpu.memory_space<vmem>>)
        %dma_start3A_571 = arith.constant 1 : i32
        %dma_start3A_572 = arith.constant 1 : i32
        %dma_start3A_573 = arith.constant 0 : i32
        %dma_start3A_574 = arith.constant 0 : i32
        %dma_start3A_575 = tpu.memref_slice %arg6[%dma_start3A_572, %dma_start3A_573, %dma_start3A_574] : memref<2x1024x32xf32, #tpu.memory_space<vmem>> -> memref<1x1024x32xf32, #tpu.memory_space<vmem>>
        %dma_start3A_576 = tpu.memref_squeeze %dma_start3A_575 : memref<1x1024x32xf32, #tpu.memory_space<vmem>> -> memref<1024x32xf32, #tpu.memory_space<vmem>>
        %dma_start3A_577 = arith.constant 0 : i32
        %dma_start3A_578 = tpu.memref_slice %arg5[%dma_start3A_571, %dma_start3A_577] : memref<2x1024xi32, #tpu.memory_space<vmem>> -> memref<1x1024xi32, #tpu.memory_space<vmem>>
        %dma_start3A_579 = tpu.memref_squeeze %dma_start3A_578 : memref<1x1024xi32, #tpu.memory_space<vmem>> -> memref<1024xi32, #tpu.memory_space<vmem>>
        %dma_start3A_580 = arith.constant 0 : i32
        %dma_start3A_581 = arith.constant 0 : i32
        %dma_start3A_582 = tpu.memref_slice %arg3[%dma_start3A_580, %dma_start3A_581] : memref<1000000x32xf32, #tpu.memory_space<hbm>> -> memref<1000000x32xf32, #tpu.memory_space<hbm>>
        tpu.enqueue_indirect_dma source(%dma_start3A_582 : memref<1000000x32xf32, #tpu.memory_space<hbm>>) target(%dma_start3A_576 : memref<1024x32xf32, #tpu.memory_space<vmem>>) offsets(%dma_start3A_579 : memref<1024xi32, #tpu.memory_space<vmem>>) semaphore(%arg11 : memref<!tpu.dma_semaphore, #tpu.memory_space<semaphore_mem>>)
      } else {
      }
      %add3A_209 = arith.constant 2 : i32
      %add3A_210 = arith.addi %mul3A_190, %add3A_209 : i32
      %lt3A_211 = arith.constant 100 : i32
      %lt3A_212 = arith.cmpi slt, %add3A_210, %lt3A_211 : i32
      %convert_element_type3A_213 = arith.extui %lt3A_212 : i1 to i32
      %cond3A_214 = arith.constant 0 : i32
      %cond3A_215 = arith.cmpi ne, %convert_element_type3A_213, %cond3A_214 : i32
      scf.if %cond3A_215 {
        %add3A_558 = arith.constant 2 : i32
        %add3A_559 = arith.addi %add3A_191, %add3A_558 : i32
        %mul3A_560 = arith.constant 1024 : i32
        %mul3A_561 = arith.muli %add3A_559, %mul3A_560 : i32
        %dma_start3A_562 = arith.constant 0 : i32
        %dma_start3A_563 = arith.constant 0 : i32
        %dma_start3A_564 = tpu.memref_slice %arg5[%dma_start3A_562, %dma_start3A_563] : memref<2x1024xi32, #tpu.memory_space<vmem>> -> memref<1x1024xi32, #tpu.memory_space<vmem>>
        %dma_start3A_565 = tpu.memref_squeeze %dma_start3A_564 : memref<1x1024xi32, #tpu.memory_space<vmem>> -> memref<1024xi32, #tpu.memory_space<vmem>>
        %dma_start3A_566 = tpu.memref_slice %arg2[%mul3A_561] : memref<3276800xi32, #tpu.memory_space<hbm>> -> memref<1024xi32, #tpu.memory_space<hbm>>
        %dma_start3A_567 = arith.constant 0 : i32
        %dma_start3A_568 = tpu.memref_slice %arg5[%dma_start3A_562, %dma_start3A_567] : memref<2x1024xi32, #tpu.memory_space<vmem>> -> memref<1x1024xi32, #tpu.memory_space<vmem>>
        %dma_start3A_569 = tpu.memref_squeeze %dma_start3A_568 : memref<1x1024xi32, #tpu.memory_space<vmem>> -> memref<1024xi32, #tpu.memory_space<vmem>>
        %dma_start3A_570 = tpu.memref_slice %arg2[%mul3A_561] : memref<3276800xi32, #tpu.memory_space<hbm>> -> memref<1024xi32, #tpu.memory_space<hbm>>
        tpu.enqueue_dma source(%dma_start3A_570 : memref<1024xi32, #tpu.memory_space<hbm>>) target(%dma_start3A_569 : memref<1024xi32, #tpu.memory_space<vmem>>) target_semaphore(%arg8 : memref<!tpu.dma_semaphore, #tpu.memory_space<semaphore_mem>>)
      } else {
      }
      %gt3A = arith.constant 0 : i32
      %gt3A_216 = arith.cmpi sgt, %mul3A_190, %gt3A : i32
      %convert_element_type3A_217 = arith.extui %gt3A_216 : i1 to i32
      %cond3A_218 = arith.constant 0 : i32
      %cond3A_219 = arith.cmpi ne, %convert_element_type3A_217, %cond3A_218 : i32
      scf.if %cond3A_219 {
        %sub3A_558 = arith.constant 1 : i32
        %sub3A_559 = arith.subi %add3A_191, %sub3A_558 : i32
        %jit3A_560 = arith.constant 128 : i32
        %div3A_561 = arith.divsi %sub3A_559, %jit3A_560 : i32
        %sign3A_562 = arith.constant 0 : i32
        %sign3A_563 = arith.cmpi sgt, %sub3A_559, %sign3A_562 : i32
        %sign3A_564 = arith.extui %sign3A_563 : i1 to i32
        %sign3A_565 = arith.constant 0 : i32
        %sign3A_566 = arith.cmpi slt, %sub3A_559, %sign3A_565 : i32
        %sign3A_567 = arith.extui %sign3A_566 : i1 to i32
        %sign3A_568 = arith.subi %sign3A_564, %sign3A_567 : i32
        %sign3A_569 = arith.constant 0 : i32
        %sign3A_570 = arith.cmpi sgt, %jit3A_560, %sign3A_569 : i32
        %sign3A_571 = arith.extui %sign3A_570 : i1 to i32
        %sign3A_572 = arith.constant 0 : i32
        %sign3A_573 = arith.cmpi slt, %jit3A_560, %sign3A_572 : i32
        %sign3A_574 = arith.extui %sign3A_573 : i1 to i32
        %sign3A_575 = arith.subi %sign3A_571, %sign3A_574 : i32
        %ne3A_576 = arith.cmpi ne, %sign3A_568, %sign3A_575 : i32
        %rem3A_577 = arith.remsi %sub3A_559, %jit3A_560 : i32
        %ne3A_578 = arith.constant 0 : i32
        %ne3A_579 = arith.cmpi ne, %rem3A_577, %ne3A_578 : i32
        %and3A_580 = arith.andi %ne3A_576, %ne3A_579 : i1
        %sub3A_581 = arith.constant 1 : i32
        %sub3A_582 = arith.subi %div3A_561, %sub3A_581 : i32
        %select_n3A_583 = arith.select %and3A_580, %sub3A_582, %div3A_561 : i32
        %jit3A_584 = arith.constant 128 : i32
        %eq3A_585 = arith.constant 0 : i32
        %eq3A_586 = arith.cmpi eq, %jit3A_584, %eq3A_585 : i32
        %jit3A_587 = arith.constant 1 : i32
        %select_n3A_588 = arith.select %eq3A_586, %jit3A_587, %jit3A_584 : i32
        %rem3A_589 = arith.remsi %sub3A_559, %select_n3A_588 : i32
        %ne3A_590 = arith.constant 0 : i32
        %ne3A_591 = arith.cmpi ne, %rem3A_589, %ne3A_590 : i32
        %lt3A_592 = arith.constant 0 : i32
        %lt3A_593 = arith.cmpi slt, %rem3A_589, %lt3A_592 : i32
        %lt3A_594 = arith.constant 0 : i32
        %lt3A_595 = arith.cmpi slt, %select_n3A_588, %lt3A_594 : i32
        %ne3A_596 = arith.xori %lt3A_593, %lt3A_595 : i1
        %and3A_597 = arith.andi %ne3A_596, %ne3A_591 : i1
        %add3A_598 = arith.addi %rem3A_589, %select_n3A_588 : i32
        %select_n3A_599 = arith.select %and3A_597, %add3A_598, %rem3A_589 : i32
        %mul3A_600 = arith.constant 8 : i32
        %mul3A_601 = arith.muli %select_n3A_583, %mul3A_600 : i32
        %add3A_602 = arith.constant 0 : i32
        %add3A_603 = arith.addi %mul3A_601, %add3A_602 : i32
        %dma_wait3A_604 = arith.constant 0 : i32
        %dma_wait3A_605 = arith.constant 0 : i32
        %dma_wait3A_606 = arith.constant 0 : i32
        %dma_wait3A_607 = arith.constant 0 : i32
        %dma_wait3A_608 = arith.constant 0 : i32
        %dma_wait3A_609 = tpu.memref_slice %arg7[%dma_wait3A_604, %dma_wait3A_605, %dma_wait3A_606, %dma_wait3A_607, %dma_wait3A_608] : memref<2x4x4x8x129xf32, #tpu.memory_space<vmem>> -> memref<1x4x4x8x128xf32, #tpu.memory_space<vmem>>
        %dma_wait3A_610 = tpu.memref_squeeze %dma_wait3A_609 : memref<1x4x4x8x128xf32, #tpu.memory_space<vmem>> -> memref<4x4x8x128xf32, #tpu.memory_space<vmem>>
        %dma_wait3A_611 = arith.constant 0 : i32
        %dma_wait3A_612 = arith.constant 0 : i32
        %dma_wait3A_613 = arith.constant 0 : i32
        %dma_wait3A_614 = tpu.memref_slice %arg4[%add3A_603, %dma_wait3A_611, %select_n3A_599, %dma_wait3A_612, %dma_wait3A_613] : memref<200x4x128x8x128xf32, #tpu.memory_space<hbm>> -> memref<4x4x1x8x128xf32, #tpu.memory_space<hbm>>
        %dma_wait3A_615 = tpu.memref_squeeze %dma_wait3A_614 : memref<4x4x1x8x128xf32, #tpu.memory_space<hbm>> -> memref<4x4x8x128xf32, #tpu.memory_space<hbm>>
        %dma_wait3A_616 = arith.constant 0 : i32
        %dma_wait3A_617 = arith.constant 0 : i32
        %dma_wait3A_618 = arith.constant 0 : i32
        %dma_wait3A_619 = tpu.memref_slice %arg4[%add3A_603, %dma_wait3A_616, %select_n3A_599, %dma_wait3A_617, %dma_wait3A_618] : memref<200x4x128x8x128xf32, #tpu.memory_space<hbm>> -> memref<4x4x1x8x128xf32, #tpu.memory_space<hbm>>
        %dma_wait3A_620 = tpu.memref_squeeze %dma_wait3A_619 : memref<4x4x1x8x128xf32, #tpu.memory_space<hbm>> -> memref<4x4x8x128xf32, #tpu.memory_space<hbm>>
        %dma_wait3A_621 = arith.constant 0 : i32
        %dma_wait3A_622 = arith.constant 0 : i32
        %dma_wait3A_623 = arith.constant 0 : i32
        %dma_wait3A_624 = arith.constant 0 : i32
        %dma_wait3A_625 = tpu.memref_slice %arg7[%dma_wait3A_604, %dma_wait3A_621, %dma_wait3A_622, %dma_wait3A_623, %dma_wait3A_624] : memref<2x4x4x8x129xf32, #tpu.memory_space<vmem>> -> memref<1x4x4x8x128xf32, #tpu.memory_space<vmem>>
        %dma_wait3A_626 = tpu.memref_squeeze %dma_wait3A_625 : memref<1x4x4x8x128xf32, #tpu.memory_space<vmem>> -> memref<4x4x8x128xf32, #tpu.memory_space<vmem>>
        tpu.wait_dma2 semaphore(%arg12 : memref<!tpu.dma_semaphore, #tpu.memory_space<semaphore_mem>>) src(%dma_wait3A_626 : memref<4x4x8x128xf32, #tpu.memory_space<vmem>>) dst(%dma_wait3A_620 : memref<4x4x8x128xf32, #tpu.memory_space<hbm>>)
      } else {
      }
      %scan3A_220 = arith.constant 0 : i32
      %scan3A_221 = arith.constant 0 : i32
      %scan3A_222 = arith.constant 512 : i32
      %scan3A_223 = arith.addi %scan3A_221, %scan3A_222 : i32
      %scan3A_224 = arith.constant 1 : i32
      scf.for %scan3A_558 = %scan3A_221 to %scan3A_223 step %scan3A_224  : i32 {
        %jit3A_559 = arith.constant 128 : i32
        %div3A_560 = arith.divsi %scan3A_558, %jit3A_559 : i32
        %sign3A_561 = arith.constant 0 : i32
        %sign3A_562 = arith.cmpi sgt, %scan3A_558, %sign3A_561 : i32
        %sign3A_563 = arith.extui %sign3A_562 : i1 to i32
        %sign3A_564 = arith.constant 0 : i32
        %sign3A_565 = arith.cmpi slt, %scan3A_558, %sign3A_564 : i32
        %sign3A_566 = arith.extui %sign3A_565 : i1 to i32
        %sign3A_567 = arith.subi %sign3A_563, %sign3A_566 : i32
        %sign3A_568 = arith.constant 0 : i32
        %sign3A_569 = arith.cmpi sgt, %jit3A_559, %sign3A_568 : i32
        %sign3A_570 = arith.extui %sign3A_569 : i1 to i32
        %sign3A_571 = arith.constant 0 : i32
        %sign3A_572 = arith.cmpi slt, %jit3A_559, %sign3A_571 : i32
        %sign3A_573 = arith.extui %sign3A_572 : i1 to i32
        %sign3A_574 = arith.subi %sign3A_570, %sign3A_573 : i32
        %ne3A_575 = arith.cmpi ne, %sign3A_567, %sign3A_574 : i32
        %rem3A_576 = arith.remsi %scan3A_558, %jit3A_559 : i32
        %ne3A_577 = arith.constant 0 : i32
        %ne3A_578 = arith.cmpi ne, %rem3A_576, %ne3A_577 : i32
        %and3A_579 = arith.andi %ne3A_575, %ne3A_578 : i1
        %sub3A_580 = arith.constant 1 : i32
        %sub3A_581 = arith.subi %div3A_560, %sub3A_580 : i32
        %select_n3A_582 = arith.select %and3A_579, %sub3A_581, %div3A_560 : i32
        %jit3A_583 = arith.constant 128 : i32
        %eq3A_584 = arith.constant 0 : i32
        %eq3A_585 = arith.cmpi eq, %jit3A_583, %eq3A_584 : i32
        %jit3A_586 = arith.constant 1 : i32
        %select_n3A_587 = arith.select %eq3A_585, %jit3A_586, %jit3A_583 : i32
        %rem3A_588 = arith.remsi %scan3A_558, %select_n3A_587 : i32
        %ne3A_589 = arith.constant 0 : i32
        %ne3A_590 = arith.cmpi ne, %rem3A_588, %ne3A_589 : i32
        %lt3A_591 = arith.constant 0 : i32
        %lt3A_592 = arith.cmpi slt, %rem3A_588, %lt3A_591 : i32
        %lt3A_593 = arith.constant 0 : i32
        %lt3A_594 = arith.cmpi slt, %select_n3A_587, %lt3A_593 : i32
        %ne3A_595 = arith.xori %lt3A_592, %lt3A_594 : i1
        %and3A_596 = arith.andi %ne3A_595, %ne3A_590 : i1
        %add3A_597 = arith.addi %rem3A_588, %select_n3A_587 : i32
        %select_n3A_598 = arith.select %and3A_596, %add3A_597, %rem3A_588 : i32
        %add3A_599 = arith.constant 0 : i32
        %add3A_600 = arith.addi %add3A_599, %scan3A_558 : i32
        %broadcast_in_dim3A = vector.broadcast %select_n3A_598 : i32 to vector<16xi32>
        %get3A = arith.constant 0 : i32
        %get3A_601 = arith.index_cast %get3A : i32 to index
        %get3A_602 = arith.index_cast %add3A_600 : i32 to index
        %get3A_603 = arith.constant 0 : index
        %get3A_604 = tpu.vector_load %arg6[%get3A_601, %get3A_602, %get3A_603] {strides = array<i32>} : memref<2x1024x32xf32, #tpu.memory_space<vmem>>, vector<16xf32>,
        %get3A_605 = arith.constant 0 : i32
        %get3A_606 = arith.index_cast %get3A_605 : i32 to index
        %get3A_607 = arith.index_cast %add3A_600 : i32 to index
        %get3A_608 = arith.constant 16 : index
        %get3A_609 = tpu.vector_load %arg6[%get3A_606, %get3A_607, %get3A_608] {strides = array<i32>} : memref<2x1024x32xf32, #tpu.memory_space<vmem>>, vector<16xf32>,
        %jit3A_610 = arith.constant 8 : i32
        %div3A_611 = vector.broadcast %jit3A_610 : i32 to vector<16xi32>
        %div3A_612 = arith.divsi %iota3A, %div3A_611 : vector<16xi32>
        %sign3A_613 = arith.constant 0 : i32
        %sign3A_614 = vector.broadcast %sign3A_613 : i32 to vector<16xi32>
        %sign3A_615 = arith.cmpi sgt, %iota3A, %sign3A_614 : vector<16xi32>
        %sign3A_616 = arith.extui %sign3A_615 : vector<16xi1> to vector<16xi32>
        %sign3A_617 = arith.constant 0 : i32
        %sign3A_618 = vector.broadcast %sign3A_617 : i32 to vector<16xi32>
        %sign3A_619 = arith.cmpi slt, %iota3A, %sign3A_618 : vector<16xi32>
        %sign3A_620 = arith.extui %sign3A_619 : vector<16xi1> to vector<16xi32>
        %sign3A_621 = arith.subi %sign3A_616, %sign3A_620 : vector<16xi32>
        %sign3A_622 = arith.constant 0 : i32
        %sign3A_623 = arith.cmpi sgt, %jit3A_610, %sign3A_622 : i32
        %sign3A_624 = arith.extui %sign3A_623 : i1 to i32
        %sign3A_625 = arith.constant 0 : i32
        %sign3A_626 = arith.cmpi slt, %jit3A_610, %sign3A_625 : i32
        %sign3A_627 = arith.extui %sign3A_626 : i1 to i32
        %sign3A_628 = arith.subi %sign3A_624, %sign3A_627 : i32
        %ne3A_629 = vector.broadcast %sign3A_628 : i32 to vector<16xi32>
        %ne3A_630 = arith.cmpi ne, %sign3A_621, %ne3A_629 : vector<16xi32>
        %rem3A_631 = vector.broadcast %jit3A_610 : i32 to vector<16xi32>
        %rem3A_632 = arith.remsi %iota3A, %rem3A_631 : vector<16xi32>
        %ne3A_633 = arith.constant 0 : i32
        %ne3A_634 = vector.broadcast %ne3A_633 : i32 to vector<16xi32>
        %ne3A_635 = arith.cmpi ne, %rem3A_632, %ne3A_634 : vector<16xi32>
        %and3A_636 = arith.andi %ne3A_630, %ne3A_635 : vector<16xi1>
        %sub3A_637 = arith.constant 1 : i32
        %sub3A_638 = vector.broadcast %sub3A_637 : i32 to vector<16xi32>
        %sub3A_639 = arith.subi %div3A_612, %sub3A_638 : vector<16xi32>
        %select_n3A_640 = arith.select %and3A_636, %sub3A_639, %div3A_612 : vector<16xi1>, vector<16xi32>
        %jit3A_641 = arith.constant 8 : i32
        %eq3A_642 = arith.constant 0 : i32
        %eq3A_643 = arith.cmpi eq, %jit3A_641, %eq3A_642 : i32
        %jit3A_644 = arith.constant 1 : i32
        %select_n3A_645 = arith.select %eq3A_643, %jit3A_644, %jit3A_641 : i32
        %rem3A_646 = vector.broadcast %select_n3A_645 : i32 to vector<16xi32>
        %rem3A_647 = arith.remsi %iota3A, %rem3A_646 : vector<16xi32>
        %ne3A_648 = arith.constant 0 : i32
        %ne3A_649 = vector.broadcast %ne3A_648 : i32 to vector<16xi32>
        %ne3A_650 = arith.cmpi ne, %rem3A_647, %ne3A_649 : vector<16xi32>
        %lt3A_651 = arith.constant 0 : i32
        %lt3A_652 = vector.broadcast %lt3A_651 : i32 to vector<16xi32>
        %lt3A_653 = arith.cmpi slt, %rem3A_647, %lt3A_652 : vector<16xi32>
        %lt3A_654 = arith.constant 0 : i32
        %lt3A_655 = arith.cmpi slt, %select_n3A_645, %lt3A_654 : i32
        %ne3A_656 = vector.broadcast %lt3A_655 : i1 to vector<16xi1>
        %ne3A_657 = vector.broadcast %ne3A_656 : vector<16xi1> to vector<16xi1>
        %ne3A_658 = arith.xori %lt3A_653, %ne3A_657 : vector<16xi1>
        %and3A_659 = arith.andi %ne3A_658, %ne3A_650 : vector<16xi1>
        %add3A_660 = vector.broadcast %select_n3A_645 : i32 to vector<16xi32>
        %add3A_661 = arith.addi %rem3A_647, %add3A_660 : vector<16xi32>
        %select_n3A_662 = arith.select %and3A_659, %add3A_661, %rem3A_647 : vector<16xi1>, vector<16xi32>
        %scatter3A = arith.constant 0 : i32
        %scatter3A_663 = arith.constant 0 : i32
        %scatter3A_664 = arith.constant 0 : i32
        %scatter3A_665 = arith.constant 0 : i32
        %scatter3A_666 = tpu.memref_slice %arg7[%scatter3A, %select_n3A_582, %scatter3A_663, %scatter3A_664, %scatter3A_665] : memref<2x4x4x8x129xf32, #tpu.memory_space<vmem>> -> memref<1x1x4x8x129xf32, #tpu.memory_space<vmem>>
        %scatter3A_667 = tpu.memref_squeeze %scatter3A_666 : memref<1x1x4x8x129xf32, #tpu.memory_space<vmem>> -> memref<4x8x129xf32, #tpu.memory_space<vmem>>
        tpu.vector_store_idx %scatter3A_667[%select_n3A_640, %select_n3A_662, %broadcast_in_dim3A], %get3A_604 : memref<4x8x129xf32, #tpu.memory_space<vmem>>[vector<16xi32>, vector<16xi32>, vector<16xi32>], vector<16xf32>,
        %jit3A_668 = arith.constant 8 : i32
        %div3A_669 = vector.broadcast %jit3A_668 : i32 to vector<16xi32>
        %div3A_670 = arith.divsi %add3A_5, %div3A_669 : vector<16xi32>
        %sign3A_671 = arith.constant 0 : i32
        %sign3A_672 = vector.broadcast %sign3A_671 : i32 to vector<16xi32>
        %sign3A_673 = arith.cmpi sgt, %add3A_5, %sign3A_672 : vector<16xi32>
        %sign3A_674 = arith.extui %sign3A_673 : vector<16xi1> to vector<16xi32>
        %sign3A_675 = arith.constant 0 : i32
        %sign3A_676 = vector.broadcast %sign3A_675 : i32 to vector<16xi32>
        %sign3A_677 = arith.cmpi slt, %add3A_5, %sign3A_676 : vector<16xi32>
        %sign3A_678 = arith.extui %sign3A_677 : vector<16xi1> to vector<16xi32>
        %sign3A_679 = arith.subi %sign3A_674, %sign3A_678 : vector<16xi32>
        %sign3A_680 = arith.constant 0 : i32
        %sign3A_681 = arith.cmpi sgt, %jit3A_668, %sign3A_680 : i32
        %sign3A_682 = arith.extui %sign3A_681 : i1 to i32
        %sign3A_683 = arith.constant 0 : i32
        %sign3A_684 = arith.cmpi slt, %jit3A_668, %sign3A_683 : i32
        %sign3A_685 = arith.extui %sign3A_684 : i1 to i32
        %sign3A_686 = arith.subi %sign3A_682, %sign3A_685 : i32
        %ne3A_687 = vector.broadcast %sign3A_686 : i32 to vector<16xi32>
        %ne3A_688 = arith.cmpi ne, %sign3A_679, %ne3A_687 : vector<16xi32>
        %rem3A_689 = vector.broadcast %jit3A_668 : i32 to vector<16xi32>
        %rem3A_690 = arith.remsi %add3A_5, %rem3A_689 : vector<16xi32>
        %ne3A_691 = arith.constant 0 : i32
        %ne3A_692 = vector.broadcast %ne3A_691 : i32 to vector<16xi32>
        %ne3A_693 = arith.cmpi ne, %rem3A_690, %ne3A_692 : vector<16xi32>
        %and3A_694 = arith.andi %ne3A_688, %ne3A_693 : vector<16xi1>
        %sub3A_695 = arith.constant 1 : i32
        %sub3A_696 = vector.broadcast %sub3A_695 : i32 to vector<16xi32>
        %sub3A_697 = arith.subi %div3A_670, %sub3A_696 : vector<16xi32>
        %select_n3A_698 = arith.select %and3A_694, %sub3A_697, %div3A_670 : vector<16xi1>, vector<16xi32>
        %jit3A_699 = arith.constant 8 : i32
        %eq3A_700 = arith.constant 0 : i32
        %eq3A_701 = arith.cmpi eq, %jit3A_699, %eq3A_700 : i32
        %jit3A_702 = arith.constant 1 : i32
        %select_n3A_703 = arith.select %eq3A_701, %jit3A_702, %jit3A_699 : i32
        %rem3A_704 = vector.broadcast %select_n3A_703 : i32 to vector<16xi32>
        %rem3A_705 = arith.remsi %add3A_5, %rem3A_704 : vector<16xi32>
        %ne3A_706 = arith.constant 0 : i32
        %ne3A_707 = vector.broadcast %ne3A_706 : i32 to vector<16xi32>
        %ne3A_708 = arith.cmpi ne, %rem3A_705, %ne3A_707 : vector<16xi32>
        %lt3A_709 = arith.constant 0 : i32
        %lt3A_710 = vector.broadcast %lt3A_709 : i32 to vector<16xi32>
        %lt3A_711 = arith.cmpi slt, %rem3A_705, %lt3A_710 : vector<16xi32>
        %lt3A_712 = arith.constant 0 : i32
        %lt3A_713 = arith.cmpi slt, %select_n3A_703, %lt3A_712 : i32
        %ne3A_714 = vector.broadcast %lt3A_713 : i1 to vector<16xi1>
        %ne3A_715 = vector.broadcast %ne3A_714 : vector<16xi1> to vector<16xi1>
        %ne3A_716 = arith.xori %lt3A_711, %ne3A_715 : vector<16xi1>
        %and3A_717 = arith.andi %ne3A_716, %ne3A_708 : vector<16xi1>
        %add3A_718 = vector.broadcast %select_n3A_703 : i32 to vector<16xi32>
        %add3A_719 = arith.addi %rem3A_705, %add3A_718 : vector<16xi32>
        %select_n3A_720 = arith.select %and3A_717, %add3A_719, %rem3A_705 : vector<16xi1>, vector<16xi32>
        %scatter3A_721 = arith.constant 0 : i32
        %scatter3A_722 = arith.constant 0 : i32
        %scatter3A_723 = arith.constant 0 : i32
        %scatter3A_724 = arith.constant 0 : i32
        %scatter3A_725 = tpu.memref_slice %arg7[%scatter3A_721, %select_n3A_582, %scatter3A_722, %scatter3A_723, %scatter3A_724] : memref<2x4x4x8x129xf32, #tpu.memory_space<vmem>> -> memref<1x1x4x8x129xf32, #tpu.memory_space<vmem>>
        %scatter3A_726 = tpu.memref_squeeze %scatter3A_725 : memref<1x1x4x8x129xf32, #tpu.memory_space<vmem>> -> memref<4x8x129xf32, #tpu.memory_space<vmem>>
        tpu.vector_store_idx %scatter3A_726[%select_n3A_698, %select_n3A_720, %broadcast_in_dim3A], %get3A_609 : memref<4x8x129xf32, #tpu.memory_space<vmem>>[vector<16xi32>, vector<16xi32>, vector<16xi32>], vector<16xf32>,
      }
      %scan3A_225 = arith.constant 512 : i32
      %jit3A_226 = arith.constant 128 : i32
      %div3A_227 = arith.divsi %add3A_191, %jit3A_226 : i32
      %sign3A_228 = arith.constant 0 : i32
      %sign3A_229 = arith.cmpi sgt, %add3A_191, %sign3A_228 : i32
      %sign3A_230 = arith.extui %sign3A_229 : i1 to i32
      %sign3A_231 = arith.constant 0 : i32
      %sign3A_232 = arith.cmpi slt, %add3A_191, %sign3A_231 : i32
      %sign3A_233 = arith.extui %sign3A_232 : i1 to i32
      %sign3A_234 = arith.subi %sign3A_230, %sign3A_233 : i32
      %sign3A_235 = arith.constant 0 : i32
      %sign3A_236 = arith.cmpi sgt, %jit3A_226, %sign3A_235 : i32
      %sign3A_237 = arith.extui %sign3A_236 : i1 to i32
      %sign3A_238 = arith.constant 0 : i32
      %sign3A_239 = arith.cmpi slt, %jit3A_226, %sign3A_238 : i32
      %sign3A_240 = arith.extui %sign3A_239 : i1 to i32
      %sign3A_241 = arith.subi %sign3A_237, %sign3A_240 : i32
      %ne3A_242 = arith.cmpi ne, %sign3A_234, %sign3A_241 : i32
      %rem3A_243 = arith.remsi %add3A_191, %jit3A_226 : i32
      %ne3A_244 = arith.constant 0 : i32
      %ne3A_245 = arith.cmpi ne, %rem3A_243, %ne3A_244 : i32
      %and3A_246 = arith.andi %ne3A_242, %ne3A_245 : i1
      %sub3A_247 = arith.constant 1 : i32
      %sub3A_248 = arith.subi %div3A_227, %sub3A_247 : i32
      %select_n3A_249 = arith.select %and3A_246, %sub3A_248, %div3A_227 : i32
      %jit3A_250 = arith.constant 128 : i32
      %eq3A_251 = arith.constant 0 : i32
      %eq3A_252 = arith.cmpi eq, %jit3A_250, %eq3A_251 : i32
      %jit3A_253 = arith.constant 1 : i32
      %select_n3A_254 = arith.select %eq3A_252, %jit3A_253, %jit3A_250 : i32
      %rem3A_255 = arith.remsi %add3A_191, %select_n3A_254 : i32
      %ne3A_256 = arith.constant 0 : i32
      %ne3A_257 = arith.cmpi ne, %rem3A_255, %ne3A_256 : i32
      %lt3A_258 = arith.constant 0 : i32
      %lt3A_259 = arith.cmpi slt, %rem3A_255, %lt3A_258 : i32
      %lt3A_260 = arith.constant 0 : i32
      %lt3A_261 = arith.cmpi slt, %select_n3A_254, %lt3A_260 : i32
      %ne3A_262 = arith.xori %lt3A_259, %lt3A_261 : i1
      %and3A_263 = arith.andi %ne3A_262, %ne3A_257 : i1
      %add3A_264 = arith.addi %rem3A_255, %select_n3A_254 : i32
      %select_n3A_265 = arith.select %and3A_263, %add3A_264, %rem3A_255 : i32
      %mul3A_266 = arith.constant 8 : i32
      %mul3A_267 = arith.muli %select_n3A_249, %mul3A_266 : i32
      %add3A_268 = arith.constant 0 : i32
      %add3A_269 = arith.addi %mul3A_267, %add3A_268 : i32
      %dma_start3A_270 = arith.constant 0 : i32
      %dma_start3A_271 = arith.constant 0 : i32
      %dma_start3A_272 = arith.constant 0 : i32
      %dma_start3A_273 = arith.constant 0 : i32
      %dma_start3A_274 = arith.constant 0 : i32
      %dma_start3A_275 = tpu.memref_slice %arg7[%dma_start3A_270, %dma_start3A_271, %dma_start3A_272, %dma_start3A_273, %dma_start3A_274] : memref<2x4x4x8x129xf32, #tpu.memory_space<vmem>> -> memref<1x4x4x8x128xf32, #tpu.memory_space<vmem>>
      %dma_start3A_276 = tpu.memref_squeeze %dma_start3A_275 : memref<1x4x4x8x128xf32, #tpu.memory_space<vmem>> -> memref<4x4x8x128xf32, #tpu.memory_space<vmem>>
      %dma_start3A_277 = arith.constant 0 : i32
      %dma_start3A_278 = arith.constant 0 : i32
      %dma_start3A_279 = arith.constant 0 : i32
      %dma_start3A_280 = tpu.memref_slice %arg4[%add3A_269, %dma_start3A_277, %select_n3A_265, %dma_start3A_278, %dma_start3A_279] : memref<200x4x128x8x128xf32, #tpu.memory_space<hbm>> -> memref<4x4x1x8x128xf32, #tpu.memory_space<hbm>>
      %dma_start3A_281 = tpu.memref_squeeze %dma_start3A_280 : memref<4x4x1x8x128xf32, #tpu.memory_space<hbm>> -> memref<4x4x8x128xf32, #tpu.memory_space<hbm>>
      %dma_start3A_282 = arith.constant 0 : i32
      %dma_start3A_283 = arith.constant 0 : i32
      %dma_start3A_284 = arith.constant 0 : i32
      %dma_start3A_285 = tpu.memref_slice %arg4[%add3A_269, %dma_start3A_282, %select_n3A_265, %dma_start3A_283, %dma_start3A_284] : memref<200x4x128x8x128xf32, #tpu.memory_space<hbm>> -> memref<4x4x1x8x128xf32, #tpu.memory_space<hbm>>
      %dma_start3A_286 = tpu.memref_squeeze %dma_start3A_285 : memref<4x4x1x8x128xf32, #tpu.memory_space<hbm>> -> memref<4x4x8x128xf32, #tpu.memory_space<hbm>>
      %dma_start3A_287 = arith.constant 0 : i32
      %dma_start3A_288 = arith.constant 0 : i32
      %dma_start3A_289 = arith.constant 0 : i32
      %dma_start3A_290 = arith.constant 0 : i32
      %dma_start3A_291 = tpu.memref_slice %arg7[%dma_start3A_270, %dma_start3A_287, %dma_start3A_288, %dma_start3A_289, %dma_start3A_290] : memref<2x4x4x8x129xf32, #tpu.memory_space<vmem>> -> memref<1x4x4x8x128xf32, #tpu.memory_space<vmem>>
      %dma_start3A_292 = tpu.memref_squeeze %dma_start3A_291 : memref<1x4x4x8x128xf32, #tpu.memory_space<vmem>> -> memref<4x4x8x128xf32, #tpu.memory_space<vmem>>
      tpu.enqueue_dma source(%dma_start3A_292 : memref<4x4x8x128xf32, #tpu.memory_space<vmem>>) target(%dma_start3A_286 : memref<4x4x8x128xf32, #tpu.memory_space<hbm>>) target_semaphore(%arg12 : memref<!tpu.dma_semaphore, #tpu.memory_space<semaphore_mem>>)
      %gt3A_293 = arith.constant 0 : i32
      %gt3A_294 = arith.cmpi sgt, %mul3A_190, %gt3A_293 : i32
      %convert_element_type3A_295 = arith.extui %gt3A_294 : i1 to i32
      %cond3A_296 = arith.constant 0 : i32
      %cond3A_297 = arith.cmpi ne, %convert_element_type3A_295, %cond3A_296 : i32
      scf.if %cond3A_297 {
        %sub3A_558 = arith.constant 1 : i32
        %sub3A_559 = arith.subi %add3A_191, %sub3A_558 : i32
        %jit3A_560 = arith.constant 128 : i32
        %div3A_561 = arith.divsi %sub3A_559, %jit3A_560 : i32
        %sign3A_562 = arith.constant 0 : i32
        %sign3A_563 = arith.cmpi sgt, %sub3A_559, %sign3A_562 : i32
        %sign3A_564 = arith.extui %sign3A_563 : i1 to i32
        %sign3A_565 = arith.constant 0 : i32
        %sign3A_566 = arith.cmpi slt, %sub3A_559, %sign3A_565 : i32
        %sign3A_567 = arith.extui %sign3A_566 : i1 to i32
        %sign3A_568 = arith.subi %sign3A_564, %sign3A_567 : i32
        %sign3A_569 = arith.constant 0 : i32
        %sign3A_570 = arith.cmpi sgt, %jit3A_560, %sign3A_569 : i32
        %sign3A_571 = arith.extui %sign3A_570 : i1 to i32
        %sign3A_572 = arith.constant 0 : i32
        %sign3A_573 = arith.cmpi slt, %jit3A_560, %sign3A_572 : i32
        %sign3A_574 = arith.extui %sign3A_573 : i1 to i32
        %sign3A_575 = arith.subi %sign3A_571, %sign3A_574 : i32
        %ne3A_576 = arith.cmpi ne, %sign3A_568, %sign3A_575 : i32
        %rem3A_577 = arith.remsi %sub3A_559, %jit3A_560 : i32
        %ne3A_578 = arith.constant 0 : i32
        %ne3A_579 = arith.cmpi ne, %rem3A_577, %ne3A_578 : i32
        %and3A_580 = arith.andi %ne3A_576, %ne3A_579 : i1
        %sub3A_581 = arith.constant 1 : i32
        %sub3A_582 = arith.subi %div3A_561, %sub3A_581 : i32
        %select_n3A_583 = arith.select %and3A_580, %sub3A_582, %div3A_561 : i32
        %jit3A_584 = arith.constant 128 : i32
        %eq3A_585 = arith.constant 0 : i32
        %eq3A_586 = arith.cmpi eq, %jit3A_584, %eq3A_585 : i32
        %jit3A_587 = arith.constant 1 : i32
        %select_n3A_588 = arith.select %eq3A_586, %jit3A_587, %jit3A_584 : i32
        %rem3A_589 = arith.remsi %sub3A_559, %select_n3A_588 : i32
        %ne3A_590 = arith.constant 0 : i32
        %ne3A_591 = arith.cmpi ne, %rem3A_589, %ne3A_590 : i32
        %lt3A_592 = arith.constant 0 : i32
        %lt3A_593 = arith.cmpi slt, %rem3A_589, %lt3A_592 : i32
        %lt3A_594 = arith.constant 0 : i32
        %lt3A_595 = arith.cmpi slt, %select_n3A_588, %lt3A_594 : i32
        %ne3A_596 = arith.xori %lt3A_593, %lt3A_595 : i1
        %and3A_597 = arith.andi %ne3A_596, %ne3A_591 : i1
        %add3A_598 = arith.addi %rem3A_589, %select_n3A_588 : i32
        %select_n3A_599 = arith.select %and3A_597, %add3A_598, %rem3A_589 : i32
        %mul3A_600 = arith.constant 8 : i32
        %mul3A_601 = arith.muli %select_n3A_583, %mul3A_600 : i32
        %add3A_602 = arith.constant 4 : i32
        %add3A_603 = arith.addi %mul3A_601, %add3A_602 : i32
        %dma_wait3A_604 = arith.constant 1 : i32
        %dma_wait3A_605 = arith.constant 0 : i32
        %dma_wait3A_606 = arith.constant 0 : i32
        %dma_wait3A_607 = arith.constant 0 : i32
        %dma_wait3A_608 = arith.constant 0 : i32
        %dma_wait3A_609 = tpu.memref_slice %arg7[%dma_wait3A_604, %dma_wait3A_605, %dma_wait3A_606, %dma_wait3A_607, %dma_wait3A_608] : memref<2x4x4x8x129xf32, #tpu.memory_space<vmem>> -> memref<1x4x4x8x128xf32, #tpu.memory_space<vmem>>
        %dma_wait3A_610 = tpu.memref_squeeze %dma_wait3A_609 : memref<1x4x4x8x128xf32, #tpu.memory_space<vmem>> -> memref<4x4x8x128xf32, #tpu.memory_space<vmem>>
        %dma_wait3A_611 = arith.constant 0 : i32
        %dma_wait3A_612 = arith.constant 0 : i32
        %dma_wait3A_613 = arith.constant 0 : i32
        %dma_wait3A_614 = tpu.memref_slice %arg4[%add3A_603, %dma_wait3A_611, %select_n3A_599, %dma_wait3A_612, %dma_wait3A_613] : memref<200x4x128x8x128xf32, #tpu.memory_space<hbm>> -> memref<4x4x1x8x128xf32, #tpu.memory_space<hbm>>
        %dma_wait3A_615 = tpu.memref_squeeze %dma_wait3A_614 : memref<4x4x1x8x128xf32, #tpu.memory_space<hbm>> -> memref<4x4x8x128xf32, #tpu.memory_space<hbm>>
        %dma_wait3A_616 = arith.constant 0 : i32
        %dma_wait3A_617 = arith.constant 0 : i32
        %dma_wait3A_618 = arith.constant 0 : i32
        %dma_wait3A_619 = tpu.memref_slice %arg4[%add3A_603, %dma_wait3A_616, %select_n3A_599, %dma_wait3A_617, %dma_wait3A_618] : memref<200x4x128x8x128xf32, #tpu.memory_space<hbm>> -> memref<4x4x1x8x128xf32, #tpu.memory_space<hbm>>
        %dma_wait3A_620 = tpu.memref_squeeze %dma_wait3A_619 : memref<4x4x1x8x128xf32, #tpu.memory_space<hbm>> -> memref<4x4x8x128xf32, #tpu.memory_space<hbm>>
        %dma_wait3A_621 = arith.constant 0 : i32
        %dma_wait3A_622 = arith.constant 0 : i32
        %dma_wait3A_623 = arith.constant 0 : i32
        %dma_wait3A_624 = arith.constant 0 : i32
        %dma_wait3A_625 = tpu.memref_slice %arg7[%dma_wait3A_604, %dma_wait3A_621, %dma_wait3A_622, %dma_wait3A_623, %dma_wait3A_624] : memref<2x4x4x8x129xf32, #tpu.memory_space<vmem>> -> memref<1x4x4x8x128xf32, #tpu.memory_space<vmem>>
        %dma_wait3A_626 = tpu.memref_squeeze %dma_wait3A_625 : memref<1x4x4x8x128xf32, #tpu.memory_space<vmem>> -> memref<4x4x8x128xf32, #tpu.memory_space<vmem>>
        tpu.wait_dma2 semaphore(%arg13 : memref<!tpu.dma_semaphore, #tpu.memory_space<semaphore_mem>>) src(%dma_wait3A_626 : memref<4x4x8x128xf32, #tpu.memory_space<vmem>>) dst(%dma_wait3A_620 : memref<4x4x8x128xf32, #tpu.memory_space<hbm>>)
      } else {
      }
      %scan3A_298 = arith.constant 0 : i32
      %scan3A_299 = arith.constant 0 : i32
      %scan3A_300 = arith.constant 512 : i32
      %scan3A_301 = arith.addi %scan3A_299, %scan3A_300 : i32
      %scan3A_302 = arith.constant 1 : i32
      scf.for %scan3A_558 = %scan3A_299 to %scan3A_301 step %scan3A_302  : i32 {
        %jit3A_559 = arith.constant 128 : i32
        %div3A_560 = arith.divsi %scan3A_558, %jit3A_559 : i32
        %sign3A_561 = arith.constant 0 : i32
        %sign3A_562 = arith.cmpi sgt, %scan3A_558, %sign3A_561 : i32
        %sign3A_563 = arith.extui %sign3A_562 : i1 to i32
        %sign3A_564 = arith.constant 0 : i32
        %sign3A_565 = arith.cmpi slt, %scan3A_558, %sign3A_564 : i32
        %sign3A_566 = arith.extui %sign3A_565 : i1 to i32
        %sign3A_567 = arith.subi %sign3A_563, %sign3A_566 : i32
        %sign3A_568 = arith.constant 0 : i32
        %sign3A_569 = arith.cmpi sgt, %jit3A_559, %sign3A_568 : i32
        %sign3A_570 = arith.extui %sign3A_569 : i1 to i32
        %sign3A_571 = arith.constant 0 : i32
        %sign3A_572 = arith.cmpi slt, %jit3A_559, %sign3A_571 : i32
        %sign3A_573 = arith.extui %sign3A_572 : i1 to i32
        %sign3A_574 = arith.subi %sign3A_570, %sign3A_573 : i32
        %ne3A_575 = arith.cmpi ne, %sign3A_567, %sign3A_574 : i32
        %rem3A_576 = arith.remsi %scan3A_558, %jit3A_559 : i32
        %ne3A_577 = arith.constant 0 : i32
        %ne3A_578 = arith.cmpi ne, %rem3A_576, %ne3A_577 : i32
        %and3A_579 = arith.andi %ne3A_575, %ne3A_578 : i1
        %sub3A_580 = arith.constant 1 : i32
        %sub3A_581 = arith.subi %div3A_560, %sub3A_580 : i32
        %select_n3A_582 = arith.select %and3A_579, %sub3A_581, %div3A_560 : i32
        %jit3A_583 = arith.constant 128 : i32
        %eq3A_584 = arith.constant 0 : i32
        %eq3A_585 = arith.cmpi eq, %jit3A_583, %eq3A_584 : i32
        %jit3A_586 = arith.constant 1 : i32
        %select_n3A_587 = arith.select %eq3A_585, %jit3A_586, %jit3A_583 : i32
        %rem3A_588 = arith.remsi %scan3A_558, %select_n3A_587 : i32
        %ne3A_589 = arith.constant 0 : i32
        %ne3A_590 = arith.cmpi ne, %rem3A_588, %ne3A_589 : i32
        %lt3A_591 = arith.constant 0 : i32
        %lt3A_592 = arith.cmpi slt, %rem3A_588, %lt3A_591 : i32
        %lt3A_593 = arith.constant 0 : i32
        %lt3A_594 = arith.cmpi slt, %select_n3A_587, %lt3A_593 : i32
        %ne3A_595 = arith.xori %lt3A_592, %lt3A_594 : i1
        %and3A_596 = arith.andi %ne3A_595, %ne3A_590 : i1
        %add3A_597 = arith.addi %rem3A_588, %select_n3A_587 : i32
        %select_n3A_598 = arith.select %and3A_596, %add3A_597, %rem3A_588 : i32
        %add3A_599 = arith.constant 512 : i32
        %add3A_600 = arith.addi %add3A_599, %scan3A_558 : i32
        %broadcast_in_dim3A = vector.broadcast %select_n3A_598 : i32 to vector<16xi32>
        %get3A = arith.constant 0 : i32
        %get3A_601 = arith.index_cast %get3A : i32 to index
        %get3A_602 = arith.index_cast %add3A_600 : i32 to index
        %get3A_603 = arith.constant 0 : index
        %get3A_604 = tpu.vector_load %arg6[%get3A_601, %get3A_602, %get3A_603] {strides = array<i32>} : memref<2x1024x32xf32, #tpu.memory_space<vmem>>, vector<16xf32>,
        %get3A_605 = arith.constant 0 : i32
        %get3A_606 = arith.index_cast %get3A_605 : i32 to index
        %get3A_607 = arith.index_cast %add3A_600 : i32 to index
        %get3A_608 = arith.constant 16 : index
        %get3A_609 = tpu.vector_load %arg6[%get3A_606, %get3A_607, %get3A_608] {strides = array<i32>} : memref<2x1024x32xf32, #tpu.memory_space<vmem>>, vector<16xf32>,
        %jit3A_610 = arith.constant 8 : i32
        %div3A_611 = vector.broadcast %jit3A_610 : i32 to vector<16xi32>
        %div3A_612 = arith.divsi %iota3A, %div3A_611 : vector<16xi32>
        %sign3A_613 = arith.constant 0 : i32
        %sign3A_614 = vector.broadcast %sign3A_613 : i32 to vector<16xi32>
        %sign3A_615 = arith.cmpi sgt, %iota3A, %sign3A_614 : vector<16xi32>
        %sign3A_616 = arith.extui %sign3A_615 : vector<16xi1> to vector<16xi32>
        %sign3A_617 = arith.constant 0 : i32
        %sign3A_618 = vector.broadcast %sign3A_617 : i32 to vector<16xi32>
        %sign3A_619 = arith.cmpi slt, %iota3A, %sign3A_618 : vector<16xi32>
        %sign3A_620 = arith.extui %sign3A_619 : vector<16xi1> to vector<16xi32>
        %sign3A_621 = arith.subi %sign3A_616, %sign3A_620 : vector<16xi32>
        %sign3A_622 = arith.constant 0 : i32
        %sign3A_623 = arith.cmpi sgt, %jit3A_610, %sign3A_622 : i32
        %sign3A_624 = arith.extui %sign3A_623 : i1 to i32
        %sign3A_625 = arith.constant 0 : i32
        %sign3A_626 = arith.cmpi slt, %jit3A_610, %sign3A_625 : i32
        %sign3A_627 = arith.extui %sign3A_626 : i1 to i32
        %sign3A_628 = arith.subi %sign3A_624, %sign3A_627 : i32
        %ne3A_629 = vector.broadcast %sign3A_628 : i32 to vector<16xi32>
        %ne3A_630 = arith.cmpi ne, %sign3A_621, %ne3A_629 : vector<16xi32>
        %rem3A_631 = vector.broadcast %jit3A_610 : i32 to vector<16xi32>
        %rem3A_632 = arith.remsi %iota3A, %rem3A_631 : vector<16xi32>
        %ne3A_633 = arith.constant 0 : i32
        %ne3A_634 = vector.broadcast %ne3A_633 : i32 to vector<16xi32>
        %ne3A_635 = arith.cmpi ne, %rem3A_632, %ne3A_634 : vector<16xi32>
        %and3A_636 = arith.andi %ne3A_630, %ne3A_635 : vector<16xi1>
        %sub3A_637 = arith.constant 1 : i32
        %sub3A_638 = vector.broadcast %sub3A_637 : i32 to vector<16xi32>
        %sub3A_639 = arith.subi %div3A_612, %sub3A_638 : vector<16xi32>
        %select_n3A_640 = arith.select %and3A_636, %sub3A_639, %div3A_612 : vector<16xi1>, vector<16xi32>
        %jit3A_641 = arith.constant 8 : i32
        %eq3A_642 = arith.constant 0 : i32
        %eq3A_643 = arith.cmpi eq, %jit3A_641, %eq3A_642 : i32
        %jit3A_644 = arith.constant 1 : i32
        %select_n3A_645 = arith.select %eq3A_643, %jit3A_644, %jit3A_641 : i32
        %rem3A_646 = vector.broadcast %select_n3A_645 : i32 to vector<16xi32>
        %rem3A_647 = arith.remsi %iota3A, %rem3A_646 : vector<16xi32>
        %ne3A_648 = arith.constant 0 : i32
        %ne3A_649 = vector.broadcast %ne3A_648 : i32 to vector<16xi32>
        %ne3A_650 = arith.cmpi ne, %rem3A_647, %ne3A_649 : vector<16xi32>
        %lt3A_651 = arith.constant 0 : i32
        %lt3A_652 = vector.broadcast %lt3A_651 : i32 to vector<16xi32>
        %lt3A_653 = arith.cmpi slt, %rem3A_647, %lt3A_652 : vector<16xi32>
        %lt3A_654 = arith.constant 0 : i32
        %lt3A_655 = arith.cmpi slt, %select_n3A_645, %lt3A_654 : i32
        %ne3A_656 = vector.broadcast %lt3A_655 : i1 to vector<16xi1>
        %ne3A_657 = vector.broadcast %ne3A_656 : vector<16xi1> to vector<16xi1>
        %ne3A_658 = arith.xori %lt3A_653, %ne3A_657 : vector<16xi1>
        %and3A_659 = arith.andi %ne3A_658, %ne3A_650 : vector<16xi1>
        %add3A_660 = vector.broadcast %select_n3A_645 : i32 to vector<16xi32>
        %add3A_661 = arith.addi %rem3A_647, %add3A_660 : vector<16xi32>
        %select_n3A_662 = arith.select %and3A_659, %add3A_661, %rem3A_647 : vector<16xi1>, vector<16xi32>
        %scatter3A = arith.constant 1 : i32
        %scatter3A_663 = arith.constant 0 : i32
        %scatter3A_664 = arith.constant 0 : i32
        %scatter3A_665 = arith.constant 0 : i32
        %scatter3A_666 = tpu.memref_slice %arg7[%scatter3A, %select_n3A_582, %scatter3A_663, %scatter3A_664, %scatter3A_665] : memref<2x4x4x8x129xf32, #tpu.memory_space<vmem>> -> memref<1x1x4x8x129xf32, #tpu.memory_space<vmem>>
        %scatter3A_667 = tpu.memref_squeeze %scatter3A_666 : memref<1x1x4x8x129xf32, #tpu.memory_space<vmem>> -> memref<4x8x129xf32, #tpu.memory_space<vmem>>
        tpu.vector_store_idx %scatter3A_667[%select_n3A_640, %select_n3A_662, %broadcast_in_dim3A], %get3A_604 : memref<4x8x129xf32, #tpu.memory_space<vmem>>[vector<16xi32>, vector<16xi32>, vector<16xi32>], vector<16xf32>,
        %jit3A_668 = arith.constant 8 : i32
        %div3A_669 = vector.broadcast %jit3A_668 : i32 to vector<16xi32>
        %div3A_670 = arith.divsi %add3A_5, %div3A_669 : vector<16xi32>
        %sign3A_671 = arith.constant 0 : i32
        %sign3A_672 = vector.broadcast %sign3A_671 : i32 to vector<16xi32>
        %sign3A_673 = arith.cmpi sgt, %add3A_5, %sign3A_672 : vector<16xi32>
        %sign3A_674 = arith.extui %sign3A_673 : vector<16xi1> to vector<16xi32>
        %sign3A_675 = arith.constant 0 : i32
        %sign3A_676 = vector.broadcast %sign3A_675 : i32 to vector<16xi32>
        %sign3A_677 = arith.cmpi slt, %add3A_5, %sign3A_676 : vector<16xi32>
        %sign3A_678 = arith.extui %sign3A_677 : vector<16xi1> to vector<16xi32>
        %sign3A_679 = arith.subi %sign3A_674, %sign3A_678 : vector<16xi32>
        %sign3A_680 = arith.constant 0 : i32
        %sign3A_681 = arith.cmpi sgt, %jit3A_668, %sign3A_680 : i32
        %sign3A_682 = arith.extui %sign3A_681 : i1 to i32
        %sign3A_683 = arith.constant 0 : i32
        %sign3A_684 = arith.cmpi slt, %jit3A_668, %sign3A_683 : i32
        %sign3A_685 = arith.extui %sign3A_684 : i1 to i32
        %sign3A_686 = arith.subi %sign3A_682, %sign3A_685 : i32
        %ne3A_687 = vector.broadcast %sign3A_686 : i32 to vector<16xi32>
        %ne3A_688 = arith.cmpi ne, %sign3A_679, %ne3A_687 : vector<16xi32>
        %rem3A_689 = vector.broadcast %jit3A_668 : i32 to vector<16xi32>
        %rem3A_690 = arith.remsi %add3A_5, %rem3A_689 : vector<16xi32>
        %ne3A_691 = arith.constant 0 : i32
        %ne3A_692 = vector.broadcast %ne3A_691 : i32 to vector<16xi32>
        %ne3A_693 = arith.cmpi ne, %rem3A_690, %ne3A_692 : vector<16xi32>
        %and3A_694 = arith.andi %ne3A_688, %ne3A_693 : vector<16xi1>
        %sub3A_695 = arith.constant 1 : i32
        %sub3A_696 = vector.broadcast %sub3A_695 : i32 to vector<16xi32>
        %sub3A_697 = arith.subi %div3A_670, %sub3A_696 : vector<16xi32>
        %select_n3A_698 = arith.select %and3A_694, %sub3A_697, %div3A_670 : vector<16xi1>, vector<16xi32>
        %jit3A_699 = arith.constant 8 : i32
        %eq3A_700 = arith.constant 0 : i32
        %eq3A_701 = arith.cmpi eq, %jit3A_699, %eq3A_700 : i32
        %jit3A_702 = arith.constant 1 : i32
        %select_n3A_703 = arith.select %eq3A_701, %jit3A_702, %jit3A_699 : i32
        %rem3A_704 = vector.broadcast %select_n3A_703 : i32 to vector<16xi32>
        %rem3A_705 = arith.remsi %add3A_5, %rem3A_704 : vector<16xi32>
        %ne3A_706 = arith.constant 0 : i32
        %ne3A_707 = vector.broadcast %ne3A_706 : i32 to vector<16xi32>
        %ne3A_708 = arith.cmpi ne, %rem3A_705, %ne3A_707 : vector<16xi32>
        %lt3A_709 = arith.constant 0 : i32
        %lt3A_710 = vector.broadcast %lt3A_709 : i32 to vector<16xi32>
        %lt3A_711 = arith.cmpi slt, %rem3A_705, %lt3A_710 : vector<16xi32>
        %lt3A_712 = arith.constant 0 : i32
        %lt3A_713 = arith.cmpi slt, %select_n3A_703, %lt3A_712 : i32
        %ne3A_714 = vector.broadcast %lt3A_713 : i1 to vector<16xi1>
        %ne3A_715 = vector.broadcast %ne3A_714 : vector<16xi1> to vector<16xi1>
        %ne3A_716 = arith.xori %lt3A_711, %ne3A_715 : vector<16xi1>
        %and3A_717 = arith.andi %ne3A_716, %ne3A_708 : vector<16xi1>
        %add3A_718 = vector.broadcast %select_n3A_703 : i32 to vector<16xi32>
        %add3A_719 = arith.addi %rem3A_705, %add3A_718 : vector<16xi32>
        %select_n3A_720 = arith.select %and3A_717, %add3A_719, %rem3A_705 : vector<16xi1>, vector<16xi32>
        %scatter3A_721 = arith.constant 1 : i32
        %scatter3A_722 = arith.constant 0 : i32
        %scatter3A_723 = arith.constant 0 : i32
        %scatter3A_724 = arith.constant 0 : i32
        %scatter3A_725 = tpu.memref_slice %arg7[%scatter3A_721, %select_n3A_582, %scatter3A_722, %scatter3A_723, %scatter3A_724] : memref<2x4x4x8x129xf32, #tpu.memory_space<vmem>> -> memref<1x1x4x8x129xf32, #tpu.memory_space<vmem>>
        %scatter3A_726 = tpu.memref_squeeze %scatter3A_725 : memref<1x1x4x8x129xf32, #tpu.memory_space<vmem>> -> memref<4x8x129xf32, #tpu.memory_space<vmem>>
        tpu.vector_store_idx %scatter3A_726[%select_n3A_698, %select_n3A_720, %broadcast_in_dim3A], %get3A_609 : memref<4x8x129xf32, #tpu.memory_space<vmem>>[vector<16xi32>, vector<16xi32>, vector<16xi32>], vector<16xf32>,
      }
      %scan3A_303 = arith.constant 512 : i32
      %jit3A_304 = arith.constant 128 : i32
      %div3A_305 = arith.divsi %add3A_191, %jit3A_304 : i32
      %sign3A_306 = arith.constant 0 : i32
      %sign3A_307 = arith.cmpi sgt, %add3A_191, %sign3A_306 : i32
      %sign3A_308 = arith.extui %sign3A_307 : i1 to i32
      %sign3A_309 = arith.constant 0 : i32
      %sign3A_310 = arith.cmpi slt, %add3A_191, %sign3A_309 : i32
      %sign3A_311 = arith.extui %sign3A_310 : i1 to i32
      %sign3A_312 = arith.subi %sign3A_308, %sign3A_311 : i32
      %sign3A_313 = arith.constant 0 : i32
      %sign3A_314 = arith.cmpi sgt, %jit3A_304, %sign3A_313 : i32
      %sign3A_315 = arith.extui %sign3A_314 : i1 to i32
      %sign3A_316 = arith.constant 0 : i32
      %sign3A_317 = arith.cmpi slt, %jit3A_304, %sign3A_316 : i32
      %sign3A_318 = arith.extui %sign3A_317 : i1 to i32
      %sign3A_319 = arith.subi %sign3A_315, %sign3A_318 : i32
      %ne3A_320 = arith.cmpi ne, %sign3A_312, %sign3A_319 : i32
      %rem3A_321 = arith.remsi %add3A_191, %jit3A_304 : i32
      %ne3A_322 = arith.constant 0 : i32
      %ne3A_323 = arith.cmpi ne, %rem3A_321, %ne3A_322 : i32
      %and3A_324 = arith.andi %ne3A_320, %ne3A_323 : i1
      %sub3A_325 = arith.constant 1 : i32
      %sub3A_326 = arith.subi %div3A_305, %sub3A_325 : i32
      %select_n3A_327 = arith.select %and3A_324, %sub3A_326, %div3A_305 : i32
      %jit3A_328 = arith.constant 128 : i32
      %eq3A_329 = arith.constant 0 : i32
      %eq3A_330 = arith.cmpi eq, %jit3A_328, %eq3A_329 : i32
      %jit3A_331 = arith.constant 1 : i32
      %select_n3A_332 = arith.select %eq3A_330, %jit3A_331, %jit3A_328 : i32
      %rem3A_333 = arith.remsi %add3A_191, %select_n3A_332 : i32
      %ne3A_334 = arith.constant 0 : i32
      %ne3A_335 = arith.cmpi ne, %rem3A_333, %ne3A_334 : i32
      %lt3A_336 = arith.constant 0 : i32
      %lt3A_337 = arith.cmpi slt, %rem3A_333, %lt3A_336 : i32
      %lt3A_338 = arith.constant 0 : i32
      %lt3A_339 = arith.cmpi slt, %select_n3A_332, %lt3A_338 : i32
      %ne3A_340 = arith.xori %lt3A_337, %lt3A_339 : i1
      %and3A_341 = arith.andi %ne3A_340, %ne3A_335 : i1
      %add3A_342 = arith.addi %rem3A_333, %select_n3A_332 : i32
      %select_n3A_343 = arith.select %and3A_341, %add3A_342, %rem3A_333 : i32
      %mul3A_344 = arith.constant 8 : i32
      %mul3A_345 = arith.muli %select_n3A_327, %mul3A_344 : i32
      %add3A_346 = arith.constant 4 : i32
      %add3A_347 = arith.addi %mul3A_345, %add3A_346 : i32
      %dma_start3A_348 = arith.constant 1 : i32
      %dma_start3A_349 = arith.constant 0 : i32
      %dma_start3A_350 = arith.constant 0 : i32
      %dma_start3A_351 = arith.constant 0 : i32
      %dma_start3A_352 = arith.constant 0 : i32
      %dma_start3A_353 = tpu.memref_slice %arg7[%dma_start3A_348, %dma_start3A_349, %dma_start3A_350, %dma_start3A_351, %dma_start3A_352] : memref<2x4x4x8x129xf32, #tpu.memory_space<vmem>> -> memref<1x4x4x8x128xf32, #tpu.memory_space<vmem>>
      %dma_start3A_354 = tpu.memref_squeeze %dma_start3A_353 : memref<1x4x4x8x128xf32, #tpu.memory_space<vmem>> -> memref<4x4x8x128xf32, #tpu.memory_space<vmem>>
      %dma_start3A_355 = arith.constant 0 : i32
      %dma_start3A_356 = arith.constant 0 : i32
      %dma_start3A_357 = arith.constant 0 : i32
      %dma_start3A_358 = tpu.memref_slice %arg4[%add3A_347, %dma_start3A_355, %select_n3A_343, %dma_start3A_356, %dma_start3A_357] : memref<200x4x128x8x128xf32, #tpu.memory_space<hbm>> -> memref<4x4x1x8x128xf32, #tpu.memory_space<hbm>>
      %dma_start3A_359 = tpu.memref_squeeze %dma_start3A_358 : memref<4x4x1x8x128xf32, #tpu.memory_space<hbm>> -> memref<4x4x8x128xf32, #tpu.memory_space<hbm>>
      %dma_start3A_360 = arith.constant 0 : i32
      %dma_start3A_361 = arith.constant 0 : i32
      %dma_start3A_362 = arith.constant 0 : i32
      %dma_start3A_363 = tpu.memref_slice %arg4[%add3A_347, %dma_start3A_360, %select_n3A_343, %dma_start3A_361, %dma_start3A_362] : memref<200x4x128x8x128xf32, #tpu.memory_space<hbm>> -> memref<4x4x1x8x128xf32, #tpu.memory_space<hbm>>
      %dma_start3A_364 = tpu.memref_squeeze %dma_start3A_363 : memref<4x4x1x8x128xf32, #tpu.memory_space<hbm>> -> memref<4x4x8x128xf32, #tpu.memory_space<hbm>>
      %dma_start3A_365 = arith.constant 0 : i32
      %dma_start3A_366 = arith.constant 0 : i32
      %dma_start3A_367 = arith.constant 0 : i32
      %dma_start3A_368 = arith.constant 0 : i32
      %dma_start3A_369 = tpu.memref_slice %arg7[%dma_start3A_348, %dma_start3A_365, %dma_start3A_366, %dma_start3A_367, %dma_start3A_368] : memref<2x4x4x8x129xf32, #tpu.memory_space<vmem>> -> memref<1x4x4x8x128xf32, #tpu.memory_space<vmem>>
      %dma_start3A_370 = tpu.memref_squeeze %dma_start3A_369 : memref<1x4x4x8x128xf32, #tpu.memory_space<vmem>> -> memref<4x4x8x128xf32, #tpu.memory_space<vmem>>
      tpu.enqueue_dma source(%dma_start3A_370 : memref<4x4x8x128xf32, #tpu.memory_space<vmem>>) target(%dma_start3A_364 : memref<4x4x8x128xf32, #tpu.memory_space<hbm>>) target_semaphore(%arg13 : memref<!tpu.dma_semaphore, #tpu.memory_space<semaphore_mem>>)
      %mul3A_371 = arith.constant 2 : i32
      %mul3A_372 = arith.muli %scan3A_188, %mul3A_371 : i32
      %add3A_373 = arith.constant 1 : i32
      %add3A_374 = arith.addi %mul3A_372, %add3A_373 : i32
      %add3A_375 = arith.addi %mul3A_2, %add3A_374 : i32
      %dma_wait3A_376 = arith.constant 1 : i32
      %dma_wait3A_377 = arith.constant 1 : i32
      %dma_wait3A_378 = arith.constant 0 : i32
      %dma_wait3A_379 = arith.constant 0 : i32
      %dma_wait3A_380 = tpu.memref_slice %arg6[%dma_wait3A_377, %dma_wait3A_378, %dma_wait3A_379] : memref<2x1024x32xf32, #tpu.memory_space<vmem>> -> memref<1x1024x32xf32, #tpu.memory_space<vmem>>
      %dma_wait3A_381 = tpu.memref_squeeze %dma_wait3A_380 : memref<1x1024x32xf32, #tpu.memory_space<vmem>> -> memref<1024x32xf32, #tpu.memory_space<vmem>>
      %dma_wait3A_382 = arith.constant 0 : i32
      %dma_wait3A_383 = tpu.memref_slice %arg5[%dma_wait3A_376, %dma_wait3A_382] : memref<2x1024xi32, #tpu.memory_space<vmem>> -> memref<1x1024xi32, #tpu.memory_space<vmem>>
      %dma_wait3A_384 = tpu.memref_squeeze %dma_wait3A_383 : memref<1x1024xi32, #tpu.memory_space<vmem>> -> memref<1024xi32, #tpu.memory_space<vmem>>
      %dma_wait3A_385 = arith.constant 0 : i32
      %dma_wait3A_386 = arith.constant 0 : i32
      %dma_wait3A_387 = tpu.memref_slice %arg3[%dma_wait3A_385, %dma_wait3A_386] : memref<1000000x32xf32, #tpu.memory_space<hbm>> -> memref<1000000x32xf32, #tpu.memory_space<hbm>>
      tpu.wait_indirect_dma semaphore(%arg11 : memref<!tpu.dma_semaphore, #tpu.memory_space<semaphore_mem>>) src(%dma_wait3A_387 : memref<1000000x32xf32, #tpu.memory_space<hbm>>) dst(%dma_wait3A_381 : memref<1024x32xf32, #tpu.memory_space<vmem>>)
      %add3A_388 = arith.constant 1 : i32
      %add3A_389 = arith.addi %add3A_374, %add3A_388 : i32
      %lt3A_390 = arith.constant 100 : i32
      %lt3A_391 = arith.cmpi slt, %add3A_389, %lt3A_390 : i32
      %convert_element_type3A_392 = arith.extui %lt3A_391 : i1 to i32
      %cond3A_393 = arith.constant 0 : i32
      %cond3A_394 = arith.cmpi ne, %convert_element_type3A_392, %cond3A_393 : i32
      scf.if %cond3A_394 {
        %add3A_558 = arith.constant 1 : i32
        %add3A_559 = arith.addi %add3A_375, %add3A_558 : i32
        %mul3A_560 = arith.constant 1024 : i32
        %mul3A_561 = arith.muli %add3A_559, %mul3A_560 : i32
        %dma_wait3A_562 = arith.constant 0 : i32
        %dma_wait3A_563 = arith.constant 0 : i32
        %dma_wait3A_564 = tpu.memref_slice %arg5[%dma_wait3A_562, %dma_wait3A_563] : memref<2x1024xi32, #tpu.memory_space<vmem>> -> memref<1x1024xi32, #tpu.memory_space<vmem>>
        %dma_wait3A_565 = tpu.memref_squeeze %dma_wait3A_564 : memref<1x1024xi32, #tpu.memory_space<vmem>> -> memref<1024xi32, #tpu.memory_space<vmem>>
        %dma_wait3A_566 = tpu.memref_slice %arg2[%mul3A_561] : memref<3276800xi32, #tpu.memory_space<hbm>> -> memref<1024xi32, #tpu.memory_space<hbm>>
        %dma_wait3A_567 = arith.constant 0 : i32
        %dma_wait3A_568 = tpu.memref_slice %arg5[%dma_wait3A_562, %dma_wait3A_567] : memref<2x1024xi32, #tpu.memory_space<vmem>> -> memref<1x1024xi32, #tpu.memory_space<vmem>>
        %dma_wait3A_569 = tpu.memref_squeeze %dma_wait3A_568 : memref<1x1024xi32, #tpu.memory_space<vmem>> -> memref<1024xi32, #tpu.memory_space<vmem>>
        %dma_wait3A_570 = tpu.memref_slice %arg2[%mul3A_561] : memref<3276800xi32, #tpu.memory_space<hbm>> -> memref<1024xi32, #tpu.memory_space<hbm>>
        tpu.wait_dma2 semaphore(%arg8 : memref<!tpu.dma_semaphore, #tpu.memory_space<semaphore_mem>>) src(%dma_wait3A_570 : memref<1024xi32, #tpu.memory_space<hbm>>) dst(%dma_wait3A_569 : memref<1024xi32, #tpu.memory_space<vmem>>)
        %dma_start3A_571 = arith.constant 0 : i32
        %dma_start3A_572 = arith.constant 0 : i32
        %dma_start3A_573 = arith.constant 0 : i32
        %dma_start3A_574 = arith.constant 0 : i32
        %dma_start3A_575 = tpu.memref_slice %arg6[%dma_start3A_572, %dma_start3A_573, %dma_start3A_574] : memref<2x1024x32xf32, #tpu.memory_space<vmem>> -> memref<1x1024x32xf32, #tpu.memory_space<vmem>>
        %dma_start3A_576 = tpu.memref_squeeze %dma_start3A_575 : memref<1x1024x32xf32, #tpu.memory_space<vmem>> -> memref<1024x32xf32, #tpu.memory_space<vmem>>
        %dma_start3A_577 = arith.constant 0 : i32
        %dma_start3A_578 = tpu.memref_slice %arg5[%dma_start3A_571, %dma_start3A_577] : memref<2x1024xi32, #tpu.memory_space<vmem>> -> memref<1x1024xi32, #tpu.memory_space<vmem>>
        %dma_start3A_579 = tpu.memref_squeeze %dma_start3A_578 : memref<1x1024xi32, #tpu.memory_space<vmem>> -> memref<1024xi32, #tpu.memory_space<vmem>>
        %dma_start3A_580 = arith.constant 0 : i32
        %dma_start3A_581 = arith.constant 0 : i32
        %dma_start3A_582 = tpu.memref_slice %arg3[%dma_start3A_580, %dma_start3A_581] : memref<1000000x32xf32, #tpu.memory_space<hbm>> -> memref<1000000x32xf32, #tpu.memory_space<hbm>>
        tpu.enqueue_indirect_dma source(%dma_start3A_582 : memref<1000000x32xf32, #tpu.memory_space<hbm>>) target(%dma_start3A_576 : memref<1024x32xf32, #tpu.memory_space<vmem>>) offsets(%dma_start3A_579 : memref<1024xi32, #tpu.memory_space<vmem>>) semaphore(%arg10 : memref<!tpu.dma_semaphore, #tpu.memory_space<semaphore_mem>>)
      } else {
      }
      %add3A_395 = arith.constant 2 : i32
      %add3A_396 = arith.addi %add3A_374, %add3A_395 : i32
      %lt3A_397 = arith.constant 100 : i32
      %lt3A_398 = arith.cmpi slt, %add3A_396, %lt3A_397 : i32
      %convert_element_type3A_399 = arith.extui %lt3A_398 : i1 to i32
      %cond3A_400 = arith.constant 0 : i32
      %cond3A_401 = arith.cmpi ne, %convert_element_type3A_399, %cond3A_400 : i32
      scf.if %cond3A_401 {
        %add3A_558 = arith.constant 2 : i32
        %add3A_559 = arith.addi %add3A_375, %add3A_558 : i32
        %mul3A_560 = arith.constant 1024 : i32
        %mul3A_561 = arith.muli %add3A_559, %mul3A_560 : i32
        %dma_start3A_562 = arith.constant 1 : i32
        %dma_start3A_563 = arith.constant 0 : i32
        %dma_start3A_564 = tpu.memref_slice %arg5[%dma_start3A_562, %dma_start3A_563] : memref<2x1024xi32, #tpu.memory_space<vmem>> -> memref<1x1024xi32, #tpu.memory_space<vmem>>
        %dma_start3A_565 = tpu.memref_squeeze %dma_start3A_564 : memref<1x1024xi32, #tpu.memory_space<vmem>> -> memref<1024xi32, #tpu.memory_space<vmem>>
        %dma_start3A_566 = tpu.memref_slice %arg2[%mul3A_561] : memref<3276800xi32, #tpu.memory_space<hbm>> -> memref<1024xi32, #tpu.memory_space<hbm>>
        %dma_start3A_567 = arith.constant 0 : i32
        %dma_start3A_568 = tpu.memref_slice %arg5[%dma_start3A_562, %dma_start3A_567] : memref<2x1024xi32, #tpu.memory_space<vmem>> -> memref<1x1024xi32, #tpu.memory_space<vmem>>
        %dma_start3A_569 = tpu.memref_squeeze %dma_start3A_568 : memref<1x1024xi32, #tpu.memory_space<vmem>> -> memref<1024xi32, #tpu.memory_space<vmem>>
        %dma_start3A_570 = tpu.memref_slice %arg2[%mul3A_561] : memref<3276800xi32, #tpu.memory_space<hbm>> -> memref<1024xi32, #tpu.memory_space<hbm>>
        tpu.enqueue_dma source(%dma_start3A_570 : memref<1024xi32, #tpu.memory_space<hbm>>) target(%dma_start3A_569 : memref<1024xi32, #tpu.memory_space<vmem>>) target_semaphore(%arg9 : memref<!tpu.dma_semaphore, #tpu.memory_space<semaphore_mem>>)
      } else {
      }
      %gt3A_402 = arith.constant 0 : i32
      %gt3A_403 = arith.cmpi sgt, %add3A_374, %gt3A_402 : i32
      %convert_element_type3A_404 = arith.extui %gt3A_403 : i1 to i32
      %cond3A_405 = arith.constant 0 : i32
      %cond3A_406 = arith.cmpi ne, %convert_element_type3A_404, %cond3A_405 : i32
      scf.if %cond3A_406 {
        %sub3A_558 = arith.constant 1 : i32
        %sub3A_559 = arith.subi %add3A_375, %sub3A_558 : i32
        %jit3A_560 = arith.constant 128 : i32
        %div3A_561 = arith.divsi %sub3A_559, %jit3A_560 : i32
        %sign3A_562 = arith.constant 0 : i32
        %sign3A_563 = arith.cmpi sgt, %sub3A_559, %sign3A_562 : i32
        %sign3A_564 = arith.extui %sign3A_563 : i1 to i32
        %sign3A_565 = arith.constant 0 : i32
        %sign3A_566 = arith.cmpi slt, %sub3A_559, %sign3A_565 : i32
        %sign3A_567 = arith.extui %sign3A_566 : i1 to i32
        %sign3A_568 = arith.subi %sign3A_564, %sign3A_567 : i32
        %sign3A_569 = arith.constant 0 : i32
        %sign3A_570 = arith.cmpi sgt, %jit3A_560, %sign3A_569 : i32
        %sign3A_571 = arith.extui %sign3A_570 : i1 to i32
        %sign3A_572 = arith.constant 0 : i32
        %sign3A_573 = arith.cmpi slt, %jit3A_560, %sign3A_572 : i32
        %sign3A_574 = arith.extui %sign3A_573 : i1 to i32
        %sign3A_575 = arith.subi %sign3A_571, %sign3A_574 : i32
        %ne3A_576 = arith.cmpi ne, %sign3A_568, %sign3A_575 : i32
        %rem3A_577 = arith.remsi %sub3A_559, %jit3A_560 : i32
        %ne3A_578 = arith.constant 0 : i32
        %ne3A_579 = arith.cmpi ne, %rem3A_577, %ne3A_578 : i32
        %and3A_580 = arith.andi %ne3A_576, %ne3A_579 : i1
        %sub3A_581 = arith.constant 1 : i32
        %sub3A_582 = arith.subi %div3A_561, %sub3A_581 : i32
        %select_n3A_583 = arith.select %and3A_580, %sub3A_582, %div3A_561 : i32
        %jit3A_584 = arith.constant 128 : i32
        %eq3A_585 = arith.constant 0 : i32
        %eq3A_586 = arith.cmpi eq, %jit3A_584, %eq3A_585 : i32
        %jit3A_587 = arith.constant 1 : i32
        %select_n3A_588 = arith.select %eq3A_586, %jit3A_587, %jit3A_584 : i32
        %rem3A_589 = arith.remsi %sub3A_559, %select_n3A_588 : i32
        %ne3A_590 = arith.constant 0 : i32
        %ne3A_591 = arith.cmpi ne, %rem3A_589, %ne3A_590 : i32
        %lt3A_592 = arith.constant 0 : i32
        %lt3A_593 = arith.cmpi slt, %rem3A_589, %lt3A_592 : i32
        %lt3A_594 = arith.constant 0 : i32
        %lt3A_595 = arith.cmpi slt, %select_n3A_588, %lt3A_594 : i32
        %ne3A_596 = arith.xori %lt3A_593, %lt3A_595 : i1
        %and3A_597 = arith.andi %ne3A_596, %ne3A_591 : i1
        %add3A_598 = arith.addi %rem3A_589, %select_n3A_588 : i32
        %select_n3A_599 = arith.select %and3A_597, %add3A_598, %rem3A_589 : i32
        %mul3A_600 = arith.constant 8 : i32
        %mul3A_601 = arith.muli %select_n3A_583, %mul3A_600 : i32
        %add3A_602 = arith.constant 0 : i32
        %add3A_603 = arith.addi %mul3A_601, %add3A_602 : i32
        %dma_wait3A_604 = arith.constant 0 : i32
        %dma_wait3A_605 = arith.constant 0 : i32
        %dma_wait3A_606 = arith.constant 0 : i32
        %dma_wait3A_607 = arith.constant 0 : i32
        %dma_wait3A_608 = arith.constant 0 : i32
        %dma_wait3A_609 = tpu.memref_slice %arg7[%dma_wait3A_604, %dma_wait3A_605, %dma_wait3A_606, %dma_wait3A_607, %dma_wait3A_608] : memref<2x4x4x8x129xf32, #tpu.memory_space<vmem>> -> memref<1x4x4x8x128xf32, #tpu.memory_space<vmem>>
        %dma_wait3A_610 = tpu.memref_squeeze %dma_wait3A_609 : memref<1x4x4x8x128xf32, #tpu.memory_space<vmem>> -> memref<4x4x8x128xf32, #tpu.memory_space<vmem>>
        %dma_wait3A_611 = arith.constant 0 : i32
        %dma_wait3A_612 = arith.constant 0 : i32
        %dma_wait3A_613 = arith.constant 0 : i32
        %dma_wait3A_614 = tpu.memref_slice %arg4[%add3A_603, %dma_wait3A_611, %select_n3A_599, %dma_wait3A_612, %dma_wait3A_613] : memref<200x4x128x8x128xf32, #tpu.memory_space<hbm>> -> memref<4x4x1x8x128xf32, #tpu.memory_space<hbm>>
        %dma_wait3A_615 = tpu.memref_squeeze %dma_wait3A_614 : memref<4x4x1x8x128xf32, #tpu.memory_space<hbm>> -> memref<4x4x8x128xf32, #tpu.memory_space<hbm>>
        %dma_wait3A_616 = arith.constant 0 : i32
        %dma_wait3A_617 = arith.constant 0 : i32
        %dma_wait3A_618 = arith.constant 0 : i32
        %dma_wait3A_619 = tpu.memref_slice %arg4[%add3A_603, %dma_wait3A_616, %select_n3A_599, %dma_wait3A_617, %dma_wait3A_618] : memref<200x4x128x8x128xf32, #tpu.memory_space<hbm>> -> memref<4x4x1x8x128xf32, #tpu.memory_space<hbm>>
        %dma_wait3A_620 = tpu.memref_squeeze %dma_wait3A_619 : memref<4x4x1x8x128xf32, #tpu.memory_space<hbm>> -> memref<4x4x8x128xf32, #tpu.memory_space<hbm>>
        %dma_wait3A_621 = arith.constant 0 : i32
        %dma_wait3A_622 = arith.constant 0 : i32
        %dma_wait3A_623 = arith.constant 0 : i32
        %dma_wait3A_624 = arith.constant 0 : i32
        %dma_wait3A_625 = tpu.memref_slice %arg7[%dma_wait3A_604, %dma_wait3A_621, %dma_wait3A_622, %dma_wait3A_623, %dma_wait3A_624] : memref<2x4x4x8x129xf32, #tpu.memory_space<vmem>> -> memref<1x4x4x8x128xf32, #tpu.memory_space<vmem>>
        %dma_wait3A_626 = tpu.memref_squeeze %dma_wait3A_625 : memref<1x4x4x8x128xf32, #tpu.memory_space<vmem>> -> memref<4x4x8x128xf32, #tpu.memory_space<vmem>>
        tpu.wait_dma2 semaphore(%arg12 : memref<!tpu.dma_semaphore, #tpu.memory_space<semaphore_mem>>) src(%dma_wait3A_626 : memref<4x4x8x128xf32, #tpu.memory_space<vmem>>) dst(%dma_wait3A_620 : memref<4x4x8x128xf32, #tpu.memory_space<hbm>>)
      } else {
      }
      %scan3A_407 = arith.constant 0 : i32
      %scan3A_408 = arith.constant 0 : i32
      %scan3A_409 = arith.constant 512 : i32
      %scan3A_410 = arith.addi %scan3A_408, %scan3A_409 : i32
      %scan3A_411 = arith.constant 1 : i32
      scf.for %scan3A_558 = %scan3A_408 to %scan3A_410 step %scan3A_411  : i32 {
        %jit3A_559 = arith.constant 128 : i32
        %div3A_560 = arith.divsi %scan3A_558, %jit3A_559 : i32
        %sign3A_561 = arith.constant 0 : i32
        %sign3A_562 = arith.cmpi sgt, %scan3A_558, %sign3A_561 : i32
        %sign3A_563 = arith.extui %sign3A_562 : i1 to i32
        %sign3A_564 = arith.constant 0 : i32
        %sign3A_565 = arith.cmpi slt, %scan3A_558, %sign3A_564 : i32
        %sign3A_566 = arith.extui %sign3A_565 : i1 to i32
        %sign3A_567 = arith.subi %sign3A_563, %sign3A_566 : i32
        %sign3A_568 = arith.constant 0 : i32
        %sign3A_569 = arith.cmpi sgt, %jit3A_559, %sign3A_568 : i32
        %sign3A_570 = arith.extui %sign3A_569 : i1 to i32
        %sign3A_571 = arith.constant 0 : i32
        %sign3A_572 = arith.cmpi slt, %jit3A_559, %sign3A_571 : i32
        %sign3A_573 = arith.extui %sign3A_572 : i1 to i32
        %sign3A_574 = arith.subi %sign3A_570, %sign3A_573 : i32
        %ne3A_575 = arith.cmpi ne, %sign3A_567, %sign3A_574 : i32
        %rem3A_576 = arith.remsi %scan3A_558, %jit3A_559 : i32
        %ne3A_577 = arith.constant 0 : i32
        %ne3A_578 = arith.cmpi ne, %rem3A_576, %ne3A_577 : i32
        %and3A_579 = arith.andi %ne3A_575, %ne3A_578 : i1
        %sub3A_580 = arith.constant 1 : i32
        %sub3A_581 = arith.subi %div3A_560, %sub3A_580 : i32
        %select_n3A_582 = arith.select %and3A_579, %sub3A_581, %div3A_560 : i32
        %jit3A_583 = arith.constant 128 : i32
        %eq3A_584 = arith.constant 0 : i32
        %eq3A_585 = arith.cmpi eq, %jit3A_583, %eq3A_584 : i32
        %jit3A_586 = arith.constant 1 : i32
        %select_n3A_587 = arith.select %eq3A_585, %jit3A_586, %jit3A_583 : i32
        %rem3A_588 = arith.remsi %scan3A_558, %select_n3A_587 : i32
        %ne3A_589 = arith.constant 0 : i32
        %ne3A_590 = arith.cmpi ne, %rem3A_588, %ne3A_589 : i32
        %lt3A_591 = arith.constant 0 : i32
        %lt3A_592 = arith.cmpi slt, %rem3A_588, %lt3A_591 : i32
        %lt3A_593 = arith.constant 0 : i32
        %lt3A_594 = arith.cmpi slt, %select_n3A_587, %lt3A_593 : i32
        %ne3A_595 = arith.xori %lt3A_592, %lt3A_594 : i1
        %and3A_596 = arith.andi %ne3A_595, %ne3A_590 : i1
        %add3A_597 = arith.addi %rem3A_588, %select_n3A_587 : i32
        %select_n3A_598 = arith.select %and3A_596, %add3A_597, %rem3A_588 : i32
        %add3A_599 = arith.constant 0 : i32
        %add3A_600 = arith.addi %add3A_599, %scan3A_558 : i32
        %broadcast_in_dim3A = vector.broadcast %select_n3A_598 : i32 to vector<16xi32>
        %get3A = arith.constant 1 : i32
        %get3A_601 = arith.index_cast %get3A : i32 to index
        %get3A_602 = arith.index_cast %add3A_600 : i32 to index
        %get3A_603 = arith.constant 0 : index
        %get3A_604 = tpu.vector_load %arg6[%get3A_601, %get3A_602, %get3A_603] {strides = array<i32>} : memref<2x1024x32xf32, #tpu.memory_space<vmem>>, vector<16xf32>,
        %get3A_605 = arith.constant 1 : i32
        %get3A_606 = arith.index_cast %get3A_605 : i32 to index
        %get3A_607 = arith.index_cast %add3A_600 : i32 to index
        %get3A_608 = arith.constant 16 : index
        %get3A_609 = tpu.vector_load %arg6[%get3A_606, %get3A_607, %get3A_608] {strides = array<i32>} : memref<2x1024x32xf32, #tpu.memory_space<vmem>>, vector<16xf32>,
        %jit3A_610 = arith.constant 8 : i32
        %div3A_611 = vector.broadcast %jit3A_610 : i32 to vector<16xi32>
        %div3A_612 = arith.divsi %iota3A, %div3A_611 : vector<16xi32>
        %sign3A_613 = arith.constant 0 : i32
        %sign3A_614 = vector.broadcast %sign3A_613 : i32 to vector<16xi32>
        %sign3A_615 = arith.cmpi sgt, %iota3A, %sign3A_614 : vector<16xi32>
        %sign3A_616 = arith.extui %sign3A_615 : vector<16xi1> to vector<16xi32>
        %sign3A_617 = arith.constant 0 : i32
        %sign3A_618 = vector.broadcast %sign3A_617 : i32 to vector<16xi32>
        %sign3A_619 = arith.cmpi slt, %iota3A, %sign3A_618 : vector<16xi32>
        %sign3A_620 = arith.extui %sign3A_619 : vector<16xi1> to vector<16xi32>
        %sign3A_621 = arith.subi %sign3A_616, %sign3A_620 : vector<16xi32>
        %sign3A_622 = arith.constant 0 : i32
        %sign3A_623 = arith.cmpi sgt, %jit3A_610, %sign3A_622 : i32
        %sign3A_624 = arith.extui %sign3A_623 : i1 to i32
        %sign3A_625 = arith.constant 0 : i32
        %sign3A_626 = arith.cmpi slt, %jit3A_610, %sign3A_625 : i32
        %sign3A_627 = arith.extui %sign3A_626 : i1 to i32
        %sign3A_628 = arith.subi %sign3A_624, %sign3A_627 : i32
        %ne3A_629 = vector.broadcast %sign3A_628 : i32 to vector<16xi32>
        %ne3A_630 = arith.cmpi ne, %sign3A_621, %ne3A_629 : vector<16xi32>
        %rem3A_631 = vector.broadcast %jit3A_610 : i32 to vector<16xi32>
        %rem3A_632 = arith.remsi %iota3A, %rem3A_631 : vector<16xi32>
        %ne3A_633 = arith.constant 0 : i32
        %ne3A_634 = vector.broadcast %ne3A_633 : i32 to vector<16xi32>
        %ne3A_635 = arith.cmpi ne, %rem3A_632, %ne3A_634 : vector<16xi32>
        %and3A_636 = arith.andi %ne3A_630, %ne3A_635 : vector<16xi1>
        %sub3A_637 = arith.constant 1 : i32
        %sub3A_638 = vector.broadcast %sub3A_637 : i32 to vector<16xi32>
        %sub3A_639 = arith.subi %div3A_612, %sub3A_638 : vector<16xi32>
        %select_n3A_640 = arith.select %and3A_636, %sub3A_639, %div3A_612 : vector<16xi1>, vector<16xi32>
        %jit3A_641 = arith.constant 8 : i32
        %eq3A_642 = arith.constant 0 : i32
        %eq3A_643 = arith.cmpi eq, %jit3A_641, %eq3A_642 : i32
        %jit3A_644 = arith.constant 1 : i32
        %select_n3A_645 = arith.select %eq3A_643, %jit3A_644, %jit3A_641 : i32
        %rem3A_646 = vector.broadcast %select_n3A_645 : i32 to vector<16xi32>
        %rem3A_647 = arith.remsi %iota3A, %rem3A_646 : vector<16xi32>
        %ne3A_648 = arith.constant 0 : i32
        %ne3A_649 = vector.broadcast %ne3A_648 : i32 to vector<16xi32>
        %ne3A_650 = arith.cmpi ne, %rem3A_647, %ne3A_649 : vector<16xi32>
        %lt3A_651 = arith.constant 0 : i32
        %lt3A_652 = vector.broadcast %lt3A_651 : i32 to vector<16xi32>
        %lt3A_653 = arith.cmpi slt, %rem3A_647, %lt3A_652 : vector<16xi32>
        %lt3A_654 = arith.constant 0 : i32
        %lt3A_655 = arith.cmpi slt, %select_n3A_645, %lt3A_654 : i32
        %ne3A_656 = vector.broadcast %lt3A_655 : i1 to vector<16xi1>
        %ne3A_657 = vector.broadcast %ne3A_656 : vector<16xi1> to vector<16xi1>
        %ne3A_658 = arith.xori %lt3A_653, %ne3A_657 : vector<16xi1>
        %and3A_659 = arith.andi %ne3A_658, %ne3A_650 : vector<16xi1>
        %add3A_660 = vector.broadcast %select_n3A_645 : i32 to vector<16xi32>
        %add3A_661 = arith.addi %rem3A_647, %add3A_660 : vector<16xi32>
        %select_n3A_662 = arith.select %and3A_659, %add3A_661, %rem3A_647 : vector<16xi1>, vector<16xi32>
        %scatter3A = arith.constant 0 : i32
        %scatter3A_663 = arith.constant 0 : i32
        %scatter3A_664 = arith.constant 0 : i32
        %scatter3A_665 = arith.constant 0 : i32
        %scatter3A_666 = tpu.memref_slice %arg7[%scatter3A, %select_n3A_582, %scatter3A_663, %scatter3A_664, %scatter3A_665] : memref<2x4x4x8x129xf32, #tpu.memory_space<vmem>> -> memref<1x1x4x8x129xf32, #tpu.memory_space<vmem>>
        %scatter3A_667 = tpu.memref_squeeze %scatter3A_666 : memref<1x1x4x8x129xf32, #tpu.memory_space<vmem>> -> memref<4x8x129xf32, #tpu.memory_space<vmem>>
        tpu.vector_store_idx %scatter3A_667[%select_n3A_640, %select_n3A_662, %broadcast_in_dim3A], %get3A_604 : memref<4x8x129xf32, #tpu.memory_space<vmem>>[vector<16xi32>, vector<16xi32>, vector<16xi32>], vector<16xf32>,
        %jit3A_668 = arith.constant 8 : i32
        %div3A_669 = vector.broadcast %jit3A_668 : i32 to vector<16xi32>
        %div3A_670 = arith.divsi %add3A_5, %div3A_669 : vector<16xi32>
        %sign3A_671 = arith.constant 0 : i32
        %sign3A_672 = vector.broadcast %sign3A_671 : i32 to vector<16xi32>
        %sign3A_673 = arith.cmpi sgt, %add3A_5, %sign3A_672 : vector<16xi32>
        %sign3A_674 = arith.extui %sign3A_673 : vector<16xi1> to vector<16xi32>
        %sign3A_675 = arith.constant 0 : i32
        %sign3A_676 = vector.broadcast %sign3A_675 : i32 to vector<16xi32>
        %sign3A_677 = arith.cmpi slt, %add3A_5, %sign3A_676 : vector<16xi32>
        %sign3A_678 = arith.extui %sign3A_677 : vector<16xi1> to vector<16xi32>
        %sign3A_679 = arith.subi %sign3A_674, %sign3A_678 : vector<16xi32>
        %sign3A_680 = arith.constant 0 : i32
        %sign3A_681 = arith.cmpi sgt, %jit3A_668, %sign3A_680 : i32
        %sign3A_682 = arith.extui %sign3A_681 : i1 to i32
        %sign3A_683 = arith.constant 0 : i32
        %sign3A_684 = arith.cmpi slt, %jit3A_668, %sign3A_683 : i32
        %sign3A_685 = arith.extui %sign3A_684 : i1 to i32
        %sign3A_686 = arith.subi %sign3A_682, %sign3A_685 : i32
        %ne3A_687 = vector.broadcast %sign3A_686 : i32 to vector<16xi32>
        %ne3A_688 = arith.cmpi ne, %sign3A_679, %ne3A_687 : vector<16xi32>
        %rem3A_689 = vector.broadcast %jit3A_668 : i32 to vector<16xi32>
        %rem3A_690 = arith.remsi %add3A_5, %rem3A_689 : vector<16xi32>
        %ne3A_691 = arith.constant 0 : i32
        %ne3A_692 = vector.broadcast %ne3A_691 : i32 to vector<16xi32>
        %ne3A_693 = arith.cmpi ne, %rem3A_690, %ne3A_692 : vector<16xi32>
        %and3A_694 = arith.andi %ne3A_688, %ne3A_693 : vector<16xi1>
        %sub3A_695 = arith.constant 1 : i32
        %sub3A_696 = vector.broadcast %sub3A_695 : i32 to vector<16xi32>
        %sub3A_697 = arith.subi %div3A_670, %sub3A_696 : vector<16xi32>
        %select_n3A_698 = arith.select %and3A_694, %sub3A_697, %div3A_670 : vector<16xi1>, vector<16xi32>
        %jit3A_699 = arith.constant 8 : i32
        %eq3A_700 = arith.constant 0 : i32
        %eq3A_701 = arith.cmpi eq, %jit3A_699, %eq3A_700 : i32
        %jit3A_702 = arith.constant 1 : i32
        %select_n3A_703 = arith.select %eq3A_701, %jit3A_702, %jit3A_699 : i32
        %rem3A_704 = vector.broadcast %select_n3A_703 : i32 to vector<16xi32>
        %rem3A_705 = arith.remsi %add3A_5, %rem3A_704 : vector<16xi32>
        %ne3A_706 = arith.constant 0 : i32
        %ne3A_707 = vector.broadcast %ne3A_706 : i32 to vector<16xi32>
        %ne3A_708 = arith.cmpi ne, %rem3A_705, %ne3A_707 : vector<16xi32>
        %lt3A_709 = arith.constant 0 : i32
        %lt3A_710 = vector.broadcast %lt3A_709 : i32 to vector<16xi32>
        %lt3A_711 = arith.cmpi slt, %rem3A_705, %lt3A_710 : vector<16xi32>
        %lt3A_712 = arith.constant 0 : i32
        %lt3A_713 = arith.cmpi slt, %select_n3A_703, %lt3A_712 : i32
        %ne3A_714 = vector.broadcast %lt3A_713 : i1 to vector<16xi1>
        %ne3A_715 = vector.broadcast %ne3A_714 : vector<16xi1> to vector<16xi1>
        %ne3A_716 = arith.xori %lt3A_711, %ne3A_715 : vector<16xi1>
        %and3A_717 = arith.andi %ne3A_716, %ne3A_708 : vector<16xi1>
        %add3A_718 = vector.broadcast %select_n3A_703 : i32 to vector<16xi32>
        %add3A_719 = arith.addi %rem3A_705, %add3A_718 : vector<16xi32>
        %select_n3A_720 = arith.select %and3A_717, %add3A_719, %rem3A_705 : vector<16xi1>, vector<16xi32>
        %scatter3A_721 = arith.constant 0 : i32
        %scatter3A_722 = arith.constant 0 : i32
        %scatter3A_723 = arith.constant 0 : i32
        %scatter3A_724 = arith.constant 0 : i32
        %scatter3A_725 = tpu.memref_slice %arg7[%scatter3A_721, %select_n3A_582, %scatter3A_722, %scatter3A_723, %scatter3A_724] : memref<2x4x4x8x129xf32, #tpu.memory_space<vmem>> -> memref<1x1x4x8x129xf32, #tpu.memory_space<vmem>>
        %scatter3A_726 = tpu.memref_squeeze %scatter3A_725 : memref<1x1x4x8x129xf32, #tpu.memory_space<vmem>> -> memref<4x8x129xf32, #tpu.memory_space<vmem>>
        tpu.vector_store_idx %scatter3A_726[%select_n3A_698, %select_n3A_720, %broadcast_in_dim3A], %get3A_609 : memref<4x8x129xf32, #tpu.memory_space<vmem>>[vector<16xi32>, vector<16xi32>, vector<16xi32>], vector<16xf32>,
      }
      %scan3A_412 = arith.constant 512 : i32
      %jit3A_413 = arith.constant 128 : i32
      %div3A_414 = arith.divsi %add3A_375, %jit3A_413 : i32
      %sign3A_415 = arith.constant 0 : i32
      %sign3A_416 = arith.cmpi sgt, %add3A_375, %sign3A_415 : i32
      %sign3A_417 = arith.extui %sign3A_416 : i1 to i32
      %sign3A_418 = arith.constant 0 : i32
      %sign3A_419 = arith.cmpi slt, %add3A_375, %sign3A_418 : i32
      %sign3A_420 = arith.extui %sign3A_419 : i1 to i32
      %sign3A_421 = arith.subi %sign3A_417, %sign3A_420 : i32
      %sign3A_422 = arith.constant 0 : i32
      %sign3A_423 = arith.cmpi sgt, %jit3A_413, %sign3A_422 : i32
      %sign3A_424 = arith.extui %sign3A_423 : i1 to i32
      %sign3A_425 = arith.constant 0 : i32
      %sign3A_426 = arith.cmpi slt, %jit3A_413, %sign3A_425 : i32
      %sign3A_427 = arith.extui %sign3A_426 : i1 to i32
      %sign3A_428 = arith.subi %sign3A_424, %sign3A_427 : i32
      %ne3A_429 = arith.cmpi ne, %sign3A_421, %sign3A_428 : i32
      %rem3A_430 = arith.remsi %add3A_375, %jit3A_413 : i32
      %ne3A_431 = arith.constant 0 : i32
      %ne3A_432 = arith.cmpi ne, %rem3A_430, %ne3A_431 : i32
      %and3A_433 = arith.andi %ne3A_429, %ne3A_432 : i1
      %sub3A_434 = arith.constant 1 : i32
      %sub3A_435 = arith.subi %div3A_414, %sub3A_434 : i32
      %select_n3A_436 = arith.select %and3A_433, %sub3A_435, %div3A_414 : i32
      %jit3A_437 = arith.constant 128 : i32
      %eq3A_438 = arith.constant 0 : i32
      %eq3A_439 = arith.cmpi eq, %jit3A_437, %eq3A_438 : i32
      %jit3A_440 = arith.constant 1 : i32
      %select_n3A_441 = arith.select %eq3A_439, %jit3A_440, %jit3A_437 : i32
      %rem3A_442 = arith.remsi %add3A_375, %select_n3A_441 : i32
      %ne3A_443 = arith.constant 0 : i32
      %ne3A_444 = arith.cmpi ne, %rem3A_442, %ne3A_443 : i32
      %lt3A_445 = arith.constant 0 : i32
      %lt3A_446 = arith.cmpi slt, %rem3A_442, %lt3A_445 : i32
      %lt3A_447 = arith.constant 0 : i32
      %lt3A_448 = arith.cmpi slt, %select_n3A_441, %lt3A_447 : i32
      %ne3A_449 = arith.xori %lt3A_446, %lt3A_448 : i1
      %and3A_450 = arith.andi %ne3A_449, %ne3A_444 : i1
      %add3A_451 = arith.addi %rem3A_442, %select_n3A_441 : i32
      %select_n3A_452 = arith.select %and3A_450, %add3A_451, %rem3A_442 : i32
      %mul3A_453 = arith.constant 8 : i32
      %mul3A_454 = arith.muli %select_n3A_436, %mul3A_453 : i32
      %add3A_455 = arith.constant 0 : i32
      %add3A_456 = arith.addi %mul3A_454, %add3A_455 : i32
      %dma_start3A_457 = arith.constant 0 : i32
      %dma_start3A_458 = arith.constant 0 : i32
      %dma_start3A_459 = arith.constant 0 : i32
      %dma_start3A_460 = arith.constant 0 : i32
      %dma_start3A_461 = arith.constant 0 : i32
      %dma_start3A_462 = tpu.memref_slice %arg7[%dma_start3A_457, %dma_start3A_458, %dma_start3A_459, %dma_start3A_460, %dma_start3A_461] : memref<2x4x4x8x129xf32, #tpu.memory_space<vmem>> -> memref<1x4x4x8x128xf32, #tpu.memory_space<vmem>>
      %dma_start3A_463 = tpu.memref_squeeze %dma_start3A_462 : memref<1x4x4x8x128xf32, #tpu.memory_space<vmem>> -> memref<4x4x8x128xf32, #tpu.memory_space<vmem>>
      %dma_start3A_464 = arith.constant 0 : i32
      %dma_start3A_465 = arith.constant 0 : i32
      %dma_start3A_466 = arith.constant 0 : i32
      %dma_start3A_467 = tpu.memref_slice %arg4[%add3A_456, %dma_start3A_464, %select_n3A_452, %dma_start3A_465, %dma_start3A_466] : memref<200x4x128x8x128xf32, #tpu.memory_space<hbm>> -> memref<4x4x1x8x128xf32, #tpu.memory_space<hbm>>
      %dma_start3A_468 = tpu.memref_squeeze %dma_start3A_467 : memref<4x4x1x8x128xf32, #tpu.memory_space<hbm>> -> memref<4x4x8x128xf32, #tpu.memory_space<hbm>>
      %dma_start3A_469 = arith.constant 0 : i32
      %dma_start3A_470 = arith.constant 0 : i32
      %dma_start3A_471 = arith.constant 0 : i32
      %dma_start3A_472 = tpu.memref_slice %arg4[%add3A_456, %dma_start3A_469, %select_n3A_452, %dma_start3A_470, %dma_start3A_471] : memref<200x4x128x8x128xf32, #tpu.memory_space<hbm>> -> memref<4x4x1x8x128xf32, #tpu.memory_space<hbm>>
      %dma_start3A_473 = tpu.memref_squeeze %dma_start3A_472 : memref<4x4x1x8x128xf32, #tpu.memory_space<hbm>> -> memref<4x4x8x128xf32, #tpu.memory_space<hbm>>
      %dma_start3A_474 = arith.constant 0 : i32
      %dma_start3A_475 = arith.constant 0 : i32
      %dma_start3A_476 = arith.constant 0 : i32
      %dma_start3A_477 = arith.constant 0 : i32
      %dma_start3A_478 = tpu.memref_slice %arg7[%dma_start3A_457, %dma_start3A_474, %dma_start3A_475, %dma_start3A_476, %dma_start3A_477] : memref<2x4x4x8x129xf32, #tpu.memory_space<vmem>> -> memref<1x4x4x8x128xf32, #tpu.memory_space<vmem>>
      %dma_start3A_479 = tpu.memref_squeeze %dma_start3A_478 : memref<1x4x4x8x128xf32, #tpu.memory_space<vmem>> -> memref<4x4x8x128xf32, #tpu.memory_space<vmem>>
      tpu.enqueue_dma source(%dma_start3A_479 : memref<4x4x8x128xf32, #tpu.memory_space<vmem>>) target(%dma_start3A_473 : memref<4x4x8x128xf32, #tpu.memory_space<hbm>>) target_semaphore(%arg12 : memref<!tpu.dma_semaphore, #tpu.memory_space<semaphore_mem>>)
      %gt3A_480 = arith.constant 0 : i32
      %gt3A_481 = arith.cmpi sgt, %add3A_374, %gt3A_480 : i32
      %convert_element_type3A_482 = arith.extui %gt3A_481 : i1 to i32
      %cond3A_483 = arith.constant 0 : i32
      %cond3A_484 = arith.cmpi ne, %convert_element_type3A_482, %cond3A_483 : i32
      scf.if %cond3A_484 {
        %sub3A_558 = arith.constant 1 : i32
        %sub3A_559 = arith.subi %add3A_375, %sub3A_558 : i32
        %jit3A_560 = arith.constant 128 : i32
        %div3A_561 = arith.divsi %sub3A_559, %jit3A_560 : i32
        %sign3A_562 = arith.constant 0 : i32
        %sign3A_563 = arith.cmpi sgt, %sub3A_559, %sign3A_562 : i32
        %sign3A_564 = arith.extui %sign3A_563 : i1 to i32
        %sign3A_565 = arith.constant 0 : i32
        %sign3A_566 = arith.cmpi slt, %sub3A_559, %sign3A_565 : i32
        %sign3A_567 = arith.extui %sign3A_566 : i1 to i32
        %sign3A_568 = arith.subi %sign3A_564, %sign3A_567 : i32
        %sign3A_569 = arith.constant 0 : i32
        %sign3A_570 = arith.cmpi sgt, %jit3A_560, %sign3A_569 : i32
        %sign3A_571 = arith.extui %sign3A_570 : i1 to i32
        %sign3A_572 = arith.constant 0 : i32
        %sign3A_573 = arith.cmpi slt, %jit3A_560, %sign3A_572 : i32
        %sign3A_574 = arith.extui %sign3A_573 : i1 to i32
        %sign3A_575 = arith.subi %sign3A_571, %sign3A_574 : i32
        %ne3A_576 = arith.cmpi ne, %sign3A_568, %sign3A_575 : i32
        %rem3A_577 = arith.remsi %sub3A_559, %jit3A_560 : i32
        %ne3A_578 = arith.constant 0 : i32
        %ne3A_579 = arith.cmpi ne, %rem3A_577, %ne3A_578 : i32
        %and3A_580 = arith.andi %ne3A_576, %ne3A_579 : i1
        %sub3A_581 = arith.constant 1 : i32
        %sub3A_582 = arith.subi %div3A_561, %sub3A_581 : i32
        %select_n3A_583 = arith.select %and3A_580, %sub3A_582, %div3A_561 : i32
        %jit3A_584 = arith.constant 128 : i32
        %eq3A_585 = arith.constant 0 : i32
        %eq3A_586 = arith.cmpi eq, %jit3A_584, %eq3A_585 : i32
        %jit3A_587 = arith.constant 1 : i32
        %select_n3A_588 = arith.select %eq3A_586, %jit3A_587, %jit3A_584 : i32
        %rem3A_589 = arith.remsi %sub3A_559, %select_n3A_588 : i32
        %ne3A_590 = arith.constant 0 : i32
        %ne3A_591 = arith.cmpi ne, %rem3A_589, %ne3A_590 : i32
        %lt3A_592 = arith.constant 0 : i32
        %lt3A_593 = arith.cmpi slt, %rem3A_589, %lt3A_592 : i32
        %lt3A_594 = arith.constant 0 : i32
        %lt3A_595 = arith.cmpi slt, %select_n3A_588, %lt3A_594 : i32
        %ne3A_596 = arith.xori %lt3A_593, %lt3A_595 : i1
        %and3A_597 = arith.andi %ne3A_596, %ne3A_591 : i1
        %add3A_598 = arith.addi %rem3A_589, %select_n3A_588 : i32
        %select_n3A_599 = arith.select %and3A_597, %add3A_598, %rem3A_589 : i32
        %mul3A_600 = arith.constant 8 : i32
        %mul3A_601 = arith.muli %select_n3A_583, %mul3A_600 : i32
        %add3A_602 = arith.constant 4 : i32
        %add3A_603 = arith.addi %mul3A_601, %add3A_602 : i32
        %dma_wait3A_604 = arith.constant 1 : i32
        %dma_wait3A_605 = arith.constant 0 : i32
        %dma_wait3A_606 = arith.constant 0 : i32
        %dma_wait3A_607 = arith.constant 0 : i32
        %dma_wait3A_608 = arith.constant 0 : i32
        %dma_wait3A_609 = tpu.memref_slice %arg7[%dma_wait3A_604, %dma_wait3A_605, %dma_wait3A_606, %dma_wait3A_607, %dma_wait3A_608] : memref<2x4x4x8x129xf32, #tpu.memory_space<vmem>> -> memref<1x4x4x8x128xf32, #tpu.memory_space<vmem>>
        %dma_wait3A_610 = tpu.memref_squeeze %dma_wait3A_609 : memref<1x4x4x8x128xf32, #tpu.memory_space<vmem>> -> memref<4x4x8x128xf32, #tpu.memory_space<vmem>>
        %dma_wait3A_611 = arith.constant 0 : i32
        %dma_wait3A_612 = arith.constant 0 : i32
        %dma_wait3A_613 = arith.constant 0 : i32
        %dma_wait3A_614 = tpu.memref_slice %arg4[%add3A_603, %dma_wait3A_611, %select_n3A_599, %dma_wait3A_612, %dma_wait3A_613] : memref<200x4x128x8x128xf32, #tpu.memory_space<hbm>> -> memref<4x4x1x8x128xf32, #tpu.memory_space<hbm>>
        %dma_wait3A_615 = tpu.memref_squeeze %dma_wait3A_614 : memref<4x4x1x8x128xf32, #tpu.memory_space<hbm>> -> memref<4x4x8x128xf32, #tpu.memory_space<hbm>>
        %dma_wait3A_616 = arith.constant 0 : i32
        %dma_wait3A_617 = arith.constant 0 : i32
        %dma_wait3A_618 = arith.constant 0 : i32
        %dma_wait3A_619 = tpu.memref_slice %arg4[%add3A_603, %dma_wait3A_616, %select_n3A_599, %dma_wait3A_617, %dma_wait3A_618] : memref<200x4x128x8x128xf32, #tpu.memory_space<hbm>> -> memref<4x4x1x8x128xf32, #tpu.memory_space<hbm>>
        %dma_wait3A_620 = tpu.memref_squeeze %dma_wait3A_619 : memref<4x4x1x8x128xf32, #tpu.memory_space<hbm>> -> memref<4x4x8x128xf32, #tpu.memory_space<hbm>>
        %dma_wait3A_621 = arith.constant 0 : i32
        %dma_wait3A_622 = arith.constant 0 : i32
        %dma_wait3A_623 = arith.constant 0 : i32
        %dma_wait3A_624 = arith.constant 0 : i32
        %dma_wait3A_625 = tpu.memref_slice %arg7[%dma_wait3A_604, %dma_wait3A_621, %dma_wait3A_622, %dma_wait3A_623, %dma_wait3A_624] : memref<2x4x4x8x129xf32, #tpu.memory_space<vmem>> -> memref<1x4x4x8x128xf32, #tpu.memory_space<vmem>>
        %dma_wait3A_626 = tpu.memref_squeeze %dma_wait3A_625 : memref<1x4x4x8x128xf32, #tpu.memory_space<vmem>> -> memref<4x4x8x128xf32, #tpu.memory_space<vmem>>
        tpu.wait_dma2 semaphore(%arg13 : memref<!tpu.dma_semaphore, #tpu.memory_space<semaphore_mem>>) src(%dma_wait3A_626 : memref<4x4x8x128xf32, #tpu.memory_space<vmem>>) dst(%dma_wait3A_620 : memref<4x4x8x128xf32, #tpu.memory_space<hbm>>)
      } else {
      }
      %scan3A_485 = arith.constant 0 : i32
      %scan3A_486 = arith.constant 0 : i32
      %scan3A_487 = arith.constant 512 : i32
      %scan3A_488 = arith.addi %scan3A_486, %scan3A_487 : i32
      %scan3A_489 = arith.constant 1 : i32
      scf.for %scan3A_558 = %scan3A_486 to %scan3A_488 step %scan3A_489  : i32 {
        %jit3A_559 = arith.constant 128 : i32
        %div3A_560 = arith.divsi %scan3A_558, %jit3A_559 : i32
        %sign3A_561 = arith.constant 0 : i32
        %sign3A_562 = arith.cmpi sgt, %scan3A_558, %sign3A_561 : i32
        %sign3A_563 = arith.extui %sign3A_562 : i1 to i32
        %sign3A_564 = arith.constant 0 : i32
        %sign3A_565 = arith.cmpi slt, %scan3A_558, %sign3A_564 : i32
        %sign3A_566 = arith.extui %sign3A_565 : i1 to i32
        %sign3A_567 = arith.subi %sign3A_563, %sign3A_566 : i32
        %sign3A_568 = arith.constant 0 : i32
        %sign3A_569 = arith.cmpi sgt, %jit3A_559, %sign3A_568 : i32
        %sign3A_570 = arith.extui %sign3A_569 : i1 to i32
        %sign3A_571 = arith.constant 0 : i32
        %sign3A_572 = arith.cmpi slt, %jit3A_559, %sign3A_571 : i32
        %sign3A_573 = arith.extui %sign3A_572 : i1 to i32
        %sign3A_574 = arith.subi %sign3A_570, %sign3A_573 : i32
        %ne3A_575 = arith.cmpi ne, %sign3A_567, %sign3A_574 : i32
        %rem3A_576 = arith.remsi %scan3A_558, %jit3A_559 : i32
        %ne3A_577 = arith.constant 0 : i32
        %ne3A_578 = arith.cmpi ne, %rem3A_576, %ne3A_577 : i32
        %and3A_579 = arith.andi %ne3A_575, %ne3A_578 : i1
        %sub3A_580 = arith.constant 1 : i32
        %sub3A_581 = arith.subi %div3A_560, %sub3A_580 : i32
        %select_n3A_582 = arith.select %and3A_579, %sub3A_581, %div3A_560 : i32
        %jit3A_583 = arith.constant 128 : i32
        %eq3A_584 = arith.constant 0 : i32
        %eq3A_585 = arith.cmpi eq, %jit3A_583, %eq3A_584 : i32
        %jit3A_586 = arith.constant 1 : i32
        %select_n3A_587 = arith.select %eq3A_585, %jit3A_586, %jit3A_583 : i32
        %rem3A_588 = arith.remsi %scan3A_558, %select_n3A_587 : i32
        %ne3A_589 = arith.constant 0 : i32
        %ne3A_590 = arith.cmpi ne, %rem3A_588, %ne3A_589 : i32
        %lt3A_591 = arith.constant 0 : i32
        %lt3A_592 = arith.cmpi slt, %rem3A_588, %lt3A_591 : i32
        %lt3A_593 = arith.constant 0 : i32
        %lt3A_594 = arith.cmpi slt, %select_n3A_587, %lt3A_593 : i32
        %ne3A_595 = arith.xori %lt3A_592, %lt3A_594 : i1
        %and3A_596 = arith.andi %ne3A_595, %ne3A_590 : i1
        %add3A_597 = arith.addi %rem3A_588, %select_n3A_587 : i32
        %select_n3A_598 = arith.select %and3A_596, %add3A_597, %rem3A_588 : i32
        %add3A_599 = arith.constant 512 : i32
        %add3A_600 = arith.addi %add3A_599, %scan3A_558 : i32
        %broadcast_in_dim3A = vector.broadcast %select_n3A_598 : i32 to vector<16xi32>
        %get3A = arith.constant 1 : i32
        %get3A_601 = arith.index_cast %get3A : i32 to index
        %get3A_602 = arith.index_cast %add3A_600 : i32 to index
        %get3A_603 = arith.constant 0 : index
        %get3A_604 = tpu.vector_load %arg6[%get3A_601, %get3A_602, %get3A_603] {strides = array<i32>} : memref<2x1024x32xf32, #tpu.memory_space<vmem>>, vector<16xf32>,
        %get3A_605 = arith.constant 1 : i32
        %get3A_606 = arith.index_cast %get3A_605 : i32 to index
        %get3A_607 = arith.index_cast %add3A_600 : i32 to index
        %get3A_608 = arith.constant 16 : index
        %get3A_609 = tpu.vector_load %arg6[%get3A_606, %get3A_607, %get3A_608] {strides = array<i32>} : memref<2x1024x32xf32, #tpu.memory_space<vmem>>, vector<16xf32>,
        %jit3A_610 = arith.constant 8 : i32
        %div3A_611 = vector.broadcast %jit3A_610 : i32 to vector<16xi32>
        %div3A_612 = arith.divsi %iota3A, %div3A_611 : vector<16xi32>
        %sign3A_613 = arith.constant 0 : i32
        %sign3A_614 = vector.broadcast %sign3A_613 : i32 to vector<16xi32>
        %sign3A_615 = arith.cmpi sgt, %iota3A, %sign3A_614 : vector<16xi32>
        %sign3A_616 = arith.extui %sign3A_615 : vector<16xi1> to vector<16xi32>
        %sign3A_617 = arith.constant 0 : i32
        %sign3A_618 = vector.broadcast %sign3A_617 : i32 to vector<16xi32>
        %sign3A_619 = arith.cmpi slt, %iota3A, %sign3A_618 : vector<16xi32>
        %sign3A_620 = arith.extui %sign3A_619 : vector<16xi1> to vector<16xi32>
        %sign3A_621 = arith.subi %sign3A_616, %sign3A_620 : vector<16xi32>
        %sign3A_622 = arith.constant 0 : i32
        %sign3A_623 = arith.cmpi sgt, %jit3A_610, %sign3A_622 : i32
        %sign3A_624 = arith.extui %sign3A_623 : i1 to i32
        %sign3A_625 = arith.constant 0 : i32
        %sign3A_626 = arith.cmpi slt, %jit3A_610, %sign3A_625 : i32
        %sign3A_627 = arith.extui %sign3A_626 : i1 to i32
        %sign3A_628 = arith.subi %sign3A_624, %sign3A_627 : i32
        %ne3A_629 = vector.broadcast %sign3A_628 : i32 to vector<16xi32>
        %ne3A_630 = arith.cmpi ne, %sign3A_621, %ne3A_629 : vector<16xi32>
        %rem3A_631 = vector.broadcast %jit3A_610 : i32 to vector<16xi32>
        %rem3A_632 = arith.remsi %iota3A, %rem3A_631 : vector<16xi32>
        %ne3A_633 = arith.constant 0 : i32
        %ne3A_634 = vector.broadcast %ne3A_633 : i32 to vector<16xi32>
        %ne3A_635 = arith.cmpi ne, %rem3A_632, %ne3A_634 : vector<16xi32>
        %and3A_636 = arith.andi %ne3A_630, %ne3A_635 : vector<16xi1>
        %sub3A_637 = arith.constant 1 : i32
        %sub3A_638 = vector.broadcast %sub3A_637 : i32 to vector<16xi32>
        %sub3A_639 = arith.subi %div3A_612, %sub3A_638 : vector<16xi32>
        %select_n3A_640 = arith.select %and3A_636, %sub3A_639, %div3A_612 : vector<16xi1>, vector<16xi32>
        %jit3A_641 = arith.constant 8 : i32
        %eq3A_642 = arith.constant 0 : i32
        %eq3A_643 = arith.cmpi eq, %jit3A_641, %eq3A_642 : i32
        %jit3A_644 = arith.constant 1 : i32
        %select_n3A_645 = arith.select %eq3A_643, %jit3A_644, %jit3A_641 : i32
        %rem3A_646 = vector.broadcast %select_n3A_645 : i32 to vector<16xi32>
        %rem3A_647 = arith.remsi %iota3A, %rem3A_646 : vector<16xi32>
        %ne3A_648 = arith.constant 0 : i32
        %ne3A_649 = vector.broadcast %ne3A_648 : i32 to vector<16xi32>
        %ne3A_650 = arith.cmpi ne, %rem3A_647, %ne3A_649 : vector<16xi32>
        %lt3A_651 = arith.constant 0 : i32
        %lt3A_652 = vector.broadcast %lt3A_651 : i32 to vector<16xi32>
        %lt3A_653 = arith.cmpi slt, %rem3A_647, %lt3A_652 : vector<16xi32>
        %lt3A_654 = arith.constant 0 : i32
        %lt3A_655 = arith.cmpi slt, %select_n3A_645, %lt3A_654 : i32
        %ne3A_656 = vector.broadcast %lt3A_655 : i1 to vector<16xi1>
        %ne3A_657 = vector.broadcast %ne3A_656 : vector<16xi1> to vector<16xi1>
        %ne3A_658 = arith.xori %lt3A_653, %ne3A_657 : vector<16xi1>
        %and3A_659 = arith.andi %ne3A_658, %ne3A_650 : vector<16xi1>
        %add3A_660 = vector.broadcast %select_n3A_645 : i32 to vector<16xi32>
        %add3A_661 = arith.addi %rem3A_647, %add3A_660 : vector<16xi32>
        %select_n3A_662 = arith.select %and3A_659, %add3A_661, %rem3A_647 : vector<16xi1>, vector<16xi32>
        %scatter3A = arith.constant 1 : i32
        %scatter3A_663 = arith.constant 0 : i32
        %scatter3A_664 = arith.constant 0 : i32
        %scatter3A_665 = arith.constant 0 : i32
        %scatter3A_666 = tpu.memref_slice %arg7[%scatter3A, %select_n3A_582, %scatter3A_663, %scatter3A_664, %scatter3A_665] : memref<2x4x4x8x129xf32, #tpu.memory_space<vmem>> -> memref<1x1x4x8x129xf32, #tpu.memory_space<vmem>>
        %scatter3A_667 = tpu.memref_squeeze %scatter3A_666 : memref<1x1x4x8x129xf32, #tpu.memory_space<vmem>> -> memref<4x8x129xf32, #tpu.memory_space<vmem>>
        tpu.vector_store_idx %scatter3A_667[%select_n3A_640, %select_n3A_662, %broadcast_in_dim3A], %get3A_604 : memref<4x8x129xf32, #tpu.memory_space<vmem>>[vector<16xi32>, vector<16xi32>, vector<16xi32>], vector<16xf32>,
        %jit3A_668 = arith.constant 8 : i32
        %div3A_669 = vector.broadcast %jit3A_668 : i32 to vector<16xi32>
        %div3A_670 = arith.divsi %add3A_5, %div3A_669 : vector<16xi32>
        %sign3A_671 = arith.constant 0 : i32
        %sign3A_672 = vector.broadcast %sign3A_671 : i32 to vector<16xi32>
        %sign3A_673 = arith.cmpi sgt, %add3A_5, %sign3A_672 : vector<16xi32>
        %sign3A_674 = arith.extui %sign3A_673 : vector<16xi1> to vector<16xi32>
        %sign3A_675 = arith.constant 0 : i32
        %sign3A_676 = vector.broadcast %sign3A_675 : i32 to vector<16xi32>
        %sign3A_677 = arith.cmpi slt, %add3A_5, %sign3A_676 : vector<16xi32>
        %sign3A_678 = arith.extui %sign3A_677 : vector<16xi1> to vector<16xi32>
        %sign3A_679 = arith.subi %sign3A_674, %sign3A_678 : vector<16xi32>
        %sign3A_680 = arith.constant 0 : i32
        %sign3A_681 = arith.cmpi sgt, %jit3A_668, %sign3A_680 : i32
        %sign3A_682 = arith.extui %sign3A_681 : i1 to i32
        %sign3A_683 = arith.constant 0 : i32
        %sign3A_684 = arith.cmpi slt, %jit3A_668, %sign3A_683 : i32
        %sign3A_685 = arith.extui %sign3A_684 : i1 to i32
        %sign3A_686 = arith.subi %sign3A_682, %sign3A_685 : i32
        %ne3A_687 = vector.broadcast %sign3A_686 : i32 to vector<16xi32>
        %ne3A_688 = arith.cmpi ne, %sign3A_679, %ne3A_687 : vector<16xi32>
        %rem3A_689 = vector.broadcast %jit3A_668 : i32 to vector<16xi32>
        %rem3A_690 = arith.remsi %add3A_5, %rem3A_689 : vector<16xi32>
        %ne3A_691 = arith.constant 0 : i32
        %ne3A_692 = vector.broadcast %ne3A_691 : i32 to vector<16xi32>
        %ne3A_693 = arith.cmpi ne, %rem3A_690, %ne3A_692 : vector<16xi32>
        %and3A_694 = arith.andi %ne3A_688, %ne3A_693 : vector<16xi1>
        %sub3A_695 = arith.constant 1 : i32
        %sub3A_696 = vector.broadcast %sub3A_695 : i32 to vector<16xi32>
        %sub3A_697 = arith.subi %div3A_670, %sub3A_696 : vector<16xi32>
        %select_n3A_698 = arith.select %and3A_694, %sub3A_697, %div3A_670 : vector<16xi1>, vector<16xi32>
        %jit3A_699 = arith.constant 8 : i32
        %eq3A_700 = arith.constant 0 : i32
        %eq3A_701 = arith.cmpi eq, %jit3A_699, %eq3A_700 : i32
        %jit3A_702 = arith.constant 1 : i32
        %select_n3A_703 = arith.select %eq3A_701, %jit3A_702, %jit3A_699 : i32
        %rem3A_704 = vector.broadcast %select_n3A_703 : i32 to vector<16xi32>
        %rem3A_705 = arith.remsi %add3A_5, %rem3A_704 : vector<16xi32>
        %ne3A_706 = arith.constant 0 : i32
        %ne3A_707 = vector.broadcast %ne3A_706 : i32 to vector<16xi32>
        %ne3A_708 = arith.cmpi ne, %rem3A_705, %ne3A_707 : vector<16xi32>
        %lt3A_709 = arith.constant 0 : i32
        %lt3A_710 = vector.broadcast %lt3A_709 : i32 to vector<16xi32>
        %lt3A_711 = arith.cmpi slt, %rem3A_705, %lt3A_710 : vector<16xi32>
        %lt3A_712 = arith.constant 0 : i32
        %lt3A_713 = arith.cmpi slt, %select_n3A_703, %lt3A_712 : i32
        %ne3A_714 = vector.broadcast %lt3A_713 : i1 to vector<16xi1>
        %ne3A_715 = vector.broadcast %ne3A_714 : vector<16xi1> to vector<16xi1>
        %ne3A_716 = arith.xori %lt3A_711, %ne3A_715 : vector<16xi1>
        %and3A_717 = arith.andi %ne3A_716, %ne3A_708 : vector<16xi1>
        %add3A_718 = vector.broadcast %select_n3A_703 : i32 to vector<16xi32>
        %add3A_719 = arith.addi %rem3A_705, %add3A_718 : vector<16xi32>
        %select_n3A_720 = arith.select %and3A_717, %add3A_719, %rem3A_705 : vector<16xi1>, vector<16xi32>
        %scatter3A_721 = arith.constant 1 : i32
        %scatter3A_722 = arith.constant 0 : i32
        %scatter3A_723 = arith.constant 0 : i32
        %scatter3A_724 = arith.constant 0 : i32
        %scatter3A_725 = tpu.memref_slice %arg7[%scatter3A_721, %select_n3A_582, %scatter3A_722, %scatter3A_723, %scatter3A_724] : memref<2x4x4x8x129xf32, #tpu.memory_space<vmem>> -> memref<1x1x4x8x129xf32, #tpu.memory_space<vmem>>
        %scatter3A_726 = tpu.memref_squeeze %scatter3A_725 : memref<1x1x4x8x129xf32, #tpu.memory_space<vmem>> -> memref<4x8x129xf32, #tpu.memory_space<vmem>>
        tpu.vector_store_idx %scatter3A_726[%select_n3A_698, %select_n3A_720, %broadcast_in_dim3A], %get3A_609 : memref<4x8x129xf32, #tpu.memory_space<vmem>>[vector<16xi32>, vector<16xi32>, vector<16xi32>], vector<16xf32>,
      }
      %scan3A_490 = arith.constant 512 : i32
      %jit3A_491 = arith.constant 128 : i32
      %div3A_492 = arith.divsi %add3A_375, %jit3A_491 : i32
      %sign3A_493 = arith.constant 0 : i32
      %sign3A_494 = arith.cmpi sgt, %add3A_375, %sign3A_493 : i32
      %sign3A_495 = arith.extui %sign3A_494 : i1 to i32
      %sign3A_496 = arith.constant 0 : i32
      %sign3A_497 = arith.cmpi slt, %add3A_375, %sign3A_496 : i32
      %sign3A_498 = arith.extui %sign3A_497 : i1 to i32
      %sign3A_499 = arith.subi %sign3A_495, %sign3A_498 : i32
      %sign3A_500 = arith.constant 0 : i32
      %sign3A_501 = arith.cmpi sgt, %jit3A_491, %sign3A_500 : i32
      %sign3A_502 = arith.extui %sign3A_501 : i1 to i32
      %sign3A_503 = arith.constant 0 : i32
      %sign3A_504 = arith.cmpi slt, %jit3A_491, %sign3A_503 : i32
      %sign3A_505 = arith.extui %sign3A_504 : i1 to i32
      %sign3A_506 = arith.subi %sign3A_502, %sign3A_505 : i32
      %ne3A_507 = arith.cmpi ne, %sign3A_499, %sign3A_506 : i32
      %rem3A_508 = arith.remsi %add3A_375, %jit3A_491 : i32
      %ne3A_509 = arith.constant 0 : i32
      %ne3A_510 = arith.cmpi ne, %rem3A_508, %ne3A_509 : i32
      %and3A_511 = arith.andi %ne3A_507, %ne3A_510 : i1
      %sub3A_512 = arith.constant 1 : i32
      %sub3A_513 = arith.subi %div3A_492, %sub3A_512 : i32
      %select_n3A_514 = arith.select %and3A_511, %sub3A_513, %div3A_492 : i32
      %jit3A_515 = arith.constant 128 : i32
      %eq3A_516 = arith.constant 0 : i32
      %eq3A_517 = arith.cmpi eq, %jit3A_515, %eq3A_516 : i32
      %jit3A_518 = arith.constant 1 : i32
      %select_n3A_519 = arith.select %eq3A_517, %jit3A_518, %jit3A_515 : i32
      %rem3A_520 = arith.remsi %add3A_375, %select_n3A_519 : i32
      %ne3A_521 = arith.constant 0 : i32
      %ne3A_522 = arith.cmpi ne, %rem3A_520, %ne3A_521 : i32
      %lt3A_523 = arith.constant 0 : i32
      %lt3A_524 = arith.cmpi slt, %rem3A_520, %lt3A_523 : i32
      %lt3A_525 = arith.constant 0 : i32
      %lt3A_526 = arith.cmpi slt, %select_n3A_519, %lt3A_525 : i32
      %ne3A_527 = arith.xori %lt3A_524, %lt3A_526 : i1
      %and3A_528 = arith.andi %ne3A_527, %ne3A_522 : i1
      %add3A_529 = arith.addi %rem3A_520, %select_n3A_519 : i32
      %select_n3A_530 = arith.select %and3A_528, %add3A_529, %rem3A_520 : i32
      %mul3A_531 = arith.constant 8 : i32
      %mul3A_532 = arith.muli %select_n3A_514, %mul3A_531 : i32
      %add3A_533 = arith.constant 4 : i32
      %add3A_534 = arith.addi %mul3A_532, %add3A_533 : i32
      %dma_start3A_535 = arith.constant 1 : i32
      %dma_start3A_536 = arith.constant 0 : i32
      %dma_start3A_537 = arith.constant 0 : i32
      %dma_start3A_538 = arith.constant 0 : i32
      %dma_start3A_539 = arith.constant 0 : i32
      %dma_start3A_540 = tpu.memref_slice %arg7[%dma_start3A_535, %dma_start3A_536, %dma_start3A_537, %dma_start3A_538, %dma_start3A_539] : memref<2x4x4x8x129xf32, #tpu.memory_space<vmem>> -> memref<1x4x4x8x128xf32, #tpu.memory_space<vmem>>
      %dma_start3A_541 = tpu.memref_squeeze %dma_start3A_540 : memref<1x4x4x8x128xf32, #tpu.memory_space<vmem>> -> memref<4x4x8x128xf32, #tpu.memory_space<vmem>>
      %dma_start3A_542 = arith.constant 0 : i32
      %dma_start3A_543 = arith.constant 0 : i32
      %dma_start3A_544 = arith.constant 0 : i32
      %dma_start3A_545 = tpu.memref_slice %arg4[%add3A_534, %dma_start3A_542, %select_n3A_530, %dma_start3A_543, %dma_start3A_544] : memref<200x4x128x8x128xf32, #tpu.memory_space<hbm>> -> memref<4x4x1x8x128xf32, #tpu.memory_space<hbm>>
      %dma_start3A_546 = tpu.memref_squeeze %dma_start3A_545 : memref<4x4x1x8x128xf32, #tpu.memory_space<hbm>> -> memref<4x4x8x128xf32, #tpu.memory_space<hbm>>
      %dma_start3A_547 = arith.constant 0 : i32
      %dma_start3A_548 = arith.constant 0 : i32
      %dma_start3A_549 = arith.constant 0 : i32
      %dma_start3A_550 = tpu.memref_slice %arg4[%add3A_534, %dma_start3A_547, %select_n3A_530, %dma_start3A_548, %dma_start3A_549] : memref<200x4x128x8x128xf32, #tpu.memory_space<hbm>> -> memref<4x4x1x8x128xf32, #tpu.memory_space<hbm>>
      %dma_start3A_551 = tpu.memref_squeeze %dma_start3A_550 : memref<4x4x1x8x128xf32, #tpu.memory_space<hbm>> -> memref<4x4x8x128xf32, #tpu.memory_space<hbm>>
      %dma_start3A_552 = arith.constant 0 : i32
      %dma_start3A_553 = arith.constant 0 : i32
      %dma_start3A_554 = arith.constant 0 : i32
      %dma_start3A_555 = arith.constant 0 : i32
      %dma_start3A_556 = tpu.memref_slice %arg7[%dma_start3A_535, %dma_start3A_552, %dma_start3A_553, %dma_start3A_554, %dma_start3A_555] : memref<2x4x4x8x129xf32, #tpu.memory_space<vmem>> -> memref<1x4x4x8x128xf32, #tpu.memory_space<vmem>>
      %dma_start3A_557 = tpu.memref_squeeze %dma_start3A_556 : memref<1x4x4x8x128xf32, #tpu.memory_space<vmem>> -> memref<4x4x8x128xf32, #tpu.memory_space<vmem>>
      tpu.enqueue_dma source(%dma_start3A_557 : memref<4x4x8x128xf32, #tpu.memory_space<vmem>>) target(%dma_start3A_551 : memref<4x4x8x128xf32, #tpu.memory_space<hbm>>) target_semaphore(%arg13 : memref<!tpu.dma_semaphore, #tpu.memory_space<semaphore_mem>>)
    }
    %scan3A_55 = arith.constant 50 : i32
    %add3A_56 = arith.constant 100 : i32
    %add3A_57 = arith.addi %mul3A_2, %add3A_56 : i32
    %sub3A = arith.constant 1 : i32
    %sub3A_58 = arith.subi %add3A_57, %sub3A : i32
    %jit3A = arith.constant 128 : i32
    %div3A = arith.divsi %sub3A_58, %jit3A : i32
    %sign3A = arith.constant 0 : i32
    %sign3A_59 = arith.cmpi sgt, %sub3A_58, %sign3A : i32
    %sign3A_60 = arith.extui %sign3A_59 : i1 to i32
    %sign3A_61 = arith.constant 0 : i32
    %sign3A_62 = arith.cmpi slt, %sub3A_58, %sign3A_61 : i32
    %sign3A_63 = arith.extui %sign3A_62 : i1 to i32
    %sign3A_64 = arith.subi %sign3A_60, %sign3A_63 : i32
    %sign3A_65 = arith.constant 0 : i32
    %sign3A_66 = arith.cmpi sgt, %jit3A, %sign3A_65 : i32
    %sign3A_67 = arith.extui %sign3A_66 : i1 to i32
    %sign3A_68 = arith.constant 0 : i32
    %sign3A_69 = arith.cmpi slt, %jit3A, %sign3A_68 : i32
    %sign3A_70 = arith.extui %sign3A_69 : i1 to i32
    %sign3A_71 = arith.subi %sign3A_67, %sign3A_70 : i32
    %ne3A = arith.cmpi ne, %sign3A_64, %sign3A_71 : i32
    %rem3A = arith.remsi %sub3A_58, %jit3A : i32
    %ne3A_72 = arith.constant 0 : i32
    %ne3A_73 = arith.cmpi ne, %rem3A, %ne3A_72 : i32
    %and3A = arith.andi %ne3A, %ne3A_73 : i1
    %sub3A_74 = arith.constant 1 : i32
    %sub3A_75 = arith.subi %div3A, %sub3A_74 : i32
    %select_n3A = arith.select %and3A, %sub3A_75, %div3A : i32
    %jit3A_76 = arith.constant 128 : i32
    %eq3A = arith.constant 0 : i32
    %eq3A_77 = arith.cmpi eq, %jit3A_76, %eq3A : i32
    %jit3A_78 = arith.constant 1 : i32
    %select_n3A_79 = arith.select %eq3A_77, %jit3A_78, %jit3A_76 : i32
    %rem3A_80 = arith.remsi %sub3A_58, %select_n3A_79 : i32
    %ne3A_81 = arith.constant 0 : i32
    %ne3A_82 = arith.cmpi ne, %rem3A_80, %ne3A_81 : i32
    %lt3A = arith.constant 0 : i32
    %lt3A_83 = arith.cmpi slt, %rem3A_80, %lt3A : i32
    %lt3A_84 = arith.constant 0 : i32
    %lt3A_85 = arith.cmpi slt, %select_n3A_79, %lt3A_84 : i32
    %ne3A_86 = arith.xori %lt3A_83, %lt3A_85 : i1
    %and3A_87 = arith.andi %ne3A_86, %ne3A_82 : i1
    %add3A_88 = arith.addi %rem3A_80, %select_n3A_79 : i32
    %select_n3A_89 = arith.select %and3A_87, %add3A_88, %rem3A_80 : i32
    %mul3A_90 = arith.constant 8 : i32
    %mul3A_91 = arith.muli %select_n3A, %mul3A_90 : i32
    %add3A_92 = arith.constant 0 : i32
    %add3A_93 = arith.addi %mul3A_91, %add3A_92 : i32
    %dma_wait3A_94 = arith.constant 0 : i32
    %dma_wait3A_95 = arith.constant 0 : i32
    %dma_wait3A_96 = arith.constant 0 : i32
    %dma_wait3A_97 = arith.constant 0 : i32
    %dma_wait3A_98 = arith.constant 0 : i32
    %dma_wait3A_99 = tpu.memref_slice %arg7[%dma_wait3A_94, %dma_wait3A_95, %dma_wait3A_96, %dma_wait3A_97, %dma_wait3A_98] : memref<2x4x4x8x129xf32, #tpu.memory_space<vmem>> -> memref<1x4x4x8x128xf32, #tpu.memory_space<vmem>>
    %dma_wait3A_100 = tpu.memref_squeeze %dma_wait3A_99 : memref<1x4x4x8x128xf32, #tpu.memory_space<vmem>> -> memref<4x4x8x128xf32, #tpu.memory_space<vmem>>
    %dma_wait3A_101 = arith.constant 0 : i32
    %dma_wait3A_102 = arith.constant 0 : i32
    %dma_wait3A_103 = arith.constant 0 : i32
    %dma_wait3A_104 = tpu.memref_slice %arg4[%add3A_93, %dma_wait3A_101, %select_n3A_89, %dma_wait3A_102, %dma_wait3A_103] : memref<200x4x128x8x128xf32, #tpu.memory_space<hbm>> -> memref<4x4x1x8x128xf32, #tpu.memory_space<hbm>>
    %dma_wait3A_105 = tpu.memref_squeeze %dma_wait3A_104 : memref<4x4x1x8x128xf32, #tpu.memory_space<hbm>> -> memref<4x4x8x128xf32, #tpu.memory_space<hbm>>
    %dma_wait3A_106 = arith.constant 0 : i32
    %dma_wait3A_107 = arith.constant 0 : i32
    %dma_wait3A_108 = arith.constant 0 : i32
    %dma_wait3A_109 = tpu.memref_slice %arg4[%add3A_93, %dma_wait3A_106, %select_n3A_89, %dma_wait3A_107, %dma_wait3A_108] : memref<200x4x128x8x128xf32, #tpu.memory_space<hbm>> -> memref<4x4x1x8x128xf32, #tpu.memory_space<hbm>>
    %dma_wait3A_110 = tpu.memref_squeeze %dma_wait3A_109 : memref<4x4x1x8x128xf32, #tpu.memory_space<hbm>> -> memref<4x4x8x128xf32, #tpu.memory_space<hbm>>
    %dma_wait3A_111 = arith.constant 0 : i32
    %dma_wait3A_112 = arith.constant 0 : i32
    %dma_wait3A_113 = arith.constant 0 : i32
    %dma_wait3A_114 = arith.constant 0 : i32
    %dma_wait3A_115 = tpu.memref_slice %arg7[%dma_wait3A_94, %dma_wait3A_111, %dma_wait3A_112, %dma_wait3A_113, %dma_wait3A_114] : memref<2x4x4x8x129xf32, #tpu.memory_space<vmem>> -> memref<1x4x4x8x128xf32, #tpu.memory_space<vmem>>
    %dma_wait3A_116 = tpu.memref_squeeze %dma_wait3A_115 : memref<1x4x4x8x128xf32, #tpu.memory_space<vmem>> -> memref<4x4x8x128xf32, #tpu.memory_space<vmem>>
    tpu.wait_dma2 semaphore(%arg12 : memref<!tpu.dma_semaphore, #tpu.memory_space<semaphore_mem>>) src(%dma_wait3A_116 : memref<4x4x8x128xf32, #tpu.memory_space<vmem>>) dst(%dma_wait3A_110 : memref<4x4x8x128xf32, #tpu.memory_space<hbm>>)
    %add3A_117 = arith.constant 100 : i32
    %add3A_118 = arith.addi %mul3A_2, %add3A_117 : i32
    %sub3A_119 = arith.constant 1 : i32
    %sub3A_120 = arith.subi %add3A_118, %sub3A_119 : i32
    %jit3A_121 = arith.constant 128 : i32
    %div3A_122 = arith.divsi %sub3A_120, %jit3A_121 : i32
    %sign3A_123 = arith.constant 0 : i32
    %sign3A_124 = arith.cmpi sgt, %sub3A_120, %sign3A_123 : i32
    %sign3A_125 = arith.extui %sign3A_124 : i1 to i32
    %sign3A_126 = arith.constant 0 : i32
    %sign3A_127 = arith.cmpi slt, %sub3A_120, %sign3A_126 : i32
    %sign3A_128 = arith.extui %sign3A_127 : i1 to i32
    %sign3A_129 = arith.subi %sign3A_125, %sign3A_128 : i32
    %sign3A_130 = arith.constant 0 : i32
    %sign3A_131 = arith.cmpi sgt, %jit3A_121, %sign3A_130 : i32
    %sign3A_132 = arith.extui %sign3A_131 : i1 to i32
    %sign3A_133 = arith.constant 0 : i32
    %sign3A_134 = arith.cmpi slt, %jit3A_121, %sign3A_133 : i32
    %sign3A_135 = arith.extui %sign3A_134 : i1 to i32
    %sign3A_136 = arith.subi %sign3A_132, %sign3A_135 : i32
    %ne3A_137 = arith.cmpi ne, %sign3A_129, %sign3A_136 : i32
    %rem3A_138 = arith.remsi %sub3A_120, %jit3A_121 : i32
    %ne3A_139 = arith.constant 0 : i32
    %ne3A_140 = arith.cmpi ne, %rem3A_138, %ne3A_139 : i32
    %and3A_141 = arith.andi %ne3A_137, %ne3A_140 : i1
    %sub3A_142 = arith.constant 1 : i32
    %sub3A_143 = arith.subi %div3A_122, %sub3A_142 : i32
    %select_n3A_144 = arith.select %and3A_141, %sub3A_143, %div3A_122 : i32
    %jit3A_145 = arith.constant 128 : i32
    %eq3A_146 = arith.constant 0 : i32
    %eq3A_147 = arith.cmpi eq, %jit3A_145, %eq3A_146 : i32
    %jit3A_148 = arith.constant 1 : i32
    %select_n3A_149 = arith.select %eq3A_147, %jit3A_148, %jit3A_145 : i32
    %rem3A_150 = arith.remsi %sub3A_120, %select_n3A_149 : i32
    %ne3A_151 = arith.constant 0 : i32
    %ne3A_152 = arith.cmpi ne, %rem3A_150, %ne3A_151 : i32
    %lt3A_153 = arith.constant 0 : i32
    %lt3A_154 = arith.cmpi slt, %rem3A_150, %lt3A_153 : i32
    %lt3A_155 = arith.constant 0 : i32
    %lt3A_156 = arith.cmpi slt, %select_n3A_149, %lt3A_155 : i32
    %ne3A_157 = arith.xori %lt3A_154, %lt3A_156 : i1
    %and3A_158 = arith.andi %ne3A_157, %ne3A_152 : i1
    %add3A_159 = arith.addi %rem3A_150, %select_n3A_149 : i32
    %select_n3A_160 = arith.select %and3A_158, %add3A_159, %rem3A_150 : i32
    %mul3A_161 = arith.constant 8 : i32
    %mul3A_162 = arith.muli %select_n3A_144, %mul3A_161 : i32
    %add3A_163 = arith.constant 4 : i32
    %add3A_164 = arith.addi %mul3A_162, %add3A_163 : i32
    %dma_wait3A_165 = arith.constant 1 : i32
    %dma_wait3A_166 = arith.constant 0 : i32
    %dma_wait3A_167 = arith.constant 0 : i32
    %dma_wait3A_168 = arith.constant 0 : i32
    %dma_wait3A_169 = arith.constant 0 : i32
    %dma_wait3A_170 = tpu.memref_slice %arg7[%dma_wait3A_165, %dma_wait3A_166, %dma_wait3A_167, %dma_wait3A_168, %dma_wait3A_169] : memref<2x4x4x8x129xf32, #tpu.memory_space<vmem>> -> memref<1x4x4x8x128xf32, #tpu.memory_space<vmem>>
    %dma_wait3A_171 = tpu.memref_squeeze %dma_wait3A_170 : memref<1x4x4x8x128xf32, #tpu.memory_space<vmem>> -> memref<4x4x8x128xf32, #tpu.memory_space<vmem>>
    %dma_wait3A_172 = arith.constant 0 : i32
    %dma_wait3A_173 = arith.constant 0 : i32
    %dma_wait3A_174 = arith.constant 0 : i32
    %dma_wait3A_175 = tpu.memref_slice %arg4[%add3A_164, %dma_wait3A_172, %select_n3A_160, %dma_wait3A_173, %dma_wait3A_174] : memref<200x4x128x8x128xf32, #tpu.memory_space<hbm>> -> memref<4x4x1x8x128xf32, #tpu.memory_space<hbm>>
    %dma_wait3A_176 = tpu.memref_squeeze %dma_wait3A_175 : memref<4x4x1x8x128xf32, #tpu.memory_space<hbm>> -> memref<4x4x8x128xf32, #tpu.memory_space<hbm>>
    %dma_wait3A_177 = arith.constant 0 : i32
    %dma_wait3A_178 = arith.constant 0 : i32
    %dma_wait3A_179 = arith.constant 0 : i32
    %dma_wait3A_180 = tpu.memref_slice %arg4[%add3A_164, %dma_wait3A_177, %select_n3A_160, %dma_wait3A_178, %dma_wait3A_179] : memref<200x4x128x8x128xf32, #tpu.memory_space<hbm>> -> memref<4x4x1x8x128xf32, #tpu.memory_space<hbm>>
    %dma_wait3A_181 = tpu.memref_squeeze %dma_wait3A_180 : memref<4x4x1x8x128xf32, #tpu.memory_space<hbm>> -> memref<4x4x8x128xf32, #tpu.memory_space<hbm>>
    %dma_wait3A_182 = arith.constant 0 : i32
    %dma_wait3A_183 = arith.constant 0 : i32
    %dma_wait3A_184 = arith.constant 0 : i32
    %dma_wait3A_185 = arith.constant 0 : i32
    %dma_wait3A_186 = tpu.memref_slice %arg7[%dma_wait3A_165, %dma_wait3A_182, %dma_wait3A_183, %dma_wait3A_184, %dma_wait3A_185] : memref<2x4x4x8x129xf32, #tpu.memory_space<vmem>> -> memref<1x4x4x8x128xf32, #tpu.memory_space<vmem>>
    %dma_wait3A_187 = tpu.memref_squeeze %dma_wait3A_186 : memref<1x4x4x8x128xf32, #tpu.memory_space<vmem>> -> memref<4x4x8x128xf32, #tpu.memory_space<vmem>>
    tpu.wait_dma2 semaphore(%arg13 : memref<!tpu.dma_semaphore, #tpu.memory_space<semaphore_mem>>) src(%dma_wait3A_187 : memref<4x4x8x128xf32, #tpu.memory_space<vmem>>) dst(%dma_wait3A_181 : memref<4x4x8x128xf32, #tpu.memory_space<hbm>>)
    return
  }
}

</mosaic_0001>

<sc_bundles>
// kernel: kernel.4.cloned.1.call-start
scs
__scs_entry_jumppad:
0x0: {  	(pc) =	sbr.rel $0x88, $3  }
0x1: {  	(tag) =	ssettag $0x0;
	lr =	simm.s32 $0x1  }
0x2: {  	[smem:$0x3F9F] =	sst lr;
	_ =	strace $0xD0000000  }
0x3: {  	_ = 	snop  }
0x4: {  	_ = 	snop  }
0x5: {  	_ = 	snop  }
0x6: {  	_ = 	snop  }
0x7: {  	_ = 	snop  }
__scs_overlays_trampoline_lowered:
0x8: {  	[smem:$0x3FAE] =	sst s0  }
0x9: {  	[smem:$0x3FAF] =	sst s1  }
0xa: {  	[smem:$0x3FB0] =	sst s2  }
0xb: {  	[smem:$0x3FB1] =	sst s3  }
0xc: {  	[smem:$0x3FB2] =	sst s4  }
0xd: {  	[smem:$0x3FB3] =	sst s5  }
0xe: {  	[smem:$0x3FB4] =	sst s6  }
0xf: {  	[smem:$0x3FB5] =	sst s7  }
0x10: {  	[smem:$0x3FB6] =	sst s8  }
0x11: {  	[smem:$0x3FB7] =	sst s9;
	s0 =	simm.s32 @!p0 $0x0  }
0x12: {  	s1 =	sld [smem:$0x3F9D];
	s0 =	simm.s32 @p0 $0x1  }
0x13: {  	[smem:$0x3FB8] =	sst s0;
	s0 =	simm.s32 @!p1 $0x0  }
0x14: {  	s2 =	sld [smem:$0x3F9C];
	s0 =	simm.s32 @p1 $0x1  }
0x15: {  	[smem:$0x3FB9] =	sst s0;
	s0 =	simm.s32 @!p2 $0x0  }
0x16: {  	s3 =	sld [smem:$0x3FDB];
	s0 =	simm.s32 @p2 $0x1  }
0x17: {  	s4 =	simm.s32 $0x1BF5;
	[smem:$0x3FBB] =	sst s0  }
0x18: {  	s0 =	sld [smem:$0x3F9E];
	_ =	swait.ge [sflag:s4], $0x0  }
0x19: {  	s7 =	sld [smem:$0x3F9F]  }
0x1a: {  	s8 =	sadd.s32 $0xFFFFE003, lr  }
0x1b: {  	s9 =	sadd.s32 $0xFFFFFEF7, lr;
	s5 =	simm.s32 $0xFFFFFFFF;
	p2 =	slt.u32 s8, $0xFFFFF086  }
0x1c: {  	p1 =	slt.u32 s9, $0xF7A;
	s5 =	simm.s32 @!p2 $0x0  }
0x1d: {  	s5 =	simm.s32 @p1 $0x1;
	p0 =	seq.s32 s7, s2  }
0x1e: {  	s7 =	smul.u32 @!p0 $0xF7A, s2;
	p2 =	seq.s32 @!p0 s5, $0x0  }
0x1f: {  	s9 =	smul.u32 $0xF7A, s1;
	s8 =	simm.s32 @!p0 $0x1BF5;
	p2 =	por !p2, p0  }
0x20: {  	[sflag:s8] =	ssyncset.s32 @!p0 $0xFFFFF086;
	s6 =	sadd.s32 @!p0 s3, s7;
	s7 =	simm.s32 @!p0 $0x108  }
0x21: {  	s3 =	sadd.s32 s3, s9;
	s6 =	sadd.s32 @!p0 $0x88, s6;
	s7 =	simm.s32 @p2 $0x1082  }
0x22: {  	[simem:s7], [sflag:s8] =	dma.local @!p0 [hbm:s6], $0xF7A  }
0x23: {  	s9 =	sor.u32 $0xD0000000, s2;
	s6 =	simm.s32 $0x108;
	_ =	swait.ge @!p0 [sflag:s8], $0x0  }
0x24: {  	s3 =	sadd.s32 $0x88, s3;
	s6 =	simm.s32 @!p1 $0x1082;
	[sflag:s4] =	ssyncset.s32 $0xFFFFF086  }
0x25: {  	[simem:s6], [sflag:s4] =	dma.local [hbm:s3], $0xF7A  }
0x26: {  	[smem:$0x3F9F] =	sst s1;
	(tag) =	ssettag s2;
	_ =	strace s9  }
0x27: {  	s1 =	sld [smem:$0x3FAF]  }
0x28: {  	s2 =	sld [smem:$0x3FB0]  }
0x29: {  	s4 =	sld [smem:$0x3FB2]  }
0x2a: {  	p0 =	seq.s32 s5, $0x0;
	s5 =	sld [smem:$0x3FB3]  }
0x2b: {  	s6 =	sld [smem:$0x3FB4]  }
0x2c: {  	s7 =	sld [smem:$0x3FB5]  }
0x2d: {  	s3 =	simm.s32 $0x108;
	s8 =	sld [smem:$0x3FB6]  }
0x2e: {  	s3 =	simm.s32 @!p0 $0x1082;
	s9 =	sld [smem:$0x3FB7]  }
0x2f: {  	lr =	sadd.s32 s0, s3;
	s0 =	sld [smem:$0x3FAE]  }
0x30: {  	s3 =	sld [smem:$0x3FB1]  }
0x31: {  	[smem:$0x3FBA] =	sst s10  }
0x32: {  	s10 =	sld [smem:$0x3FB8];
	_ =	sdelay $0x3  }
0x33: {  	p0 =	seq.s32 s10, $0x1;
	s10 =	sld [smem:$0x3FBA];
	_ =	sdelay $0x3  }
0x34: {  	[smem:$0x3FBA] =	sst s10  }
0x35: {  	s10 =	sld [smem:$0x3FB9];
	_ =	sdelay $0x3  }
0x36: {  	p1 =	seq.s32 s10, $0x1;
	s10 =	sld [smem:$0x3FBA];
	_ =	sdelay $0x3  }
0x37: {  	[smem:$0x3FBA] =	sst s10  }
0x38: {  	s10 =	sld [smem:$0x3FBB]  }
0x39: {  	_ = 	snop;
	(pc) =	sbr.ind lr, $3  }
0x3a: {  	_ = 	snop  }
0x3b: {  	_ = 	snop  }
0x3c: {  	p2 =	seq.s32 s10, $0x1;
	s10 =	sld [smem:$0x3FBA]  }
0x3d: {  	_ =	shalt  }
0x3e: {  	_ =	shalt  }
0x3f: {  	_ =	shalt  }
0x40: {  	_ =	shalt  }
0x41: {  	_ =	shalt  }
0x42: {  	_ =	shalt  }
0x43: {  	_ =	shalt  }
0x44: {  	_ =	shalt  }
0x45: {  	_ =	shalt  }
0x46: {  	_ =	shalt  }
0x47: {  	_ =	shalt  }
0x48: {  	_ =	shalt  }
0x49: {  	_ =	shalt  }
0x4a: {  	_ =	shalt  }
0x4b: {  	_ =	shalt  }
0x4c: {  	_ =	shalt  }
0x4d: {  	_ =	shalt  }
0x4e: {  	_ =	shalt  }
0x4f: {  	_ =	shalt  }
0x50: {  	_ =	shalt  }
0x51: {  	_ =	shalt  }
0x52: {  	_ =	shalt  }
0x53: {  	_ =	shalt  }
0x54: {  	_ =	shalt  }
0x55: {  	_ =	shalt  }
0x56: {  	_ =	shalt  }
0x57: {  	_ =	shalt  }
0x58: {  	_ =	shalt  }
0x59: {  	_ =	shalt  }
0x5a: {  	_ =	shalt  }
0x5b: {  	_ =	shalt  }
0x5c: {  	_ =	shalt  }
0x5d: {  	_ =	shalt  }
0x5e: {  	_ =	shalt  }
0x5f: {  	_ =	shalt  }
0x60: {  	_ =	shalt  }
0x61: {  	_ =	shalt  }
0x62: {  	_ =	shalt  }
0x63: {  	_ =	shalt  }
0x64: {  	_ =	shalt  }
0x65: {  	_ =	shalt  }
0x66: {  	_ =	shalt  }
0x67: {  	_ =	shalt  }
0x68: {  	_ =	shalt  }
0x69: {  	_ =	shalt  }
0x6a: {  	_ =	shalt  }
0x6b: {  	_ =	shalt  }
0x6c: {  	_ =	shalt  }
0x6d: {  	_ =	shalt  }
0x6e: {  	_ =	shalt  }
0x6f: {  	_ =	shalt  }
0x70: {  	_ =	shalt  }
0x71: {  	_ =	shalt  }
0x72: {  	_ =	shalt  }
0x73: {  	_ =	shalt  }
0x74: {  	_ =	shalt  }
0x75: {  	_ =	shalt  }
0x76: {  	_ =	shalt  }
0x77: {  	_ =	shalt  }
0x78: {  	_ =	shalt  }
0x79: {  	_ =	shalt  }
0x7a: {  	_ =	shalt  }
0x7b: {  	_ =	shalt  }
0x7c: {  	_ =	shalt  }
0x7d: {  	_ =	shalt  }
0x7e: {  	_ =	shalt  }
0x7f: {  	_ =	shalt  }
0x80: {  	_ =	shalt  }
0x81: {  	_ =	shalt  }
0x82: {  	_ =	shalt  }
0x83: {  	_ =	shalt  }
0x84: {  	_ =	shalt  }
0x85: {  	_ =	shalt  }
0x86: {  	_ =	shalt  }
0x87: {  	_ =	shalt  }
.Lfunc_end0:
.L_simem_size_0:
called_computation_lowered:
.L_overlay_start_0:
0x88: {  	s2 =	sld [smem:$0x3FD9]  }
0x89: {  	s3 =	sld [smem:$0x3FFE];
	_ =	sdelay $0x1  }
0x8a: {  	s1 =	srdreg.scid  }
0x8b: {  	s0 =	sand.u32 $0x1, s1  }
0x8c: {  	s17 =	sshll.u32 s0, $0xA;
	s2 =	sadd.s32 s3, s2  }
0x8d: {  	s2 =	sadd.s32 s2, s17  }
0x8e: {  	[smem:$0x3FC6] =	sst s2  }
0x8f: {  	_ = 	snop  }
0x90: {  	s2 =	sld [smem:$0x3FD0];
	(tm) =	ssettm $0x1  }
0x91: {  	s18 =	sld [smem:$0x3FFB];
	_ =	sdelay $0x3  }
0x92: {  	_ =	strace s18  }
0x93: {  	s3 =	sld [smem:$0x3FFC];
	_ =	sdelay $0x3  }
0x94: {  	_ =	strace s3  }
0x95: {  	s3 =	sld [smem:$0x3FFD];
	_ =	sdelay $0x3  }
0x96: {  	_ =	strace s3  }
0x97: {  	_ =	strace $0x8FFFFFFF  }
0x98: {  	s19 =	sld [smem:$0x3FDB];
	_ =	sdelay $0x1  }
0x99: {  	s4 =	simm.s32 $_scs_section_size  }
0x9a: {  	s5 =	simm.s32 $_size__tile_overlayer_lowered;
	s6 =	simm.s32 $_tile_overlayer_lowered  }
0x9b: {  	s22 =	simm.s32 $0x1BFF;
	s21 =	sshll.u32 s6, $0x1;
	s3 =	sadd.s32 s4, s19  }
0x9c: {  	s7 =	simm.s32 $0x0;
	s20 =	sshll.u32 s5, $0x1;
	s5 =	sadd.s32 s21, s3  }
0x9d: {  	[timem:s7], [sflag:s22] =	dma.local [hbm:s5], s20  }
0x9e: {  	_ =	swait.ge [sflag:s22], s20  }
0x9f: {  	s4 =	ssub.s32 $0x0, s20;
	[sflag:s22] =	ssyncset.done $0x0  }
0xa0: {  	[sflag:s22] =	ssyncadd.s32 s4;
	_ =	sdelay $0x1  }
0xa1: {  	s23 =	simm.s32 $0x1B8B  }
0xa2: {  	_ =	swait.ge [sflag:s23], $0x1  }
0xa3: {  	[sflag:s23] =	ssyncset.done $0x0  }
0xa4: {  	s25 =	simm.s32 $0x1B8E;
	s24 =	sld [smem:$0x3FFE];
	[sflag:s23] =	ssyncadd.s32 $0xFFFFFFFF  }
0xa5: {  	s26 =	simm.s32 $execute0_lowered;
	[smem:$0x3FD2] =	sst s25  }
0xa6: {  	s5 =	sshll.u32 s26, $0x1;
	_ =	strace $0x80000046;
	[dreg:$0x1] =	wrdreg $0xFFFFFFFF  }
0xa7: {  	s28 =	simm.s32 $_size_execute0_lowered;
	s3 =	sadd.s32 s3, s5;
	[dreg:$0x0] =	wrdreg $0x0  }
0xa8: {  	s5 =	sshll.u32 s28, $0x1;
	[dreg:$0x2] =	wrdreg s3  }
0xa9: {  	[dreg:$0x3] =	wrdreg s5  }
0xaa: {  	[dreg:$0x4] =	wrdreg $0xC0  }
0xab: {  	_ =	task [dreg:s7], $0x5FFFF  }
0xac: {  	[dreg:$0x1] =	wrdreg $0xFFFFFFFF  }
0xad: {  	[dreg:$0x0] =	wrdreg $0x60  }
0xae: {  	[dreg:$0x2] =	wrdreg s2  }
0xaf: {  	[dreg:$0x3] =	wrdreg s24  }
0xb0: {  	[dreg:$0x4] =	wrdreg $0x9  }
0xb1: {  	_ =	task.clear_ibuf [dreg:s7], $0x5FFFF;
	_ =	strace $0x90000046  }
0xb2: {  	s29 =	simm.s32 $0x9;
	_ =	strace $0x80000048  }
0xb3: {  	_ =	swait.ge [sflag:s29], $0x1  }
0xb4: {  	[sflag:s29] =	ssyncadd.s32 $0xFFFFFFFF  }
0xb5: {  	_ =	strace $0x90000048  }
0xb6: {  	_ =	sfence  }
0xb7: {  	s30 =	sld [smem:$0x0];
	_ =	sdelay $0x2  }
0xb8: {  	s31 =	sshll.u32 s1, $0xD;
	s1 =	sshrl.u32 s1, $0x2  }
0xb9: {  	s3 =	sand.u32 $0x4000, s31;
	s1 =	sadd.s32 s1, s30  }
0xba: {  	s0 =	sor.u32 s3, s0;
	s1 =	sshll.u32 s1, $0x11  }
0xbb: {  	s0 =	sor.u32 s1, s0  }
0xbc: {  	s0 =	sadd.s32 $0x8F2B, s0  }
0xbd: {  	[sflag:s0] =	ssyncadd.remote.s32 $0x1  }
0xbe: {  	_ =	sfence.sel $0xFFFF  }
0xbf: {  	[dreg:$0x0] =	wrdreg $0xFFFFFFFF;
	(pc) =	sbr.abs _section_cstart, $3  }
0xc0: {  	[dreg:$0x1] =	wrdreg $0xFFFFFFFF  }
0xc1: {  	_ =	task.clear_ibuf [dreg:s7], $0x2FFFF;
	_ =	strace $0x9FFFFFFF  }
0xc2: {  	(tm) =	ssettm $0x7FFFFFFF  }
0xc3: {  	_ =	shalt  }
tec
execute0_lowered:
.L_overlay_start_1:
0x0: {  	(tag) =	ssettag $0x1  }
0x1: {  	s0 =	rddreg [dreg:$0x0]  }
0x2: {  	s1 =	rddreg [dreg:$0x1]  }
0x3: {  	s3 =	srdreg.scid;
	s5 =	stileid.u32;
	s2 =	simm.s32 $0x0  }
0x4: {  	s12 =	simm.s32 $0x1000;
	s13 =	simm.s32 $0x7A1400;
	s14 =	simm.s32 $0x4000  }
0x5: {  	s15 =	simm.s32 $0x1;
	s16 =	simm.s32 $0x8000;
	s17 =	simm.s32 $0x2  }
0x6: {  	s18 =	simm.s32 $0xD000;
	s19 =	simm.s32 $0x3;
	s20 =	simm.s32 $0x4  }
0x7: {  	s23 =	simm.s32 $0x5;
	s24 =	simm.s32 $0x0;
	s4 =	sand.u32 $0x1, s3  }
0x8: {  	s30 =	sshll.u32 s5, $0x1;
	[smem:$0x7FF] =	sst s2;
	s8 =	sadd.s32 $0xC000, s0  }
.Ltmp0:
0x9: {  	s9 =	sadd.s32 $0xF4200, s0;
	s10 =	sadd.s32 $0x3D1000, s1;
	(pc) =	sbr.rel .LBB2_1-.Ltmp0, $4  }
0xa: {  	v0 =	vlaneseq.u32;
	s3 =	sor.u32 s4, s30;
	_ =	strace $0x80000047;
	s6 =	ssub.s32 $0x2, s4  }
0xb: {  	v0 =	vmul.u32 $0x28, v0;
	s4 =	sadd.s32 $0x800, s1;
	s31 =	sshll.u32 s3, $0x9;
	s7 =	sshrl.u32 s6, $0x1  }
0xc: {  	p0 =	sne.s32 s3, $0x0;
	s5 =	sadd.s32 s0, s31;
	s11 =	ssub.s32 s6, s7  }
0xd: {  	v1 =	vadd.s32 $0x280, v0;
	v2 =	vadd.s32 $0x500, v0;
	v3 =	vadd.s32 $0x780, v0;
	s7 =	sadd.s32 $0x8000, s0;
	s6 =	sadd.s32 $0x4000, s5;
	s11 =	smax.u32 s11, $0x1  }
.LBB2_13:
.Ltmp1:
0xe: {  	(pc) =	sbr.rel @!p0 .LBB2_14-.Ltmp1, $4  }
0xf: {  	_ = 	snop  }
0x10: {  	_ =	swait.ge [sflag:s19], $0x4000  }
0x11: {  	[sflag:s19] =	ssyncset.done $0x0  }
0x12: {  	[sflag:s19] =	ssyncadd.s32 $0xFFFFC000  }
.LBB2_19:
0x13: {  	s24 =	sadd.s32 $0x1, s24  }
0x14: {  	p1 =	sne.s32 s24, s11  }
.Ltmp2:
0x15: {  	_ = 	snop;
	(pc) =	sbr.rel @!p1 .LBB2_20-.Ltmp2, $1  }
0x16: {  	_ =	sdelay $0x3  }
.LBB2_1:
.Ltmp3:
0x17: {  	(pc) =	sbr.rel .LBB2_2-.Ltmp3, $4  }
0x18: {  	_ = 	snop  }
0x19: {  	[tilespmem:s2], [sflag:$0x1] =	stream.strided.gather [hbm4b:s5+s12], $0x4000, s13, s12, $0x38;
	[tilespmem:$0x12000] =	vst v63  }
0x1a: {  	s25 =	simm.s32 $0x0  }
0x1b: {  	[tilespmem:s14], [sflag:$0x2] =	stream.strided.gather [hbm4b:s6+s12], $0x4000, s13, s12, $0x38;
	[tilespmem:$0x12000] =	vst v63  }
.LBB2_12:
0x1c: {  	s25 =	sadd.s32 $0x1, s25  }
0x1d: {  	p1 =	sne.s32 s25, $0x1F  }
.Ltmp4:
0x1e: {  	_ = 	snop;
	(pc) =	sbr.rel @!p1 .LBB2_13-.Ltmp4, $1  }
0x1f: {  	_ =	sdelay $0x3  }
.LBB2_2:
0x20: {  	s0 =	simm.s32 $0x0  }
0x21: {  	_ =	swait.ge [sflag:s15], $0x4000;
	s0 =	sand.u32 $0xFFFFFF80, s0  }
0x22: {  	p1 =	seq.s32 s25, $0x0;
	s28 =	simm.s32 $0x0;
	[sflag:s15] =	ssyncset.done $0x0;
	v4 =	vmov s0  }
0x23: {  	s21 =	simm.s32 $0x0;
	s1 =	simm.s32 @!p1 $0x3;
	[sflag:s15] =	ssyncadd.s32 $0xFFFFC000;
	v4 =	vmul.u32 $0x28, v4  }
0x24: {  	v5 =	vmov s28;
	s26 =	sand.u32 $0x3000, s28;
	s21 =	sand.u32 $0x3FFFFC00, s21;
	_ =	swait.ge @!p1 [sflag:s1], $0x4000  }
0x25: {  	s29 =	sand.u32 $0x380, s28;
	s21 =	sadd.s32 s21, s26;
	[sflag:s1] =	ssyncset.done @!p1 $0x0;
	v6 =	vbroadcast v4, $0x0;
	v4 =	vand.u32 $0x1F, v5  }
0x26: {  	s29 =	sor.u32 s29, s21;
	[sflag:s1] =	ssyncadd.s32 @!p1 $0xFFFFC000;
	v4 =	vadd.s32 v0, v4  }
0x27: {  	s26 =	sor.u32 $0x10, s0;
	v5 =	vld [tilespmem:s29+$0x0];
	v6 =	vadd.s32 v6, v4  }
0x28: {  	v7 =	vmov s26  }
0x29: {  	v7 =	vmul.u32 $0x28, v7;
	_ =	sdelay $0x1  }
0x2a: {  	v7 =	vbroadcast v7, $0x0  }
0x2b: {  	[tilespmem:v6+s16+$0x0] =	vst.idx.msk $0xffff, v5  }
0x2c: {  	s21 =	sor.u32 $0x20, s0;
	v6 =	vadd.s32 v7, v4;
	v5 =	vld [tilespmem:s29+$0x10]  }
0x2d: {  	v7 =	vmov s21  }
0x2e: {  	v7 =	vmul.u32 $0x28, v7;
	_ =	sdelay $0x1  }
0x2f: {  	v7 =	vbroadcast v7, $0x0  }
0x30: {  	[tilespmem:v6+s16+$0x0] =	vst.idx.msk $0xffff, v5  }
0x31: {  	s22 =	sor.u32 $0x30, s0;
	v6 =	vadd.s32 v7, v4;
	v5 =	vld [tilespmem:s29+$0x20]  }
0x32: {  	v7 =	vmov s22  }
0x33: {  	v7 =	vmul.u32 $0x28, v7;
	_ =	sdelay $0x1  }
0x34: {  	v7 =	vbroadcast v7, $0x0  }
0x35: {  	[tilespmem:v6+s16+$0x0] =	vst.idx.msk $0xffff, v5  }
0x36: {  	s26 =	sor.u32 $0x40, s0;
	v6 =	vadd.s32 v7, v4;
	v5 =	vld [tilespmem:s29+$0x30]  }
0x37: {  	v7 =	vmov s26  }
0x38: {  	v7 =	vmul.u32 $0x28, v7;
	_ =	sdelay $0x1  }
0x39: {  	v7 =	vbroadcast v7, $0x0  }
0x3a: {  	[tilespmem:v6+s16+$0x0] =	vst.idx.msk $0xffff, v5  }
0x3b: {  	s21 =	sor.u32 $0x50, s0;
	v6 =	vadd.s32 v7, v4;
	v5 =	vld [tilespmem:s29+$0x40]  }
0x3c: {  	v7 =	vmov s21  }
0x3d: {  	v7 =	vmul.u32 $0x28, v7;
	_ =	sdelay $0x1  }
0x3e: {  	v7 =	vbroadcast v7, $0x0  }
0x3f: {  	[tilespmem:v6+s16+$0x0] =	vst.idx.msk $0xffff, v5  }
0x40: {  	s22 =	sor.u32 $0x60, s0;
	v6 =	vadd.s32 v7, v4;
	v5 =	vld [tilespmem:s29+$0x50]  }
0x41: {  	v7 =	vmov s22  }
0x42: {  	v7 =	vmul.u32 $0x28, v7;
	_ =	sdelay $0x1  }
0x43: {  	v7 =	vbroadcast v7, $0x0  }
0x44: {  	[tilespmem:v6+s16+$0x0] =	vst.idx.msk $0xffff, v5  }
0x45: {  	s0 =	sor.u32 $0x70, s0;
	v7 =	vadd.s32 v7, v4;
	v6 =	vld [tilespmem:s29+$0x60]  }
0x46: {  	v5 =	vmov s0  }
0x47: {  	v5 =	vmul.u32 $0x28, v5;
	_ =	sdelay $0x1  }
0x48: {  	s31 =	simm.s32 $0x1;
	s30 =	simm.s32 $0x0;
	s26 =	sshll.u32 s25, $0x6;
	v5 =	vbroadcast v5, $0x0  }
0x49: {  	s1 =	simm.s32 $0x4;
	s26 =	sor.u32 s3, s26;
	s0 =	simm.s32 $0x2;
	[tilespmem:v7+s16+$0x0] =	vst.idx.msk $0xffff, v6  }
.LBB2_3:
0x4a: {  	p2 =	sne.s32 s0, $0x7F;
	s1 =	sand.u32 $0xFFFFFF80, s1;
	v6 =	vld [tilespmem:s29+$0x70];
	v5 =	vadd.s32 v5, v4  }
0x4b: {  	v4 =	vmov s1  }
0x4c: {  	s21 =	sshll.u32 s31, $0x5;
	s28 =	sadd.s32 $0x200, s28;
	v4 =	vmul.u32 $0x28, v4  }
0x4d: {  	v7 =	vmov s31;
	s30 =	sadd.s32 $0x80, s30;
	s29 =	sand.u32 $0x3000, s28;
	s21 =	sand.u32 $0x3FFFFC00, s21  }
0x4e: {  	s31 =	smov.u32 s0;
	s22 =	sand.u32 $0x380, s30;
	s21 =	sadd.s32 s21, s29;
	v8 =	vbroadcast v4, $0x0;
	v4 =	vand.u32 $0x1F, v7  }
0x4f: {  	s29 =	sor.u32 s22, s21;
	v4 =	vadd.s32 v0, v4;
	[tilespmem:v5+s16+$0x0] =	vst.idx.msk $0xffff, v6  }
0x50: {  	s21 =	sor.u32 $0x10, s1;
	v5 =	vld [tilespmem:s29+$0x0];
	v6 =	vadd.s32 v8, v4  }
0x51: {  	v7 =	vmov s21  }
0x52: {  	v7 =	vmul.u32 $0x28, v7;
	_ =	sdelay $0x1  }
0x53: {  	v7 =	vbroadcast v7, $0x0  }
0x54: {  	[tilespmem:v6+s16+$0x0] =	vst.idx.msk $0xffff, v5  }
0x55: {  	s21 =	sor.u32 $0x20, s1;
	v6 =	vadd.s32 v7, v4;
	v5 =	vld [tilespmem:s29+$0x10]  }
0x56: {  	v7 =	vmov s21  }
0x57: {  	v7 =	vmul.u32 $0x28, v7;
	_ =	sdelay $0x1  }
0x58: {  	v7 =	vbroadcast v7, $0x0  }
0x59: {  	[tilespmem:v6+s16+$0x0] =	vst.idx.msk $0xffff, v5  }
0x5a: {  	s21 =	sor.u32 $0x30, s1;
	v6 =	vadd.s32 v7, v4;
	v5 =	vld [tilespmem:s29+$0x20]  }
0x5b: {  	v7 =	vmov s21  }
0x5c: {  	v7 =	vmul.u32 $0x28, v7;
	_ =	sdelay $0x1  }
0x5d: {  	v7 =	vbroadcast v7, $0x0  }
0x5e: {  	[tilespmem:v6+s16+$0x0] =	vst.idx.msk $0xffff, v5  }
0x5f: {  	s21 =	sor.u32 $0x40, s1;
	v6 =	vadd.s32 v7, v4;
	v5 =	vld [tilespmem:s29+$0x30]  }
0x60: {  	v7 =	vmov s21  }
0x61: {  	v7 =	vmul.u32 $0x28, v7;
	_ =	sdelay $0x1  }
0x62: {  	v7 =	vbroadcast v7, $0x0  }
0x63: {  	[tilespmem:v6+s16+$0x0] =	vst.idx.msk $0xffff, v5  }
0x64: {  	s21 =	sor.u32 $0x50, s1;
	v6 =	vadd.s32 v7, v4;
	v5 =	vld [tilespmem:s29+$0x40]  }
0x65: {  	v7 =	vmov s21  }
0x66: {  	v7 =	vmul.u32 $0x28, v7;
	_ =	sdelay $0x1  }
0x67: {  	v7 =	vbroadcast v7, $0x0  }
0x68: {  	[tilespmem:v6+s16+$0x0] =	vst.idx.msk $0xffff, v5  }
0x69: {  	s21 =	sor.u32 $0x60, s1;
	v6 =	vadd.s32 v7, v4;
	v5 =	vld [tilespmem:s29+$0x50]  }
0x6a: {  	v7 =	vmov s21  }
0x6b: {  	v7 =	vmul.u32 $0x28, v7;
	_ =	sdelay $0x1  }
0x6c: {  	v7 =	vbroadcast v7, $0x0  }
0x6d: {  	[tilespmem:v6+s16+$0x0] =	vst.idx.msk $0xffff, v5  }
0x6e: {  	s1 =	sor.u32 $0x70, s1;
	v7 =	vadd.s32 v7, v4;
	v6 =	vld [tilespmem:s29+$0x60]  }
.Ltmp5:
0x6f: {  	v5 =	vmov s1;
	(pc) =	sbr.rel @p2 .LBB2_3-.Ltmp5, $3  }
0x70: {  	v5 =	vmul.u32 $0x28, v5;
	_ =	sdelay $0x1  }
0x71: {  	v5 =	vbroadcast v5, $0x0  }
0x72: {  	s0 =	sadd.s32 $0x1, s0;
	s1 =	sshll.u32 s31, $0x2;
	[tilespmem:v7+s16+$0x0] =	vst.idx.msk $0xffff, v6  }
0x73: {  	s0 =	sand.u32 $0xFFFFFF80, s1;
	v6 =	vld [tilespmem:s29+$0x70];
	v4 =	vadd.s32 v5, v4  }
0x74: {  	v5 =	vmov s0  }
0x75: {  	s22 =	sshll.u32 s31, $0x5;
	s21 =	sadd.s32 $0x200, s28;
	v5 =	vmul.u32 $0x28, v5  }
0x76: {  	v7 =	vmov s31;
	s21 =	sand.u32 $0x3000, s21;
	s1 =	sand.u32 $0x3FFFFC00, s22;
	s22 =	sadd.s32 $0x80, s30  }
0x77: {  	v7 =	vand.u32 $0x1F, v7;
	s22 =	sand.u32 $0x380, s22;
	s1 =	sadd.s32 s1, s21;
	v5 =	vbroadcast v5, $0x0  }
0x78: {  	v7 =	vadd.s32 v0, v7;
	s1 =	sor.u32 s22, s1;
	[tilespmem:v4+s16+$0x0] =	vst.idx.msk $0xffff, v6  }
0x79: {  	s31 =	sor.u32 $0x10, s0;
	v4 =	vld [tilespmem:s1+$0x0];
	v5 =	vadd.s32 v5, v7  }
0x7a: {  	v57 =	vmov s31  }
0x7b: {  	v6 =	vmul.u32 $0x28, v57;
	_ =	sdelay $0x1  }
0x7c: {  	v6 =	vbroadcast v6, $0x0  }
0x7d: {  	[tilespmem:v5+s16+$0x0] =	vst.idx.msk $0xffff, v4  }
0x7e: {  	s22 =	sor.u32 $0x20, s0;
	v5 =	vadd.s32 v6, v7;
	v4 =	vld [tilespmem:s1+$0x10]  }
0x7f: {  	v58 =	vmov s22  }
0x80: {  	v6 =	vmul.u32 $0x28, v58;
	_ =	sdelay $0x1  }
0x81: {  	v6 =	vbroadcast v6, $0x0  }
0x82: {  	[tilespmem:v5+s16+$0x0] =	vst.idx.msk $0xffff, v4  }
0x83: {  	s30 =	sor.u32 $0x30, s0;
	v5 =	vadd.s32 v6, v7;
	v4 =	vld [tilespmem:s1+$0x20]  }
0x84: {  	v59 =	vmov s30  }
0x85: {  	v6 =	vmul.u32 $0x28, v59;
	_ =	sdelay $0x1  }
0x86: {  	v6 =	vbroadcast v6, $0x0  }
0x87: {  	[tilespmem:v5+s16+$0x0] =	vst.idx.msk $0xffff, v4  }
0x88: {  	s31 =	sor.u32 $0x40, s0;
	v5 =	vadd.s32 v6, v7;
	v4 =	vld [tilespmem:s1+$0x30]  }
0x89: {  	v60 =	vmov s31  }
0x8a: {  	v6 =	vmul.u32 $0x28, v60;
	_ =	sdelay $0x1  }
0x8b: {  	v6 =	vbroadcast v6, $0x0  }
0x8c: {  	[tilespmem:v5+s16+$0x0] =	vst.idx.msk $0xffff, v4  }
0x8d: {  	s22 =	sor.u32 $0x50, s0;
	v5 =	vadd.s32 v6, v7;
	v4 =	vld [tilespmem:s1+$0x40]  }
0x8e: {  	v61 =	vmov s22  }
0x8f: {  	v6 =	vmul.u32 $0x28, v61;
	_ =	sdelay $0x1  }
0x90: {  	v6 =	vbroadcast v6, $0x0  }
0x91: {  	[tilespmem:v5+s16+$0x0] =	vst.idx.msk $0xffff, v4  }
0x92: {  	s30 =	sor.u32 $0x60, s0;
	v5 =	vadd.s32 v6, v7;
	v4 =	vld [tilespmem:s1+$0x50]  }
0x93: {  	v62 =	vmov s30  }
0x94: {  	v6 =	vmul.u32 $0x28, v62;
	_ =	sdelay $0x1  }
0x95: {  	v6 =	vbroadcast v6, $0x0  }
0x96: {  	[tilespmem:v5+s16+$0x0] =	vst.idx.msk $0xffff, v4  }
0x97: {  	s0 =	sor.u32 $0x70, s0;
	v5 =	vadd.s32 v6, v7;
	v4 =	vld [tilespmem:s1+$0x60]  }
0x98: {  	v63 =	vmov s0  }
0x99: {  	v6 =	vmul.u32 $0x28, v63;
	_ =	sdelay $0x1  }
0x9a: {  	v6 =	vbroadcast v6, $0x0  }
0x9b: {  	[tilespmem:v5+s16+$0x0] =	vst.idx.msk $0xffff, v4  }
0x9c: {  	v5 =	vadd.s32 v6, v7;
	v4 =	vld [tilespmem:s1+$0x70];
	_ =	sdelay $0x2  }
0x9d: {  	s31 =	sshll.u32 s26, $0xB  }
0x9e: {  	s28 =	simm.s32 $0x8028;
	s0 =	sadd.s32 s4, s31  }
0x9f: {  	s21 =	simm.s32 $0x4;
	s29 =	sadd.s32 $0x0, s0;
	s1 =	simm.s32 $0x8000;
	[tilespmem:v5+s16+$0x0] =	vst.idx.msk $0xffff, v4  }
.LBB2_5:
0xa0: {  	[hbm4b:s29+s2] =	stream.linear.scatter [tilespmem:s1], [sflag:$0x3], $0x20, $0x38;
	[tilespmem:$0x12000] =	vst v63  }
0xa1: {  	s22 =	smov.u32 s21;
	s1 =	smov.u32 s28;
	p2 =	sne.s32 s21, $0x7FC  }
.Ltmp6:
0xa2: {  	s21 =	sadd.s32 $0x4, s21;
	(pc) =	sbr.rel @p2 .LBB2_5-.Ltmp6, $2  }
0xa3: {  	_ =	sdelay $0x2  }
0xa4: {  	s28 =	sadd.s32 $0x28, s28;
	s29 =	sadd.s32 s22, s0  }
0xa5: {  	[hbm4b:s29+s2] =	stream.linear.scatter [tilespmem:s1], [sflag:$0x3], $0x20, $0x38;
	[tilespmem:$0x12000] =	vst v63  }
0xa6: {  	p2 =	sgt.u32 s26, $0x760  }
0xa7: {  	s28 =	sor.u32 $0x20, s26;
	s0 =	sshll.u32 @!p2 s26, $0x9;
	s1 =	simm.s32 @!p2 $0x1000  }
0xa8: {  	s21 =	simm.s32 @!p2 $0x7A1400;
	s22 =	simm.s32 @!p2 $0x0;
	s0 =	sadd.s32 @!p2 s0, s7  }
0xa9: {  	[tilespmem:s22], [sflag:$0x1] =	stream.strided.gather @!p2 [hbm4b:s0+s1], $0x4000, s21, s1, $0x38;
	[tilespmem:$0x12000] =	vst v63  }
0xaa: {  	p2 =	sgt.u32 s28, $0x7A0  }
.Ltmp7:
0xab: {  	_ = 	snop;
	(pc) =	sbr.rel @p2 .LBB2_12-.Ltmp7, $1  }
0xac: {  	_ =	sdelay $0x3  }
0xad: {  	s0 =	simm.s32 $0x0  }
0xae: {  	_ =	swait.ge [sflag:s17], $0x4000;
	s0 =	sand.u32 $0xFFFFFF80, s0  }
0xaf: {  	s1 =	simm.s32 @!p1 $0x4;
	[sflag:s17] =	ssyncset.done $0x0;
	v4 =	vmov s0  }
0xb0: {  	s29 =	simm.s32 $0x0;
	s21 =	simm.s32 $0x0;
	[sflag:s17] =	ssyncadd.s32 $0xFFFFC000;
	v4 =	vmul.u32 $0x28, v4  }
0xb1: {  	v5 =	vmov s29;
	s22 =	sand.u32 $0x3000, s29;
	s21 =	sand.u32 $0x3FFFFC00, s21;
	_ =	swait.ge @!p1 [sflag:s1], $0x4000  }
0xb2: {  	s30 =	sand.u32 $0x380, s29;
	s21 =	sadd.s32 s21, s22;
	[sflag:s1] =	ssyncset.done @!p1 $0x0;
	v6 =	vbroadcast v4, $0x0;
	v4 =	vand.u32 $0x1F, v5  }
0xb3: {  	s30 =	sor.u32 s30, s21;
	[sflag:s1] =	ssyncadd.s32 @!p1 $0xFFFFC000;
	v4 =	vadd.s32 v0, v4  }
0xb4: {  	s21 =	sor.u32 $0x10, s0;
	v5 =	vld [tilespmem:s30+$0x4000];
	v6 =	vadd.s32 v6, v4  }
0xb5: {  	v7 =	vmov s21  }
0xb6: {  	v7 =	vmul.u32 $0x28, v7;
	_ =	sdelay $0x1  }
0xb7: {  	v7 =	vbroadcast v7, $0x0  }
0xb8: {  	[tilespmem:v6+s18+$0x0] =	vst.idx.msk $0xffff, v5  }
0xb9: {  	s22 =	sor.u32 $0x20, s0;
	v6 =	vadd.s32 v7, v4;
	v5 =	vld [tilespmem:s30+$0x4010]  }
0xba: {  	v7 =	vmov s22  }
0xbb: {  	v7 =	vmul.u32 $0x28, v7;
	_ =	sdelay $0x1  }
0xbc: {  	v7 =	vbroadcast v7, $0x0  }
0xbd: {  	[tilespmem:v6+s18+$0x0] =	vst.idx.msk $0xffff, v5  }
0xbe: {  	s21 =	sor.u32 $0x30, s0;
	v6 =	vadd.s32 v7, v4;
	v5 =	vld [tilespmem:s30+$0x4020]  }
0xbf: {  	v7 =	vmov s21  }
0xc0: {  	v7 =	vmul.u32 $0x28, v7;
	_ =	sdelay $0x1  }
0xc1: {  	v7 =	vbroadcast v7, $0x0  }
0xc2: {  	[tilespmem:v6+s18+$0x0] =	vst.idx.msk $0xffff, v5  }
0xc3: {  	s22 =	sor.u32 $0x40, s0;
	v6 =	vadd.s32 v7, v4;
	v5 =	vld [tilespmem:s30+$0x4030]  }
0xc4: {  	v7 =	vmov s22  }
0xc5: {  	v7 =	vmul.u32 $0x28, v7;
	_ =	sdelay $0x1  }
0xc6: {  	v7 =	vbroadcast v7, $0x0  }
0xc7: {  	[tilespmem:v6+s18+$0x0] =	vst.idx.msk $0xffff, v5  }
0xc8: {  	s21 =	sor.u32 $0x50, s0;
	v6 =	vadd.s32 v7, v4;
	v5 =	vld [tilespmem:s30+$0x4040]  }
0xc9: {  	v7 =	vmov s21  }
0xca: {  	v7 =	vmul.u32 $0x28, v7;
	_ =	sdelay $0x1  }
0xcb: {  	v7 =	vbroadcast v7, $0x0  }
0xcc: {  	[tilespmem:v6+s18+$0x0] =	vst.idx.msk $0xffff, v5  }
0xcd: {  	s22 =	sor.u32 $0x60, s0;
	v6 =	vadd.s32 v7, v4;
	v5 =	vld [tilespmem:s30+$0x4050]  }
0xce: {  	v7 =	vmov s22  }
0xcf: {  	v7 =	vmul.u32 $0x28, v7;
	_ =	sdelay $0x1  }
0xd0: {  	v7 =	vbroadcast v7, $0x0  }
0xd1: {  	[tilespmem:v6+s18+$0x0] =	vst.idx.msk $0xffff, v5  }
0xd2: {  	s0 =	sor.u32 $0x70, s0;
	v7 =	vadd.s32 v7, v4;
	v6 =	vld [tilespmem:s30+$0x4060]  }
0xd3: {  	v5 =	vmov s0  }
0xd4: {  	v5 =	vmul.u32 $0x28, v5;
	_ =	sdelay $0x1  }
0xd5: {  	s31 =	simm.s32 $0x0;
	v5 =	vbroadcast v5, $0x0  }
0xd6: {  	s1 =	simm.s32 $0x2;
	s21 =	simm.s32 $0x4;
	s0 =	simm.s32 $0x1;
	[tilespmem:v7+s18+$0x0] =	vst.idx.msk $0xffff, v6  }
.LBB2_8:
0xd7: {  	p1 =	sne.s32 s1, $0x7F;
	s21 =	sand.u32 $0xFFFFFF80, s21;
	v6 =	vld [tilespmem:s30+$0x4070];
	v5 =	vadd.s32 v5, v4  }
0xd8: {  	v4 =	vmov s21  }
0xd9: {  	s22 =	sshll.u32 s0, $0x5;
	s29 =	sadd.s32 $0x200, s29;
	v4 =	vmul.u32 $0x28, v4  }
0xda: {  	v7 =	vmov s0;
	s31 =	sadd.s32 $0x80, s31;
	s0 =	sand.u32 $0x3000, s29;
	s22 =	sand.u32 $0x3FFFFC00, s22  }
0xdb: {  	s30 =	sand.u32 $0x380, s31;
	s22 =	sadd.s32 s22, s0;
	s0 =	smov.u32 s1;
	v8 =	vbroadcast v4, $0x0;
	v4 =	vand.u32 $0x1F, v7  }
0xdc: {  	s30 =	sor.u32 s30, s22;
	v4 =	vadd.s32 v0, v4;
	[tilespmem:v5+s18+$0x0] =	vst.idx.msk $0xffff, v6  }
0xdd: {  	s22 =	sor.u32 $0x10, s21;
	v5 =	vld [tilespmem:s30+$0x4000];
	v6 =	vadd.s32 v8, v4  }
0xde: {  	v7 =	vmov s22  }
0xdf: {  	v7 =	vmul.u32 $0x28, v7;
	_ =	sdelay $0x1  }
0xe0: {  	v7 =	vbroadcast v7, $0x0  }
0xe1: {  	[tilespmem:v6+s18+$0x0] =	vst.idx.msk $0xffff, v5  }
0xe2: {  	s22 =	sor.u32 $0x20, s21;
	v6 =	vadd.s32 v7, v4;
	v5 =	vld [tilespmem:s30+$0x4010]  }
0xe3: {  	v7 =	vmov s22  }
0xe4: {  	v7 =	vmul.u32 $0x28, v7;
	_ =	sdelay $0x1  }
0xe5: {  	v7 =	vbroadcast v7, $0x0  }
0xe6: {  	[tilespmem:v6+s18+$0x0] =	vst.idx.msk $0xffff, v5  }
0xe7: {  	s22 =	sor.u32 $0x30, s21;
	v6 =	vadd.s32 v7, v4;
	v5 =	vld [tilespmem:s30+$0x4020]  }
0xe8: {  	v7 =	vmov s22  }
0xe9: {  	v7 =	vmul.u32 $0x28, v7;
	_ =	sdelay $0x1  }
0xea: {  	v7 =	vbroadcast v7, $0x0  }
0xeb: {  	[tilespmem:v6+s18+$0x0] =	vst.idx.msk $0xffff, v5  }
0xec: {  	s22 =	sor.u32 $0x40, s21;
	v6 =	vadd.s32 v7, v4;
	v5 =	vld [tilespmem:s30+$0x4030]  }
0xed: {  	v7 =	vmov s22  }
0xee: {  	v7 =	vmul.u32 $0x28, v7;
	_ =	sdelay $0x1  }
0xef: {  	v7 =	vbroadcast v7, $0x0  }
0xf0: {  	[tilespmem:v6+s18+$0x0] =	vst.idx.msk $0xffff, v5  }
0xf1: {  	s22 =	sor.u32 $0x50, s21;
	v6 =	vadd.s32 v7, v4;
	v5 =	vld [tilespmem:s30+$0x4040]  }
0xf2: {  	v7 =	vmov s22  }
0xf3: {  	v7 =	vmul.u32 $0x28, v7;
	_ =	sdelay $0x1  }
0xf4: {  	v7 =	vbroadcast v7, $0x0  }
0xf5: {  	[tilespmem:v6+s18+$0x0] =	vst.idx.msk $0xffff, v5  }
0xf6: {  	s22 =	sor.u32 $0x60, s21;
	v6 =	vadd.s32 v7, v4;
	v5 =	vld [tilespmem:s30+$0x4050]  }
0xf7: {  	v7 =	vmov s22  }
0xf8: {  	v7 =	vmul.u32 $0x28, v7;
	_ =	sdelay $0x1  }
0xf9: {  	v7 =	vbroadcast v7, $0x0  }
0xfa: {  	[tilespmem:v6+s18+$0x0] =	vst.idx.msk $0xffff, v5  }
0xfb: {  	s21 =	sor.u32 $0x70, s21;
	v7 =	vadd.s32 v7, v4;
	v6 =	vld [tilespmem:s30+$0x4060]  }
.Ltmp8:
0xfc: {  	v5 =	vmov s21;
	(pc) =	sbr.rel @p1 .LBB2_8-.Ltmp8, $3  }
0xfd: {  	v5 =	vmul.u32 $0x28, v5;
	_ =	sdelay $0x1  }
0xfe: {  	v5 =	vbroadcast v5, $0x0  }
0xff: {  	s1 =	sadd.s32 $0x1, s1;
	s21 =	sshll.u32 s0, $0x2;
	[tilespmem:v7+s18+$0x0] =	vst.idx.msk $0xffff, v6  }
0x100: {  	s1 =	sand.u32 $0xFFFFFF80, s21;
	v6 =	vld [tilespmem:s30+$0x4070];
	v4 =	vadd.s32 v5, v4  }
0x101: {  	v5 =	vmov s1  }
0x102: {  	s30 =	sshll.u32 s0, $0x5;
	s22 =	sadd.s32 $0x200, s29;
	v5 =	vmul.u32 $0x28, v5  }
0x103: {  	v7 =	vmov s0;
	s0 =	sand.u32 $0x3000, s22;
	s21 =	sand.u32 $0x3FFFFC00, s30;
	s30 =	sadd.s32 $0x80, s31  }
0x104: {  	v7 =	vand.u32 $0x1F, v7;
	s22 =	sand.u32 $0x380, s30;
	s0 =	sadd.s32 s21, s0;
	v5 =	vbroadcast v5, $0x0  }
0x105: {  	v7 =	vadd.s32 v0, v7;
	s0 =	sor.u32 s22, s0;
	[tilespmem:v4+s18+$0x0] =	vst.idx.msk $0xffff, v6  }
0x106: {  	s31 =	sor.u32 $0x10, s1;
	v4 =	vld [tilespmem:s0+$0x4000];
	v5 =	vadd.s32 v5, v7  }
0x107: {  	v57 =	vmov s31  }
0x108: {  	v6 =	vmul.u32 $0x28, v57;
	_ =	sdelay $0x1  }
0x109: {  	v6 =	vbroadcast v6, $0x0  }
0x10a: {  	[tilespmem:v5+s18+$0x0] =	vst.idx.msk $0xffff, v4  }
0x10b: {  	s22 =	sor.u32 $0x20, s1;
	v5 =	vadd.s32 v6, v7;
	v4 =	vld [tilespmem:s0+$0x4010]  }
0x10c: {  	v58 =	vmov s22  }
0x10d: {  	v6 =	vmul.u32 $0x28, v58;
	_ =	sdelay $0x1  }
0x10e: {  	v6 =	vbroadcast v6, $0x0  }
0x10f: {  	[tilespmem:v5+s18+$0x0] =	vst.idx.msk $0xffff, v4  }
0x110: {  	s30 =	sor.u32 $0x30, s1;
	v5 =	vadd.s32 v6, v7;
	v4 =	vld [tilespmem:s0+$0x4020]  }
0x111: {  	v59 =	vmov s30  }
0x112: {  	v6 =	vmul.u32 $0x28, v59;
	_ =	sdelay $0x1  }
0x113: {  	v6 =	vbroadcast v6, $0x0  }
0x114: {  	[tilespmem:v5+s18+$0x0] =	vst.idx.msk $0xffff, v4  }
0x115: {  	s31 =	sor.u32 $0x40, s1;
	v5 =	vadd.s32 v6, v7;
	v4 =	vld [tilespmem:s0+$0x4030]  }
0x116: {  	v60 =	vmov s31  }
0x117: {  	v6 =	vmul.u32 $0x28, v60;
	_ =	sdelay $0x1  }
0x118: {  	v6 =	vbroadcast v6, $0x0  }
0x119: {  	[tilespmem:v5+s18+$0x0] =	vst.idx.msk $0xffff, v4  }
0x11a: {  	s22 =	sor.u32 $0x50, s1;
	v5 =	vadd.s32 v6, v7;
	v4 =	vld [tilespmem:s0+$0x4040]  }
0x11b: {  	v61 =	vmov s22  }
0x11c: {  	v6 =	vmul.u32 $0x28, v61;
	_ =	sdelay $0x1  }
0x11d: {  	v6 =	vbroadcast v6, $0x0  }
0x11e: {  	[tilespmem:v5+s18+$0x0] =	vst.idx.msk $0xffff, v4  }
0x11f: {  	s30 =	sor.u32 $0x60, s1;
	v5 =	vadd.s32 v6, v7;
	v4 =	vld [tilespmem:s0+$0x4050]  }
0x120: {  	v62 =	vmov s30  }
0x121: {  	v6 =	vmul.u32 $0x28, v62;
	_ =	sdelay $0x1  }
0x122: {  	v6 =	vbroadcast v6, $0x0  }
0x123: {  	[tilespmem:v5+s18+$0x0] =	vst.idx.msk $0xffff, v4  }
0x124: {  	s1 =	sor.u32 $0x70, s1;
	v5 =	vadd.s32 v6, v7;
	v4 =	vld [tilespmem:s0+$0x4060]  }
0x125: {  	v63 =	vmov s1  }
0x126: {  	v6 =	vmul.u32 $0x28, v63;
	_ =	sdelay $0x1  }
0x127: {  	v6 =	vbroadcast v6, $0x0  }
0x128: {  	[tilespmem:v5+s18+$0x0] =	vst.idx.msk $0xffff, v4  }
0x129: {  	v5 =	vadd.s32 v6, v7;
	v4 =	vld [tilespmem:s0+$0x4070];
	_ =	sdelay $0x2  }
0x12a: {  	s31 =	sshll.u32 s28, $0xB  }
0x12b: {  	s21 =	simm.s32 $0x4;
	s0 =	sadd.s32 s4, s31  }
0x12c: {  	s28 =	simm.s32 $0xD028;
	s1 =	simm.s32 $0xD000;
	s29 =	sadd.s32 $0x0, s0;
	[tilespmem:v5+s18+$0x0] =	vst.idx.msk $0xffff, v4  }
.LBB2_10:
0x12d: {  	[hbm4b:s29+s2] =	stream.linear.scatter [tilespmem:s1], [sflag:$0x4], $0x20, $0x38;
	[tilespmem:$0x12000] =	vst v63  }
0x12e: {  	s22 =	smov.u32 s21;
	s1 =	smov.u32 s28;
	p1 =	sne.s32 s21, $0x7FC  }
.Ltmp9:
0x12f: {  	s21 =	sadd.s32 $0x4, s21;
	(pc) =	sbr.rel @p1 .LBB2_10-.Ltmp9, $2  }
0x130: {  	_ =	sdelay $0x2  }
0x131: {  	s28 =	sadd.s32 $0x28, s28;
	s29 =	sadd.s32 s22, s0  }
0x132: {  	[hbm4b:s29+s2] =	stream.linear.scatter [tilespmem:s1], [sflag:$0x4], $0x20, $0x38;
	[tilespmem:$0x12000] =	vst v63  }
.Ltmp10:
0x133: {  	_ = 	snop;
	(pc) =	sbr.rel .LBB2_12-.Ltmp10, $4  }
0x134: {  	p1 =	sgt.u32 s26, $0x740  }
0x135: {  	s0 =	sshll.u32 @!p1 s26, $0x9;
	s1 =	simm.s32 @!p1 $0x1000  }
0x136: {  	s21 =	simm.s32 @!p1 $0x7A1400;
	s22 =	simm.s32 @!p1 $0x4000;
	s0 =	sadd.s32 @!p1 s0, s8  }
0x137: {  	[tilespmem:s22], [sflag:$0x2] =	stream.strided.gather @!p1 [hbm4b:s0+s1], $0x4000, s21, s1, $0x38;
	[tilespmem:$0x12000] =	vst v63  }
.LBB2_14:
0x138: {  	_ =	swait.ge [sflag:s20], $0x4000  }
0x139: {  	[sflag:s20] =	ssyncset.done $0x0  }
0x13a: {  	s0 =	simm.s32 $0x0;
	[sflag:s20] =	ssyncadd.s32 $0xFFFFC000  }
0x13b: {  	[tilespmem:s0], [sflag:$0x5] =	stream.linear.gather [hbm4b:s9+s0], $0x400, $0x38;
	[tilespmem:$0x12000] =	vst v63  }
0x13c: {  	s1 =	sadd.s32 $0xF4280, s9  }
0x13d: {  	[tilespmem:s12], [sflag:$0x5] =	stream.linear.gather [hbm4b:s1+s0], $0x400, $0x38;
	[tilespmem:$0x12000] =	vst v63  }
0x13e: {  	s26 =	sadd.s32 $0x1E8500, s9;
	s21 =	simm.s32 $0x2000  }
0x13f: {  	[tilespmem:s21], [sflag:$0x5] =	stream.linear.gather [hbm4b:s26+s0], $0x400, $0x38;
	[tilespmem:$0x12000] =	vst v63  }
0x140: {  	s28 =	sadd.s32 $0x2DC780, s9;
	s29 =	simm.s32 $0x3000  }
0x141: {  	[tilespmem:s29], [sflag:$0x5] =	stream.linear.gather [hbm4b:s28+s0], $0x400, $0x38;
	[tilespmem:$0x12000] =	vst v63  }
0x142: {  	_ =	swait.ge [sflag:s23], $0x1000  }
0x143: {  	v4 =	vmov s0;
	s30 =	sand.u32 $0x3000, s0;
	s0 =	sand.u32 $0x380, s0;
	[sflag:s23] =	ssyncset.done $0x0  }
0x144: {  	v5 =	vand.u32 $0x1F, v4;
	s31 =	sor.u32 s0, s30;
	[sflag:s23] =	ssyncadd.s32 $0xFFFFF000  }
0x145: {  	v6 =	vadd.s32 v0, v5;
	v4 =	vld [tilespmem:s31+$0x0];
	_ =	sdelay $0x4  }
0x146: {  	[tilespmem:v6+s16+$0x0] =	vst.idx.msk $0xffff, v4  }
0x147: {  	v6 =	vadd.s32 v1, v5;
	v4 =	vld [tilespmem:s31+$0x10];
	_ =	sdelay $0x4  }
0x148: {  	[tilespmem:v6+s16+$0x0] =	vst.idx.msk $0xffff, v4  }
0x149: {  	v6 =	vadd.s32 v2, v5;
	v4 =	vld [tilespmem:s31+$0x20];
	_ =	sdelay $0x4  }
0x14a: {  	[tilespmem:v6+s16+$0x0] =	vst.idx.msk $0xffff, v4  }
0x14b: {  	v5 =	vadd.s32 v3, v5;
	v4 =	vld [tilespmem:s31+$0x30];
	_ =	sdelay $0x2  }
0x14c: {  	s22 =	simm.s32 $0x1;
	s1 =	simm.s32 $0x80;
	s0 =	simm.s32 $0x200  }
0x14d: {  	s26 =	sand.u32 $0x380, s1;
	s21 =	simm.s32 $0x2;
	s25 =	sand.u32 $0x3000, s0;
	v6 =	vmov s22  }
.LBB2_15:
0x14e: {  	p1 =	sne.s32 s21, $0x1F;
	s22 =	sor.u32 s26, s25;
	v6 =	vand.u32 $0x1F, v6;
	[tilespmem:v5+s16+$0x0] =	vst.idx.msk $0xffff, v4  }
0x14f: {  	v4 =	vld [tilespmem:s22+$0x0];
	v5 =	vadd.s32 v0, v6;
	_ =	sdelay $0x4  }
0x150: {  	[tilespmem:v5+s16+$0x0] =	vst.idx.msk $0xffff, v4  }
0x151: {  	v5 =	vadd.s32 v1, v6;
	v4 =	vld [tilespmem:s22+$0x10];
	_ =	sdelay $0x4  }
0x152: {  	[tilespmem:v5+s16+$0x0] =	vst.idx.msk $0xffff, v4  }
0x153: {  	v5 =	vadd.s32 v2, v6;
	v4 =	vld [tilespmem:s22+$0x20];
	_ =	sdelay $0x4  }
0x154: {  	[tilespmem:v5+s16+$0x0] =	vst.idx.msk $0xffff, v4  }
.Ltmp11:
0x155: {  	v5 =	vadd.s32 v3, v6;
	v4 =	vld [tilespmem:s22+$0x30];
	(pc) =	sbr.rel @p1 .LBB2_15-.Ltmp11, $3  }
0x156: {  	_ =	sdelay $0x1  }
0x157: {  	s0 =	sadd.s32 $0x200, s0;
	s1 =	sadd.s32 $0x80, s1  }
0x158: {  	s25 =	sand.u32 $0x3000, s0;
	s26 =	sand.u32 $0x380, s1;
	v6 =	vmov s21;
	s21 =	sadd.s32 $0x1, s21  }
0x159: {  	_ =	sdelay $0x3  }
0x15a: {  	s0 =	sor.u32 s26, s25;
	v6 =	vand.u32 $0x1F, v6;
	[tilespmem:v5+s16+$0x0] =	vst.idx.msk $0xffff, v4  }
0x15b: {  	v4 =	vld [tilespmem:s0+$0x0];
	v5 =	vadd.s32 v0, v6;
	_ =	sdelay $0x4  }
0x15c: {  	[tilespmem:v5+s16+$0x0] =	vst.idx.msk $0xffff, v4  }
0x15d: {  	v5 =	vadd.s32 v1, v6;
	v4 =	vld [tilespmem:s0+$0x10];
	_ =	sdelay $0x4  }
0x15e: {  	[tilespmem:v5+s16+$0x0] =	vst.idx.msk $0xffff, v4  }
0x15f: {  	v5 =	vadd.s32 v2, v6;
	v4 =	vld [tilespmem:s0+$0x20];
	_ =	sdelay $0x4  }
0x160: {  	[tilespmem:v5+s16+$0x0] =	vst.idx.msk $0xffff, v4  }
0x161: {  	v5 =	vadd.s32 v3, v6;
	v4 =	vld [tilespmem:s0+$0x30];
	_ =	sdelay $0x3  }
0x162: {  	s1 =	simm.s32 $0x4  }
0x163: {  	s25 =	sadd.s32 $0x0, s10;
	s21 =	simm.s32 $0x8028;
	s0 =	simm.s32 $0x8000;
	[tilespmem:v5+s16+$0x0] =	vst.idx.msk $0xffff, v4  }
.LBB2_17:
0x164: {  	[hbm4b:s25+s2] =	stream.linear.scatter [tilespmem:s0], [sflag:$0x5], $0x20, $0x38;
	[tilespmem:$0x12000] =	vst v63  }
0x165: {  	s22 =	smov.u32 s1;
	s0 =	smov.u32 s21;
	p1 =	sne.s32 s1, $0xFC  }
.Ltmp12:
0x166: {  	s1 =	sadd.s32 $0x4, s1;
	(pc) =	sbr.rel @p1 .LBB2_17-.Ltmp12, $2  }
0x167: {  	_ =	sdelay $0x2  }
0x168: {  	s21 =	sadd.s32 $0x28, s21;
	s25 =	sadd.s32 s22, s10  }
.Ltmp13:
0x169: {  	(pc) =	sbr.rel .LBB2_19-.Ltmp13, $4  }
0x16a: {  	[hbm4b:s25+s2] =	stream.linear.scatter [tilespmem:s0], [sflag:$0x5], $0x20, $0x38;
	[tilespmem:$0x12000] =	vst v63  }
0x16b: {  	_ =	swait.ge [sflag:s23], $0x800  }
0x16c: {  	[sflag:s23] =	ssyncset.done $0x0  }
0x16d: {  	[sflag:s23] =	ssyncadd.s32 $0xFFFFF800  }
.LBB2_20:
0x16e: {  	_ =	sfence.sel $0x180000  }
0x16f: {  	[bflag:$0x0] =	sbarrier.arrive $0xFFFF  }
0x170: {  	_ =	strace $0x90000047  }
0x171: {  	s0 =	stileid.u32;
	[bflag:$0x2] =	sbarrier.arrive $0xFFFF  }
0x172: {  	p0 =	sne.s32 s0, $0x0;
	s0 =	rddreg [dreg:$0x2]  }
0x173: {  	s0 =	sadd.s32 @!p0 $0x100000, s0  }
0x174: {  	[sflag:s0] =	ssyncadd.tile.s32 @!p0 $0x1;
	_ =	shalt  }
.Lfunc_end2:
_tile_overlayer_lowered:
.L_overlay_start_2:
0x175: {  	(tag) =	ssettag $0x2  }
0x176: {  	s0 =	rddreg [dreg:$0x0];
	s2 =	stileid.u32  }
0x177: {  	s1 =	rddreg [dreg:$0x1];
	p0 =	sne.s32 s2, $0x0  }
0x178: {  	s3 =	rddreg [dreg:$0x2];
	[bflag:$0x3] =	sbarrier.arrive $0xFFFF;
	s2 =	simm.s32 @!p0 $0x1C05  }
0x179: {  	[timem:s3], [sflag:s2] =	dma.local @!p0 [hbm:s0], s1  }
0x17a: {  	s0 =	simm.s32 @!p0 $0x5  }
0x17b: {  	_ =	swait.ge @!p0 [sflag:s0], s1  }
0x17c: {  	s1 =	ssub.s32 @!p0 $0x0, s1;
	[sflag:s0] =	ssyncset.done @!p0 $0x0  }
0x17d: {  	[sflag:s0] =	ssyncadd.s32 @!p0 s1  }
0x17e: {  	[bflag:$0x3] =	sbarrier.arrive $0xFFFF  }
0x17f: {  	_ =	shalt  }

// kernel: kernel.7.cloned.1.call-start
scs
__scs_entry_jumppad:
0x0: {  	(pc) =	sbr.rel $0x88, $3  }
0x1: {  	(tag) =	ssettag $0x0;
	lr =	simm.s32 $0x1  }
0x2: {  	[smem:$0x3F9F] =	sst lr;
	_ =	strace $0xD0000000  }
0x3: {  	_ = 	snop  }
0x4: {  	_ = 	snop  }
0x5: {  	_ = 	snop  }
0x6: {  	_ = 	snop  }
0x7: {  	_ = 	snop  }
__scs_overlays_trampoline_lowered:
0x8: {  	[smem:$0x3FAE] =	sst s0  }
0x9: {  	[smem:$0x3FAF] =	sst s1  }
0xa: {  	[smem:$0x3FB0] =	sst s2  }
0xb: {  	[smem:$0x3FB1] =	sst s3  }
0xc: {  	[smem:$0x3FB2] =	sst s4  }
0xd: {  	[smem:$0x3FB3] =	sst s5  }
0xe: {  	[smem:$0x3FB4] =	sst s6  }
0xf: {  	[smem:$0x3FB5] =	sst s7  }
0x10: {  	[smem:$0x3FB6] =	sst s8  }
0x11: {  	[smem:$0x3FB7] =	sst s9;
	s0 =	simm.s32 @!p0 $0x0  }
0x12: {  	s1 =	sld [smem:$0x3F9D];
	s0 =	simm.s32 @p0 $0x1  }
0x13: {  	[smem:$0x3FB8] =	sst s0;
	s0 =	simm.s32 @!p1 $0x0  }
0x14: {  	s2 =	sld [smem:$0x3F9C];
	s0 =	simm.s32 @p1 $0x1  }
0x15: {  	[smem:$0x3FB9] =	sst s0;
	s0 =	simm.s32 @!p2 $0x0  }
0x16: {  	s3 =	sld [smem:$0x3FDB];
	s0 =	simm.s32 @p2 $0x1  }
0x17: {  	s4 =	simm.s32 $0x1BF5;
	[smem:$0x3FBB] =	sst s0  }
0x18: {  	s0 =	sld [smem:$0x3F9E];
	_ =	swait.ge [sflag:s4], $0x0  }
0x19: {  	s7 =	sld [smem:$0x3F9F]  }
0x1a: {  	s8 =	sadd.s32 $0xFFFFE003, lr  }
0x1b: {  	s9 =	sadd.s32 $0xFFFFFEF7, lr;
	s5 =	simm.s32 $0xFFFFFFFF;
	p2 =	slt.u32 s8, $0xFFFFF086  }
0x1c: {  	p1 =	slt.u32 s9, $0xF7A;
	s5 =	simm.s32 @!p2 $0x0  }
0x1d: {  	s5 =	simm.s32 @p1 $0x1;
	p0 =	seq.s32 s7, s2  }
0x1e: {  	s7 =	smul.u32 @!p0 $0xF7A, s2;
	p2 =	seq.s32 @!p0 s5, $0x0  }
0x1f: {  	s9 =	smul.u32 $0xF7A, s1;
	s8 =	simm.s32 @!p0 $0x1BF5;
	p2 =	por !p2, p0  }
0x20: {  	[sflag:s8] =	ssyncset.s32 @!p0 $0xFFFFF086;
	s6 =	sadd.s32 @!p0 s3, s7;
	s7 =	simm.s32 @!p0 $0x108  }
0x21: {  	s3 =	sadd.s32 s3, s9;
	s6 =	sadd.s32 @!p0 $0x88, s6;
	s7 =	simm.s32 @p2 $0x1082  }
0x22: {  	[simem:s7], [sflag:s8] =	dma.local @!p0 [hbm:s6], $0xF7A  }
0x23: {  	s9 =	sor.u32 $0xD0000000, s2;
	s6 =	simm.s32 $0x108;
	_ =	swait.ge @!p0 [sflag:s8], $0x0  }
0x24: {  	s3 =	sadd.s32 $0x88, s3;
	s6 =	simm.s32 @!p1 $0x1082;
	[sflag:s4] =	ssyncset.s32 $0xFFFFF086  }
0x25: {  	[simem:s6], [sflag:s4] =	dma.local [hbm:s3], $0xF7A  }
0x26: {  	[smem:$0x3F9F] =	sst s1;
	(tag) =	ssettag s2;
	_ =	strace s9  }
0x27: {  	s1 =	sld [smem:$0x3FAF]  }
0x28: {  	s2 =	sld [smem:$0x3FB0]  }
0x29: {  	s4 =	sld [smem:$0x3FB2]  }
0x2a: {  	p0 =	seq.s32 s5, $0x0;
	s5 =	sld [smem:$0x3FB3]  }
0x2b: {  	s6 =	sld [smem:$0x3FB4]  }
0x2c: {  	s7 =	sld [smem:$0x3FB5]  }
0x2d: {  	s3 =	simm.s32 $0x108;
	s8 =	sld [smem:$0x3FB6]  }
0x2e: {  	s3 =	simm.s32 @!p0 $0x1082;
	s9 =	sld [smem:$0x3FB7]  }
0x2f: {  	lr =	sadd.s32 s0, s3;
	s0 =	sld [smem:$0x3FAE]  }
0x30: {  	s3 =	sld [smem:$0x3FB1]  }
0x31: {  	[smem:$0x3FBA] =	sst s10  }
0x32: {  	s10 =	sld [smem:$0x3FB8];
	_ =	sdelay $0x3  }
0x33: {  	p0 =	seq.s32 s10, $0x1;
	s10 =	sld [smem:$0x3FBA];
	_ =	sdelay $0x3  }
0x34: {  	[smem:$0x3FBA] =	sst s10  }
0x35: {  	s10 =	sld [smem:$0x3FB9];
	_ =	sdelay $0x3  }
0x36: {  	p1 =	seq.s32 s10, $0x1;
	s10 =	sld [smem:$0x3FBA];
	_ =	sdelay $0x3  }
0x37: {  	[smem:$0x3FBA] =	sst s10  }
0x38: {  	s10 =	sld [smem:$0x3FBB]  }
0x39: {  	_ = 	snop;
	(pc) =	sbr.ind lr, $3  }
0x3a: {  	_ = 	snop  }
0x3b: {  	_ = 	snop  }
0x3c: {  	p2 =	seq.s32 s10, $0x1;
	s10 =	sld [smem:$0x3FBA]  }
0x3d: {  	_ =	shalt  }
0x3e: {  	_ =	shalt  }
0x3f: {  	_ =	shalt  }
0x40: {  	_ =	shalt  }
0x41: {  	_ =	shalt  }
0x42: {  	_ =	shalt  }
0x43: {  	_ =	shalt  }
0x44: {  	_ =	shalt  }
0x45: {  	_ =	shalt  }
0x46: {  	_ =	shalt  }
0x47: {  	_ =	shalt  }
0x48: {  	_ =	shalt  }
0x49: {  	_ =	shalt  }
0x4a: {  	_ =	shalt  }
0x4b: {  	_ =	shalt  }
0x4c: {  	_ =	shalt  }
0x4d: {  	_ =	shalt  }
0x4e: {  	_ =	shalt  }
0x4f: {  	_ =	shalt  }
0x50: {  	_ =	shalt  }
0x51: {  	_ =	shalt  }
0x52: {  	_ =	shalt  }
0x53: {  	_ =	shalt  }
0x54: {  	_ =	shalt  }
0x55: {  	_ =	shalt  }
0x56: {  	_ =	shalt  }
0x57: {  	_ =	shalt  }
0x58: {  	_ =	shalt  }
0x59: {  	_ =	shalt  }
0x5a: {  	_ =	shalt  }
0x5b: {  	_ =	shalt  }
0x5c: {  	_ =	shalt  }
0x5d: {  	_ =	shalt  }
0x5e: {  	_ =	shalt  }
0x5f: {  	_ =	shalt  }
0x60: {  	_ =	shalt  }
0x61: {  	_ =	shalt  }
0x62: {  	_ =	shalt  }
0x63: {  	_ =	shalt  }
0x64: {  	_ =	shalt  }
0x65: {  	_ =	shalt  }
0x66: {  	_ =	shalt  }
0x67: {  	_ =	shalt  }
0x68: {  	_ =	shalt  }
0x69: {  	_ =	shalt  }
0x6a: {  	_ =	shalt  }
0x6b: {  	_ =	shalt  }
0x6c: {  	_ =	shalt  }
0x6d: {  	_ =	shalt  }
0x6e: {  	_ =	shalt  }
0x6f: {  	_ =	shalt  }
0x70: {  	_ =	shalt  }
0x71: {  	_ =	shalt  }
0x72: {  	_ =	shalt  }
0x73: {  	_ =	shalt  }
0x74: {  	_ =	shalt  }
0x75: {  	_ =	shalt  }
0x76: {  	_ =	shalt  }
0x77: {  	_ =	shalt  }
0x78: {  	_ =	shalt  }
0x79: {  	_ =	shalt  }
0x7a: {  	_ =	shalt  }
0x7b: {  	_ =	shalt  }
0x7c: {  	_ =	shalt  }
0x7d: {  	_ =	shalt  }
0x7e: {  	_ =	shalt  }
0x7f: {  	_ =	shalt  }
0x80: {  	_ =	shalt  }
0x81: {  	_ =	shalt  }
0x82: {  	_ =	shalt  }
0x83: {  	_ =	shalt  }
0x84: {  	_ =	shalt  }
0x85: {  	_ =	shalt  }
0x86: {  	_ =	shalt  }
0x87: {  	_ =	shalt  }
.Lfunc_end0:
.L_simem_size_0:
called_computation.1_lowered:
.L_overlay_start_0:
0x88: {  	s2 =	sld [smem:$0x3FD9]  }
0x89: {  	s3 =	sld [smem:$0x3FFE];
	_ =	sdelay $0x1  }
0x8a: {  	s1 =	srdreg.scid  }
0x8b: {  	s0 =	sand.u32 $0x1, s1  }
0x8c: {  	s17 =	sshll.u32 s0, $0xA;
	s2 =	sadd.s32 s3, s2  }
0x8d: {  	s2 =	sadd.s32 s2, s17  }
0x8e: {  	[smem:$0x3FC6] =	sst s2  }
0x8f: {  	_ = 	snop  }
0x90: {  	s2 =	sld [smem:$0x3FC9]  }
0x91: {  	s18 =	sld [smem:$0x3FD0];
	(tm) =	ssettm $0x1  }
0x92: {  	s4 =	sld [smem:$0x3FFB];
	_ =	sdelay $0x3  }
0x93: {  	_ =	strace s4  }
0x94: {  	s4 =	sld [smem:$0x3FFC];
	_ =	sdelay $0x3  }
0x95: {  	_ =	strace s4  }
0x96: {  	s4 =	sld [smem:$0x3FFD];
	_ =	sdelay $0x3  }
0x97: {  	_ =	strace s4  }
0x98: {  	_ =	strace $0x8FFFFFFF  }
0x99: {  	s19 =	sld [smem:$0x3FDB];
	_ =	sdelay $0x1  }
0x9a: {  	s5 =	simm.s32 $_scs_section_size  }
0x9b: {  	s6 =	simm.s32 $_size__tile_overlayer_lowered;
	s7 =	simm.s32 $_tile_overlayer_lowered  }
0x9c: {  	s22 =	simm.s32 $0x1BFF;
	s21 =	sshll.u32 s7, $0x1;
	s4 =	sadd.s32 s5, s19  }
0x9d: {  	s8 =	simm.s32 $0x0;
	s20 =	sshll.u32 s6, $0x1;
	s6 =	sadd.s32 s21, s4  }
0x9e: {  	[timem:s8], [sflag:s22] =	dma.local [hbm:s6], s20  }
0x9f: {  	_ =	swait.ge [sflag:s22], s20  }
0xa0: {  	s5 =	ssub.s32 $0x0, s20;
	[sflag:s22] =	ssyncset.done $0x0  }
0xa1: {  	[sflag:s22] =	ssyncadd.s32 s5;
	_ =	sdelay $0x1  }
0xa2: {  	s23 =	simm.s32 $0x1B8B  }
0xa3: {  	_ =	swait.ge [sflag:s23], $0x1  }
0xa4: {  	[sflag:s23] =	ssyncset.done $0x0  }
0xa5: {  	s25 =	simm.s32 $0x1B8E;
	s24 =	sld [smem:$0x3FFE];
	[sflag:s23] =	ssyncadd.s32 $0xFFFFFFFF  }
0xa6: {  	s26 =	simm.s32 $execute0_lowered;
	[smem:$0x3FD2] =	sst s25  }
0xa7: {  	s6 =	sshll.u32 s26, $0x1;
	_ =	strace $0x80000049;
	[dreg:$0x1] =	wrdreg $0xFFFFFFFF  }
0xa8: {  	s28 =	simm.s32 $_size_execute0_lowered;
	s4 =	sadd.s32 s4, s6;
	[dreg:$0x0] =	wrdreg $0x0  }
0xa9: {  	s6 =	sshll.u32 s28, $0x1;
	[dreg:$0x2] =	wrdreg s4  }
0xaa: {  	[dreg:$0x3] =	wrdreg s6  }
0xab: {  	[dreg:$0x4] =	wrdreg $0xC0  }
0xac: {  	_ =	task [dreg:s8], $0x5FFFF  }
0xad: {  	[dreg:$0x1] =	wrdreg $0xFFFFFFFF  }
0xae: {  	[dreg:$0x0] =	wrdreg $0x60  }
0xaf: {  	[dreg:$0x2] =	wrdreg s2  }
0xb0: {  	[dreg:$0x3] =	wrdreg s24  }
0xb1: {  	[dreg:$0x4] =	wrdreg s18  }
0xb2: {  	[dreg:$0x5] =	wrdreg $0x9  }
0xb3: {  	_ =	task.clear_ibuf [dreg:s8], $0x6FFFF;
	_ =	strace $0x90000049  }
0xb4: {  	s29 =	simm.s32 $0x9;
	_ =	strace $0x8000004B  }
0xb5: {  	_ =	swait.ge [sflag:s29], $0x1  }
0xb6: {  	[sflag:s29] =	ssyncadd.s32 $0xFFFFFFFF  }
0xb7: {  	_ =	strace $0x9000004B  }
0xb8: {  	_ =	sfence  }
0xb9: {  	s30 =	sld [smem:$0x0];
	_ =	sdelay $0x2  }
0xba: {  	s31 =	sshll.u32 s1, $0xD;
	s1 =	sshrl.u32 s1, $0x2  }
0xbb: {  	s3 =	sand.u32 $0x4000, s31;
	s1 =	sadd.s32 s1, s30  }
0xbc: {  	s0 =	sor.u32 s3, s0;
	s1 =	sshll.u32 s1, $0x11  }
0xbd: {  	s0 =	sor.u32 s1, s0  }
0xbe: {  	s0 =	sadd.s32 $0x8F2B, s0  }
0xbf: {  	[sflag:s0] =	ssyncadd.remote.s32 $0x1  }
0xc0: {  	_ =	sfence.sel $0xFFFF  }
0xc1: {  	[dreg:$0x0] =	wrdreg $0xFFFFFFFF;
	(pc) =	sbr.abs _section_cstart, $3  }
0xc2: {  	[dreg:$0x1] =	wrdreg $0xFFFFFFFF  }
0xc3: {  	_ =	task.clear_ibuf [dreg:s8], $0x2FFFF;
	_ =	strace $0x9FFFFFFF  }
0xc4: {  	(tm) =	ssettm $0x7FFFFFFF  }
0xc5: {  	_ =	shalt  }
tec
execute0_lowered:
.L_overlay_start_1:
0x0: {  	(tag) =	ssettag $0x1  }
0x1: {  	s8 =	rddreg [dreg:$0x0]  }
0x2: {  	s4 =	rddreg [dreg:$0x1];
	s1 =	srdreg.scid  }
0x3: {  	s0 =	stileid.u32;
	s2 =	rddreg [dreg:$0x2];
	s3 =	simm.s32 $0x0  }
0x4: {  	s11 =	simm.s32 $0x400;
	s12 =	simm.s32 $0x1;
	s13 =	simm.s32 $0x800  }
0x5: {  	s14 =	simm.s32 $0x3;
	s15 =	simm.s32 $0x2;
	s16 =	simm.s32 $0x8800  }
0x6: {  	s17 =	simm.s32 $0x4;
	s18 =	simm.s32 $0x5;
	s19 =	simm.s32 $0x6  }
0x7: {  	s5 =	sand.u32 $0x1, s1;
	s6 =	sshll.u32 s0, $0x1;
	s1 =	rddreg [dreg:$0x3]  }
0x8: {  	s20 =	simm.s32 $0x0;
	[smem:$0x7FF] =	sst s3;
	s6 =	sor.u32 s5, s6  }
0x9: {  	v0 =	vlaneseq.u32;
	s4 =	sadd.s32 $0x800, s4;
	s5 =	ssub.s32 $0x2, s5;
	s7 =	smul.u32 $0x3200, s6  }
0xa: {  	v0 =	vmul.u32 $0x88, v0;
	_ =	strace $0x8000004A;
	s9 =	sshrl.u32 s5, $0x1;
	s6 =	smul.u32 $0x64, s6  }
0xb: {  	s10 =	ssub.s32 s5, s9;
	s9 =	sadd.s32 $0x40000, s2;
	s5 =	sadd.s32 s8, s7  }
0xc: {  	v1 =	vadd.s32 $0x880, v0;
	s8 =	sadd.s32 $0x100, s8;
	s10 =	smax.u32 s10, $0x1;
	s7 =	sadd.s32 $0x80, s5  }
.LBB2_1:
0xd: {  	[tilespmem:s3], [sflag:$0x1] =	stream.linear.gather [hbm4b:s5+s3], $0x400, $0x38;
	[tilespmem:$0x19000] =	vst v63  }
0xe: {  	_ = 	snop  }
0xf: {  	[tilespmem:s11], [sflag:$0x2] =	stream.linear.gather [hbm4b:s7+s3], $0x400, $0x38;
	[tilespmem:$0x19000] =	vst v63  }
0x10: {  	_ =	swait.ge [sflag:s12], $0x400  }
0x11: {  	[sflag:s12] =	ssyncset.done $0x0  }
0x12: {  	s21 =	simm.s32 $0x0;
	[sflag:s12] =	ssyncadd.s32 $0xFFFFFC00  }
0x13: {  	[tilespmem:s13], [sflag:$0x3] =	stream.indirect.gather [hbm4b:s4+s11], $0x20, s3, s11, $0xb8;
	[tilespmem:$0x19000] =	vst v63  }
.LBB2_2:
0x14: {  	_ =	swait.ge [sflag:s14], $0x8000  }
0x15: {  	p0 =	seq.s32 s21, $0x31;
	[sflag:s14] =	ssyncset.done $0x0  }
0x16: {  	p1 =	seq.s32 @!p0 s21, $0x0;
	[sflag:s14] =	ssyncadd.s32 $0xFFFF8000  }
0x17: {  	s22 =	sshll.u32 s21, $0x1;
	p1 =	por p0, !p1;
	_ =	swait.ge [sflag:s15], $0x400  }
.Ltmp0:
0x18: {  	s23 =	sadd.s32 s6, s22;
	[sflag:s15] =	ssyncset.done $0x0;
	(pc) =	sbr.rel @!p1 .LBB2_3-.Ltmp0, $4  }
0x19: {  	s22 =	sshll.u32 @!p0 s23, $0x7;
	[sflag:s15] =	ssyncadd.s32 $0xFFFFFC00  }
0x1a: {  	[tilespmem:s16], [sflag:$0x4] =	stream.indirect.gather [hbm4b:s4+s11], $0x20, s11, s11, $0xb8;
	[tilespmem:$0x19000] =	vst v63  }
0x1b: {  	s24 =	simm.s32 @!p0 $0x0;
	s22 =	sadd.s32 @!p0 s22, s8  }
0x1c: {  	[tilespmem:s24], [sflag:$0x1] =	stream.linear.gather @!p0 [hbm4b:s22+s24], $0x400, $0x38;
	[tilespmem:$0x19000] =	vst v63  }
.Ltmp1:
0x1d: {  	(pc) =	sbr.rel .LBB2_5-.Ltmp1, $4  }
0x1e: {  	_ = 	snop  }
0x1f: {  	_ =	swait.ge [sflag:s18], $0x4000  }
0x20: {  	[sflag:s18] =	ssyncset.done $0x0  }
0x21: {  	p1 =	por $0x0, $0x0;
	[sflag:s18] =	ssyncadd.s32 $0xFFFFC000  }
.LBB2_3:
0x22: {  	p1 =	por @!p0 $0x1, $0x1  }
.LBB2_5:
0x23: {  	s25 =	simm.s32 $0x0  }
0x24: {  	v2 =	vmov s25  }
0x25: {  	s22 =	sshllo.u32 s21, $0x1;
	s24 =	simm.s32 $0x810;
	s26 =	simm.s32 $0x1;
	v2 =	vand.u32 $0x7F, v2  }
.LBB2_6:
0x26: {  	p2 =	sne.s32 s26, $0x1FF;
	v3 =	vld [tilespmem:s24+$0xFFFFFFF0];
	v4 =	vadd.s32 v0, v2;
	s28 =	sshrl.u32 s25, $0x7  }
0x27: {  	v6 =	vadd.s32 v1, v2;
	s25 =	smov.u32 s26;
	v5 =	vld [tilespmem:s24+$0x0];
	s28 =	smul.u32 $0x4400, s28  }
.Ltmp2:
0x28: {  	(pc) =	sbr.rel @p2 .LBB2_6-.Ltmp2, $4  }
0x29: {  	_ = 	snop  }
0x2a: {  	s28 =	sshra.s32 s28, $0x2  }
0x2b: {  	v2 =	vmov s26;
	[tilespmem:v4+s28+$0x10800] =	vst.idx.msk $0xffff, v3  }
0x2c: {  	s26 =	sadd.s32 $0x1, s26;
	v2 =	vand.u32 $0x7F, v2;
	s24 =	sadd.s32 $0x20, s24;
	[tilespmem:v6+s28+$0x10800] =	vst.idx.msk $0xffff, v5  }
0x2d: {  	v3 =	vld [tilespmem:s24+$0xFFFFFFF0];
	v4 =	vadd.s32 v0, v2  }
0x2e: {  	s25 =	sshrl.u32 s25, $0x7;
	v5 =	vld [tilespmem:s24+$0x0];
	v2 =	vadd.s32 v1, v2  }
0x2f: {  	s30 =	smul.u32 $0x4400, s25  }
0x30: {  	s31 =	sshll.u32 s23, $0xC;
	s26 =	sshll.u32 s23, $0x7  }
0x31: {  	s25 =	sand.u32 $0xFF80000, s31;
	s23 =	sand.u32 $0x3F00, s26;
	s24 =	sshra.s32 s30, $0x2  }
0x32: {  	s23 =	sor.u32 s23, s25;
	[tilespmem:v4+s24+$0x10800] =	vst.idx.msk $0xffff, v3  }
0x33: {  	s25 =	sadd.s32 s2, s23;
	s30 =	simm.s32 $0x10800;
	[tilespmem:v2+s24+$0x10800] =	vst.idx.msk $0xffff, v5  }
0x34: {  	[hbm4b:s25+s3] =	stream.linear.scatter [tilespmem:s30], [sflag:$0x5], $0x80, $0x38;
	[tilespmem:$0x19000] =	vst v63  }
0x35: {  	s31 =	simm.s32 $0x10888;
	s26 =	sadd.s32 $0x10, s25  }
0x36: {  	[hbm4b:s26+s3] =	stream.linear.scatter [tilespmem:s31], [sflag:$0x5], $0x80, $0x38;
	[tilespmem:$0x19000] =	vst v63  }
0x37: {  	s28 =	simm.s32 $0x10BB8;
	s30 =	simm.s32 $0x10910;
	s31 =	sadd.s32 $0x20, s25  }
0x38: {  	[hbm4b:s31+s3] =	stream.linear.scatter [tilespmem:s30], [sflag:$0x5], $0x80, $0x38;
	[tilespmem:$0x19000] =	vst v63  }
0x39: {  	s29 =	sadd.s32 $0x70, s25;
	s30 =	simm.s32 $0x10998;
	s31 =	sadd.s32 $0x30, s25  }
0x3a: {  	[hbm4b:s31+s3] =	stream.linear.scatter [tilespmem:s30], [sflag:$0x5], $0x80, $0x38;
	[tilespmem:$0x19000] =	vst v63  }
0x3b: {  	s24 =	simm.s32 $0x440;
	s30 =	simm.s32 $0x10A20;
	s31 =	sadd.s32 $0x40, s25  }
0x3c: {  	[hbm4b:s31+s3] =	stream.linear.scatter [tilespmem:s30], [sflag:$0x5], $0x80, $0x38;
	[tilespmem:$0x19000] =	vst v63  }
0x3d: {  	s26 =	simm.s32 $0x2200;
	s30 =	simm.s32 $0x10AA8;
	s31 =	sadd.s32 $0x50, s25  }
0x3e: {  	[hbm4b:s31+s3] =	stream.linear.scatter [tilespmem:s30], [sflag:$0x5], $0x80, $0x38;
	[tilespmem:$0x19000] =	vst v63  }
0x3f: {  	s30 =	simm.s32 $0x10B30;
	s31 =	sadd.s32 $0x60, s25;
	s25 =	sadd.s32 $0x4000, s25  }
0x40: {  	[hbm4b:s31+s3] =	stream.linear.scatter [tilespmem:s30], [sflag:$0x5], $0x80, $0x38;
	[tilespmem:$0x19000] =	vst v63  }
.LBB2_8:
0x41: {  	[hbm4b:s29+s3] =	stream.linear.scatter [tilespmem:s28], [sflag:$0x5], $0x80, $0x38;
	[tilespmem:$0x19000] =	vst v63  }
0x42: {  	s28 =	smov.u32 s24;
	s24 =	smov.u32 s26  }
0x43: {  	s30 =	sadd.s32 $0x1100, s26;
	s24 =	sshra.s32 s24, $0x2;
	s29 =	sadd.s32 $0x10800, s28  }
0x44: {  	[hbm4b:s25+s3] =	stream.linear.scatter [tilespmem:s29], [sflag:$0x5], $0x80, $0x38;
	[tilespmem:$0x19000] =	vst v63  }
0x45: {  	p2 =	sne.s32 s26, $0xFF00;
	s26 =	sadd.s32 $0x10888, s28;
	s29 =	sadd.s32 $0x10, s25  }
0x46: {  	[hbm4b:s29+s3] =	stream.linear.scatter [tilespmem:s26], [sflag:$0x5], $0x80, $0x38;
	[tilespmem:$0x19000] =	vst v63  }
0x47: {  	s26 =	sadd.s32 $0x10910, s28;
	s29 =	sadd.s32 $0x20, s25  }
0x48: {  	[hbm4b:s29+s3] =	stream.linear.scatter [tilespmem:s26], [sflag:$0x5], $0x80, $0x38;
	[tilespmem:$0x19000] =	vst v63  }
0x49: {  	s26 =	sadd.s32 $0x10998, s28;
	s29 =	sadd.s32 $0x30, s25  }
0x4a: {  	[hbm4b:s29+s3] =	stream.linear.scatter [tilespmem:s26], [sflag:$0x5], $0x80, $0x38;
	[tilespmem:$0x19000] =	vst v63  }
0x4b: {  	s26 =	sadd.s32 $0x10A20, s28;
	s29 =	sadd.s32 $0x40, s25  }
0x4c: {  	[hbm4b:s29+s3] =	stream.linear.scatter [tilespmem:s26], [sflag:$0x5], $0x80, $0x38;
	[tilespmem:$0x19000] =	vst v63  }
.Ltmp3:
0x4d: {  	s26 =	sadd.s32 $0x10AA8, s28;
	s29 =	sadd.s32 $0x50, s25;
	(pc) =	sbr.rel @p2 .LBB2_8-.Ltmp3, $4  }
0x4e: {  	[hbm4b:s29+s3] =	stream.linear.scatter [tilespmem:s26], [sflag:$0x5], $0x80, $0x38;
	[tilespmem:$0x19000] =	vst v63  }
0x4f: {  	s26 =	sadd.s32 $0x10B30, s28;
	s29 =	sadd.s32 $0x60, s25;
	s28 =	sadd.s32 $0x10BB8, s28  }
0x50: {  	[hbm4b:s29+s3] =	stream.linear.scatter [tilespmem:s26], [sflag:$0x5], $0x80, $0x38;
	[tilespmem:$0x19000] =	vst v63  }
0x51: {  	s29 =	sadd.s32 $0x70, s25;
	s25 =	sadd.s32 $0x4000, s25;
	s26 =	smov.u32 s30  }
0x52: {  	[hbm4b:s29+s3] =	stream.linear.scatter [tilespmem:s28], [sflag:$0x5], $0x80, $0x38;
	[tilespmem:$0x19000] =	vst v63  }
0x53: {  	s26 =	sadd.s32 $0x10800, s24  }
0x54: {  	[hbm4b:s25+s3] =	stream.linear.scatter [tilespmem:s26], [sflag:$0x5], $0x80, $0x38;
	[tilespmem:$0x19000] =	vst v63  }
0x55: {  	s30 =	sadd.s32 $0x10888, s24;
	s31 =	sadd.s32 $0x10, s25  }
0x56: {  	[hbm4b:s31+s3] =	stream.linear.scatter [tilespmem:s30], [sflag:$0x5], $0x80, $0x38;
	[tilespmem:$0x19000] =	vst v63  }
0x57: {  	s29 =	sadd.s32 $0x10910, s24;
	s30 =	sadd.s32 $0x20, s25  }
0x58: {  	[hbm4b:s30+s3] =	stream.linear.scatter [tilespmem:s29], [sflag:$0x5], $0x80, $0x38;
	[tilespmem:$0x19000] =	vst v63  }
0x59: {  	s31 =	sadd.s32 $0x10998, s24;
	s29 =	sadd.s32 $0x30, s25  }
0x5a: {  	[hbm4b:s29+s3] =	stream.linear.scatter [tilespmem:s31], [sflag:$0x5], $0x80, $0x38;
	[tilespmem:$0x19000] =	vst v63  }
0x5b: {  	s30 =	sadd.s32 $0x10A20, s24;
	s31 =	sadd.s32 $0x40, s25  }
0x5c: {  	[hbm4b:s31+s3] =	stream.linear.scatter [tilespmem:s30], [sflag:$0x5], $0x80, $0x38;
	[tilespmem:$0x19000] =	vst v63  }
0x5d: {  	s29 =	sadd.s32 $0x10AA8, s24;
	s30 =	sadd.s32 $0x50, s25  }
0x5e: {  	[hbm4b:s30+s3] =	stream.linear.scatter [tilespmem:s29], [sflag:$0x5], $0x80, $0x38;
	[tilespmem:$0x19000] =	vst v63  }
0x5f: {  	s31 =	sadd.s32 $0x10B30, s24;
	s29 =	sadd.s32 $0x60, s25  }
0x60: {  	[hbm4b:s29+s3] =	stream.linear.scatter [tilespmem:s31], [sflag:$0x5], $0x80, $0x38;
	[tilespmem:$0x19000] =	vst v63  }
0x61: {  	s30 =	sadd.s32 $0x10BB8, s24;
	s31 =	sadd.s32 $0x70, s25;
	s25 =	simm.s32 @!p1 $0x6  }
0x62: {  	[hbm4b:s31+s3] =	stream.linear.scatter [tilespmem:s30], [sflag:$0x5], $0x80, $0x38;
	[tilespmem:$0x19000] =	vst v63  }
0x63: {  	s24 =	simm.s32 $0x0;
	_ =	swait.ge @!p1 [sflag:s25], $0x4000  }
0x64: {  	v2 =	vmov s24;
	[sflag:s25] =	ssyncset.done @!p1 $0x0  }
0x65: {  	s26 =	simm.s32 $0x1;
	v2 =	vand.u32 $0x7F, v2;
	[sflag:s25] =	ssyncadd.s32 @!p1 $0xFFFFC000;
	s25 =	simm.s32 $0x4800  }
.LBB2_10:
0x66: {  	p1 =	sne.s32 s26, $0x1FF;
	v3 =	vld [tilespmem:s25+$0x0];
	v4 =	vadd.s32 v0, v2;
	s28 =	sshrl.u32 s24, $0x7  }
0x67: {  	v6 =	vadd.s32 v1, v2;
	s24 =	smov.u32 s26;
	v5 =	vld [tilespmem:s25+$0x10];
	s28 =	smul.u32 $0x4400, s28  }
.Ltmp4:
0x68: {  	(pc) =	sbr.rel @p1 .LBB2_10-.Ltmp4, $4  }
0x69: {  	_ = 	snop  }
0x6a: {  	s28 =	sshra.s32 s28, $0x2  }
0x6b: {  	v2 =	vmov s26;
	[tilespmem:v4+s28+$0x14C00] =	vst.idx.msk $0xffff, v3  }
0x6c: {  	s26 =	sadd.s32 $0x1, s26;
	v2 =	vand.u32 $0x7F, v2;
	s25 =	sadd.s32 $0x20, s25;
	[tilespmem:v6+s28+$0x14C00] =	vst.idx.msk $0xffff, v5  }
0x6d: {  	v3 =	vld [tilespmem:s25+$0x0];
	v4 =	vadd.s32 v0, v2  }
0x6e: {  	s24 =	sshrl.u32 s24, $0x7;
	v5 =	vld [tilespmem:s25+$0x10];
	v2 =	vadd.s32 v1, v2  }
0x6f: {  	s24 =	smul.u32 $0x4400, s24;
	_ =	sdelay $0x1  }
0x70: {  	s24 =	sshra.s32 s24, $0x2  }
0x71: {  	[tilespmem:v4+s24+$0x14C00] =	vst.idx.msk $0xffff, v3  }
0x72: {  	s25 =	simm.s32 $0x14C00;
	[tilespmem:v2+s24+$0x14C00] =	vst.idx.msk $0xffff, v5;
	s24 =	sadd.s32 s23, s9  }
0x73: {  	[hbm4b:s24+s3] =	stream.linear.scatter [tilespmem:s25], [sflag:$0x6], $0x80, $0x38;
	[tilespmem:$0x19000] =	vst v63  }
0x74: {  	s26 =	simm.s32 $0x14C88;
	s29 =	sadd.s32 $0x10, s24  }
0x75: {  	[hbm4b:s29+s3] =	stream.linear.scatter [tilespmem:s26], [sflag:$0x6], $0x80, $0x38;
	[tilespmem:$0x19000] =	vst v63  }
0x76: {  	s30 =	simm.s32 $0x14D10;
	s23 =	simm.s32 $0x440;
	s31 =	sadd.s32 $0x20, s24  }
0x77: {  	[hbm4b:s31+s3] =	stream.linear.scatter [tilespmem:s30], [sflag:$0x6], $0x80, $0x38;
	[tilespmem:$0x19000] =	vst v63  }
0x78: {  	s25 =	simm.s32 $0x2200;
	s26 =	simm.s32 $0x14D98;
	s29 =	sadd.s32 $0x30, s24  }
0x79: {  	[hbm4b:s29+s3] =	stream.linear.scatter [tilespmem:s26], [sflag:$0x6], $0x80, $0x38;
	[tilespmem:$0x19000] =	vst v63  }
0x7a: {  	s28 =	sadd.s32 $0x70, s24;
	s30 =	simm.s32 $0x14E20;
	s31 =	sadd.s32 $0x40, s24  }
0x7b: {  	[hbm4b:s31+s3] =	stream.linear.scatter [tilespmem:s30], [sflag:$0x6], $0x80, $0x38;
	[tilespmem:$0x19000] =	vst v63  }
0x7c: {  	s26 =	simm.s32 $0x14EA8;
	s29 =	sadd.s32 $0x50, s24;
	s30 =	simm.s32 $0x14F30  }
0x7d: {  	[hbm4b:s29+s3] =	stream.linear.scatter [tilespmem:s26], [sflag:$0x6], $0x80, $0x38;
	[tilespmem:$0x19000] =	vst v63  }
0x7e: {  	s31 =	sadd.s32 $0x60, s24;
	s24 =	sadd.s32 $0x4000, s24;
	s26 =	simm.s32 $0x14FB8  }
0x7f: {  	[hbm4b:s31+s3] =	stream.linear.scatter [tilespmem:s30], [sflag:$0x6], $0x80, $0x38;
	[tilespmem:$0x19000] =	vst v63  }
.LBB2_12:
0x80: {  	[hbm4b:s28+s3] =	stream.linear.scatter [tilespmem:s26], [sflag:$0x6], $0x80, $0x38;
	[tilespmem:$0x19000] =	vst v63  }
0x81: {  	s26 =	smov.u32 s23;
	s23 =	smov.u32 s25  }
0x82: {  	s29 =	sadd.s32 $0x1100, s25;
	s23 =	sshra.s32 s23, $0x2;
	s28 =	sadd.s32 $0x14C00, s26  }
0x83: {  	[hbm4b:s24+s3] =	stream.linear.scatter [tilespmem:s28], [sflag:$0x6], $0x80, $0x38;
	[tilespmem:$0x19000] =	vst v63  }
0x84: {  	p1 =	sne.s32 s25, $0xFF00;
	s25 =	sadd.s32 $0x14C88, s26;
	s28 =	sadd.s32 $0x10, s24  }
0x85: {  	[hbm4b:s28+s3] =	stream.linear.scatter [tilespmem:s25], [sflag:$0x6], $0x80, $0x38;
	[tilespmem:$0x19000] =	vst v63  }
0x86: {  	s25 =	sadd.s32 $0x14D10, s26;
	s28 =	sadd.s32 $0x20, s24  }
0x87: {  	[hbm4b:s28+s3] =	stream.linear.scatter [tilespmem:s25], [sflag:$0x6], $0x80, $0x38;
	[tilespmem:$0x19000] =	vst v63  }
0x88: {  	s25 =	sadd.s32 $0x14D98, s26;
	s28 =	sadd.s32 $0x30, s24  }
0x89: {  	[hbm4b:s28+s3] =	stream.linear.scatter [tilespmem:s25], [sflag:$0x6], $0x80, $0x38;
	[tilespmem:$0x19000] =	vst v63  }
0x8a: {  	s25 =	sadd.s32 $0x14E20, s26;
	s28 =	sadd.s32 $0x40, s24  }
0x8b: {  	[hbm4b:s28+s3] =	stream.linear.scatter [tilespmem:s25], [sflag:$0x6], $0x80, $0x38;
	[tilespmem:$0x19000] =	vst v63  }
.Ltmp5:
0x8c: {  	s25 =	sadd.s32 $0x14EA8, s26;
	s28 =	sadd.s32 $0x50, s24;
	(pc) =	sbr.rel @p1 .LBB2_12-.Ltmp5, $4  }
0x8d: {  	[hbm4b:s28+s3] =	stream.linear.scatter [tilespmem:s25], [sflag:$0x6], $0x80, $0x38;
	[tilespmem:$0x19000] =	vst v63  }
0x8e: {  	s25 =	sadd.s32 $0x14F30, s26;
	s28 =	sadd.s32 $0x60, s24;
	s26 =	sadd.s32 $0x14FB8, s26  }
0x8f: {  	[hbm4b:s28+s3] =	stream.linear.scatter [tilespmem:s25], [sflag:$0x6], $0x80, $0x38;
	[tilespmem:$0x19000] =	vst v63  }
0x90: {  	s28 =	sadd.s32 $0x70, s24;
	s24 =	sadd.s32 $0x4000, s24;
	s25 =	smov.u32 s29  }
0x91: {  	[hbm4b:s28+s3] =	stream.linear.scatter [tilespmem:s26], [sflag:$0x6], $0x80, $0x38;
	[tilespmem:$0x19000] =	vst v63  }
0x92: {  	s25 =	sadd.s32 $0x14C00, s23  }
0x93: {  	[hbm4b:s24+s3] =	stream.linear.scatter [tilespmem:s25], [sflag:$0x6], $0x80, $0x38;
	[tilespmem:$0x19000] =	vst v63  }
0x94: {  	s30 =	sadd.s32 $0x14C88, s23;
	s31 =	sadd.s32 $0x10, s24  }
0x95: {  	[hbm4b:s31+s3] =	stream.linear.scatter [tilespmem:s30], [sflag:$0x6], $0x80, $0x38;
	[tilespmem:$0x19000] =	vst v63  }
0x96: {  	s28 =	sadd.s32 $0x14D10, s23;
	s29 =	sadd.s32 $0x20, s24  }
0x97: {  	[hbm4b:s29+s3] =	stream.linear.scatter [tilespmem:s28], [sflag:$0x6], $0x80, $0x38;
	[tilespmem:$0x19000] =	vst v63  }
0x98: {  	s30 =	sadd.s32 $0x14D98, s23;
	s31 =	sadd.s32 $0x30, s24  }
0x99: {  	[hbm4b:s31+s3] =	stream.linear.scatter [tilespmem:s30], [sflag:$0x6], $0x80, $0x38;
	[tilespmem:$0x19000] =	vst v63  }
0x9a: {  	s28 =	sadd.s32 $0x14E20, s23;
	s29 =	sadd.s32 $0x40, s24  }
0x9b: {  	[hbm4b:s29+s3] =	stream.linear.scatter [tilespmem:s28], [sflag:$0x6], $0x80, $0x38;
	[tilespmem:$0x19000] =	vst v63  }
0x9c: {  	s30 =	sadd.s32 $0x14EA8, s23;
	s31 =	sadd.s32 $0x50, s24  }
0x9d: {  	[hbm4b:s31+s3] =	stream.linear.scatter [tilespmem:s30], [sflag:$0x6], $0x80, $0x38;
	[tilespmem:$0x19000] =	vst v63  }
0x9e: {  	s28 =	sadd.s32 $0x14F30, s23;
	s29 =	sadd.s32 $0x60, s24  }
0x9f: {  	[hbm4b:s29+s3] =	stream.linear.scatter [tilespmem:s28], [sflag:$0x6], $0x80, $0x38;
	[tilespmem:$0x19000] =	vst v63  }
0xa0: {  	s30 =	sadd.s32 $0x14FB8, s23;
	s31 =	sadd.s32 $0x70, s24  }
0xa1: {  	[hbm4b:s31+s3] =	stream.linear.scatter [tilespmem:s30], [sflag:$0x6], $0x80, $0x38;
	[tilespmem:$0x19000] =	vst v63  }
0xa2: {  	_ =	swait.ge [sflag:s17], $0x8000  }
0xa3: {  	[sflag:s17] =	ssyncset.done $0x0  }
0xa4: {  	s23 =	simm.s32 @!p0 $0x1;
	[sflag:s17] =	ssyncadd.s32 $0xFFFF8000  }
0xa5: {  	_ =	swait.ge @!p0 [sflag:s23], $0x400  }
0xa6: {  	s22 =	sadd.s32 s6, s22;
	s25 =	simm.s32 @!p0 $0x800;
	[sflag:s23] =	ssyncset.done @!p0 $0x0  }
0xa7: {  	s24 =	simm.s32 @!p0 $0x0;
	[sflag:s23] =	ssyncadd.s32 @!p0 $0xFFFFFC00;
	s23 =	simm.s32 @!p0 $0x400  }
0xa8: {  	[tilespmem:s25], [sflag:$0x3] =	stream.indirect.gather @!p0 [hbm4b:s4+s23], $0x20, s24, s23, $0xb8;
	[tilespmem:$0x19000] =	vst v63  }
0xa9: {  	s25 =	sshll.u32 @!p0 s22, $0x7  }
0xaa: {  	s25 =	sadd.s32 @!p0 s25, s8  }
0xab: {  	[tilespmem:s23], [sflag:$0x2] =	stream.linear.gather @!p0 [hbm4b:s25+s24], $0x400, $0x38;
	[tilespmem:$0x19000] =	vst v63  }
0xac: {  	s23 =	simm.s32 $0x0;
	_ =	swait.ge [sflag:s18], $0x4000  }
0xad: {  	v2 =	vmov s23;
	[sflag:s18] =	ssyncset.done $0x0  }
0xae: {  	s24 =	simm.s32 $0x8800;
	s25 =	simm.s32 $0x1;
	v2 =	vand.u32 $0x7F, v2;
	[sflag:s18] =	ssyncadd.s32 $0xFFFFC000  }
.LBB2_14:
0xaf: {  	p0 =	sne.s32 s25, $0x1FF;
	v3 =	vld [tilespmem:s24+$0x0];
	v4 =	vadd.s32 v0, v2;
	s26 =	sshrl.u32 s23, $0x7  }
0xb0: {  	v6 =	vadd.s32 v1, v2;
	s23 =	smov.u32 s25;
	v5 =	vld [tilespmem:s24+$0x10];
	s26 =	smul.u32 $0x4400, s26  }
.Ltmp6:
0xb1: {  	(pc) =	sbr.rel @p0 .LBB2_14-.Ltmp6, $4  }
0xb2: {  	_ = 	snop  }
0xb3: {  	s26 =	sshra.s32 s26, $0x2  }
0xb4: {  	v2 =	vmov s25;
	[tilespmem:v4+s26+$0x10800] =	vst.idx.msk $0xffff, v3  }
0xb5: {  	s25 =	sadd.s32 $0x1, s25;
	v2 =	vand.u32 $0x7F, v2;
	s24 =	sadd.s32 $0x20, s24;
	[tilespmem:v6+s26+$0x10800] =	vst.idx.msk $0xffff, v5  }
0xb6: {  	v3 =	vld [tilespmem:s24+$0x0];
	v4 =	vadd.s32 v0, v2  }
0xb7: {  	s23 =	sshrl.u32 s23, $0x7;
	v5 =	vld [tilespmem:s24+$0x10];
	v2 =	vadd.s32 v1, v2  }
0xb8: {  	s23 =	smul.u32 $0x4400, s23  }
0xb9: {  	s31 =	sshll.u32 s22, $0xC;
	s25 =	sshll.u32 s22, $0x7  }
0xba: {  	s24 =	sand.u32 $0xFF80000, s31;
	s22 =	sand.u32 $0x3F80, s25;
	s23 =	sshra.s32 s23, $0x2  }
0xbb: {  	s22 =	sor.u32 s22, s24;
	[tilespmem:v4+s23+$0x10800] =	vst.idx.msk $0xffff, v3  }
0xbc: {  	s26 =	simm.s32 $0x10800;
	s24 =	sadd.s32 s2, s22;
	[tilespmem:v2+s23+$0x10800] =	vst.idx.msk $0xffff, v5  }
0xbd: {  	[hbm4b:s24+s3] =	stream.linear.scatter [tilespmem:s26], [sflag:$0x5], $0x80, $0x38;
	[tilespmem:$0x19000] =	vst v63  }
0xbe: {  	s29 =	simm.s32 $0x10888;
	s25 =	sadd.s32 $0x10, s24  }
0xbf: {  	[hbm4b:s25+s3] =	stream.linear.scatter [tilespmem:s29], [sflag:$0x5], $0x80, $0x38;
	[tilespmem:$0x19000] =	vst v63  }
0xc0: {  	s30 =	simm.s32 $0x10910;
	s31 =	sadd.s32 $0x20, s24;
	s28 =	sadd.s32 $0x70, s24  }
0xc1: {  	[hbm4b:s31+s3] =	stream.linear.scatter [tilespmem:s30], [sflag:$0x5], $0x80, $0x38;
	[tilespmem:$0x19000] =	vst v63  }
0xc2: {  	s23 =	simm.s32 $0x440;
	s26 =	simm.s32 $0x10998;
	s29 =	sadd.s32 $0x30, s24  }
0xc3: {  	[hbm4b:s29+s3] =	stream.linear.scatter [tilespmem:s26], [sflag:$0x5], $0x80, $0x38;
	[tilespmem:$0x19000] =	vst v63  }
0xc4: {  	s25 =	simm.s32 $0x2200;
	s30 =	simm.s32 $0x10A20;
	s31 =	sadd.s32 $0x40, s24  }
0xc5: {  	[hbm4b:s31+s3] =	stream.linear.scatter [tilespmem:s30], [sflag:$0x5], $0x80, $0x38;
	[tilespmem:$0x19000] =	vst v63  }
0xc6: {  	s26 =	simm.s32 $0x10AA8;
	s29 =	sadd.s32 $0x50, s24;
	s30 =	simm.s32 $0x10B30  }
0xc7: {  	[hbm4b:s29+s3] =	stream.linear.scatter [tilespmem:s26], [sflag:$0x5], $0x80, $0x38;
	[tilespmem:$0x19000] =	vst v63  }
0xc8: {  	s31 =	sadd.s32 $0x60, s24;
	s24 =	sadd.s32 $0x4000, s24;
	s26 =	simm.s32 $0x10BB8  }
0xc9: {  	[hbm4b:s31+s3] =	stream.linear.scatter [tilespmem:s30], [sflag:$0x5], $0x80, $0x38;
	[tilespmem:$0x19000] =	vst v63  }
.LBB2_16:
0xca: {  	[hbm4b:s28+s3] =	stream.linear.scatter [tilespmem:s26], [sflag:$0x5], $0x80, $0x38;
	[tilespmem:$0x19000] =	vst v63  }
0xcb: {  	s26 =	smov.u32 s23;
	s23 =	smov.u32 s25  }
0xcc: {  	s29 =	sadd.s32 $0x1100, s25;
	s23 =	sshra.s32 s23, $0x2;
	s28 =	sadd.s32 $0x10800, s26  }
0xcd: {  	[hbm4b:s24+s3] =	stream.linear.scatter [tilespmem:s28], [sflag:$0x5], $0x80, $0x38;
	[tilespmem:$0x19000] =	vst v63  }
0xce: {  	p0 =	sne.s32 s25, $0xFF00;
	s25 =	sadd.s32 $0x10888, s26;
	s28 =	sadd.s32 $0x10, s24  }
0xcf: {  	[hbm4b:s28+s3] =	stream.linear.scatter [tilespmem:s25], [sflag:$0x5], $0x80, $0x38;
	[tilespmem:$0x19000] =	vst v63  }
0xd0: {  	s25 =	sadd.s32 $0x10910, s26;
	s28 =	sadd.s32 $0x20, s24  }
0xd1: {  	[hbm4b:s28+s3] =	stream.linear.scatter [tilespmem:s25], [sflag:$0x5], $0x80, $0x38;
	[tilespmem:$0x19000] =	vst v63  }
0xd2: {  	s25 =	sadd.s32 $0x10998, s26;
	s28 =	sadd.s32 $0x30, s24  }
0xd3: {  	[hbm4b:s28+s3] =	stream.linear.scatter [tilespmem:s25], [sflag:$0x5], $0x80, $0x38;
	[tilespmem:$0x19000] =	vst v63  }
0xd4: {  	s25 =	sadd.s32 $0x10A20, s26;
	s28 =	sadd.s32 $0x40, s24  }
0xd5: {  	[hbm4b:s28+s3] =	stream.linear.scatter [tilespmem:s25], [sflag:$0x5], $0x80, $0x38;
	[tilespmem:$0x19000] =	vst v63  }
.Ltmp7:
0xd6: {  	s25 =	sadd.s32 $0x10AA8, s26;
	s28 =	sadd.s32 $0x50, s24;
	(pc) =	sbr.rel @p0 .LBB2_16-.Ltmp7, $4  }
0xd7: {  	[hbm4b:s28+s3] =	stream.linear.scatter [tilespmem:s25], [sflag:$0x5], $0x80, $0x38;
	[tilespmem:$0x19000] =	vst v63  }
0xd8: {  	s25 =	sadd.s32 $0x10B30, s26;
	s28 =	sadd.s32 $0x60, s24;
	s26 =	sadd.s32 $0x10BB8, s26  }
0xd9: {  	[hbm4b:s28+s3] =	stream.linear.scatter [tilespmem:s25], [sflag:$0x5], $0x80, $0x38;
	[tilespmem:$0x19000] =	vst v63  }
0xda: {  	s28 =	sadd.s32 $0x70, s24;
	s24 =	sadd.s32 $0x4000, s24;
	s25 =	smov.u32 s29  }
0xdb: {  	[hbm4b:s28+s3] =	stream.linear.scatter [tilespmem:s26], [sflag:$0x5], $0x80, $0x38;
	[tilespmem:$0x19000] =	vst v63  }
0xdc: {  	s25 =	sadd.s32 $0x10800, s23  }
0xdd: {  	[hbm4b:s24+s3] =	stream.linear.scatter [tilespmem:s25], [sflag:$0x5], $0x80, $0x38;
	[tilespmem:$0x19000] =	vst v63  }
0xde: {  	s30 =	sadd.s32 $0x10888, s23;
	s31 =	sadd.s32 $0x10, s24  }
0xdf: {  	[hbm4b:s31+s3] =	stream.linear.scatter [tilespmem:s30], [sflag:$0x5], $0x80, $0x38;
	[tilespmem:$0x19000] =	vst v63  }
0xe0: {  	s28 =	sadd.s32 $0x10910, s23;
	s29 =	sadd.s32 $0x20, s24  }
0xe1: {  	[hbm4b:s29+s3] =	stream.linear.scatter [tilespmem:s28], [sflag:$0x5], $0x80, $0x38;
	[tilespmem:$0x19000] =	vst v63  }
0xe2: {  	s30 =	sadd.s32 $0x10998, s23;
	s31 =	sadd.s32 $0x30, s24  }
0xe3: {  	[hbm4b:s31+s3] =	stream.linear.scatter [tilespmem:s30], [sflag:$0x5], $0x80, $0x38;
	[tilespmem:$0x19000] =	vst v63  }
0xe4: {  	s28 =	sadd.s32 $0x10A20, s23;
	s29 =	sadd.s32 $0x40, s24  }
0xe5: {  	[hbm4b:s29+s3] =	stream.linear.scatter [tilespmem:s28], [sflag:$0x5], $0x80, $0x38;
	[tilespmem:$0x19000] =	vst v63  }
0xe6: {  	s30 =	sadd.s32 $0x10AA8, s23;
	s31 =	sadd.s32 $0x50, s24  }
0xe7: {  	[hbm4b:s31+s3] =	stream.linear.scatter [tilespmem:s30], [sflag:$0x5], $0x80, $0x38;
	[tilespmem:$0x19000] =	vst v63  }
0xe8: {  	s28 =	sadd.s32 $0x10B30, s23;
	s29 =	sadd.s32 $0x60, s24  }
0xe9: {  	[hbm4b:s29+s3] =	stream.linear.scatter [tilespmem:s28], [sflag:$0x5], $0x80, $0x38;
	[tilespmem:$0x19000] =	vst v63  }
0xea: {  	s30 =	sadd.s32 $0x10BB8, s23;
	s31 =	sadd.s32 $0x70, s24  }
0xeb: {  	[hbm4b:s31+s3] =	stream.linear.scatter [tilespmem:s30], [sflag:$0x5], $0x80, $0x38;
	[tilespmem:$0x19000] =	vst v63  }
0xec: {  	s23 =	simm.s32 $0x0;
	_ =	swait.ge [sflag:s19], $0x4000  }
0xed: {  	v2 =	vmov s23;
	[sflag:s19] =	ssyncset.done $0x0  }
0xee: {  	s25 =	simm.s32 $0x1;
	s24 =	simm.s32 $0xC800;
	v2 =	vand.u32 $0x7F, v2;
	[sflag:s19] =	ssyncadd.s32 $0xFFFFC000  }
.LBB2_18:
0xef: {  	p0 =	sne.s32 s25, $0x1FF;
	v3 =	vld [tilespmem:s24+$0x0];
	v4 =	vadd.s32 v0, v2;
	s26 =	sshrl.u32 s23, $0x7  }
0xf0: {  	v6 =	vadd.s32 v1, v2;
	s23 =	smov.u32 s25;
	v5 =	vld [tilespmem:s24+$0x10];
	s26 =	smul.u32 $0x4400, s26  }
.Ltmp8:
0xf1: {  	(pc) =	sbr.rel @p0 .LBB2_18-.Ltmp8, $4  }
0xf2: {  	_ = 	snop  }
0xf3: {  	s26 =	sshra.s32 s26, $0x2  }
0xf4: {  	v2 =	vmov s25;
	[tilespmem:v4+s26+$0x14C00] =	vst.idx.msk $0xffff, v3  }
0xf5: {  	s25 =	sadd.s32 $0x1, s25;
	v2 =	vand.u32 $0x7F, v2;
	s24 =	sadd.s32 $0x20, s24;
	[tilespmem:v6+s26+$0x14C00] =	vst.idx.msk $0xffff, v5  }
0xf6: {  	v3 =	vld [tilespmem:s24+$0x0];
	v4 =	vadd.s32 v0, v2  }
0xf7: {  	s23 =	sshrl.u32 s23, $0x7;
	v5 =	vld [tilespmem:s24+$0x10];
	v2 =	vadd.s32 v1, v2  }
0xf8: {  	s23 =	smul.u32 $0x4400, s23;
	_ =	sdelay $0x1  }
0xf9: {  	s23 =	sshra.s32 s23, $0x2  }
0xfa: {  	[tilespmem:v4+s23+$0x14C00] =	vst.idx.msk $0xffff, v3  }
0xfb: {  	s24 =	simm.s32 $0x14C00;
	[tilespmem:v2+s23+$0x14C00] =	vst.idx.msk $0xffff, v5;
	s23 =	sadd.s32 s22, s9  }
0xfc: {  	[hbm4b:s23+s3] =	stream.linear.scatter [tilespmem:s24], [sflag:$0x6], $0x80, $0x38;
	[tilespmem:$0x19000] =	vst v63  }
0xfd: {  	s25 =	simm.s32 $0x14C88;
	s26 =	sadd.s32 $0x10, s23  }
0xfe: {  	[hbm4b:s26+s3] =	stream.linear.scatter [tilespmem:s25], [sflag:$0x6], $0x80, $0x38;
	[tilespmem:$0x19000] =	vst v63  }
0xff: {  	s28 =	simm.s32 $0x14D10;
	s30 =	simm.s32 $0x14D98;
	s29 =	sadd.s32 $0x20, s23  }
0x100: {  	[hbm4b:s29+s3] =	stream.linear.scatter [tilespmem:s28], [sflag:$0x6], $0x80, $0x38;
	[tilespmem:$0x19000] =	vst v63  }
0x101: {  	s22 =	simm.s32 $0x440;
	s31 =	sadd.s32 $0x30, s23;
	s24 =	simm.s32 $0x2200  }
0x102: {  	[hbm4b:s31+s3] =	stream.linear.scatter [tilespmem:s30], [sflag:$0x6], $0x80, $0x38;
	[tilespmem:$0x19000] =	vst v63  }
0x103: {  	s25 =	simm.s32 $0x14E20;
	s26 =	sadd.s32 $0x40, s23;
	s28 =	simm.s32 $0x14EA8  }
0x104: {  	[hbm4b:s26+s3] =	stream.linear.scatter [tilespmem:s25], [sflag:$0x6], $0x80, $0x38;
	[tilespmem:$0x19000] =	vst v63  }
0x105: {  	s29 =	sadd.s32 $0x50, s23;
	s30 =	simm.s32 $0x14F30;
	s31 =	sadd.s32 $0x60, s23  }
0x106: {  	[hbm4b:s29+s3] =	stream.linear.scatter [tilespmem:s28], [sflag:$0x6], $0x80, $0x38;
	[tilespmem:$0x19000] =	vst v63  }
0x107: {  	s25 =	simm.s32 $0x14FB8;
	s26 =	sadd.s32 $0x70, s23;
	s23 =	sadd.s32 $0x4000, s23  }
0x108: {  	[hbm4b:s31+s3] =	stream.linear.scatter [tilespmem:s30], [sflag:$0x6], $0x80, $0x38;
	[tilespmem:$0x19000] =	vst v63  }
.LBB2_20:
0x109: {  	[hbm4b:s26+s3] =	stream.linear.scatter [tilespmem:s25], [sflag:$0x6], $0x80, $0x38;
	[tilespmem:$0x19000] =	vst v63  }
0x10a: {  	s25 =	smov.u32 s22;
	s22 =	smov.u32 s24  }
0x10b: {  	s28 =	sadd.s32 $0x1100, s24;
	s22 =	sshra.s32 s22, $0x2;
	s26 =	sadd.s32 $0x14C00, s25  }
0x10c: {  	[hbm4b:s23+s3] =	stream.linear.scatter [tilespmem:s26], [sflag:$0x6], $0x80, $0x38;
	[tilespmem:$0x19000] =	vst v63  }
0x10d: {  	p0 =	sne.s32 s24, $0xFF00;
	s24 =	sadd.s32 $0x14C88, s25;
	s26 =	sadd.s32 $0x10, s23  }
0x10e: {  	[hbm4b:s26+s3] =	stream.linear.scatter [tilespmem:s24], [sflag:$0x6], $0x80, $0x38;
	[tilespmem:$0x19000] =	vst v63  }
0x10f: {  	s24 =	sadd.s32 $0x14D10, s25;
	s26 =	sadd.s32 $0x20, s23  }
0x110: {  	[hbm4b:s26+s3] =	stream.linear.scatter [tilespmem:s24], [sflag:$0x6], $0x80, $0x38;
	[tilespmem:$0x19000] =	vst v63  }
0x111: {  	s24 =	sadd.s32 $0x14D98, s25;
	s26 =	sadd.s32 $0x30, s23  }
0x112: {  	[hbm4b:s26+s3] =	stream.linear.scatter [tilespmem:s24], [sflag:$0x6], $0x80, $0x38;
	[tilespmem:$0x19000] =	vst v63  }
0x113: {  	s24 =	sadd.s32 $0x14E20, s25;
	s26 =	sadd.s32 $0x40, s23  }
0x114: {  	[hbm4b:s26+s3] =	stream.linear.scatter [tilespmem:s24], [sflag:$0x6], $0x80, $0x38;
	[tilespmem:$0x19000] =	vst v63  }
.Ltmp9:
0x115: {  	s24 =	sadd.s32 $0x14EA8, s25;
	s26 =	sadd.s32 $0x50, s23;
	(pc) =	sbr.rel @p0 .LBB2_20-.Ltmp9, $4  }
0x116: {  	[hbm4b:s26+s3] =	stream.linear.scatter [tilespmem:s24], [sflag:$0x6], $0x80, $0x38;
	[tilespmem:$0x19000] =	vst v63  }
0x117: {  	s24 =	sadd.s32 $0x14F30, s25;
	s26 =	sadd.s32 $0x60, s23;
	s25 =	sadd.s32 $0x14FB8, s25  }
0x118: {  	[hbm4b:s26+s3] =	stream.linear.scatter [tilespmem:s24], [sflag:$0x6], $0x80, $0x38;
	[tilespmem:$0x19000] =	vst v63  }
0x119: {  	s26 =	sadd.s32 $0x70, s23;
	s23 =	sadd.s32 $0x4000, s23;
	s24 =	smov.u32 s28  }
0x11a: {  	[hbm4b:s26+s3] =	stream.linear.scatter [tilespmem:s25], [sflag:$0x6], $0x80, $0x38;
	[tilespmem:$0x19000] =	vst v63  }
0x11b: {  	s24 =	sadd.s32 $0x14C00, s22  }
0x11c: {  	[hbm4b:s23+s3] =	stream.linear.scatter [tilespmem:s24], [sflag:$0x6], $0x80, $0x38;
	[tilespmem:$0x19000] =	vst v63  }
0x11d: {  	s30 =	sadd.s32 $0x14C88, s22;
	s31 =	sadd.s32 $0x10, s23  }
0x11e: {  	[hbm4b:s31+s3] =	stream.linear.scatter [tilespmem:s30], [sflag:$0x6], $0x80, $0x38;
	[tilespmem:$0x19000] =	vst v63  }
0x11f: {  	s25 =	sadd.s32 $0x14D10, s22;
	s26 =	sadd.s32 $0x20, s23  }
0x120: {  	[hbm4b:s26+s3] =	stream.linear.scatter [tilespmem:s25], [sflag:$0x6], $0x80, $0x38;
	[tilespmem:$0x19000] =	vst v63  }
0x121: {  	s28 =	sadd.s32 $0x14D98, s22;
	s29 =	sadd.s32 $0x30, s23  }
0x122: {  	[hbm4b:s29+s3] =	stream.linear.scatter [tilespmem:s28], [sflag:$0x6], $0x80, $0x38;
	[tilespmem:$0x19000] =	vst v63  }
0x123: {  	s21 =	sadd.s32 $0x1, s21;
	s30 =	sadd.s32 $0x14E20, s22;
	s31 =	sadd.s32 $0x40, s23  }
0x124: {  	[hbm4b:s31+s3] =	stream.linear.scatter [tilespmem:s30], [sflag:$0x6], $0x80, $0x38;
	[tilespmem:$0x19000] =	vst v63  }
0x125: {  	p0 =	sne.s32 s21, $0x32;
	s25 =	sadd.s32 $0x14EA8, s22;
	s26 =	sadd.s32 $0x50, s23  }
0x126: {  	[hbm4b:s26+s3] =	stream.linear.scatter [tilespmem:s25], [sflag:$0x6], $0x80, $0x38;
	[tilespmem:$0x19000] =	vst v63  }
.Ltmp10:
0x127: {  	_ = 	snop;
	(pc) =	sbr.rel @p0 .LBB2_2-.Ltmp10, $4  }
0x128: {  	s28 =	sadd.s32 $0x14F30, s22;
	s29 =	sadd.s32 $0x60, s23  }
0x129: {  	[hbm4b:s29+s3] =	stream.linear.scatter [tilespmem:s28], [sflag:$0x6], $0x80, $0x38;
	[tilespmem:$0x19000] =	vst v63  }
0x12a: {  	s30 =	sadd.s32 $0x14FB8, s22;
	s31 =	sadd.s32 $0x70, s23  }
0x12b: {  	[hbm4b:s31+s3] =	stream.linear.scatter [tilespmem:s30], [sflag:$0x6], $0x80, $0x38;
	[tilespmem:$0x19000] =	vst v63  }
0x12c: {  	s20 =	sadd.s32 $0x1, s20  }
0x12d: {  	_ =	swait.ge [sflag:s18], $0x4000;
	p0 =	sne.s32 s20, s10  }
.Ltmp11:
0x12e: {  	[sflag:s18] =	ssyncset.done $0x0;
	(pc) =	sbr.rel @p0 .LBB2_1-.Ltmp11, $4  }
0x12f: {  	[sflag:s18] =	ssyncadd.s32 $0xFFFFC000  }
0x130: {  	_ =	swait.ge [sflag:s19], $0x4000  }
0x131: {  	[sflag:s19] =	ssyncset.done $0x0  }
0x132: {  	[sflag:s19] =	ssyncadd.s32 $0xFFFFC000  }
0x133: {  	_ =	sfence.sel $0x180000  }
0x134: {  	[bflag:$0x0] =	sbarrier.arrive $0xFFFF  }
0x135: {  	p0 =	sne.s32 s0, $0x0;
	_ =	strace $0x9000004A  }
0x136: {  	s0 =	sadd.s32 @!p0 $0x100000, s1;
	[bflag:$0x2] =	sbarrier.arrive $0xFFFF  }
0x137: {  	[sflag:s0] =	ssyncadd.tile.s32 @!p0 $0x1;
	_ =	shalt  }
.Lfunc_end2:
_tile_overlayer_lowered:
.L_overlay_start_2:
0x138: {  	(tag) =	ssettag $0x2  }
0x139: {  	s0 =	rddreg [dreg:$0x0];
	s2 =	stileid.u32  }
0x13a: {  	s1 =	rddreg [dreg:$0x1];
	p0 =	sne.s32 s2, $0x0  }
0x13b: {  	s3 =	rddreg [dreg:$0x2];
	[bflag:$0x3] =	sbarrier.arrive $0xFFFF;
	s2 =	simm.s32 @!p0 $0x1C07  }
0x13c: {  	[timem:s3], [sflag:s2] =	dma.local @!p0 [hbm:s0], s1  }
0x13d: {  	s0 =	simm.s32 @!p0 $0x7  }
0x13e: {  	_ =	swait.ge @!p0 [sflag:s0], s1  }
0x13f: {  	s1 =	ssub.s32 @!p0 $0x0, s1;
	[sflag:s0] =	ssyncset.done @!p0 $0x0  }
0x140: {  	[sflag:s0] =	ssyncadd.s32 @!p0 s1  }
0x141: {  	[bflag:$0x3] =	sbarrier.arrive $0xFFFF  }
0x142: {  	_ =	shalt  }

</sc_bundles>
